<compile_context>
chip_gen: v7x
topology: tpu7x:2x2x1
jax: 0.10.2.dev20260603
libtpu: 0.0.44.dev20260713+nightly
codegen_flags: <defaults>
</compile_context>

<pallas_src>
import functools

import jax
import jax.numpy as jnp
from jax import lax
from jax.experimental import pallas as pl
from jax.experimental.pallas import tpu as pltpu
from jax.experimental.pallas import tpu_sc as plsc

N = 1_000_000
D = 16
NLAB = 32
NC = 2
NS = 16
NW = NC * NS
C = 1536
NFULL = N // C
TAIL = 64
TAIL_OFF = N - TAIL
GROUPS = C // 16
MAXT = (NFULL + NW - 1) // NW
NSLOT = 4


def _sc_body(feat_hbm, pos_hbm, label_hbm, ftail_hbm,
             out_hbm, otail_hbm,
             fb0, fb1, fb2, fb3, pb0, pb1, pb2, pb3, labelbuf, tailbuf,
             si0, si1, si2, si3, so0, so1, so2, so3):
    wid = lax.axis_index("s") * NC + lax.axis_index("c")

    lanes = jnp.arange(16, dtype=jnp.int32)
    col0 = jnp.zeros((16,), jnp.int32)
    col1 = jnp.ones((16,), jnp.int32)
    col2 = jnp.full((16,), 2, jnp.int32)
    ones = jnp.ones((16,), jnp.float32)
    fvec = jnp.zeros((16,), jnp.bool_)

    fbs = (fb0, fb1, fb2, fb3)
    pbs = (pb0, pb1, pb2, pb3)
    sis = (si0, si1, si2, si3)
    sos = (so0, so1, so2, so3)

    pltpu.sync_copy(label_hbm, labelbuf)
    blk = []
    for half in range(2):
        rows16 = half * 16 + lanes
        l0 = plsc.load_gather(labelbuf, [rows16, col0])
        l1 = plsc.load_gather(labelbuf, [rows16, col1])
        l2 = plsc.load_gather(labelbuf, [rows16, col2])
        lk = l0 * 65536 + l1 * 256 + l2
        blk.extend(lk[j] for j in range(16))

    def group_match(pb, g):
        base16 = g * 16
        p0 = pb[pl.ds(base16, 16)]
        p1 = pb[pl.ds(C + base16, 16)]
        p2 = pb[pl.ds(2 * C + base16, 16)]
        key = p0 * 65536 + p1 * 256 + p2
        m = key == blk[0]
        for j in range(1, NLAB):
            m = m | (key == blk[j])
        return m

    def scan_chunk(pb, ngroups):
        def body(g, acc):
            return acc | group_match(pb, g)
        return lax.fori_loop(0, ngroups, body, fvec)

    def fix_chunk(fb, pb, ngroups):
        def body(g, c2):
            m = group_match(pb, g)

            @pl.when(jnp.any(m))
            def _():
                cols = g * 16 + lanes
                for r in range(D):
                    plsc.store_scatter(
                        fb, [jnp.full((16,), r, jnp.int32), cols],
                        ones, mask=m)

            return c2
        lax.fori_loop(0, ngroups, body, 0)

    def issue_in(start, slot):
        fb, pb, sem = fbs[slot], pbs[slot], sis[slot]
        pltpu.async_copy(pos_hbm.at[pl.ds(start, C)], pb.at[pl.ds(0, C)], sem)
        pltpu.async_copy(pos_hbm.at[pl.ds(N + start, C)],
                         pb.at[pl.ds(C, C)], sem)
        pltpu.async_copy(pos_hbm.at[pl.ds(2 * N + start, C)],
                         pb.at[pl.ds(2 * C, C)], sem)
        pltpu.async_copy(feat_hbm.at[:, pl.ds(start, C)], fb, sem)

    def wait_in(start, slot):
        fb, pb, sem = fbs[slot], pbs[slot], sis[slot]
        pltpu.make_async_copy(pos_hbm.at[pl.ds(start, C)],
                              pb.at[pl.ds(0, C)], sem).wait()
        pltpu.make_async_copy(pos_hbm.at[pl.ds(N + start, C)],
                              pb.at[pl.ds(C, C)], sem).wait()
        pltpu.make_async_copy(pos_hbm.at[pl.ds(2 * N + start, C)],
                              pb.at[pl.ds(2 * C, C)], sem).wait()
        pltpu.make_async_copy(feat_hbm.at[:, pl.ds(start, C)], fb, sem).wait()

    def issue_out(start, slot):
        pltpu.async_copy(fbs[slot], out_hbm.at[:, pl.ds(start, C)], sos[slot])

    def wait_out(slot):
        pltpu.make_async_copy(fbs[slot], out_hbm.at[:, pl.ds(0, C)],
                              sos[slot]).wait()

    def compute(slot):
        fb, pb = fbs[slot], pbs[slot]
        acc = scan_chunk(pb, GROUPS)

        @pl.when(jnp.any(acc))
        def _():
            fix_chunk(fb, pb, GROUPS)

    def cid(t):
        return (t * NW + wid) * C

    nt = jnp.where(wid < NFULL % NW, NFULL // NW + 1, NFULL // NW)

    issue_in(cid(0), 0)
    issue_in(cid(1), 1)
    issue_in(cid(2), 2)

    def q_body(q, carry):
        for slot in range(NSLOT):
            t = NSLOT * q + slot

            @pl.when(t < nt)
            def _():
                wait_in(cid(t), slot)
                compute(slot)
                issue_out(cid(t), slot)

                @pl.when(t + 3 < nt)
                def _():
                    nslot = (slot + 3) % NSLOT

                    @pl.when(t >= 1)
                    def _():
                        wait_out(nslot)

                    issue_in(cid(t + 3), nslot)

        return carry

    lax.fori_loop(0, (MAXT + NSLOT - 1) // NSLOT, q_body, 0)

    wait_out(0)
    wait_out(1)
    wait_out(2)
    wait_out(3)

    @pl.when(wid == NFULL % NW)
    def _():
        pltpu.sync_copy(pos_hbm.at[pl.ds(TAIL_OFF, TAIL)],
                        pb0.at[pl.ds(0, TAIL)])
        pltpu.sync_copy(pos_hbm.at[pl.ds(N + TAIL_OFF, TAIL)],
                        pb0.at[pl.ds(C, TAIL)])
        pltpu.sync_copy(pos_hbm.at[pl.ds(2 * N + TAIL_OFF, TAIL)],
                        pb0.at[pl.ds(2 * C, TAIL)])
        pltpu.sync_copy(ftail_hbm, tailbuf)
        fix_chunk(tailbuf, pb0, TAIL // 16)
        pltpu.sync_copy(tailbuf, otail_hbm)


def kernel(features, positions, label):
    ft = features.T
    pflat = positions.astype(jnp.int32).T.reshape(3 * N)
    label = label.astype(jnp.int32)
    ftail = lax.slice(features, (TAIL_OFF, 0), (N, D)).T
    mesh = plsc.VectorSubcoreMesh(core_axis_name="c", subcore_axis_name="s")
    f = functools.partial(
        pl.kernel,
        mesh=mesh,
        out_type=(jax.ShapeDtypeStruct((D, N), jnp.float32),
                  jax.ShapeDtypeStruct((D, TAIL), jnp.float32)),
        scratch_types=[
            pltpu.VMEM((D, C), jnp.float32),
            pltpu.VMEM((D, C), jnp.float32),
            pltpu.VMEM((D, C), jnp.float32),
            pltpu.VMEM((D, C), jnp.float32),
            pltpu.VMEM((3 * C,), jnp.int32),
            pltpu.VMEM((3 * C,), jnp.int32),
            pltpu.VMEM((3 * C,), jnp.int32),
            pltpu.VMEM((3 * C,), jnp.int32),
            pltpu.VMEM((NLAB, 3), jnp.int32),
            pltpu.VMEM((D, TAIL), jnp.float32),
            pltpu.SemaphoreType.DMA,
            pltpu.SemaphoreType.DMA,
            pltpu.SemaphoreType.DMA,
            pltpu.SemaphoreType.DMA,
            pltpu.SemaphoreType.DMA,
            pltpu.SemaphoreType.DMA,
            pltpu.SemaphoreType.DMA,
            pltpu.SemaphoreType.DMA,
        ],
        compiler_params=pltpu.CompilerParams(needs_layout_passes=False),
    )(_sc_body)
    out, otail = f(ft, pflat, label, ftail)
    return lax.dynamic_update_slice(out.T, otail.T, (TAIL_OFF, 0))

# --- scband reference (transcript-rebuilt; emitter-appended) ---
"""Pipeline reference for scband-add-labels-23716809408875 (READ-ONLY COPY).

The authoritative reference and input builder live on the scoring server;
editing this copy changes nothing except your own understanding.
"""

import jax, jax.numpy as jnp
import numpy as np


def setup_inputs(seed: int = 0) -> dict:
    key = jax.random.key(seed)
    k1, k2, k3 = jax.random.split(key, 3)
    features = jax.random.normal(k1, (1000000, 16), dtype=jnp.float32)
    positions = jax.random.randint(k2, (1000000, 3), 0, 256, dtype=jnp.int64)
    label = jax.random.randint(k3, (32, 3), 0, 256, dtype=jnp.int64)
    return {"features": features, "positions": positions, "label": label}


def reference(features, positions, label):
    # output.features = ones_like(features) * features  -> copy of features
    out = jnp.ones_like(features) * features
    # for each label l: index = (positions == l).all(dim=1); out[index] = 1.0
    # vectorized over all labels: match[i] = any_l all_d(positions[i,d] == label[l,d])
    match = jnp.any(jnp.all(positions[None, :, :] == label[:, None, :], axis=-1), axis=0)
    out = jnp.where(match[:, None], jnp.float32(1.0), out)
    return out

if __name__ == "__main__":
    import jax
    _d = setup_inputs()
    print(jax.jit(kernel)(*tuple(_d.values())))

</pallas_src>

<mosaic_0001>
#map = affine_map<(d0, d1) -> (0, 0)>
#map1 = affine_map<(d0, d1) -> (0)>
module attributes {stable_mosaic.version = 14 : i64} {
  func.func @_sc_body(%arg0: i32, %arg1: i32, %arg2: memref<16x1000000xf32, #tpu.memory_space<hbm>>, %arg3: memref<3000000xi32, #tpu.memory_space<hbm>>, %arg4: memref<32x3xi32, #tpu.memory_space<hbm>>, %arg5: memref<16x64xf32, #tpu.memory_space<hbm>>, %arg6: memref<16x1000000xf32, #tpu.memory_space<hbm>>, %arg7: memref<16x64xf32, #tpu.memory_space<hbm>>, %arg8: memref<16x1536xf32, #tpu.memory_space<vmem>>, %arg9: memref<16x1536xf32, #tpu.memory_space<vmem>>, %arg10: memref<16x1536xf32, #tpu.memory_space<vmem>>, %arg11: memref<16x1536xf32, #tpu.memory_space<vmem>>, %arg12: memref<4608xi32, #tpu.memory_space<vmem>>, %arg13: memref<4608xi32, #tpu.memory_space<vmem>>, %arg14: memref<4608xi32, #tpu.memory_space<vmem>>, %arg15: memref<4608xi32, #tpu.memory_space<vmem>>, %arg16: memref<32x3xi32, #tpu.memory_space<vmem>>, %arg17: memref<16x64xf32, #tpu.memory_space<vmem>>, %arg18: memref<!tpu.dma_semaphore, #tpu.memory_space<semaphore_mem>>, %arg19: memref<!tpu.dma_semaphore, #tpu.memory_space<semaphore_mem>>, %arg20: memref<!tpu.dma_semaphore, #tpu.memory_space<semaphore_mem>>, %arg21: memref<!tpu.dma_semaphore, #tpu.memory_space<semaphore_mem>>, %arg22: memref<!tpu.dma_semaphore, #tpu.memory_space<semaphore_mem>>, %arg23: memref<!tpu.dma_semaphore, #tpu.memory_space<semaphore_mem>>, %arg24: memref<!tpu.dma_semaphore, #tpu.memory_space<semaphore_mem>>, %arg25: memref<!tpu.dma_semaphore, #tpu.memory_space<semaphore_mem>>) attributes {dimension_semantics = [#tpu.dimension_semantics<core_parallel>, #tpu.dimension_semantics<subcore_parallel>], iteration_bounds = array<i64: 2, 16>, scalar_prefetch = 0 : i64, scratch_operands = 18 : i64, tpu.core_type = #tpu.core_type<sc_vector_subcore>, window_params = [{transform_indices = #map}, {transform_indices = #map1}, {transform_indices = #map}, {transform_indices = #map}, {transform_indices = #map}, {transform_indices = #map}]} {
    %mul3A = arith.constant 2 : i32
    %mul3A_0 = arith.muli %arg1, %mul3A : i32
    %add3A = arith.addi %mul3A_0, %arg0 : i32
    %iota3A = tpu.iota {dimensions = array<i32: 0>} : vector<16xi32>
    %broadcast_in_dim3A = arith.constant 0 : i32
    %broadcast_in_dim3A_1 = vector.broadcast %broadcast_in_dim3A : i32 to vector<16xi32>
    %broadcast_in_dim3A_2 = arith.constant 1 : i32
    %broadcast_in_dim3A_3 = vector.broadcast %broadcast_in_dim3A_2 : i32 to vector<16xi32>
    %broadcast_in_dim3A_4 = arith.constant 2 : i32
    %broadcast_in_dim3A_5 = vector.broadcast %broadcast_in_dim3A_4 : i32 to vector<16xi32>
    %broadcast_in_dim3A_6 = arith.constant 1.000000e+00 : f32
    %broadcast_in_dim3A_7 = vector.broadcast %broadcast_in_dim3A_6 : f32 to vector<16xf32>
    %broadcast_in_dim3A_8 = arith.constant false
    %broadcast_in_dim3A_9 = vector.broadcast %broadcast_in_dim3A_8 : i1 to vector<16xi1>
    "tpu.region"() ({
      %run_scoped3A = tpu.sem_alloc : memref<!tpu.dma_semaphore, #tpu.memory_space<semaphore_mem>>
      tpu.enqueue_dma source(%arg4 : memref<32x3xi32, #tpu.memory_space<hbm>>) target(%arg16 : memref<32x3xi32, #tpu.memory_space<vmem>>) target_semaphore(%run_scoped3A : memref<!tpu.dma_semaphore, #tpu.memory_space<semaphore_mem>>)
      tpu.wait_dma2 semaphore(%run_scoped3A : memref<!tpu.dma_semaphore, #tpu.memory_space<semaphore_mem>>) src(%arg4 : memref<32x3xi32, #tpu.memory_space<hbm>>) dst(%arg16 : memref<32x3xi32, #tpu.memory_space<vmem>>)
      tpu.yield
    }) : () -> ()
    %add3A_10 = arith.constant 0 : i32
    %add3A_11 = vector.broadcast %add3A_10 : i32 to vector<16xi32>
    %add3A_12 = arith.addi %add3A_11, %iota3A : vector<16xi32>
    %gather3A = tpu.vector_load_idx %arg16[%add3A_12, %broadcast_in_dim3A_1] : memref<32x3xi32, #tpu.memory_space<vmem>>[vector<16xi32>, vector<16xi32>], vector<16xi32>,
    %gather3A_13 = tpu.vector_load_idx %arg16[%add3A_12, %broadcast_in_dim3A_3] : memref<32x3xi32, #tpu.memory_space<vmem>>[vector<16xi32>, vector<16xi32>], vector<16xi32>,
    %gather3A_14 = tpu.vector_load_idx %arg16[%add3A_12, %broadcast_in_dim3A_5] : memref<32x3xi32, #tpu.memory_space<vmem>>[vector<16xi32>, vector<16xi32>], vector<16xi32>,
    %mul3A_15 = arith.constant 65536 : i32
    %mul3A_16 = vector.broadcast %mul3A_15 : i32 to vector<16xi32>
    %mul3A_17 = arith.muli %gather3A, %mul3A_16 : vector<16xi32>
    %mul3A_18 = arith.constant 256 : i32
    %mul3A_19 = vector.broadcast %mul3A_18 : i32 to vector<16xi32>
    %mul3A_20 = arith.muli %gather3A_13, %mul3A_19 : vector<16xi32>
    %add3A_21 = arith.addi %mul3A_17, %mul3A_20 : vector<16xi32>
    %add3A_22 = arith.addi %add3A_21, %gather3A_14 : vector<16xi32>
    %slice3A = vector.extract_strided_slice %add3A_22 {offsets = [0], sizes = [1], strides = [1]} : vector<16xi32> to vector<1xi32>
    %squeeze3A = vector.extract %slice3A[0] : i32 from vector<1xi32>
    %slice3A_23 = vector.extract_strided_slice %add3A_22 {offsets = [1], sizes = [1], strides = [1]} : vector<16xi32> to vector<1xi32>
    %squeeze3A_24 = vector.extract %slice3A_23[0] : i32 from vector<1xi32>
    %slice3A_25 = vector.extract_strided_slice %add3A_22 {offsets = [2], sizes = [1], strides = [1]} : vector<16xi32> to vector<1xi32>
    %squeeze3A_26 = vector.extract %slice3A_25[0] : i32 from vector<1xi32>
    %slice3A_27 = vector.extract_strided_slice %add3A_22 {offsets = [3], sizes = [1], strides = [1]} : vector<16xi32> to vector<1xi32>
    %squeeze3A_28 = vector.extract %slice3A_27[0] : i32 from vector<1xi32>
    %slice3A_29 = vector.extract_strided_slice %add3A_22 {offsets = [4], sizes = [1], strides = [1]} : vector<16xi32> to vector<1xi32>
    %squeeze3A_30 = vector.extract %slice3A_29[0] : i32 from vector<1xi32>
    %slice3A_31 = vector.extract_strided_slice %add3A_22 {offsets = [5], sizes = [1], strides = [1]} : vector<16xi32> to vector<1xi32>
    %squeeze3A_32 = vector.extract %slice3A_31[0] : i32 from vector<1xi32>
    %slice3A_33 = vector.extract_strided_slice %add3A_22 {offsets = [6], sizes = [1], strides = [1]} : vector<16xi32> to vector<1xi32>
    %squeeze3A_34 = vector.extract %slice3A_33[0] : i32 from vector<1xi32>
    %slice3A_35 = vector.extract_strided_slice %add3A_22 {offsets = [7], sizes = [1], strides = [1]} : vector<16xi32> to vector<1xi32>
    %squeeze3A_36 = vector.extract %slice3A_35[0] : i32 from vector<1xi32>
    %slice3A_37 = vector.extract_strided_slice %add3A_22 {offsets = [8], sizes = [1], strides = [1]} : vector<16xi32> to vector<1xi32>
    %squeeze3A_38 = vector.extract %slice3A_37[0] : i32 from vector<1xi32>
    %slice3A_39 = vector.extract_strided_slice %add3A_22 {offsets = [9], sizes = [1], strides = [1]} : vector<16xi32> to vector<1xi32>
    %squeeze3A_40 = vector.extract %slice3A_39[0] : i32 from vector<1xi32>
    %slice3A_41 = vector.extract_strided_slice %add3A_22 {offsets = [10], sizes = [1], strides = [1]} : vector<16xi32> to vector<1xi32>
    %squeeze3A_42 = vector.extract %slice3A_41[0] : i32 from vector<1xi32>
    %slice3A_43 = vector.extract_strided_slice %add3A_22 {offsets = [11], sizes = [1], strides = [1]} : vector<16xi32> to vector<1xi32>
    %squeeze3A_44 = vector.extract %slice3A_43[0] : i32 from vector<1xi32>
    %slice3A_45 = vector.extract_strided_slice %add3A_22 {offsets = [12], sizes = [1], strides = [1]} : vector<16xi32> to vector<1xi32>
    %squeeze3A_46 = vector.extract %slice3A_45[0] : i32 from vector<1xi32>
    %slice3A_47 = vector.extract_strided_slice %add3A_22 {offsets = [13], sizes = [1], strides = [1]} : vector<16xi32> to vector<1xi32>
    %squeeze3A_48 = vector.extract %slice3A_47[0] : i32 from vector<1xi32>
    %slice3A_49 = vector.extract_strided_slice %add3A_22 {offsets = [14], sizes = [1], strides = [1]} : vector<16xi32> to vector<1xi32>
    %squeeze3A_50 = vector.extract %slice3A_49[0] : i32 from vector<1xi32>
    %slice3A_51 = vector.extract_strided_slice %add3A_22 {offsets = [15], sizes = [1], strides = [1]} : vector<16xi32> to vector<1xi32>
    %squeeze3A_52 = vector.extract %slice3A_51[0] : i32 from vector<1xi32>
    %add3A_53 = arith.constant 16 : i32
    %add3A_54 = vector.broadcast %add3A_53 : i32 to vector<16xi32>
    %add3A_55 = arith.addi %add3A_54, %iota3A : vector<16xi32>
    %gather3A_56 = tpu.vector_load_idx %arg16[%add3A_55, %broadcast_in_dim3A_1] : memref<32x3xi32, #tpu.memory_space<vmem>>[vector<16xi32>, vector<16xi32>], vector<16xi32>,
    %gather3A_57 = tpu.vector_load_idx %arg16[%add3A_55, %broadcast_in_dim3A_3] : memref<32x3xi32, #tpu.memory_space<vmem>>[vector<16xi32>, vector<16xi32>], vector<16xi32>,
    %gather3A_58 = tpu.vector_load_idx %arg16[%add3A_55, %broadcast_in_dim3A_5] : memref<32x3xi32, #tpu.memory_space<vmem>>[vector<16xi32>, vector<16xi32>], vector<16xi32>,
    %mul3A_59 = arith.constant 65536 : i32
    %mul3A_60 = vector.broadcast %mul3A_59 : i32 to vector<16xi32>
    %mul3A_61 = arith.muli %gather3A_56, %mul3A_60 : vector<16xi32>
    %mul3A_62 = arith.constant 256 : i32
    %mul3A_63 = vector.broadcast %mul3A_62 : i32 to vector<16xi32>
    %mul3A_64 = arith.muli %gather3A_57, %mul3A_63 : vector<16xi32>
    %add3A_65 = arith.addi %mul3A_61, %mul3A_64 : vector<16xi32>
    %add3A_66 = arith.addi %add3A_65, %gather3A_58 : vector<16xi32>
    %slice3A_67 = vector.extract_strided_slice %add3A_66 {offsets = [0], sizes = [1], strides = [1]} : vector<16xi32> to vector<1xi32>
    %squeeze3A_68 = vector.extract %slice3A_67[0] : i32 from vector<1xi32>
    %slice3A_69 = vector.extract_strided_slice %add3A_66 {offsets = [1], sizes = [1], strides = [1]} : vector<16xi32> to vector<1xi32>
    %squeeze3A_70 = vector.extract %slice3A_69[0] : i32 from vector<1xi32>
    %slice3A_71 = vector.extract_strided_slice %add3A_66 {offsets = [2], sizes = [1], strides = [1]} : vector<16xi32> to vector<1xi32>
    %squeeze3A_72 = vector.extract %slice3A_71[0] : i32 from vector<1xi32>
    %slice3A_73 = vector.extract_strided_slice %add3A_66 {offsets = [3], sizes = [1], strides = [1]} : vector<16xi32> to vector<1xi32>
    %squeeze3A_74 = vector.extract %slice3A_73[0] : i32 from vector<1xi32>
    %slice3A_75 = vector.extract_strided_slice %add3A_66 {offsets = [4], sizes = [1], strides = [1]} : vector<16xi32> to vector<1xi32>
    %squeeze3A_76 = vector.extract %slice3A_75[0] : i32 from vector<1xi32>
    %slice3A_77 = vector.extract_strided_slice %add3A_66 {offsets = [5], sizes = [1], strides = [1]} : vector<16xi32> to vector<1xi32>
    %squeeze3A_78 = vector.extract %slice3A_77[0] : i32 from vector<1xi32>
    %slice3A_79 = vector.extract_strided_slice %add3A_66 {offsets = [6], sizes = [1], strides = [1]} : vector<16xi32> to vector<1xi32>
    %squeeze3A_80 = vector.extract %slice3A_79[0] : i32 from vector<1xi32>
    %slice3A_81 = vector.extract_strided_slice %add3A_66 {offsets = [7], sizes = [1], strides = [1]} : vector<16xi32> to vector<1xi32>
    %squeeze3A_82 = vector.extract %slice3A_81[0] : i32 from vector<1xi32>
    %slice3A_83 = vector.extract_strided_slice %add3A_66 {offsets = [8], sizes = [1], strides = [1]} : vector<16xi32> to vector<1xi32>
    %squeeze3A_84 = vector.extract %slice3A_83[0] : i32 from vector<1xi32>
    %slice3A_85 = vector.extract_strided_slice %add3A_66 {offsets = [9], sizes = [1], strides = [1]} : vector<16xi32> to vector<1xi32>
    %squeeze3A_86 = vector.extract %slice3A_85[0] : i32 from vector<1xi32>
    %slice3A_87 = vector.extract_strided_slice %add3A_66 {offsets = [10], sizes = [1], strides = [1]} : vector<16xi32> to vector<1xi32>
    %squeeze3A_88 = vector.extract %slice3A_87[0] : i32 from vector<1xi32>
    %slice3A_89 = vector.extract_strided_slice %add3A_66 {offsets = [11], sizes = [1], strides = [1]} : vector<16xi32> to vector<1xi32>
    %squeeze3A_90 = vector.extract %slice3A_89[0] : i32 from vector<1xi32>
    %slice3A_91 = vector.extract_strided_slice %add3A_66 {offsets = [12], sizes = [1], strides = [1]} : vector<16xi32> to vector<1xi32>
    %squeeze3A_92 = vector.extract %slice3A_91[0] : i32 from vector<1xi32>
    %slice3A_93 = vector.extract_strided_slice %add3A_66 {offsets = [13], sizes = [1], strides = [1]} : vector<16xi32> to vector<1xi32>
    %squeeze3A_94 = vector.extract %slice3A_93[0] : i32 from vector<1xi32>
    %slice3A_95 = vector.extract_strided_slice %add3A_66 {offsets = [14], sizes = [1], strides = [1]} : vector<16xi32> to vector<1xi32>
    %squeeze3A_96 = vector.extract %slice3A_95[0] : i32 from vector<1xi32>
    %slice3A_97 = vector.extract_strided_slice %add3A_66 {offsets = [15], sizes = [1], strides = [1]} : vector<16xi32> to vector<1xi32>
    %squeeze3A_98 = vector.extract %slice3A_97[0] : i32 from vector<1xi32>
    %lt3A = arith.constant 11 : i32
    %lt3A_99 = arith.cmpi slt, %add3A, %lt3A : i32
    %jit3A = arith.constant 21 : i32
    %jit3A_100 = arith.constant 20 : i32
    %select_n3A = arith.select %lt3A_99, %jit3A, %jit3A_100 : i32
    %add3A_101 = arith.constant 0 : i32
    %add3A_102 = arith.addi %add3A_101, %add3A : i32
    %mul3A_103 = arith.constant 1536 : i32
    %mul3A_104 = arith.muli %add3A_102, %mul3A_103 : i32
    %dma_start3A = arith.constant 0 : i32
    %dma_start3A_105 = tpu.memref_slice %arg12[%dma_start3A] : memref<4608xi32, #tpu.memory_space<vmem>> -> memref<1536xi32, #tpu.memory_space<vmem>>
    %dma_start3A_106 = tpu.memref_slice %arg3[%mul3A_104] : memref<3000000xi32, #tpu.memory_space<hbm>> -> memref<1536xi32, #tpu.memory_space<hbm>>
    %dma_start3A_107 = arith.constant 0 : i32
    %dma_start3A_108 = tpu.memref_slice %arg12[%dma_start3A_107] : memref<4608xi32, #tpu.memory_space<vmem>> -> memref<1536xi32, #tpu.memory_space<vmem>>
    %dma_start3A_109 = tpu.memref_slice %arg3[%mul3A_104] : memref<3000000xi32, #tpu.memory_space<hbm>> -> memref<1536xi32, #tpu.memory_space<hbm>>
    tpu.enqueue_dma source(%dma_start3A_109 : memref<1536xi32, #tpu.memory_space<hbm>>) target(%dma_start3A_108 : memref<1536xi32, #tpu.memory_space<vmem>>) target_semaphore(%arg18 : memref<!tpu.dma_semaphore, #tpu.memory_space<semaphore_mem>>)
    %add3A_110 = arith.constant 1000000 : i32
    %add3A_111 = arith.addi %add3A_110, %mul3A_104 : i32
    %dma_start3A_112 = arith.constant 1536 : i32
    %dma_start3A_113 = tpu.memref_slice %arg12[%dma_start3A_112] : memref<4608xi32, #tpu.memory_space<vmem>> -> memref<1536xi32, #tpu.memory_space<vmem>>
    %dma_start3A_114 = tpu.memref_slice %arg3[%add3A_111] : memref<3000000xi32, #tpu.memory_space<hbm>> -> memref<1536xi32, #tpu.memory_space<hbm>>
    %dma_start3A_115 = arith.constant 1536 : i32
    %dma_start3A_116 = tpu.memref_slice %arg12[%dma_start3A_115] : memref<4608xi32, #tpu.memory_space<vmem>> -> memref<1536xi32, #tpu.memory_space<vmem>>
    %dma_start3A_117 = tpu.memref_slice %arg3[%add3A_111] : memref<3000000xi32, #tpu.memory_space<hbm>> -> memref<1536xi32, #tpu.memory_space<hbm>>
    tpu.enqueue_dma source(%dma_start3A_117 : memref<1536xi32, #tpu.memory_space<hbm>>) target(%dma_start3A_116 : memref<1536xi32, #tpu.memory_space<vmem>>) target_semaphore(%arg18 : memref<!tpu.dma_semaphore, #tpu.memory_space<semaphore_mem>>)
    %add3A_118 = arith.constant 2000000 : i32
    %add3A_119 = arith.addi %add3A_118, %mul3A_104 : i32
    %dma_start3A_120 = arith.constant 3072 : i32
    %dma_start3A_121 = tpu.memref_slice %arg12[%dma_start3A_120] : memref<4608xi32, #tpu.memory_space<vmem>> -> memref<1536xi32, #tpu.memory_space<vmem>>
    %dma_start3A_122 = tpu.memref_slice %arg3[%add3A_119] : memref<3000000xi32, #tpu.memory_space<hbm>> -> memref<1536xi32, #tpu.memory_space<hbm>>
    %dma_start3A_123 = arith.constant 3072 : i32
    %dma_start3A_124 = tpu.memref_slice %arg12[%dma_start3A_123] : memref<4608xi32, #tpu.memory_space<vmem>> -> memref<1536xi32, #tpu.memory_space<vmem>>
    %dma_start3A_125 = tpu.memref_slice %arg3[%add3A_119] : memref<3000000xi32, #tpu.memory_space<hbm>> -> memref<1536xi32, #tpu.memory_space<hbm>>
    tpu.enqueue_dma source(%dma_start3A_125 : memref<1536xi32, #tpu.memory_space<hbm>>) target(%dma_start3A_124 : memref<1536xi32, #tpu.memory_space<vmem>>) target_semaphore(%arg18 : memref<!tpu.dma_semaphore, #tpu.memory_space<semaphore_mem>>)
    %dma_start3A_126 = arith.constant 0 : i32
    %dma_start3A_127 = tpu.memref_slice %arg2[%dma_start3A_126, %mul3A_104] : memref<16x1000000xf32, #tpu.memory_space<hbm>> -> memref<16x1536xf32, #tpu.memory_space<hbm>>
    %dma_start3A_128 = arith.constant 0 : i32
    %dma_start3A_129 = tpu.memref_slice %arg2[%dma_start3A_128, %mul3A_104] : memref<16x1000000xf32, #tpu.memory_space<hbm>> -> memref<16x1536xf32, #tpu.memory_space<hbm>>
    tpu.enqueue_dma source(%dma_start3A_129 : memref<16x1536xf32, #tpu.memory_space<hbm>>) target(%arg8 : memref<16x1536xf32, #tpu.memory_space<vmem>>) target_semaphore(%arg18 : memref<!tpu.dma_semaphore, #tpu.memory_space<semaphore_mem>>)
    %add3A_130 = arith.constant 32 : i32
    %add3A_131 = arith.addi %add3A_130, %add3A : i32
    %mul3A_132 = arith.constant 1536 : i32
    %mul3A_133 = arith.muli %add3A_131, %mul3A_132 : i32
    %dma_start3A_134 = arith.constant 0 : i32
    %dma_start3A_135 = tpu.memref_slice %arg13[%dma_start3A_134] : memref<4608xi32, #tpu.memory_space<vmem>> -> memref<1536xi32, #tpu.memory_space<vmem>>
    %dma_start3A_136 = tpu.memref_slice %arg3[%mul3A_133] : memref<3000000xi32, #tpu.memory_space<hbm>> -> memref<1536xi32, #tpu.memory_space<hbm>>
    %dma_start3A_137 = arith.constant 0 : i32
    %dma_start3A_138 = tpu.memref_slice %arg13[%dma_start3A_137] : memref<4608xi32, #tpu.memory_space<vmem>> -> memref<1536xi32, #tpu.memory_space<vmem>>
    %dma_start3A_139 = tpu.memref_slice %arg3[%mul3A_133] : memref<3000000xi32, #tpu.memory_space<hbm>> -> memref<1536xi32, #tpu.memory_space<hbm>>
    tpu.enqueue_dma source(%dma_start3A_139 : memref<1536xi32, #tpu.memory_space<hbm>>) target(%dma_start3A_138 : memref<1536xi32, #tpu.memory_space<vmem>>) target_semaphore(%arg19 : memref<!tpu.dma_semaphore, #tpu.memory_space<semaphore_mem>>)
    %add3A_140 = arith.constant 1000000 : i32
    %add3A_141 = arith.addi %add3A_140, %mul3A_133 : i32
    %dma_start3A_142 = arith.constant 1536 : i32
    %dma_start3A_143 = tpu.memref_slice %arg13[%dma_start3A_142] : memref<4608xi32, #tpu.memory_space<vmem>> -> memref<1536xi32, #tpu.memory_space<vmem>>
    %dma_start3A_144 = tpu.memref_slice %arg3[%add3A_141] : memref<3000000xi32, #tpu.memory_space<hbm>> -> memref<1536xi32, #tpu.memory_space<hbm>>
    %dma_start3A_145 = arith.constant 1536 : i32
    %dma_start3A_146 = tpu.memref_slice %arg13[%dma_start3A_145] : memref<4608xi32, #tpu.memory_space<vmem>> -> memref<1536xi32, #tpu.memory_space<vmem>>
    %dma_start3A_147 = tpu.memref_slice %arg3[%add3A_141] : memref<3000000xi32, #tpu.memory_space<hbm>> -> memref<1536xi32, #tpu.memory_space<hbm>>
    tpu.enqueue_dma source(%dma_start3A_147 : memref<1536xi32, #tpu.memory_space<hbm>>) target(%dma_start3A_146 : memref<1536xi32, #tpu.memory_space<vmem>>) target_semaphore(%arg19 : memref<!tpu.dma_semaphore, #tpu.memory_space<semaphore_mem>>)
    %add3A_148 = arith.constant 2000000 : i32
    %add3A_149 = arith.addi %add3A_148, %mul3A_133 : i32
    %dma_start3A_150 = arith.constant 3072 : i32
    %dma_start3A_151 = tpu.memref_slice %arg13[%dma_start3A_150] : memref<4608xi32, #tpu.memory_space<vmem>> -> memref<1536xi32, #tpu.memory_space<vmem>>
    %dma_start3A_152 = tpu.memref_slice %arg3[%add3A_149] : memref<3000000xi32, #tpu.memory_space<hbm>> -> memref<1536xi32, #tpu.memory_space<hbm>>
    %dma_start3A_153 = arith.constant 3072 : i32
    %dma_start3A_154 = tpu.memref_slice %arg13[%dma_start3A_153] : memref<4608xi32, #tpu.memory_space<vmem>> -> memref<1536xi32, #tpu.memory_space<vmem>>
    %dma_start3A_155 = tpu.memref_slice %arg3[%add3A_149] : memref<3000000xi32, #tpu.memory_space<hbm>> -> memref<1536xi32, #tpu.memory_space<hbm>>
    tpu.enqueue_dma source(%dma_start3A_155 : memref<1536xi32, #tpu.memory_space<hbm>>) target(%dma_start3A_154 : memref<1536xi32, #tpu.memory_space<vmem>>) target_semaphore(%arg19 : memref<!tpu.dma_semaphore, #tpu.memory_space<semaphore_mem>>)
    %dma_start3A_156 = arith.constant 0 : i32
    %dma_start3A_157 = tpu.memref_slice %arg2[%dma_start3A_156, %mul3A_133] : memref<16x1000000xf32, #tpu.memory_space<hbm>> -> memref<16x1536xf32, #tpu.memory_space<hbm>>
    %dma_start3A_158 = arith.constant 0 : i32
    %dma_start3A_159 = tpu.memref_slice %arg2[%dma_start3A_158, %mul3A_133] : memref<16x1000000xf32, #tpu.memory_space<hbm>> -> memref<16x1536xf32, #tpu.memory_space<hbm>>
    tpu.enqueue_dma source(%dma_start3A_159 : memref<16x1536xf32, #tpu.memory_space<hbm>>) target(%arg9 : memref<16x1536xf32, #tpu.memory_space<vmem>>) target_semaphore(%arg19 : memref<!tpu.dma_semaphore, #tpu.memory_space<semaphore_mem>>)
    %add3A_160 = arith.constant 64 : i32
    %add3A_161 = arith.addi %add3A_160, %add3A : i32
    %mul3A_162 = arith.constant 1536 : i32
    %mul3A_163 = arith.muli %add3A_161, %mul3A_162 : i32
    %dma_start3A_164 = arith.constant 0 : i32
    %dma_start3A_165 = tpu.memref_slice %arg14[%dma_start3A_164] : memref<4608xi32, #tpu.memory_space<vmem>> -> memref<1536xi32, #tpu.memory_space<vmem>>
    %dma_start3A_166 = tpu.memref_slice %arg3[%mul3A_163] : memref<3000000xi32, #tpu.memory_space<hbm>> -> memref<1536xi32, #tpu.memory_space<hbm>>
    %dma_start3A_167 = arith.constant 0 : i32
    %dma_start3A_168 = tpu.memref_slice %arg14[%dma_start3A_167] : memref<4608xi32, #tpu.memory_space<vmem>> -> memref<1536xi32, #tpu.memory_space<vmem>>
    %dma_start3A_169 = tpu.memref_slice %arg3[%mul3A_163] : memref<3000000xi32, #tpu.memory_space<hbm>> -> memref<1536xi32, #tpu.memory_space<hbm>>
    tpu.enqueue_dma source(%dma_start3A_169 : memref<1536xi32, #tpu.memory_space<hbm>>) target(%dma_start3A_168 : memref<1536xi32, #tpu.memory_space<vmem>>) target_semaphore(%arg20 : memref<!tpu.dma_semaphore, #tpu.memory_space<semaphore_mem>>)
    %add3A_170 = arith.constant 1000000 : i32
    %add3A_171 = arith.addi %add3A_170, %mul3A_163 : i32
    %dma_start3A_172 = arith.constant 1536 : i32
    %dma_start3A_173 = tpu.memref_slice %arg14[%dma_start3A_172] : memref<4608xi32, #tpu.memory_space<vmem>> -> memref<1536xi32, #tpu.memory_space<vmem>>
    %dma_start3A_174 = tpu.memref_slice %arg3[%add3A_171] : memref<3000000xi32, #tpu.memory_space<hbm>> -> memref<1536xi32, #tpu.memory_space<hbm>>
    %dma_start3A_175 = arith.constant 1536 : i32
    %dma_start3A_176 = tpu.memref_slice %arg14[%dma_start3A_175] : memref<4608xi32, #tpu.memory_space<vmem>> -> memref<1536xi32, #tpu.memory_space<vmem>>
    %dma_start3A_177 = tpu.memref_slice %arg3[%add3A_171] : memref<3000000xi32, #tpu.memory_space<hbm>> -> memref<1536xi32, #tpu.memory_space<hbm>>
    tpu.enqueue_dma source(%dma_start3A_177 : memref<1536xi32, #tpu.memory_space<hbm>>) target(%dma_start3A_176 : memref<1536xi32, #tpu.memory_space<vmem>>) target_semaphore(%arg20 : memref<!tpu.dma_semaphore, #tpu.memory_space<semaphore_mem>>)
    %add3A_178 = arith.constant 2000000 : i32
    %add3A_179 = arith.addi %add3A_178, %mul3A_163 : i32
    %dma_start3A_180 = arith.constant 3072 : i32
    %dma_start3A_181 = tpu.memref_slice %arg14[%dma_start3A_180] : memref<4608xi32, #tpu.memory_space<vmem>> -> memref<1536xi32, #tpu.memory_space<vmem>>
    %dma_start3A_182 = tpu.memref_slice %arg3[%add3A_179] : memref<3000000xi32, #tpu.memory_space<hbm>> -> memref<1536xi32, #tpu.memory_space<hbm>>
    %dma_start3A_183 = arith.constant 3072 : i32
    %dma_start3A_184 = tpu.memref_slice %arg14[%dma_start3A_183] : memref<4608xi32, #tpu.memory_space<vmem>> -> memref<1536xi32, #tpu.memory_space<vmem>>
    %dma_start3A_185 = tpu.memref_slice %arg3[%add3A_179] : memref<3000000xi32, #tpu.memory_space<hbm>> -> memref<1536xi32, #tpu.memory_space<hbm>>
    tpu.enqueue_dma source(%dma_start3A_185 : memref<1536xi32, #tpu.memory_space<hbm>>) target(%dma_start3A_184 : memref<1536xi32, #tpu.memory_space<vmem>>) target_semaphore(%arg20 : memref<!tpu.dma_semaphore, #tpu.memory_space<semaphore_mem>>)
    %dma_start3A_186 = arith.constant 0 : i32
    %dma_start3A_187 = tpu.memref_slice %arg2[%dma_start3A_186, %mul3A_163] : memref<16x1000000xf32, #tpu.memory_space<hbm>> -> memref<16x1536xf32, #tpu.memory_space<hbm>>
    %dma_start3A_188 = arith.constant 0 : i32
    %dma_start3A_189 = tpu.memref_slice %arg2[%dma_start3A_188, %mul3A_163] : memref<16x1000000xf32, #tpu.memory_space<hbm>> -> memref<16x1536xf32, #tpu.memory_space<hbm>>
    tpu.enqueue_dma source(%dma_start3A_189 : memref<16x1536xf32, #tpu.memory_space<hbm>>) target(%arg10 : memref<16x1536xf32, #tpu.memory_space<vmem>>) target_semaphore(%arg20 : memref<!tpu.dma_semaphore, #tpu.memory_space<semaphore_mem>>)
    %scan3A = arith.constant 0 : i32
    %scan3A_190 = arith.constant 0 : i32
    %scan3A_191 = arith.constant 6 : i32
    %scan3A_192 = arith.addi %scan3A_190, %scan3A_191 : i32
    %scan3A_193 = arith.constant 1 : i32
    scf.for %scan3A_220 = %scan3A_190 to %scan3A_192 step %scan3A_193  : i32 {
      %mul3A_221 = arith.constant 4 : i32
      %mul3A_222 = arith.muli %mul3A_221, %scan3A_220 : i32
      %add3A_223 = arith.constant 0 : i32
      %add3A_224 = arith.addi %mul3A_222, %add3A_223 : i32
      %lt3A_225 = arith.cmpi slt, %add3A_224, %select_n3A : i32
      %convert_element_type3A_226 = arith.extui %lt3A_225 : i1 to i32
      %cond3A_227 = arith.constant 0 : i32
      %cond3A_228 = arith.cmpi ne, %convert_element_type3A_226, %cond3A_227 : i32
      scf.if %cond3A_228 {
        %mul3A_253 = arith.constant 32 : i32
        %mul3A_254 = arith.muli %add3A_224, %mul3A_253 : i32
        %add3A_255 = arith.addi %mul3A_254, %add3A : i32
        %mul3A_256 = arith.constant 1536 : i32
        %mul3A_257 = arith.muli %add3A_255, %mul3A_256 : i32
        %dma_wait3A_258 = arith.constant 0 : i32
        %dma_wait3A_259 = tpu.memref_slice %arg12[%dma_wait3A_258] : memref<4608xi32, #tpu.memory_space<vmem>> -> memref<1536xi32, #tpu.memory_space<vmem>>
        %dma_wait3A_260 = tpu.memref_slice %arg3[%mul3A_257] : memref<3000000xi32, #tpu.memory_space<hbm>> -> memref<1536xi32, #tpu.memory_space<hbm>>
        %dma_wait3A_261 = arith.constant 0 : i32
        %dma_wait3A_262 = tpu.memref_slice %arg12[%dma_wait3A_261] : memref<4608xi32, #tpu.memory_space<vmem>> -> memref<1536xi32, #tpu.memory_space<vmem>>
        %dma_wait3A_263 = tpu.memref_slice %arg3[%mul3A_257] : memref<3000000xi32, #tpu.memory_space<hbm>> -> memref<1536xi32, #tpu.memory_space<hbm>>
        tpu.wait_dma2 semaphore(%arg18 : memref<!tpu.dma_semaphore, #tpu.memory_space<semaphore_mem>>) src(%dma_wait3A_263 : memref<1536xi32, #tpu.memory_space<hbm>>) dst(%dma_wait3A_262 : memref<1536xi32, #tpu.memory_space<vmem>>)
        %add3A_264 = arith.constant 1000000 : i32
        %add3A_265 = arith.addi %add3A_264, %mul3A_257 : i32
        %dma_wait3A_266 = arith.constant 1536 : i32
        %dma_wait3A_267 = tpu.memref_slice %arg12[%dma_wait3A_266] : memref<4608xi32, #tpu.memory_space<vmem>> -> memref<1536xi32, #tpu.memory_space<vmem>>
        %dma_wait3A_268 = tpu.memref_slice %arg3[%add3A_265] : memref<3000000xi32, #tpu.memory_space<hbm>> -> memref<1536xi32, #tpu.memory_space<hbm>>
        %dma_wait3A_269 = arith.constant 1536 : i32
        %dma_wait3A_270 = tpu.memref_slice %arg12[%dma_wait3A_269] : memref<4608xi32, #tpu.memory_space<vmem>> -> memref<1536xi32, #tpu.memory_space<vmem>>
        %dma_wait3A_271 = tpu.memref_slice %arg3[%add3A_265] : memref<3000000xi32, #tpu.memory_space<hbm>> -> memref<1536xi32, #tpu.memory_space<hbm>>
        tpu.wait_dma2 semaphore(%arg18 : memref<!tpu.dma_semaphore, #tpu.memory_space<semaphore_mem>>) src(%dma_wait3A_271 : memref<1536xi32, #tpu.memory_space<hbm>>) dst(%dma_wait3A_270 : memref<1536xi32, #tpu.memory_space<vmem>>)
        %add3A_272 = arith.constant 2000000 : i32
        %add3A_273 = arith.addi %add3A_272, %mul3A_257 : i32
        %dma_wait3A_274 = arith.constant 3072 : i32
        %dma_wait3A_275 = tpu.memref_slice %arg12[%dma_wait3A_274] : memref<4608xi32, #tpu.memory_space<vmem>> -> memref<1536xi32, #tpu.memory_space<vmem>>
        %dma_wait3A_276 = tpu.memref_slice %arg3[%add3A_273] : memref<3000000xi32, #tpu.memory_space<hbm>> -> memref<1536xi32, #tpu.memory_space<hbm>>
        %dma_wait3A_277 = arith.constant 3072 : i32
        %dma_wait3A_278 = tpu.memref_slice %arg12[%dma_wait3A_277] : memref<4608xi32, #tpu.memory_space<vmem>> -> memref<1536xi32, #tpu.memory_space<vmem>>
        %dma_wait3A_279 = tpu.memref_slice %arg3[%add3A_273] : memref<3000000xi32, #tpu.memory_space<hbm>> -> memref<1536xi32, #tpu.memory_space<hbm>>
        tpu.wait_dma2 semaphore(%arg18 : memref<!tpu.dma_semaphore, #tpu.memory_space<semaphore_mem>>) src(%dma_wait3A_279 : memref<1536xi32, #tpu.memory_space<hbm>>) dst(%dma_wait3A_278 : memref<1536xi32, #tpu.memory_space<vmem>>)
        %dma_wait3A_280 = arith.constant 0 : i32
        %dma_wait3A_281 = tpu.memref_slice %arg2[%dma_wait3A_280, %mul3A_257] : memref<16x1000000xf32, #tpu.memory_space<hbm>> -> memref<16x1536xf32, #tpu.memory_space<hbm>>
        %dma_wait3A_282 = arith.constant 0 : i32
        %dma_wait3A_283 = tpu.memref_slice %arg2[%dma_wait3A_282, %mul3A_257] : memref<16x1000000xf32, #tpu.memory_space<hbm>> -> memref<16x1536xf32, #tpu.memory_space<hbm>>
        tpu.wait_dma2 semaphore(%arg18 : memref<!tpu.dma_semaphore, #tpu.memory_space<semaphore_mem>>) src(%dma_wait3A_283 : memref<16x1536xf32, #tpu.memory_space<hbm>>) dst(%arg8 : memref<16x1536xf32, #tpu.memory_space<vmem>>)
        %scan3A_284 = arith.constant 0 : i32
        %scan3A_285 = arith.constant 96 : i32
        %scan3A_286 = arith.addi %scan3A_284, %scan3A_285 : i32
        %scan3A_287 = arith.constant 1 : i32
        %scan3A_288 = scf.for %scan3A_318 = %scan3A_284 to %scan3A_286 step %scan3A_287 iter_args(%scan3A_319 = %broadcast_in_dim3A_9) -> (vector<16xi1>)  : i32 {
          %mul3A_320 = arith.constant 16 : i32
          %mul3A_321 = arith.muli %scan3A_318, %mul3A_320 : i32
          %get3A = arith.index_cast %mul3A_321 : i32 to index
          %get3A_322 = tpu.vector_load %arg12[%get3A] {strides = array<i32>} : memref<4608xi32, #tpu.memory_space<vmem>>, vector<16xi32>,
          %add3A_323 = arith.constant 1536 : i32
          %add3A_324 = arith.addi %add3A_323, %mul3A_321 : i32
          %get3A_325 = arith.index_cast %add3A_324 : i32 to index
          %get3A_326 = tpu.vector_load %arg12[%get3A_325] {strides = array<i32>} : memref<4608xi32, #tpu.memory_space<vmem>>, vector<16xi32>,
          %add3A_327 = arith.constant 3072 : i32
          %add3A_328 = arith.addi %add3A_327, %mul3A_321 : i32
          %get3A_329 = arith.index_cast %add3A_328 : i32 to index
          %get3A_330 = tpu.vector_load %arg12[%get3A_329] {strides = array<i32>} : memref<4608xi32, #tpu.memory_space<vmem>>, vector<16xi32>,
          %mul3A_331 = arith.constant 65536 : i32
          %mul3A_332 = vector.broadcast %mul3A_331 : i32 to vector<16xi32>
          %mul3A_333 = arith.muli %get3A_322, %mul3A_332 : vector<16xi32>
          %mul3A_334 = arith.constant 256 : i32
          %mul3A_335 = vector.broadcast %mul3A_334 : i32 to vector<16xi32>
          %mul3A_336 = arith.muli %get3A_326, %mul3A_335 : vector<16xi32>
          %add3A_337 = arith.addi %mul3A_333, %mul3A_336 : vector<16xi32>
          %add3A_338 = arith.addi %add3A_337, %get3A_330 : vector<16xi32>
          %eq3A_339 = vector.broadcast %squeeze3A : i32 to vector<16xi32>
          %eq3A_340 = arith.cmpi eq, %add3A_338, %eq3A_339 : vector<16xi32>
          %eq3A_341 = vector.broadcast %squeeze3A_24 : i32 to vector<16xi32>
          %eq3A_342 = arith.cmpi eq, %add3A_338, %eq3A_341 : vector<16xi32>
          %or3A = arith.ori %eq3A_340, %eq3A_342 : vector<16xi1>
          %eq3A_343 = vector.broadcast %squeeze3A_26 : i32 to vector<16xi32>
          %eq3A_344 = arith.cmpi eq, %add3A_338, %eq3A_343 : vector<16xi32>
          %or3A_345 = arith.ori %or3A, %eq3A_344 : vector<16xi1>
          %eq3A_346 = vector.broadcast %squeeze3A_28 : i32 to vector<16xi32>
          %eq3A_347 = arith.cmpi eq, %add3A_338, %eq3A_346 : vector<16xi32>
          %or3A_348 = arith.ori %or3A_345, %eq3A_347 : vector<16xi1>
          %eq3A_349 = vector.broadcast %squeeze3A_30 : i32 to vector<16xi32>
          %eq3A_350 = arith.cmpi eq, %add3A_338, %eq3A_349 : vector<16xi32>
          %or3A_351 = arith.ori %or3A_348, %eq3A_350 : vector<16xi1>
          %eq3A_352 = vector.broadcast %squeeze3A_32 : i32 to vector<16xi32>
          %eq3A_353 = arith.cmpi eq, %add3A_338, %eq3A_352 : vector<16xi32>
          %or3A_354 = arith.ori %or3A_351, %eq3A_353 : vector<16xi1>
          %eq3A_355 = vector.broadcast %squeeze3A_34 : i32 to vector<16xi32>
          %eq3A_356 = arith.cmpi eq, %add3A_338, %eq3A_355 : vector<16xi32>
          %or3A_357 = arith.ori %or3A_354, %eq3A_356 : vector<16xi1>
          %eq3A_358 = vector.broadcast %squeeze3A_36 : i32 to vector<16xi32>
          %eq3A_359 = arith.cmpi eq, %add3A_338, %eq3A_358 : vector<16xi32>
          %or3A_360 = arith.ori %or3A_357, %eq3A_359 : vector<16xi1>
          %eq3A_361 = vector.broadcast %squeeze3A_38 : i32 to vector<16xi32>
          %eq3A_362 = arith.cmpi eq, %add3A_338, %eq3A_361 : vector<16xi32>
          %or3A_363 = arith.ori %or3A_360, %eq3A_362 : vector<16xi1>
          %eq3A_364 = vector.broadcast %squeeze3A_40 : i32 to vector<16xi32>
          %eq3A_365 = arith.cmpi eq, %add3A_338, %eq3A_364 : vector<16xi32>
          %or3A_366 = arith.ori %or3A_363, %eq3A_365 : vector<16xi1>
          %eq3A_367 = vector.broadcast %squeeze3A_42 : i32 to vector<16xi32>
          %eq3A_368 = arith.cmpi eq, %add3A_338, %eq3A_367 : vector<16xi32>
          %or3A_369 = arith.ori %or3A_366, %eq3A_368 : vector<16xi1>
          %eq3A_370 = vector.broadcast %squeeze3A_44 : i32 to vector<16xi32>
          %eq3A_371 = arith.cmpi eq, %add3A_338, %eq3A_370 : vector<16xi32>
          %or3A_372 = arith.ori %or3A_369, %eq3A_371 : vector<16xi1>
          %eq3A_373 = vector.broadcast %squeeze3A_46 : i32 to vector<16xi32>
          %eq3A_374 = arith.cmpi eq, %add3A_338, %eq3A_373 : vector<16xi32>
          %or3A_375 = arith.ori %or3A_372, %eq3A_374 : vector<16xi1>
          %eq3A_376 = vector.broadcast %squeeze3A_48 : i32 to vector<16xi32>
          %eq3A_377 = arith.cmpi eq, %add3A_338, %eq3A_376 : vector<16xi32>
          %or3A_378 = arith.ori %or3A_375, %eq3A_377 : vector<16xi1>
          %eq3A_379 = vector.broadcast %squeeze3A_50 : i32 to vector<16xi32>
          %eq3A_380 = arith.cmpi eq, %add3A_338, %eq3A_379 : vector<16xi32>
          %or3A_381 = arith.ori %or3A_378, %eq3A_380 : vector<16xi1>
          %eq3A_382 = vector.broadcast %squeeze3A_52 : i32 to vector<16xi32>
          %eq3A_383 = arith.cmpi eq, %add3A_338, %eq3A_382 : vector<16xi32>
          %or3A_384 = arith.ori %or3A_381, %eq3A_383 : vector<16xi1>
          %eq3A_385 = vector.broadcast %squeeze3A_68 : i32 to vector<16xi32>
          %eq3A_386 = arith.cmpi eq, %add3A_338, %eq3A_385 : vector<16xi32>
          %or3A_387 = arith.ori %or3A_384, %eq3A_386 : vector<16xi1>
          %eq3A_388 = vector.broadcast %squeeze3A_70 : i32 to vector<16xi32>
          %eq3A_389 = arith.cmpi eq, %add3A_338, %eq3A_388 : vector<16xi32>
          %or3A_390 = arith.ori %or3A_387, %eq3A_389 : vector<16xi1>
          %eq3A_391 = vector.broadcast %squeeze3A_72 : i32 to vector<16xi32>
          %eq3A_392 = arith.cmpi eq, %add3A_338, %eq3A_391 : vector<16xi32>
          %or3A_393 = arith.ori %or3A_390, %eq3A_392 : vector<16xi1>
          %eq3A_394 = vector.broadcast %squeeze3A_74 : i32 to vector<16xi32>
          %eq3A_395 = arith.cmpi eq, %add3A_338, %eq3A_394 : vector<16xi32>
          %or3A_396 = arith.ori %or3A_393, %eq3A_395 : vector<16xi1>
          %eq3A_397 = vector.broadcast %squeeze3A_76 : i32 to vector<16xi32>
          %eq3A_398 = arith.cmpi eq, %add3A_338, %eq3A_397 : vector<16xi32>
          %or3A_399 = arith.ori %or3A_396, %eq3A_398 : vector<16xi1>
          %eq3A_400 = vector.broadcast %squeeze3A_78 : i32 to vector<16xi32>
          %eq3A_401 = arith.cmpi eq, %add3A_338, %eq3A_400 : vector<16xi32>
          %or3A_402 = arith.ori %or3A_399, %eq3A_401 : vector<16xi1>
          %eq3A_403 = vector.broadcast %squeeze3A_80 : i32 to vector<16xi32>
          %eq3A_404 = arith.cmpi eq, %add3A_338, %eq3A_403 : vector<16xi32>
          %or3A_405 = arith.ori %or3A_402, %eq3A_404 : vector<16xi1>
          %eq3A_406 = vector.broadcast %squeeze3A_82 : i32 to vector<16xi32>
          %eq3A_407 = arith.cmpi eq, %add3A_338, %eq3A_406 : vector<16xi32>
          %or3A_408 = arith.ori %or3A_405, %eq3A_407 : vector<16xi1>
          %eq3A_409 = vector.broadcast %squeeze3A_84 : i32 to vector<16xi32>
          %eq3A_410 = arith.cmpi eq, %add3A_338, %eq3A_409 : vector<16xi32>
          %or3A_411 = arith.ori %or3A_408, %eq3A_410 : vector<16xi1>
          %eq3A_412 = vector.broadcast %squeeze3A_86 : i32 to vector<16xi32>
          %eq3A_413 = arith.cmpi eq, %add3A_338, %eq3A_412 : vector<16xi32>
          %or3A_414 = arith.ori %or3A_411, %eq3A_413 : vector<16xi1>
          %eq3A_415 = vector.broadcast %squeeze3A_88 : i32 to vector<16xi32>
          %eq3A_416 = arith.cmpi eq, %add3A_338, %eq3A_415 : vector<16xi32>
          %or3A_417 = arith.ori %or3A_414, %eq3A_416 : vector<16xi1>
          %eq3A_418 = vector.broadcast %squeeze3A_90 : i32 to vector<16xi32>
          %eq3A_419 = arith.cmpi eq, %add3A_338, %eq3A_418 : vector<16xi32>
          %or3A_420 = arith.ori %or3A_417, %eq3A_419 : vector<16xi1>
          %eq3A_421 = vector.broadcast %squeeze3A_92 : i32 to vector<16xi32>
          %eq3A_422 = arith.cmpi eq, %add3A_338, %eq3A_421 : vector<16xi32>
          %or3A_423 = arith.ori %or3A_420, %eq3A_422 : vector<16xi1>
          %eq3A_424 = vector.broadcast %squeeze3A_94 : i32 to vector<16xi32>
          %eq3A_425 = arith.cmpi eq, %add3A_338, %eq3A_424 : vector<16xi32>
          %or3A_426 = arith.ori %or3A_423, %eq3A_425 : vector<16xi1>
          %eq3A_427 = vector.broadcast %squeeze3A_96 : i32 to vector<16xi32>
          %eq3A_428 = arith.cmpi eq, %add3A_338, %eq3A_427 : vector<16xi32>
          %or3A_429 = arith.ori %or3A_426, %eq3A_428 : vector<16xi1>
          %eq3A_430 = vector.broadcast %squeeze3A_98 : i32 to vector<16xi32>
          %eq3A_431 = arith.cmpi eq, %add3A_338, %eq3A_430 : vector<16xi32>
          %or3A_432 = arith.ori %or3A_429, %eq3A_431 : vector<16xi1>
          %or3A_433 = arith.ori %scan3A_319, %or3A_432 : vector<16xi1>
          scf.yield %or3A_433 : vector<16xi1>
        }
        %scan3A_289 = arith.constant 96 : i32
        %reduce_or3A = arith.constant 1.000000e+00 : f32
        %reduce_or3A_290 = arith.constant 0.000000e+00 : f32
        %reduce_or3A_291 = vector.broadcast %reduce_or3A : f32 to vector<16xf32>
        %reduce_or3A_292 = vector.broadcast %reduce_or3A_290 : f32 to vector<16xf32>
        %reduce_or3A_293 = arith.select %scan3A_288, %reduce_or3A_291, %reduce_or3A_292 : vector<16xi1>, vector<16xf32>
        %reduce_or3A_294 = arith.constant true
        %reduce_or3A_295 = vector.broadcast %reduce_or3A_294 : i1 to vector<16xi1>
        %reduce_or3A_296 = tpu.scan <max>, %reduce_or3A_293 masked %reduce_or3A_295 : vector<16xf32>, vector<16xi1> -> vector<16xf32>
        %reduce_or3A_297 = vector.extract %reduce_or3A_296[15] : f32 from vector<16xf32>
        %reduce_or3A_298 = arith.constant 0.000000e+00 : f32
        %reduce_or3A_299 = arith.cmpf ogt, %reduce_or3A_297, %reduce_or3A_298 : f32
        %convert_element_type3A_300 = arith.extui %reduce_or3A_299 : i1 to i32
        %cond3A_301 = arith.constant 0 : i32
        %cond3A_302 = arith.cmpi ne, %convert_element_type3A_300, %cond3A_301 : i32
        scf.if %cond3A_302 {
          %scan3A_318 = arith.constant 0 : i32
          %scan3A_319 = arith.constant 0 : i32
          %scan3A_320 = arith.constant 96 : i32
          %scan3A_321 = arith.addi %scan3A_319, %scan3A_320 : i32
          %scan3A_322 = arith.constant 1 : i32
          scf.for %scan3A_324 = %scan3A_319 to %scan3A_321 step %scan3A_322  : i32 {
            %mul3A_325 = arith.constant 16 : i32
            %mul3A_326 = arith.muli %scan3A_324, %mul3A_325 : i32
            %get3A = arith.index_cast %mul3A_326 : i32 to index
            %get3A_327 = tpu.vector_load %arg12[%get3A] {strides = array<i32>} : memref<4608xi32, #tpu.memory_space<vmem>>, vector<16xi32>,
            %add3A_328 = arith.constant 1536 : i32
            %add3A_329 = arith.addi %add3A_328, %mul3A_326 : i32
            %get3A_330 = arith.index_cast %add3A_329 : i32 to index
            %get3A_331 = tpu.vector_load %arg12[%get3A_330] {strides = array<i32>} : memref<4608xi32, #tpu.memory_space<vmem>>, vector<16xi32>,
            %add3A_332 = arith.constant 3072 : i32
            %add3A_333 = arith.addi %add3A_332, %mul3A_326 : i32
            %get3A_334 = arith.index_cast %add3A_333 : i32 to index
            %get3A_335 = tpu.vector_load %arg12[%get3A_334] {strides = array<i32>} : memref<4608xi32, #tpu.memory_space<vmem>>, vector<16xi32>,
            %mul3A_336 = arith.constant 65536 : i32
            %mul3A_337 = vector.broadcast %mul3A_336 : i32 to vector<16xi32>
            %mul3A_338 = arith.muli %get3A_327, %mul3A_337 : vector<16xi32>
            %mul3A_339 = arith.constant 256 : i32
            %mul3A_340 = vector.broadcast %mul3A_339 : i32 to vector<16xi32>
            %mul3A_341 = arith.muli %get3A_331, %mul3A_340 : vector<16xi32>
            %add3A_342 = arith.addi %mul3A_338, %mul3A_341 : vector<16xi32>
            %add3A_343 = arith.addi %add3A_342, %get3A_335 : vector<16xi32>
            %eq3A_344 = vector.broadcast %squeeze3A : i32 to vector<16xi32>
            %eq3A_345 = arith.cmpi eq, %add3A_343, %eq3A_344 : vector<16xi32>
            %eq3A_346 = vector.broadcast %squeeze3A_24 : i32 to vector<16xi32>
            %eq3A_347 = arith.cmpi eq, %add3A_343, %eq3A_346 : vector<16xi32>
            %or3A = arith.ori %eq3A_345, %eq3A_347 : vector<16xi1>
            %eq3A_348 = vector.broadcast %squeeze3A_26 : i32 to vector<16xi32>
            %eq3A_349 = arith.cmpi eq, %add3A_343, %eq3A_348 : vector<16xi32>
            %or3A_350 = arith.ori %or3A, %eq3A_349 : vector<16xi1>
            %eq3A_351 = vector.broadcast %squeeze3A_28 : i32 to vector<16xi32>
            %eq3A_352 = arith.cmpi eq, %add3A_343, %eq3A_351 : vector<16xi32>
            %or3A_353 = arith.ori %or3A_350, %eq3A_352 : vector<16xi1>
            %eq3A_354 = vector.broadcast %squeeze3A_30 : i32 to vector<16xi32>
            %eq3A_355 = arith.cmpi eq, %add3A_343, %eq3A_354 : vector<16xi32>
            %or3A_356 = arith.ori %or3A_353, %eq3A_355 : vector<16xi1>
            %eq3A_357 = vector.broadcast %squeeze3A_32 : i32 to vector<16xi32>
            %eq3A_358 = arith.cmpi eq, %add3A_343, %eq3A_357 : vector<16xi32>
            %or3A_359 = arith.ori %or3A_356, %eq3A_358 : vector<16xi1>
            %eq3A_360 = vector.broadcast %squeeze3A_34 : i32 to vector<16xi32>
            %eq3A_361 = arith.cmpi eq, %add3A_343, %eq3A_360 : vector<16xi32>
            %or3A_362 = arith.ori %or3A_359, %eq3A_361 : vector<16xi1>
            %eq3A_363 = vector.broadcast %squeeze3A_36 : i32 to vector<16xi32>
            %eq3A_364 = arith.cmpi eq, %add3A_343, %eq3A_363 : vector<16xi32>
            %or3A_365 = arith.ori %or3A_362, %eq3A_364 : vector<16xi1>
            %eq3A_366 = vector.broadcast %squeeze3A_38 : i32 to vector<16xi32>
            %eq3A_367 = arith.cmpi eq, %add3A_343, %eq3A_366 : vector<16xi32>
            %or3A_368 = arith.ori %or3A_365, %eq3A_367 : vector<16xi1>
            %eq3A_369 = vector.broadcast %squeeze3A_40 : i32 to vector<16xi32>
            %eq3A_370 = arith.cmpi eq, %add3A_343, %eq3A_369 : vector<16xi32>
            %or3A_371 = arith.ori %or3A_368, %eq3A_370 : vector<16xi1>
            %eq3A_372 = vector.broadcast %squeeze3A_42 : i32 to vector<16xi32>
            %eq3A_373 = arith.cmpi eq, %add3A_343, %eq3A_372 : vector<16xi32>
            %or3A_374 = arith.ori %or3A_371, %eq3A_373 : vector<16xi1>
            %eq3A_375 = vector.broadcast %squeeze3A_44 : i32 to vector<16xi32>
            %eq3A_376 = arith.cmpi eq, %add3A_343, %eq3A_375 : vector<16xi32>
            %or3A_377 = arith.ori %or3A_374, %eq3A_376 : vector<16xi1>
            %eq3A_378 = vector.broadcast %squeeze3A_46 : i32 to vector<16xi32>
            %eq3A_379 = arith.cmpi eq, %add3A_343, %eq3A_378 : vector<16xi32>
            %or3A_380 = arith.ori %or3A_377, %eq3A_379 : vector<16xi1>
            %eq3A_381 = vector.broadcast %squeeze3A_48 : i32 to vector<16xi32>
            %eq3A_382 = arith.cmpi eq, %add3A_343, %eq3A_381 : vector<16xi32>
            %or3A_383 = arith.ori %or3A_380, %eq3A_382 : vector<16xi1>
            %eq3A_384 = vector.broadcast %squeeze3A_50 : i32 to vector<16xi32>
            %eq3A_385 = arith.cmpi eq, %add3A_343, %eq3A_384 : vector<16xi32>
            %or3A_386 = arith.ori %or3A_383, %eq3A_385 : vector<16xi1>
            %eq3A_387 = vector.broadcast %squeeze3A_52 : i32 to vector<16xi32>
            %eq3A_388 = arith.cmpi eq, %add3A_343, %eq3A_387 : vector<16xi32>
            %or3A_389 = arith.ori %or3A_386, %eq3A_388 : vector<16xi1>
            %eq3A_390 = vector.broadcast %squeeze3A_68 : i32 to vector<16xi32>
            %eq3A_391 = arith.cmpi eq, %add3A_343, %eq3A_390 : vector<16xi32>
            %or3A_392 = arith.ori %or3A_389, %eq3A_391 : vector<16xi1>
            %eq3A_393 = vector.broadcast %squeeze3A_70 : i32 to vector<16xi32>
            %eq3A_394 = arith.cmpi eq, %add3A_343, %eq3A_393 : vector<16xi32>
            %or3A_395 = arith.ori %or3A_392, %eq3A_394 : vector<16xi1>
            %eq3A_396 = vector.broadcast %squeeze3A_72 : i32 to vector<16xi32>
            %eq3A_397 = arith.cmpi eq, %add3A_343, %eq3A_396 : vector<16xi32>
            %or3A_398 = arith.ori %or3A_395, %eq3A_397 : vector<16xi1>
            %eq3A_399 = vector.broadcast %squeeze3A_74 : i32 to vector<16xi32>
            %eq3A_400 = arith.cmpi eq, %add3A_343, %eq3A_399 : vector<16xi32>
            %or3A_401 = arith.ori %or3A_398, %eq3A_400 : vector<16xi1>
            %eq3A_402 = vector.broadcast %squeeze3A_76 : i32 to vector<16xi32>
            %eq3A_403 = arith.cmpi eq, %add3A_343, %eq3A_402 : vector<16xi32>
            %or3A_404 = arith.ori %or3A_401, %eq3A_403 : vector<16xi1>
            %eq3A_405 = vector.broadcast %squeeze3A_78 : i32 to vector<16xi32>
            %eq3A_406 = arith.cmpi eq, %add3A_343, %eq3A_405 : vector<16xi32>
            %or3A_407 = arith.ori %or3A_404, %eq3A_406 : vector<16xi1>
            %eq3A_408 = vector.broadcast %squeeze3A_80 : i32 to vector<16xi32>
            %eq3A_409 = arith.cmpi eq, %add3A_343, %eq3A_408 : vector<16xi32>
            %or3A_410 = arith.ori %or3A_407, %eq3A_409 : vector<16xi1>
            %eq3A_411 = vector.broadcast %squeeze3A_82 : i32 to vector<16xi32>
            %eq3A_412 = arith.cmpi eq, %add3A_343, %eq3A_411 : vector<16xi32>
            %or3A_413 = arith.ori %or3A_410, %eq3A_412 : vector<16xi1>
            %eq3A_414 = vector.broadcast %squeeze3A_84 : i32 to vector<16xi32>
            %eq3A_415 = arith.cmpi eq, %add3A_343, %eq3A_414 : vector<16xi32>
            %or3A_416 = arith.ori %or3A_413, %eq3A_415 : vector<16xi1>
            %eq3A_417 = vector.broadcast %squeeze3A_86 : i32 to vector<16xi32>
            %eq3A_418 = arith.cmpi eq, %add3A_343, %eq3A_417 : vector<16xi32>
            %or3A_419 = arith.ori %or3A_416, %eq3A_418 : vector<16xi1>
            %eq3A_420 = vector.broadcast %squeeze3A_88 : i32 to vector<16xi32>
            %eq3A_421 = arith.cmpi eq, %add3A_343, %eq3A_420 : vector<16xi32>
            %or3A_422 = arith.ori %or3A_419, %eq3A_421 : vector<16xi1>
            %eq3A_423 = vector.broadcast %squeeze3A_90 : i32 to vector<16xi32>
            %eq3A_424 = arith.cmpi eq, %add3A_343, %eq3A_423 : vector<16xi32>
            %or3A_425 = arith.ori %or3A_422, %eq3A_424 : vector<16xi1>
            %eq3A_426 = vector.broadcast %squeeze3A_92 : i32 to vector<16xi32>
            %eq3A_427 = arith.cmpi eq, %add3A_343, %eq3A_426 : vector<16xi32>
            %or3A_428 = arith.ori %or3A_425, %eq3A_427 : vector<16xi1>
            %eq3A_429 = vector.broadcast %squeeze3A_94 : i32 to vector<16xi32>
            %eq3A_430 = arith.cmpi eq, %add3A_343, %eq3A_429 : vector<16xi32>
            %or3A_431 = arith.ori %or3A_428, %eq3A_430 : vector<16xi1>
            %eq3A_432 = vector.broadcast %squeeze3A_96 : i32 to vector<16xi32>
            %eq3A_433 = arith.cmpi eq, %add3A_343, %eq3A_432 : vector<16xi32>
            %or3A_434 = arith.ori %or3A_431, %eq3A_433 : vector<16xi1>
            %eq3A_435 = vector.broadcast %squeeze3A_98 : i32 to vector<16xi32>
            %eq3A_436 = arith.cmpi eq, %add3A_343, %eq3A_435 : vector<16xi32>
            %or3A_437 = arith.ori %or3A_434, %eq3A_436 : vector<16xi1>
            %reduce_or3A_438 = arith.constant 1.000000e+00 : f32
            %reduce_or3A_439 = arith.constant 0.000000e+00 : f32
            %reduce_or3A_440 = vector.broadcast %reduce_or3A_438 : f32 to vector<16xf32>
            %reduce_or3A_441 = vector.broadcast %reduce_or3A_439 : f32 to vector<16xf32>
            %reduce_or3A_442 = arith.select %or3A_437, %reduce_or3A_440, %reduce_or3A_441 : vector<16xi1>, vector<16xf32>
            %reduce_or3A_443 = arith.constant true
            %reduce_or3A_444 = vector.broadcast %reduce_or3A_443 : i1 to vector<16xi1>
            %reduce_or3A_445 = tpu.scan <max>, %reduce_or3A_442 masked %reduce_or3A_444 : vector<16xf32>, vector<16xi1> -> vector<16xf32>
            %reduce_or3A_446 = vector.extract %reduce_or3A_445[15] : f32 from vector<16xf32>
            %reduce_or3A_447 = arith.constant 0.000000e+00 : f32
            %reduce_or3A_448 = arith.cmpf ogt, %reduce_or3A_446, %reduce_or3A_447 : f32
            %convert_element_type3A_449 = arith.extui %reduce_or3A_448 : i1 to i32
            %cond3A_450 = arith.constant 0 : i32
            %cond3A_451 = arith.cmpi ne, %convert_element_type3A_449, %cond3A_450 : i32
            scf.if %cond3A_451 {
              %mul3A_452 = arith.constant 16 : i32
              %mul3A_453 = arith.muli %scan3A_324, %mul3A_452 : i32
              %add3A_454 = vector.broadcast %mul3A_453 : i32 to vector<16xi32>
              %add3A_455 = arith.addi %add3A_454, %iota3A : vector<16xi32>
              %broadcast_in_dim3A_456 = arith.constant 0 : i32
              %broadcast_in_dim3A_457 = vector.broadcast %broadcast_in_dim3A_456 : i32 to vector<16xi32>
              tpu.vector_store_idx %arg8[%broadcast_in_dim3A_457, %add3A_455], %broadcast_in_dim3A_7 masked %or3A_437 : memref<16x1536xf32, #tpu.memory_space<vmem>>[vector<16xi32>, vector<16xi32>], vector<16xf32>, vector<16xi1>
              %broadcast_in_dim3A_458 = arith.constant 1 : i32
              %broadcast_in_dim3A_459 = vector.broadcast %broadcast_in_dim3A_458 : i32 to vector<16xi32>
              tpu.vector_store_idx %arg8[%broadcast_in_dim3A_459, %add3A_455], %broadcast_in_dim3A_7 masked %or3A_437 : memref<16x1536xf32, #tpu.memory_space<vmem>>[vector<16xi32>, vector<16xi32>], vector<16xf32>, vector<16xi1>
              %broadcast_in_dim3A_460 = arith.constant 2 : i32
              %broadcast_in_dim3A_461 = vector.broadcast %broadcast_in_dim3A_460 : i32 to vector<16xi32>
              tpu.vector_store_idx %arg8[%broadcast_in_dim3A_461, %add3A_455], %broadcast_in_dim3A_7 masked %or3A_437 : memref<16x1536xf32, #tpu.memory_space<vmem>>[vector<16xi32>, vector<16xi32>], vector<16xf32>, vector<16xi1>
              %broadcast_in_dim3A_462 = arith.constant 3 : i32
              %broadcast_in_dim3A_463 = vector.broadcast %broadcast_in_dim3A_462 : i32 to vector<16xi32>
              tpu.vector_store_idx %arg8[%broadcast_in_dim3A_463, %add3A_455], %broadcast_in_dim3A_7 masked %or3A_437 : memref<16x1536xf32, #tpu.memory_space<vmem>>[vector<16xi32>, vector<16xi32>], vector<16xf32>, vector<16xi1>
              %broadcast_in_dim3A_464 = arith.constant 4 : i32
              %broadcast_in_dim3A_465 = vector.broadcast %broadcast_in_dim3A_464 : i32 to vector<16xi32>
              tpu.vector_store_idx %arg8[%broadcast_in_dim3A_465, %add3A_455], %broadcast_in_dim3A_7 masked %or3A_437 : memref<16x1536xf32, #tpu.memory_space<vmem>>[vector<16xi32>, vector<16xi32>], vector<16xf32>, vector<16xi1>
              %broadcast_in_dim3A_466 = arith.constant 5 : i32
              %broadcast_in_dim3A_467 = vector.broadcast %broadcast_in_dim3A_466 : i32 to vector<16xi32>
              tpu.vector_store_idx %arg8[%broadcast_in_dim3A_467, %add3A_455], %broadcast_in_dim3A_7 masked %or3A_437 : memref<16x1536xf32, #tpu.memory_space<vmem>>[vector<16xi32>, vector<16xi32>], vector<16xf32>, vector<16xi1>
              %broadcast_in_dim3A_468 = arith.constant 6 : i32
              %broadcast_in_dim3A_469 = vector.broadcast %broadcast_in_dim3A_468 : i32 to vector<16xi32>
              tpu.vector_store_idx %arg8[%broadcast_in_dim3A_469, %add3A_455], %broadcast_in_dim3A_7 masked %or3A_437 : memref<16x1536xf32, #tpu.memory_space<vmem>>[vector<16xi32>, vector<16xi32>], vector<16xf32>, vector<16xi1>
              %broadcast_in_dim3A_470 = arith.constant 7 : i32
              %broadcast_in_dim3A_471 = vector.broadcast %broadcast_in_dim3A_470 : i32 to vector<16xi32>
              tpu.vector_store_idx %arg8[%broadcast_in_dim3A_471, %add3A_455], %broadcast_in_dim3A_7 masked %or3A_437 : memref<16x1536xf32, #tpu.memory_space<vmem>>[vector<16xi32>, vector<16xi32>], vector<16xf32>, vector<16xi1>
              %broadcast_in_dim3A_472 = arith.constant 8 : i32
              %broadcast_in_dim3A_473 = vector.broadcast %broadcast_in_dim3A_472 : i32 to vector<16xi32>
              tpu.vector_store_idx %arg8[%broadcast_in_dim3A_473, %add3A_455], %broadcast_in_dim3A_7 masked %or3A_437 : memref<16x1536xf32, #tpu.memory_space<vmem>>[vector<16xi32>, vector<16xi32>], vector<16xf32>, vector<16xi1>
              %broadcast_in_dim3A_474 = arith.constant 9 : i32
              %broadcast_in_dim3A_475 = vector.broadcast %broadcast_in_dim3A_474 : i32 to vector<16xi32>
              tpu.vector_store_idx %arg8[%broadcast_in_dim3A_475, %add3A_455], %broadcast_in_dim3A_7 masked %or3A_437 : memref<16x1536xf32, #tpu.memory_space<vmem>>[vector<16xi32>, vector<16xi32>], vector<16xf32>, vector<16xi1>
              %broadcast_in_dim3A_476 = arith.constant 10 : i32
              %broadcast_in_dim3A_477 = vector.broadcast %broadcast_in_dim3A_476 : i32 to vector<16xi32>
              tpu.vector_store_idx %arg8[%broadcast_in_dim3A_477, %add3A_455], %broadcast_in_dim3A_7 masked %or3A_437 : memref<16x1536xf32, #tpu.memory_space<vmem>>[vector<16xi32>, vector<16xi32>], vector<16xf32>, vector<16xi1>
              %broadcast_in_dim3A_478 = arith.constant 11 : i32
              %broadcast_in_dim3A_479 = vector.broadcast %broadcast_in_dim3A_478 : i32 to vector<16xi32>
              tpu.vector_store_idx %arg8[%broadcast_in_dim3A_479, %add3A_455], %broadcast_in_dim3A_7 masked %or3A_437 : memref<16x1536xf32, #tpu.memory_space<vmem>>[vector<16xi32>, vector<16xi32>], vector<16xf32>, vector<16xi1>
              %broadcast_in_dim3A_480 = arith.constant 12 : i32
              %broadcast_in_dim3A_481 = vector.broadcast %broadcast_in_dim3A_480 : i32 to vector<16xi32>
              tpu.vector_store_idx %arg8[%broadcast_in_dim3A_481, %add3A_455], %broadcast_in_dim3A_7 masked %or3A_437 : memref<16x1536xf32, #tpu.memory_space<vmem>>[vector<16xi32>, vector<16xi32>], vector<16xf32>, vector<16xi1>
              %broadcast_in_dim3A_482 = arith.constant 13 : i32
              %broadcast_in_dim3A_483 = vector.broadcast %broadcast_in_dim3A_482 : i32 to vector<16xi32>
              tpu.vector_store_idx %arg8[%broadcast_in_dim3A_483, %add3A_455], %broadcast_in_dim3A_7 masked %or3A_437 : memref<16x1536xf32, #tpu.memory_space<vmem>>[vector<16xi32>, vector<16xi32>], vector<16xf32>, vector<16xi1>
              %broadcast_in_dim3A_484 = arith.constant 14 : i32
              %broadcast_in_dim3A_485 = vector.broadcast %broadcast_in_dim3A_484 : i32 to vector<16xi32>
              tpu.vector_store_idx %arg8[%broadcast_in_dim3A_485, %add3A_455], %broadcast_in_dim3A_7 masked %or3A_437 : memref<16x1536xf32, #tpu.memory_space<vmem>>[vector<16xi32>, vector<16xi32>], vector<16xf32>, vector<16xi1>
              %broadcast_in_dim3A_486 = arith.constant 15 : i32
              %broadcast_in_dim3A_487 = vector.broadcast %broadcast_in_dim3A_486 : i32 to vector<16xi32>
              tpu.vector_store_idx %arg8[%broadcast_in_dim3A_487, %add3A_455], %broadcast_in_dim3A_7 masked %or3A_437 : memref<16x1536xf32, #tpu.memory_space<vmem>>[vector<16xi32>, vector<16xi32>], vector<16xf32>, vector<16xi1>
            } else {
            }
          }
          %scan3A_323 = arith.constant 96 : i32
        } else {
        }
        %mul3A_303 = arith.constant 32 : i32
        %mul3A_304 = arith.muli %add3A_224, %mul3A_303 : i32
        %add3A_305 = arith.addi %mul3A_304, %add3A : i32
        %mul3A_306 = arith.constant 1536 : i32
        %mul3A_307 = arith.muli %add3A_305, %mul3A_306 : i32
        %dma_start3A_308 = arith.constant 0 : i32
        %dma_start3A_309 = tpu.memref_slice %arg6[%dma_start3A_308, %mul3A_307] : memref<16x1000000xf32, #tpu.memory_space<hbm>> -> memref<16x1536xf32, #tpu.memory_space<hbm>>
        %dma_start3A_310 = arith.constant 0 : i32
        %dma_start3A_311 = tpu.memref_slice %arg6[%dma_start3A_310, %mul3A_307] : memref<16x1000000xf32, #tpu.memory_space<hbm>> -> memref<16x1536xf32, #tpu.memory_space<hbm>>
        tpu.enqueue_dma source(%arg8 : memref<16x1536xf32, #tpu.memory_space<vmem>>) target(%dma_start3A_311 : memref<16x1536xf32, #tpu.memory_space<hbm>>) target_semaphore(%arg22 : memref<!tpu.dma_semaphore, #tpu.memory_space<semaphore_mem>>)
        %add3A_312 = arith.constant 3 : i32
        %add3A_313 = arith.addi %add3A_224, %add3A_312 : i32
        %lt3A_314 = arith.cmpi slt, %add3A_313, %select_n3A : i32
        %convert_element_type3A_315 = arith.extui %lt3A_314 : i1 to i32
        %cond3A_316 = arith.constant 0 : i32
        %cond3A_317 = arith.cmpi ne, %convert_element_type3A_315, %cond3A_316 : i32
        scf.if %cond3A_317 {
          %ge3A = arith.constant 1 : i32
          %ge3A_318 = arith.cmpi sge, %add3A_224, %ge3A : i32
          %convert_element_type3A_319 = arith.extui %ge3A_318 : i1 to i32
          %cond3A_320 = arith.constant 0 : i32
          %cond3A_321 = arith.cmpi ne, %convert_element_type3A_319, %cond3A_320 : i32
          scf.if %cond3A_321 {
            %dma_wait3A_355 = arith.constant 0 : i32
            %dma_wait3A_356 = arith.constant 0 : i32
            %dma_wait3A_357 = tpu.memref_slice %arg6[%dma_wait3A_355, %dma_wait3A_356] : memref<16x1000000xf32, #tpu.memory_space<hbm>> -> memref<16x1536xf32, #tpu.memory_space<hbm>>
            %dma_wait3A_358 = arith.constant 0 : i32
            %dma_wait3A_359 = arith.constant 0 : i32
            %dma_wait3A_360 = tpu.memref_slice %arg6[%dma_wait3A_358, %dma_wait3A_359] : memref<16x1000000xf32, #tpu.memory_space<hbm>> -> memref<16x1536xf32, #tpu.memory_space<hbm>>
            tpu.wait_dma2 semaphore(%arg25 : memref<!tpu.dma_semaphore, #tpu.memory_space<semaphore_mem>>) src(%arg11 : memref<16x1536xf32, #tpu.memory_space<vmem>>) dst(%dma_wait3A_360 : memref<16x1536xf32, #tpu.memory_space<hbm>>)
          } else {
          }
          %add3A_322 = arith.constant 3 : i32
          %add3A_323 = arith.addi %add3A_224, %add3A_322 : i32
          %mul3A_324 = arith.constant 32 : i32
          %mul3A_325 = arith.muli %add3A_323, %mul3A_324 : i32
          %add3A_326 = arith.addi %mul3A_325, %add3A : i32
          %mul3A_327 = arith.constant 1536 : i32
          %mul3A_328 = arith.muli %add3A_326, %mul3A_327 : i32
          %dma_start3A_329 = arith.constant 0 : i32
          %dma_start3A_330 = tpu.memref_slice %arg15[%dma_start3A_329] : memref<4608xi32, #tpu.memory_space<vmem>> -> memref<1536xi32, #tpu.memory_space<vmem>>
          %dma_start3A_331 = tpu.memref_slice %arg3[%mul3A_328] : memref<3000000xi32, #tpu.memory_space<hbm>> -> memref<1536xi32, #tpu.memory_space<hbm>>
          %dma_start3A_332 = arith.constant 0 : i32
          %dma_start3A_333 = tpu.memref_slice %arg15[%dma_start3A_332] : memref<4608xi32, #tpu.memory_space<vmem>> -> memref<1536xi32, #tpu.memory_space<vmem>>
          %dma_start3A_334 = tpu.memref_slice %arg3[%mul3A_328] : memref<3000000xi32, #tpu.memory_space<hbm>> -> memref<1536xi32, #tpu.memory_space<hbm>>
          tpu.enqueue_dma source(%dma_start3A_334 : memref<1536xi32, #tpu.memory_space<hbm>>) target(%dma_start3A_333 : memref<1536xi32, #tpu.memory_space<vmem>>) target_semaphore(%arg21 : memref<!tpu.dma_semaphore, #tpu.memory_space<semaphore_mem>>)
          %add3A_335 = arith.constant 1000000 : i32
          %add3A_336 = arith.addi %add3A_335, %mul3A_328 : i32
          %dma_start3A_337 = arith.constant 1536 : i32
          %dma_start3A_338 = tpu.memref_slice %arg15[%dma_start3A_337] : memref<4608xi32, #tpu.memory_space<vmem>> -> memref<1536xi32, #tpu.memory_space<vmem>>
          %dma_start3A_339 = tpu.memref_slice %arg3[%add3A_336] : memref<3000000xi32, #tpu.memory_space<hbm>> -> memref<1536xi32, #tpu.memory_space<hbm>>
          %dma_start3A_340 = arith.constant 1536 : i32
          %dma_start3A_341 = tpu.memref_slice %arg15[%dma_start3A_340] : memref<4608xi32, #tpu.memory_space<vmem>> -> memref<1536xi32, #tpu.memory_space<vmem>>
          %dma_start3A_342 = tpu.memref_slice %arg3[%add3A_336] : memref<3000000xi32, #tpu.memory_space<hbm>> -> memref<1536xi32, #tpu.memory_space<hbm>>
          tpu.enqueue_dma source(%dma_start3A_342 : memref<1536xi32, #tpu.memory_space<hbm>>) target(%dma_start3A_341 : memref<1536xi32, #tpu.memory_space<vmem>>) target_semaphore(%arg21 : memref<!tpu.dma_semaphore, #tpu.memory_space<semaphore_mem>>)
          %add3A_343 = arith.constant 2000000 : i32
          %add3A_344 = arith.addi %add3A_343, %mul3A_328 : i32
          %dma_start3A_345 = arith.constant 3072 : i32
          %dma_start3A_346 = tpu.memref_slice %arg15[%dma_start3A_345] : memref<4608xi32, #tpu.memory_space<vmem>> -> memref<1536xi32, #tpu.memory_space<vmem>>
          %dma_start3A_347 = tpu.memref_slice %arg3[%add3A_344] : memref<3000000xi32, #tpu.memory_space<hbm>> -> memref<1536xi32, #tpu.memory_space<hbm>>
          %dma_start3A_348 = arith.constant 3072 : i32
          %dma_start3A_349 = tpu.memref_slice %arg15[%dma_start3A_348] : memref<4608xi32, #tpu.memory_space<vmem>> -> memref<1536xi32, #tpu.memory_space<vmem>>
          %dma_start3A_350 = tpu.memref_slice %arg3[%add3A_344] : memref<3000000xi32, #tpu.memory_space<hbm>> -> memref<1536xi32, #tpu.memory_space<hbm>>
          tpu.enqueue_dma source(%dma_start3A_350 : memref<1536xi32, #tpu.memory_space<hbm>>) target(%dma_start3A_349 : memref<1536xi32, #tpu.memory_space<vmem>>) target_semaphore(%arg21 : memref<!tpu.dma_semaphore, #tpu.memory_space<semaphore_mem>>)
          %dma_start3A_351 = arith.constant 0 : i32
          %dma_start3A_352 = tpu.memref_slice %arg2[%dma_start3A_351, %mul3A_328] : memref<16x1000000xf32, #tpu.memory_space<hbm>> -> memref<16x1536xf32, #tpu.memory_space<hbm>>
          %dma_start3A_353 = arith.constant 0 : i32
          %dma_start3A_354 = tpu.memref_slice %arg2[%dma_start3A_353, %mul3A_328] : memref<16x1000000xf32, #tpu.memory_space<hbm>> -> memref<16x1536xf32, #tpu.memory_space<hbm>>
          tpu.enqueue_dma source(%dma_start3A_354 : memref<16x1536xf32, #tpu.memory_space<hbm>>) target(%arg11 : memref<16x1536xf32, #tpu.memory_space<vmem>>) target_semaphore(%arg21 : memref<!tpu.dma_semaphore, #tpu.memory_space<semaphore_mem>>)
        } else {
        }
      } else {
      }
      %mul3A_229 = arith.constant 4 : i32
      %mul3A_230 = arith.muli %mul3A_229, %scan3A_220 : i32
      %add3A_231 = arith.constant 1 : i32
      %add3A_232 = arith.addi %mul3A_230, %add3A_231 : i32
      %lt3A_233 = arith.cmpi slt, %add3A_232, %select_n3A : i32
      %convert_element_type3A_234 = arith.extui %lt3A_233 : i1 to i32
      %cond3A_235 = arith.constant 0 : i32
      %cond3A_236 = arith.cmpi ne, %convert_element_type3A_234, %cond3A_235 : i32
      scf.if %cond3A_236 {
        %mul3A_253 = arith.constant 32 : i32
        %mul3A_254 = arith.muli %add3A_232, %mul3A_253 : i32
        %add3A_255 = arith.addi %mul3A_254, %add3A : i32
        %mul3A_256 = arith.constant 1536 : i32
        %mul3A_257 = arith.muli %add3A_255, %mul3A_256 : i32
        %dma_wait3A_258 = arith.constant 0 : i32
        %dma_wait3A_259 = tpu.memref_slice %arg13[%dma_wait3A_258] : memref<4608xi32, #tpu.memory_space<vmem>> -> memref<1536xi32, #tpu.memory_space<vmem>>
        %dma_wait3A_260 = tpu.memref_slice %arg3[%mul3A_257] : memref<3000000xi32, #tpu.memory_space<hbm>> -> memref<1536xi32, #tpu.memory_space<hbm>>
        %dma_wait3A_261 = arith.constant 0 : i32
        %dma_wait3A_262 = tpu.memref_slice %arg13[%dma_wait3A_261] : memref<4608xi32, #tpu.memory_space<vmem>> -> memref<1536xi32, #tpu.memory_space<vmem>>
        %dma_wait3A_263 = tpu.memref_slice %arg3[%mul3A_257] : memref<3000000xi32, #tpu.memory_space<hbm>> -> memref<1536xi32, #tpu.memory_space<hbm>>
        tpu.wait_dma2 semaphore(%arg19 : memref<!tpu.dma_semaphore, #tpu.memory_space<semaphore_mem>>) src(%dma_wait3A_263 : memref<1536xi32, #tpu.memory_space<hbm>>) dst(%dma_wait3A_262 : memref<1536xi32, #tpu.memory_space<vmem>>)
        %add3A_264 = arith.constant 1000000 : i32
        %add3A_265 = arith.addi %add3A_264, %mul3A_257 : i32
        %dma_wait3A_266 = arith.constant 1536 : i32
        %dma_wait3A_267 = tpu.memref_slice %arg13[%dma_wait3A_266] : memref<4608xi32, #tpu.memory_space<vmem>> -> memref<1536xi32, #tpu.memory_space<vmem>>
        %dma_wait3A_268 = tpu.memref_slice %arg3[%add3A_265] : memref<3000000xi32, #tpu.memory_space<hbm>> -> memref<1536xi32, #tpu.memory_space<hbm>>
        %dma_wait3A_269 = arith.constant 1536 : i32
        %dma_wait3A_270 = tpu.memref_slice %arg13[%dma_wait3A_269] : memref<4608xi32, #tpu.memory_space<vmem>> -> memref<1536xi32, #tpu.memory_space<vmem>>
        %dma_wait3A_271 = tpu.memref_slice %arg3[%add3A_265] : memref<3000000xi32, #tpu.memory_space<hbm>> -> memref<1536xi32, #tpu.memory_space<hbm>>
        tpu.wait_dma2 semaphore(%arg19 : memref<!tpu.dma_semaphore, #tpu.memory_space<semaphore_mem>>) src(%dma_wait3A_271 : memref<1536xi32, #tpu.memory_space<hbm>>) dst(%dma_wait3A_270 : memref<1536xi32, #tpu.memory_space<vmem>>)
        %add3A_272 = arith.constant 2000000 : i32
        %add3A_273 = arith.addi %add3A_272, %mul3A_257 : i32
        %dma_wait3A_274 = arith.constant 3072 : i32
        %dma_wait3A_275 = tpu.memref_slice %arg13[%dma_wait3A_274] : memref<4608xi32, #tpu.memory_space<vmem>> -> memref<1536xi32, #tpu.memory_space<vmem>>
        %dma_wait3A_276 = tpu.memref_slice %arg3[%add3A_273] : memref<3000000xi32, #tpu.memory_space<hbm>> -> memref<1536xi32, #tpu.memory_space<hbm>>
        %dma_wait3A_277 = arith.constant 3072 : i32
        %dma_wait3A_278 = tpu.memref_slice %arg13[%dma_wait3A_277] : memref<4608xi32, #tpu.memory_space<vmem>> -> memref<1536xi32, #tpu.memory_space<vmem>>
        %dma_wait3A_279 = tpu.memref_slice %arg3[%add3A_273] : memref<3000000xi32, #tpu.memory_space<hbm>> -> memref<1536xi32, #tpu.memory_space<hbm>>
        tpu.wait_dma2 semaphore(%arg19 : memref<!tpu.dma_semaphore, #tpu.memory_space<semaphore_mem>>) src(%dma_wait3A_279 : memref<1536xi32, #tpu.memory_space<hbm>>) dst(%dma_wait3A_278 : memref<1536xi32, #tpu.memory_space<vmem>>)
        %dma_wait3A_280 = arith.constant 0 : i32
        %dma_wait3A_281 = tpu.memref_slice %arg2[%dma_wait3A_280, %mul3A_257] : memref<16x1000000xf32, #tpu.memory_space<hbm>> -> memref<16x1536xf32, #tpu.memory_space<hbm>>
        %dma_wait3A_282 = arith.constant 0 : i32
        %dma_wait3A_283 = tpu.memref_slice %arg2[%dma_wait3A_282, %mul3A_257] : memref<16x1000000xf32, #tpu.memory_space<hbm>> -> memref<16x1536xf32, #tpu.memory_space<hbm>>
        tpu.wait_dma2 semaphore(%arg19 : memref<!tpu.dma_semaphore, #tpu.memory_space<semaphore_mem>>) src(%dma_wait3A_283 : memref<16x1536xf32, #tpu.memory_space<hbm>>) dst(%arg9 : memref<16x1536xf32, #tpu.memory_space<vmem>>)
        %scan3A_284 = arith.constant 0 : i32
        %scan3A_285 = arith.constant 96 : i32
        %scan3A_286 = arith.addi %scan3A_284, %scan3A_285 : i32
        %scan3A_287 = arith.constant 1 : i32
        %scan3A_288 = scf.for %scan3A_318 = %scan3A_284 to %scan3A_286 step %scan3A_287 iter_args(%scan3A_319 = %broadcast_in_dim3A_9) -> (vector<16xi1>)  : i32 {
          %mul3A_320 = arith.constant 16 : i32
          %mul3A_321 = arith.muli %scan3A_318, %mul3A_320 : i32
          %get3A = arith.index_cast %mul3A_321 : i32 to index
          %get3A_322 = tpu.vector_load %arg13[%get3A] {strides = array<i32>} : memref<4608xi32, #tpu.memory_space<vmem>>, vector<16xi32>,
          %add3A_323 = arith.constant 1536 : i32
          %add3A_324 = arith.addi %add3A_323, %mul3A_321 : i32
          %get3A_325 = arith.index_cast %add3A_324 : i32 to index
          %get3A_326 = tpu.vector_load %arg13[%get3A_325] {strides = array<i32>} : memref<4608xi32, #tpu.memory_space<vmem>>, vector<16xi32>,
          %add3A_327 = arith.constant 3072 : i32
          %add3A_328 = arith.addi %add3A_327, %mul3A_321 : i32
          %get3A_329 = arith.index_cast %add3A_328 : i32 to index
          %get3A_330 = tpu.vector_load %arg13[%get3A_329] {strides = array<i32>} : memref<4608xi32, #tpu.memory_space<vmem>>, vector<16xi32>,
          %mul3A_331 = arith.constant 65536 : i32
          %mul3A_332 = vector.broadcast %mul3A_331 : i32 to vector<16xi32>
          %mul3A_333 = arith.muli %get3A_322, %mul3A_332 : vector<16xi32>
          %mul3A_334 = arith.constant 256 : i32
          %mul3A_335 = vector.broadcast %mul3A_334 : i32 to vector<16xi32>
          %mul3A_336 = arith.muli %get3A_326, %mul3A_335 : vector<16xi32>
          %add3A_337 = arith.addi %mul3A_333, %mul3A_336 : vector<16xi32>
          %add3A_338 = arith.addi %add3A_337, %get3A_330 : vector<16xi32>
          %eq3A_339 = vector.broadcast %squeeze3A : i32 to vector<16xi32>
          %eq3A_340 = arith.cmpi eq, %add3A_338, %eq3A_339 : vector<16xi32>
          %eq3A_341 = vector.broadcast %squeeze3A_24 : i32 to vector<16xi32>
          %eq3A_342 = arith.cmpi eq, %add3A_338, %eq3A_341 : vector<16xi32>
          %or3A = arith.ori %eq3A_340, %eq3A_342 : vector<16xi1>
          %eq3A_343 = vector.broadcast %squeeze3A_26 : i32 to vector<16xi32>
          %eq3A_344 = arith.cmpi eq, %add3A_338, %eq3A_343 : vector<16xi32>
          %or3A_345 = arith.ori %or3A, %eq3A_344 : vector<16xi1>
          %eq3A_346 = vector.broadcast %squeeze3A_28 : i32 to vector<16xi32>
          %eq3A_347 = arith.cmpi eq, %add3A_338, %eq3A_346 : vector<16xi32>
          %or3A_348 = arith.ori %or3A_345, %eq3A_347 : vector<16xi1>
          %eq3A_349 = vector.broadcast %squeeze3A_30 : i32 to vector<16xi32>
          %eq3A_350 = arith.cmpi eq, %add3A_338, %eq3A_349 : vector<16xi32>
          %or3A_351 = arith.ori %or3A_348, %eq3A_350 : vector<16xi1>
          %eq3A_352 = vector.broadcast %squeeze3A_32 : i32 to vector<16xi32>
          %eq3A_353 = arith.cmpi eq, %add3A_338, %eq3A_352 : vector<16xi32>
          %or3A_354 = arith.ori %or3A_351, %eq3A_353 : vector<16xi1>
          %eq3A_355 = vector.broadcast %squeeze3A_34 : i32 to vector<16xi32>
          %eq3A_356 = arith.cmpi eq, %add3A_338, %eq3A_355 : vector<16xi32>
          %or3A_357 = arith.ori %or3A_354, %eq3A_356 : vector<16xi1>
          %eq3A_358 = vector.broadcast %squeeze3A_36 : i32 to vector<16xi32>
          %eq3A_359 = arith.cmpi eq, %add3A_338, %eq3A_358 : vector<16xi32>
          %or3A_360 = arith.ori %or3A_357, %eq3A_359 : vector<16xi1>
          %eq3A_361 = vector.broadcast %squeeze3A_38 : i32 to vector<16xi32>
          %eq3A_362 = arith.cmpi eq, %add3A_338, %eq3A_361 : vector<16xi32>
          %or3A_363 = arith.ori %or3A_360, %eq3A_362 : vector<16xi1>
          %eq3A_364 = vector.broadcast %squeeze3A_40 : i32 to vector<16xi32>
          %eq3A_365 = arith.cmpi eq, %add3A_338, %eq3A_364 : vector<16xi32>
          %or3A_366 = arith.ori %or3A_363, %eq3A_365 : vector<16xi1>
          %eq3A_367 = vector.broadcast %squeeze3A_42 : i32 to vector<16xi32>
          %eq3A_368 = arith.cmpi eq, %add3A_338, %eq3A_367 : vector<16xi32>
          %or3A_369 = arith.ori %or3A_366, %eq3A_368 : vector<16xi1>
          %eq3A_370 = vector.broadcast %squeeze3A_44 : i32 to vector<16xi32>
          %eq3A_371 = arith.cmpi eq, %add3A_338, %eq3A_370 : vector<16xi32>
          %or3A_372 = arith.ori %or3A_369, %eq3A_371 : vector<16xi1>
          %eq3A_373 = vector.broadcast %squeeze3A_46 : i32 to vector<16xi32>
          %eq3A_374 = arith.cmpi eq, %add3A_338, %eq3A_373 : vector<16xi32>
          %or3A_375 = arith.ori %or3A_372, %eq3A_374 : vector<16xi1>
          %eq3A_376 = vector.broadcast %squeeze3A_48 : i32 to vector<16xi32>
          %eq3A_377 = arith.cmpi eq, %add3A_338, %eq3A_376 : vector<16xi32>
          %or3A_378 = arith.ori %or3A_375, %eq3A_377 : vector<16xi1>
          %eq3A_379 = vector.broadcast %squeeze3A_50 : i32 to vector<16xi32>
          %eq3A_380 = arith.cmpi eq, %add3A_338, %eq3A_379 : vector<16xi32>
          %or3A_381 = arith.ori %or3A_378, %eq3A_380 : vector<16xi1>
          %eq3A_382 = vector.broadcast %squeeze3A_52 : i32 to vector<16xi32>
          %eq3A_383 = arith.cmpi eq, %add3A_338, %eq3A_382 : vector<16xi32>
          %or3A_384 = arith.ori %or3A_381, %eq3A_383 : vector<16xi1>
          %eq3A_385 = vector.broadcast %squeeze3A_68 : i32 to vector<16xi32>
          %eq3A_386 = arith.cmpi eq, %add3A_338, %eq3A_385 : vector<16xi32>
          %or3A_387 = arith.ori %or3A_384, %eq3A_386 : vector<16xi1>
          %eq3A_388 = vector.broadcast %squeeze3A_70 : i32 to vector<16xi32>
          %eq3A_389 = arith.cmpi eq, %add3A_338, %eq3A_388 : vector<16xi32>
          %or3A_390 = arith.ori %or3A_387, %eq3A_389 : vector<16xi1>
          %eq3A_391 = vector.broadcast %squeeze3A_72 : i32 to vector<16xi32>
          %eq3A_392 = arith.cmpi eq, %add3A_338, %eq3A_391 : vector<16xi32>
          %or3A_393 = arith.ori %or3A_390, %eq3A_392 : vector<16xi1>
          %eq3A_394 = vector.broadcast %squeeze3A_74 : i32 to vector<16xi32>
          %eq3A_395 = arith.cmpi eq, %add3A_338, %eq3A_394 : vector<16xi32>
          %or3A_396 = arith.ori %or3A_393, %eq3A_395 : vector<16xi1>
          %eq3A_397 = vector.broadcast %squeeze3A_76 : i32 to vector<16xi32>
          %eq3A_398 = arith.cmpi eq, %add3A_338, %eq3A_397 : vector<16xi32>
          %or3A_399 = arith.ori %or3A_396, %eq3A_398 : vector<16xi1>
          %eq3A_400 = vector.broadcast %squeeze3A_78 : i32 to vector<16xi32>
          %eq3A_401 = arith.cmpi eq, %add3A_338, %eq3A_400 : vector<16xi32>
          %or3A_402 = arith.ori %or3A_399, %eq3A_401 : vector<16xi1>
          %eq3A_403 = vector.broadcast %squeeze3A_80 : i32 to vector<16xi32>
          %eq3A_404 = arith.cmpi eq, %add3A_338, %eq3A_403 : vector<16xi32>
          %or3A_405 = arith.ori %or3A_402, %eq3A_404 : vector<16xi1>
          %eq3A_406 = vector.broadcast %squeeze3A_82 : i32 to vector<16xi32>
          %eq3A_407 = arith.cmpi eq, %add3A_338, %eq3A_406 : vector<16xi32>
          %or3A_408 = arith.ori %or3A_405, %eq3A_407 : vector<16xi1>
          %eq3A_409 = vector.broadcast %squeeze3A_84 : i32 to vector<16xi32>
          %eq3A_410 = arith.cmpi eq, %add3A_338, %eq3A_409 : vector<16xi32>
          %or3A_411 = arith.ori %or3A_408, %eq3A_410 : vector<16xi1>
          %eq3A_412 = vector.broadcast %squeeze3A_86 : i32 to vector<16xi32>
          %eq3A_413 = arith.cmpi eq, %add3A_338, %eq3A_412 : vector<16xi32>
          %or3A_414 = arith.ori %or3A_411, %eq3A_413 : vector<16xi1>
          %eq3A_415 = vector.broadcast %squeeze3A_88 : i32 to vector<16xi32>
          %eq3A_416 = arith.cmpi eq, %add3A_338, %eq3A_415 : vector<16xi32>
          %or3A_417 = arith.ori %or3A_414, %eq3A_416 : vector<16xi1>
          %eq3A_418 = vector.broadcast %squeeze3A_90 : i32 to vector<16xi32>
          %eq3A_419 = arith.cmpi eq, %add3A_338, %eq3A_418 : vector<16xi32>
          %or3A_420 = arith.ori %or3A_417, %eq3A_419 : vector<16xi1>
          %eq3A_421 = vector.broadcast %squeeze3A_92 : i32 to vector<16xi32>
          %eq3A_422 = arith.cmpi eq, %add3A_338, %eq3A_421 : vector<16xi32>
          %or3A_423 = arith.ori %or3A_420, %eq3A_422 : vector<16xi1>
          %eq3A_424 = vector.broadcast %squeeze3A_94 : i32 to vector<16xi32>
          %eq3A_425 = arith.cmpi eq, %add3A_338, %eq3A_424 : vector<16xi32>
          %or3A_426 = arith.ori %or3A_423, %eq3A_425 : vector<16xi1>
          %eq3A_427 = vector.broadcast %squeeze3A_96 : i32 to vector<16xi32>
          %eq3A_428 = arith.cmpi eq, %add3A_338, %eq3A_427 : vector<16xi32>
          %or3A_429 = arith.ori %or3A_426, %eq3A_428 : vector<16xi1>
          %eq3A_430 = vector.broadcast %squeeze3A_98 : i32 to vector<16xi32>
          %eq3A_431 = arith.cmpi eq, %add3A_338, %eq3A_430 : vector<16xi32>
          %or3A_432 = arith.ori %or3A_429, %eq3A_431 : vector<16xi1>
          %or3A_433 = arith.ori %scan3A_319, %or3A_432 : vector<16xi1>
          scf.yield %or3A_433 : vector<16xi1>
        }
        %scan3A_289 = arith.constant 96 : i32
        %reduce_or3A = arith.constant 1.000000e+00 : f32
        %reduce_or3A_290 = arith.constant 0.000000e+00 : f32
        %reduce_or3A_291 = vector.broadcast %reduce_or3A : f32 to vector<16xf32>
        %reduce_or3A_292 = vector.broadcast %reduce_or3A_290 : f32 to vector<16xf32>
        %reduce_or3A_293 = arith.select %scan3A_288, %reduce_or3A_291, %reduce_or3A_292 : vector<16xi1>, vector<16xf32>
        %reduce_or3A_294 = arith.constant true
        %reduce_or3A_295 = vector.broadcast %reduce_or3A_294 : i1 to vector<16xi1>
        %reduce_or3A_296 = tpu.scan <max>, %reduce_or3A_293 masked %reduce_or3A_295 : vector<16xf32>, vector<16xi1> -> vector<16xf32>
        %reduce_or3A_297 = vector.extract %reduce_or3A_296[15] : f32 from vector<16xf32>
        %reduce_or3A_298 = arith.constant 0.000000e+00 : f32
        %reduce_or3A_299 = arith.cmpf ogt, %reduce_or3A_297, %reduce_or3A_298 : f32
        %convert_element_type3A_300 = arith.extui %reduce_or3A_299 : i1 to i32
        %cond3A_301 = arith.constant 0 : i32
        %cond3A_302 = arith.cmpi ne, %convert_element_type3A_300, %cond3A_301 : i32
        scf.if %cond3A_302 {
          %scan3A_318 = arith.constant 0 : i32
          %scan3A_319 = arith.constant 0 : i32
          %scan3A_320 = arith.constant 96 : i32
          %scan3A_321 = arith.addi %scan3A_319, %scan3A_320 : i32
          %scan3A_322 = arith.constant 1 : i32
          scf.for %scan3A_324 = %scan3A_319 to %scan3A_321 step %scan3A_322  : i32 {
            %mul3A_325 = arith.constant 16 : i32
            %mul3A_326 = arith.muli %scan3A_324, %mul3A_325 : i32
            %get3A = arith.index_cast %mul3A_326 : i32 to index
            %get3A_327 = tpu.vector_load %arg13[%get3A] {strides = array<i32>} : memref<4608xi32, #tpu.memory_space<vmem>>, vector<16xi32>,
            %add3A_328 = arith.constant 1536 : i32
            %add3A_329 = arith.addi %add3A_328, %mul3A_326 : i32
            %get3A_330 = arith.index_cast %add3A_329 : i32 to index
            %get3A_331 = tpu.vector_load %arg13[%get3A_330] {strides = array<i32>} : memref<4608xi32, #tpu.memory_space<vmem>>, vector<16xi32>,
            %add3A_332 = arith.constant 3072 : i32
            %add3A_333 = arith.addi %add3A_332, %mul3A_326 : i32
            %get3A_334 = arith.index_cast %add3A_333 : i32 to index
            %get3A_335 = tpu.vector_load %arg13[%get3A_334] {strides = array<i32>} : memref<4608xi32, #tpu.memory_space<vmem>>, vector<16xi32>,
            %mul3A_336 = arith.constant 65536 : i32
            %mul3A_337 = vector.broadcast %mul3A_336 : i32 to vector<16xi32>
            %mul3A_338 = arith.muli %get3A_327, %mul3A_337 : vector<16xi32>
            %mul3A_339 = arith.constant 256 : i32
            %mul3A_340 = vector.broadcast %mul3A_339 : i32 to vector<16xi32>
            %mul3A_341 = arith.muli %get3A_331, %mul3A_340 : vector<16xi32>
            %add3A_342 = arith.addi %mul3A_338, %mul3A_341 : vector<16xi32>
            %add3A_343 = arith.addi %add3A_342, %get3A_335 : vector<16xi32>
            %eq3A_344 = vector.broadcast %squeeze3A : i32 to vector<16xi32>
            %eq3A_345 = arith.cmpi eq, %add3A_343, %eq3A_344 : vector<16xi32>
            %eq3A_346 = vector.broadcast %squeeze3A_24 : i32 to vector<16xi32>
            %eq3A_347 = arith.cmpi eq, %add3A_343, %eq3A_346 : vector<16xi32>
            %or3A = arith.ori %eq3A_345, %eq3A_347 : vector<16xi1>
            %eq3A_348 = vector.broadcast %squeeze3A_26 : i32 to vector<16xi32>
            %eq3A_349 = arith.cmpi eq, %add3A_343, %eq3A_348 : vector<16xi32>
            %or3A_350 = arith.ori %or3A, %eq3A_349 : vector<16xi1>
            %eq3A_351 = vector.broadcast %squeeze3A_28 : i32 to vector<16xi32>
            %eq3A_352 = arith.cmpi eq, %add3A_343, %eq3A_351 : vector<16xi32>
            %or3A_353 = arith.ori %or3A_350, %eq3A_352 : vector<16xi1>
            %eq3A_354 = vector.broadcast %squeeze3A_30 : i32 to vector<16xi32>
            %eq3A_355 = arith.cmpi eq, %add3A_343, %eq3A_354 : vector<16xi32>
            %or3A_356 = arith.ori %or3A_353, %eq3A_355 : vector<16xi1>
            %eq3A_357 = vector.broadcast %squeeze3A_32 : i32 to vector<16xi32>
            %eq3A_358 = arith.cmpi eq, %add3A_343, %eq3A_357 : vector<16xi32>
            %or3A_359 = arith.ori %or3A_356, %eq3A_358 : vector<16xi1>
            %eq3A_360 = vector.broadcast %squeeze3A_34 : i32 to vector<16xi32>
            %eq3A_361 = arith.cmpi eq, %add3A_343, %eq3A_360 : vector<16xi32>
            %or3A_362 = arith.ori %or3A_359, %eq3A_361 : vector<16xi1>
            %eq3A_363 = vector.broadcast %squeeze3A_36 : i32 to vector<16xi32>
            %eq3A_364 = arith.cmpi eq, %add3A_343, %eq3A_363 : vector<16xi32>
            %or3A_365 = arith.ori %or3A_362, %eq3A_364 : vector<16xi1>
            %eq3A_366 = vector.broadcast %squeeze3A_38 : i32 to vector<16xi32>
            %eq3A_367 = arith.cmpi eq, %add3A_343, %eq3A_366 : vector<16xi32>
            %or3A_368 = arith.ori %or3A_365, %eq3A_367 : vector<16xi1>
            %eq3A_369 = vector.broadcast %squeeze3A_40 : i32 to vector<16xi32>
            %eq3A_370 = arith.cmpi eq, %add3A_343, %eq3A_369 : vector<16xi32>
            %or3A_371 = arith.ori %or3A_368, %eq3A_370 : vector<16xi1>
            %eq3A_372 = vector.broadcast %squeeze3A_42 : i32 to vector<16xi32>
            %eq3A_373 = arith.cmpi eq, %add3A_343, %eq3A_372 : vector<16xi32>
            %or3A_374 = arith.ori %or3A_371, %eq3A_373 : vector<16xi1>
            %eq3A_375 = vector.broadcast %squeeze3A_44 : i32 to vector<16xi32>
            %eq3A_376 = arith.cmpi eq, %add3A_343, %eq3A_375 : vector<16xi32>
            %or3A_377 = arith.ori %or3A_374, %eq3A_376 : vector<16xi1>
            %eq3A_378 = vector.broadcast %squeeze3A_46 : i32 to vector<16xi32>
            %eq3A_379 = arith.cmpi eq, %add3A_343, %eq3A_378 : vector<16xi32>
            %or3A_380 = arith.ori %or3A_377, %eq3A_379 : vector<16xi1>
            %eq3A_381 = vector.broadcast %squeeze3A_48 : i32 to vector<16xi32>
            %eq3A_382 = arith.cmpi eq, %add3A_343, %eq3A_381 : vector<16xi32>
            %or3A_383 = arith.ori %or3A_380, %eq3A_382 : vector<16xi1>
            %eq3A_384 = vector.broadcast %squeeze3A_50 : i32 to vector<16xi32>
            %eq3A_385 = arith.cmpi eq, %add3A_343, %eq3A_384 : vector<16xi32>
            %or3A_386 = arith.ori %or3A_383, %eq3A_385 : vector<16xi1>
            %eq3A_387 = vector.broadcast %squeeze3A_52 : i32 to vector<16xi32>
            %eq3A_388 = arith.cmpi eq, %add3A_343, %eq3A_387 : vector<16xi32>
            %or3A_389 = arith.ori %or3A_386, %eq3A_388 : vector<16xi1>
            %eq3A_390 = vector.broadcast %squeeze3A_68 : i32 to vector<16xi32>
            %eq3A_391 = arith.cmpi eq, %add3A_343, %eq3A_390 : vector<16xi32>
            %or3A_392 = arith.ori %or3A_389, %eq3A_391 : vector<16xi1>
            %eq3A_393 = vector.broadcast %squeeze3A_70 : i32 to vector<16xi32>
            %eq3A_394 = arith.cmpi eq, %add3A_343, %eq3A_393 : vector<16xi32>
            %or3A_395 = arith.ori %or3A_392, %eq3A_394 : vector<16xi1>
            %eq3A_396 = vector.broadcast %squeeze3A_72 : i32 to vector<16xi32>
            %eq3A_397 = arith.cmpi eq, %add3A_343, %eq3A_396 : vector<16xi32>
            %or3A_398 = arith.ori %or3A_395, %eq3A_397 : vector<16xi1>
            %eq3A_399 = vector.broadcast %squeeze3A_74 : i32 to vector<16xi32>
            %eq3A_400 = arith.cmpi eq, %add3A_343, %eq3A_399 : vector<16xi32>
            %or3A_401 = arith.ori %or3A_398, %eq3A_400 : vector<16xi1>
            %eq3A_402 = vector.broadcast %squeeze3A_76 : i32 to vector<16xi32>
            %eq3A_403 = arith.cmpi eq, %add3A_343, %eq3A_402 : vector<16xi32>
            %or3A_404 = arith.ori %or3A_401, %eq3A_403 : vector<16xi1>
            %eq3A_405 = vector.broadcast %squeeze3A_78 : i32 to vector<16xi32>
            %eq3A_406 = arith.cmpi eq, %add3A_343, %eq3A_405 : vector<16xi32>
            %or3A_407 = arith.ori %or3A_404, %eq3A_406 : vector<16xi1>
            %eq3A_408 = vector.broadcast %squeeze3A_80 : i32 to vector<16xi32>
            %eq3A_409 = arith.cmpi eq, %add3A_343, %eq3A_408 : vector<16xi32>
            %or3A_410 = arith.ori %or3A_407, %eq3A_409 : vector<16xi1>
            %eq3A_411 = vector.broadcast %squeeze3A_82 : i32 to vector<16xi32>
            %eq3A_412 = arith.cmpi eq, %add3A_343, %eq3A_411 : vector<16xi32>
            %or3A_413 = arith.ori %or3A_410, %eq3A_412 : vector<16xi1>
            %eq3A_414 = vector.broadcast %squeeze3A_84 : i32 to vector<16xi32>
            %eq3A_415 = arith.cmpi eq, %add3A_343, %eq3A_414 : vector<16xi32>
            %or3A_416 = arith.ori %or3A_413, %eq3A_415 : vector<16xi1>
            %eq3A_417 = vector.broadcast %squeeze3A_86 : i32 to vector<16xi32>
            %eq3A_418 = arith.cmpi eq, %add3A_343, %eq3A_417 : vector<16xi32>
            %or3A_419 = arith.ori %or3A_416, %eq3A_418 : vector<16xi1>
            %eq3A_420 = vector.broadcast %squeeze3A_88 : i32 to vector<16xi32>
            %eq3A_421 = arith.cmpi eq, %add3A_343, %eq3A_420 : vector<16xi32>
            %or3A_422 = arith.ori %or3A_419, %eq3A_421 : vector<16xi1>
            %eq3A_423 = vector.broadcast %squeeze3A_90 : i32 to vector<16xi32>
            %eq3A_424 = arith.cmpi eq, %add3A_343, %eq3A_423 : vector<16xi32>
            %or3A_425 = arith.ori %or3A_422, %eq3A_424 : vector<16xi1>
            %eq3A_426 = vector.broadcast %squeeze3A_92 : i32 to vector<16xi32>
            %eq3A_427 = arith.cmpi eq, %add3A_343, %eq3A_426 : vector<16xi32>
            %or3A_428 = arith.ori %or3A_425, %eq3A_427 : vector<16xi1>
            %eq3A_429 = vector.broadcast %squeeze3A_94 : i32 to vector<16xi32>
            %eq3A_430 = arith.cmpi eq, %add3A_343, %eq3A_429 : vector<16xi32>
            %or3A_431 = arith.ori %or3A_428, %eq3A_430 : vector<16xi1>
            %eq3A_432 = vector.broadcast %squeeze3A_96 : i32 to vector<16xi32>
            %eq3A_433 = arith.cmpi eq, %add3A_343, %eq3A_432 : vector<16xi32>
            %or3A_434 = arith.ori %or3A_431, %eq3A_433 : vector<16xi1>
            %eq3A_435 = vector.broadcast %squeeze3A_98 : i32 to vector<16xi32>
            %eq3A_436 = arith.cmpi eq, %add3A_343, %eq3A_435 : vector<16xi32>
            %or3A_437 = arith.ori %or3A_434, %eq3A_436 : vector<16xi1>
            %reduce_or3A_438 = arith.constant 1.000000e+00 : f32
            %reduce_or3A_439 = arith.constant 0.000000e+00 : f32
            %reduce_or3A_440 = vector.broadcast %reduce_or3A_438 : f32 to vector<16xf32>
            %reduce_or3A_441 = vector.broadcast %reduce_or3A_439 : f32 to vector<16xf32>
            %reduce_or3A_442 = arith.select %or3A_437, %reduce_or3A_440, %reduce_or3A_441 : vector<16xi1>, vector<16xf32>
            %reduce_or3A_443 = arith.constant true
            %reduce_or3A_444 = vector.broadcast %reduce_or3A_443 : i1 to vector<16xi1>
            %reduce_or3A_445 = tpu.scan <max>, %reduce_or3A_442 masked %reduce_or3A_444 : vector<16xf32>, vector<16xi1> -> vector<16xf32>
            %reduce_or3A_446 = vector.extract %reduce_or3A_445[15] : f32 from vector<16xf32>
            %reduce_or3A_447 = arith.constant 0.000000e+00 : f32
            %reduce_or3A_448 = arith.cmpf ogt, %reduce_or3A_446, %reduce_or3A_447 : f32
            %convert_element_type3A_449 = arith.extui %reduce_or3A_448 : i1 to i32
            %cond3A_450 = arith.constant 0 : i32
            %cond3A_451 = arith.cmpi ne, %convert_element_type3A_449, %cond3A_450 : i32
            scf.if %cond3A_451 {
              %mul3A_452 = arith.constant 16 : i32
              %mul3A_453 = arith.muli %scan3A_324, %mul3A_452 : i32
              %add3A_454 = vector.broadcast %mul3A_453 : i32 to vector<16xi32>
              %add3A_455 = arith.addi %add3A_454, %iota3A : vector<16xi32>
              %broadcast_in_dim3A_456 = arith.constant 0 : i32
              %broadcast_in_dim3A_457 = vector.broadcast %broadcast_in_dim3A_456 : i32 to vector<16xi32>
              tpu.vector_store_idx %arg9[%broadcast_in_dim3A_457, %add3A_455], %broadcast_in_dim3A_7 masked %or3A_437 : memref<16x1536xf32, #tpu.memory_space<vmem>>[vector<16xi32>, vector<16xi32>], vector<16xf32>, vector<16xi1>
              %broadcast_in_dim3A_458 = arith.constant 1 : i32
              %broadcast_in_dim3A_459 = vector.broadcast %broadcast_in_dim3A_458 : i32 to vector<16xi32>
              tpu.vector_store_idx %arg9[%broadcast_in_dim3A_459, %add3A_455], %broadcast_in_dim3A_7 masked %or3A_437 : memref<16x1536xf32, #tpu.memory_space<vmem>>[vector<16xi32>, vector<16xi32>], vector<16xf32>, vector<16xi1>
              %broadcast_in_dim3A_460 = arith.constant 2 : i32
              %broadcast_in_dim3A_461 = vector.broadcast %broadcast_in_dim3A_460 : i32 to vector<16xi32>
              tpu.vector_store_idx %arg9[%broadcast_in_dim3A_461, %add3A_455], %broadcast_in_dim3A_7 masked %or3A_437 : memref<16x1536xf32, #tpu.memory_space<vmem>>[vector<16xi32>, vector<16xi32>], vector<16xf32>, vector<16xi1>
              %broadcast_in_dim3A_462 = arith.constant 3 : i32
              %broadcast_in_dim3A_463 = vector.broadcast %broadcast_in_dim3A_462 : i32 to vector<16xi32>
              tpu.vector_store_idx %arg9[%broadcast_in_dim3A_463, %add3A_455], %broadcast_in_dim3A_7 masked %or3A_437 : memref<16x1536xf32, #tpu.memory_space<vmem>>[vector<16xi32>, vector<16xi32>], vector<16xf32>, vector<16xi1>
              %broadcast_in_dim3A_464 = arith.constant 4 : i32
              %broadcast_in_dim3A_465 = vector.broadcast %broadcast_in_dim3A_464 : i32 to vector<16xi32>
              tpu.vector_store_idx %arg9[%broadcast_in_dim3A_465, %add3A_455], %broadcast_in_dim3A_7 masked %or3A_437 : memref<16x1536xf32, #tpu.memory_space<vmem>>[vector<16xi32>, vector<16xi32>], vector<16xf32>, vector<16xi1>
              %broadcast_in_dim3A_466 = arith.constant 5 : i32
              %broadcast_in_dim3A_467 = vector.broadcast %broadcast_in_dim3A_466 : i32 to vector<16xi32>
              tpu.vector_store_idx %arg9[%broadcast_in_dim3A_467, %add3A_455], %broadcast_in_dim3A_7 masked %or3A_437 : memref<16x1536xf32, #tpu.memory_space<vmem>>[vector<16xi32>, vector<16xi32>], vector<16xf32>, vector<16xi1>
              %broadcast_in_dim3A_468 = arith.constant 6 : i32
              %broadcast_in_dim3A_469 = vector.broadcast %broadcast_in_dim3A_468 : i32 to vector<16xi32>
              tpu.vector_store_idx %arg9[%broadcast_in_dim3A_469, %add3A_455], %broadcast_in_dim3A_7 masked %or3A_437 : memref<16x1536xf32, #tpu.memory_space<vmem>>[vector<16xi32>, vector<16xi32>], vector<16xf32>, vector<16xi1>
              %broadcast_in_dim3A_470 = arith.constant 7 : i32
              %broadcast_in_dim3A_471 = vector.broadcast %broadcast_in_dim3A_470 : i32 to vector<16xi32>
              tpu.vector_store_idx %arg9[%broadcast_in_dim3A_471, %add3A_455], %broadcast_in_dim3A_7 masked %or3A_437 : memref<16x1536xf32, #tpu.memory_space<vmem>>[vector<16xi32>, vector<16xi32>], vector<16xf32>, vector<16xi1>
              %broadcast_in_dim3A_472 = arith.constant 8 : i32
              %broadcast_in_dim3A_473 = vector.broadcast %broadcast_in_dim3A_472 : i32 to vector<16xi32>
              tpu.vector_store_idx %arg9[%broadcast_in_dim3A_473, %add3A_455], %broadcast_in_dim3A_7 masked %or3A_437 : memref<16x1536xf32, #tpu.memory_space<vmem>>[vector<16xi32>, vector<16xi32>], vector<16xf32>, vector<16xi1>
              %broadcast_in_dim3A_474 = arith.constant 9 : i32
              %broadcast_in_dim3A_475 = vector.broadcast %broadcast_in_dim3A_474 : i32 to vector<16xi32>
              tpu.vector_store_idx %arg9[%broadcast_in_dim3A_475, %add3A_455], %broadcast_in_dim3A_7 masked %or3A_437 : memref<16x1536xf32, #tpu.memory_space<vmem>>[vector<16xi32>, vector<16xi32>], vector<16xf32>, vector<16xi1>
              %broadcast_in_dim3A_476 = arith.constant 10 : i32
              %broadcast_in_dim3A_477 = vector.broadcast %broadcast_in_dim3A_476 : i32 to vector<16xi32>
              tpu.vector_store_idx %arg9[%broadcast_in_dim3A_477, %add3A_455], %broadcast_in_dim3A_7 masked %or3A_437 : memref<16x1536xf32, #tpu.memory_space<vmem>>[vector<16xi32>, vector<16xi32>], vector<16xf32>, vector<16xi1>
              %broadcast_in_dim3A_478 = arith.constant 11 : i32
              %broadcast_in_dim3A_479 = vector.broadcast %broadcast_in_dim3A_478 : i32 to vector<16xi32>
              tpu.vector_store_idx %arg9[%broadcast_in_dim3A_479, %add3A_455], %broadcast_in_dim3A_7 masked %or3A_437 : memref<16x1536xf32, #tpu.memory_space<vmem>>[vector<16xi32>, vector<16xi32>], vector<16xf32>, vector<16xi1>
              %broadcast_in_dim3A_480 = arith.constant 12 : i32
              %broadcast_in_dim3A_481 = vector.broadcast %broadcast_in_dim3A_480 : i32 to vector<16xi32>
              tpu.vector_store_idx %arg9[%broadcast_in_dim3A_481, %add3A_455], %broadcast_in_dim3A_7 masked %or3A_437 : memref<16x1536xf32, #tpu.memory_space<vmem>>[vector<16xi32>, vector<16xi32>], vector<16xf32>, vector<16xi1>
              %broadcast_in_dim3A_482 = arith.constant 13 : i32
              %broadcast_in_dim3A_483 = vector.broadcast %broadcast_in_dim3A_482 : i32 to vector<16xi32>
              tpu.vector_store_idx %arg9[%broadcast_in_dim3A_483, %add3A_455], %broadcast_in_dim3A_7 masked %or3A_437 : memref<16x1536xf32, #tpu.memory_space<vmem>>[vector<16xi32>, vector<16xi32>], vector<16xf32>, vector<16xi1>
              %broadcast_in_dim3A_484 = arith.constant 14 : i32
              %broadcast_in_dim3A_485 = vector.broadcast %broadcast_in_dim3A_484 : i32 to vector<16xi32>
              tpu.vector_store_idx %arg9[%broadcast_in_dim3A_485, %add3A_455], %broadcast_in_dim3A_7 masked %or3A_437 : memref<16x1536xf32, #tpu.memory_space<vmem>>[vector<16xi32>, vector<16xi32>], vector<16xf32>, vector<16xi1>
              %broadcast_in_dim3A_486 = arith.constant 15 : i32
              %broadcast_in_dim3A_487 = vector.broadcast %broadcast_in_dim3A_486 : i32 to vector<16xi32>
              tpu.vector_store_idx %arg9[%broadcast_in_dim3A_487, %add3A_455], %broadcast_in_dim3A_7 masked %or3A_437 : memref<16x1536xf32, #tpu.memory_space<vmem>>[vector<16xi32>, vector<16xi32>], vector<16xf32>, vector<16xi1>
            } else {
            }
          }
          %scan3A_323 = arith.constant 96 : i32
        } else {
        }
        %mul3A_303 = arith.constant 32 : i32
        %mul3A_304 = arith.muli %add3A_232, %mul3A_303 : i32
        %add3A_305 = arith.addi %mul3A_304, %add3A : i32
        %mul3A_306 = arith.constant 1536 : i32
        %mul3A_307 = arith.muli %add3A_305, %mul3A_306 : i32
        %dma_start3A_308 = arith.constant 0 : i32
        %dma_start3A_309 = tpu.memref_slice %arg6[%dma_start3A_308, %mul3A_307] : memref<16x1000000xf32, #tpu.memory_space<hbm>> -> memref<16x1536xf32, #tpu.memory_space<hbm>>
        %dma_start3A_310 = arith.constant 0 : i32
        %dma_start3A_311 = tpu.memref_slice %arg6[%dma_start3A_310, %mul3A_307] : memref<16x1000000xf32, #tpu.memory_space<hbm>> -> memref<16x1536xf32, #tpu.memory_space<hbm>>
        tpu.enqueue_dma source(%arg9 : memref<16x1536xf32, #tpu.memory_space<vmem>>) target(%dma_start3A_311 : memref<16x1536xf32, #tpu.memory_space<hbm>>) target_semaphore(%arg23 : memref<!tpu.dma_semaphore, #tpu.memory_space<semaphore_mem>>)
        %add3A_312 = arith.constant 3 : i32
        %add3A_313 = arith.addi %add3A_232, %add3A_312 : i32
        %lt3A_314 = arith.cmpi slt, %add3A_313, %select_n3A : i32
        %convert_element_type3A_315 = arith.extui %lt3A_314 : i1 to i32
        %cond3A_316 = arith.constant 0 : i32
        %cond3A_317 = arith.cmpi ne, %convert_element_type3A_315, %cond3A_316 : i32
        scf.if %cond3A_317 {
          %ge3A = arith.constant 1 : i32
          %ge3A_318 = arith.cmpi sge, %add3A_232, %ge3A : i32
          %convert_element_type3A_319 = arith.extui %ge3A_318 : i1 to i32
          %cond3A_320 = arith.constant 0 : i32
          %cond3A_321 = arith.cmpi ne, %convert_element_type3A_319, %cond3A_320 : i32
          scf.if %cond3A_321 {
            %dma_wait3A_355 = arith.constant 0 : i32
            %dma_wait3A_356 = arith.constant 0 : i32
            %dma_wait3A_357 = tpu.memref_slice %arg6[%dma_wait3A_355, %dma_wait3A_356] : memref<16x1000000xf32, #tpu.memory_space<hbm>> -> memref<16x1536xf32, #tpu.memory_space<hbm>>
            %dma_wait3A_358 = arith.constant 0 : i32
            %dma_wait3A_359 = arith.constant 0 : i32
            %dma_wait3A_360 = tpu.memref_slice %arg6[%dma_wait3A_358, %dma_wait3A_359] : memref<16x1000000xf32, #tpu.memory_space<hbm>> -> memref<16x1536xf32, #tpu.memory_space<hbm>>
            tpu.wait_dma2 semaphore(%arg22 : memref<!tpu.dma_semaphore, #tpu.memory_space<semaphore_mem>>) src(%arg8 : memref<16x1536xf32, #tpu.memory_space<vmem>>) dst(%dma_wait3A_360 : memref<16x1536xf32, #tpu.memory_space<hbm>>)
          } else {
          }
          %add3A_322 = arith.constant 3 : i32
          %add3A_323 = arith.addi %add3A_232, %add3A_322 : i32
          %mul3A_324 = arith.constant 32 : i32
          %mul3A_325 = arith.muli %add3A_323, %mul3A_324 : i32
          %add3A_326 = arith.addi %mul3A_325, %add3A : i32
          %mul3A_327 = arith.constant 1536 : i32
          %mul3A_328 = arith.muli %add3A_326, %mul3A_327 : i32
          %dma_start3A_329 = arith.constant 0 : i32
          %dma_start3A_330 = tpu.memref_slice %arg12[%dma_start3A_329] : memref<4608xi32, #tpu.memory_space<vmem>> -> memref<1536xi32, #tpu.memory_space<vmem>>
          %dma_start3A_331 = tpu.memref_slice %arg3[%mul3A_328] : memref<3000000xi32, #tpu.memory_space<hbm>> -> memref<1536xi32, #tpu.memory_space<hbm>>
          %dma_start3A_332 = arith.constant 0 : i32
          %dma_start3A_333 = tpu.memref_slice %arg12[%dma_start3A_332] : memref<4608xi32, #tpu.memory_space<vmem>> -> memref<1536xi32, #tpu.memory_space<vmem>>
          %dma_start3A_334 = tpu.memref_slice %arg3[%mul3A_328] : memref<3000000xi32, #tpu.memory_space<hbm>> -> memref<1536xi32, #tpu.memory_space<hbm>>
          tpu.enqueue_dma source(%dma_start3A_334 : memref<1536xi32, #tpu.memory_space<hbm>>) target(%dma_start3A_333 : memref<1536xi32, #tpu.memory_space<vmem>>) target_semaphore(%arg18 : memref<!tpu.dma_semaphore, #tpu.memory_space<semaphore_mem>>)
          %add3A_335 = arith.constant 1000000 : i32
          %add3A_336 = arith.addi %add3A_335, %mul3A_328 : i32
          %dma_start3A_337 = arith.constant 1536 : i32
          %dma_start3A_338 = tpu.memref_slice %arg12[%dma_start3A_337] : memref<4608xi32, #tpu.memory_space<vmem>> -> memref<1536xi32, #tpu.memory_space<vmem>>
          %dma_start3A_339 = tpu.memref_slice %arg3[%add3A_336] : memref<3000000xi32, #tpu.memory_space<hbm>> -> memref<1536xi32, #tpu.memory_space<hbm>>
          %dma_start3A_340 = arith.constant 1536 : i32
          %dma_start3A_341 = tpu.memref_slice %arg12[%dma_start3A_340] : memref<4608xi32, #tpu.memory_space<vmem>> -> memref<1536xi32, #tpu.memory_space<vmem>>
          %dma_start3A_342 = tpu.memref_slice %arg3[%add3A_336] : memref<3000000xi32, #tpu.memory_space<hbm>> -> memref<1536xi32, #tpu.memory_space<hbm>>
          tpu.enqueue_dma source(%dma_start3A_342 : memref<1536xi32, #tpu.memory_space<hbm>>) target(%dma_start3A_341 : memref<1536xi32, #tpu.memory_space<vmem>>) target_semaphore(%arg18 : memref<!tpu.dma_semaphore, #tpu.memory_space<semaphore_mem>>)
          %add3A_343 = arith.constant 2000000 : i32
          %add3A_344 = arith.addi %add3A_343, %mul3A_328 : i32
          %dma_start3A_345 = arith.constant 3072 : i32
          %dma_start3A_346 = tpu.memref_slice %arg12[%dma_start3A_345] : memref<4608xi32, #tpu.memory_space<vmem>> -> memref<1536xi32, #tpu.memory_space<vmem>>
          %dma_start3A_347 = tpu.memref_slice %arg3[%add3A_344] : memref<3000000xi32, #tpu.memory_space<hbm>> -> memref<1536xi32, #tpu.memory_space<hbm>>
          %dma_start3A_348 = arith.constant 3072 : i32
          %dma_start3A_349 = tpu.memref_slice %arg12[%dma_start3A_348] : memref<4608xi32, #tpu.memory_space<vmem>> -> memref<1536xi32, #tpu.memory_space<vmem>>
          %dma_start3A_350 = tpu.memref_slice %arg3[%add3A_344] : memref<3000000xi32, #tpu.memory_space<hbm>> -> memref<1536xi32, #tpu.memory_space<hbm>>
          tpu.enqueue_dma source(%dma_start3A_350 : memref<1536xi32, #tpu.memory_space<hbm>>) target(%dma_start3A_349 : memref<1536xi32, #tpu.memory_space<vmem>>) target_semaphore(%arg18 : memref<!tpu.dma_semaphore, #tpu.memory_space<semaphore_mem>>)
          %dma_start3A_351 = arith.constant 0 : i32
          %dma_start3A_352 = tpu.memref_slice %arg2[%dma_start3A_351, %mul3A_328] : memref<16x1000000xf32, #tpu.memory_space<hbm>> -> memref<16x1536xf32, #tpu.memory_space<hbm>>
          %dma_start3A_353 = arith.constant 0 : i32
          %dma_start3A_354 = tpu.memref_slice %arg2[%dma_start3A_353, %mul3A_328] : memref<16x1000000xf32, #tpu.memory_space<hbm>> -> memref<16x1536xf32, #tpu.memory_space<hbm>>
          tpu.enqueue_dma source(%dma_start3A_354 : memref<16x1536xf32, #tpu.memory_space<hbm>>) target(%arg8 : memref<16x1536xf32, #tpu.memory_space<vmem>>) target_semaphore(%arg18 : memref<!tpu.dma_semaphore, #tpu.memory_space<semaphore_mem>>)
        } else {
        }
      } else {
      }
      %mul3A_237 = arith.constant 4 : i32
      %mul3A_238 = arith.muli %mul3A_237, %scan3A_220 : i32
      %add3A_239 = arith.constant 2 : i32
      %add3A_240 = arith.addi %mul3A_238, %add3A_239 : i32
      %lt3A_241 = arith.cmpi slt, %add3A_240, %select_n3A : i32
      %convert_element_type3A_242 = arith.extui %lt3A_241 : i1 to i32
      %cond3A_243 = arith.constant 0 : i32
      %cond3A_244 = arith.cmpi ne, %convert_element_type3A_242, %cond3A_243 : i32
      scf.if %cond3A_244 {
        %mul3A_253 = arith.constant 32 : i32
        %mul3A_254 = arith.muli %add3A_240, %mul3A_253 : i32
        %add3A_255 = arith.addi %mul3A_254, %add3A : i32
        %mul3A_256 = arith.constant 1536 : i32
        %mul3A_257 = arith.muli %add3A_255, %mul3A_256 : i32
        %dma_wait3A_258 = arith.constant 0 : i32
        %dma_wait3A_259 = tpu.memref_slice %arg14[%dma_wait3A_258] : memref<4608xi32, #tpu.memory_space<vmem>> -> memref<1536xi32, #tpu.memory_space<vmem>>
        %dma_wait3A_260 = tpu.memref_slice %arg3[%mul3A_257] : memref<3000000xi32, #tpu.memory_space<hbm>> -> memref<1536xi32, #tpu.memory_space<hbm>>
        %dma_wait3A_261 = arith.constant 0 : i32
        %dma_wait3A_262 = tpu.memref_slice %arg14[%dma_wait3A_261] : memref<4608xi32, #tpu.memory_space<vmem>> -> memref<1536xi32, #tpu.memory_space<vmem>>
        %dma_wait3A_263 = tpu.memref_slice %arg3[%mul3A_257] : memref<3000000xi32, #tpu.memory_space<hbm>> -> memref<1536xi32, #tpu.memory_space<hbm>>
        tpu.wait_dma2 semaphore(%arg20 : memref<!tpu.dma_semaphore, #tpu.memory_space<semaphore_mem>>) src(%dma_wait3A_263 : memref<1536xi32, #tpu.memory_space<hbm>>) dst(%dma_wait3A_262 : memref<1536xi32, #tpu.memory_space<vmem>>)
        %add3A_264 = arith.constant 1000000 : i32
        %add3A_265 = arith.addi %add3A_264, %mul3A_257 : i32
        %dma_wait3A_266 = arith.constant 1536 : i32
        %dma_wait3A_267 = tpu.memref_slice %arg14[%dma_wait3A_266] : memref<4608xi32, #tpu.memory_space<vmem>> -> memref<1536xi32, #tpu.memory_space<vmem>>
        %dma_wait3A_268 = tpu.memref_slice %arg3[%add3A_265] : memref<3000000xi32, #tpu.memory_space<hbm>> -> memref<1536xi32, #tpu.memory_space<hbm>>
        %dma_wait3A_269 = arith.constant 1536 : i32
        %dma_wait3A_270 = tpu.memref_slice %arg14[%dma_wait3A_269] : memref<4608xi32, #tpu.memory_space<vmem>> -> memref<1536xi32, #tpu.memory_space<vmem>>
        %dma_wait3A_271 = tpu.memref_slice %arg3[%add3A_265] : memref<3000000xi32, #tpu.memory_space<hbm>> -> memref<1536xi32, #tpu.memory_space<hbm>>
        tpu.wait_dma2 semaphore(%arg20 : memref<!tpu.dma_semaphore, #tpu.memory_space<semaphore_mem>>) src(%dma_wait3A_271 : memref<1536xi32, #tpu.memory_space<hbm>>) dst(%dma_wait3A_270 : memref<1536xi32, #tpu.memory_space<vmem>>)
        %add3A_272 = arith.constant 2000000 : i32
        %add3A_273 = arith.addi %add3A_272, %mul3A_257 : i32
        %dma_wait3A_274 = arith.constant 3072 : i32
        %dma_wait3A_275 = tpu.memref_slice %arg14[%dma_wait3A_274] : memref<4608xi32, #tpu.memory_space<vmem>> -> memref<1536xi32, #tpu.memory_space<vmem>>
        %dma_wait3A_276 = tpu.memref_slice %arg3[%add3A_273] : memref<3000000xi32, #tpu.memory_space<hbm>> -> memref<1536xi32, #tpu.memory_space<hbm>>
        %dma_wait3A_277 = arith.constant 3072 : i32
        %dma_wait3A_278 = tpu.memref_slice %arg14[%dma_wait3A_277] : memref<4608xi32, #tpu.memory_space<vmem>> -> memref<1536xi32, #tpu.memory_space<vmem>>
        %dma_wait3A_279 = tpu.memref_slice %arg3[%add3A_273] : memref<3000000xi32, #tpu.memory_space<hbm>> -> memref<1536xi32, #tpu.memory_space<hbm>>
        tpu.wait_dma2 semaphore(%arg20 : memref<!tpu.dma_semaphore, #tpu.memory_space<semaphore_mem>>) src(%dma_wait3A_279 : memref<1536xi32, #tpu.memory_space<hbm>>) dst(%dma_wait3A_278 : memref<1536xi32, #tpu.memory_space<vmem>>)
        %dma_wait3A_280 = arith.constant 0 : i32
        %dma_wait3A_281 = tpu.memref_slice %arg2[%dma_wait3A_280, %mul3A_257] : memref<16x1000000xf32, #tpu.memory_space<hbm>> -> memref<16x1536xf32, #tpu.memory_space<hbm>>
        %dma_wait3A_282 = arith.constant 0 : i32
        %dma_wait3A_283 = tpu.memref_slice %arg2[%dma_wait3A_282, %mul3A_257] : memref<16x1000000xf32, #tpu.memory_space<hbm>> -> memref<16x1536xf32, #tpu.memory_space<hbm>>
        tpu.wait_dma2 semaphore(%arg20 : memref<!tpu.dma_semaphore, #tpu.memory_space<semaphore_mem>>) src(%dma_wait3A_283 : memref<16x1536xf32, #tpu.memory_space<hbm>>) dst(%arg10 : memref<16x1536xf32, #tpu.memory_space<vmem>>)
        %scan3A_284 = arith.constant 0 : i32
        %scan3A_285 = arith.constant 96 : i32
        %scan3A_286 = arith.addi %scan3A_284, %scan3A_285 : i32
        %scan3A_287 = arith.constant 1 : i32
        %scan3A_288 = scf.for %scan3A_318 = %scan3A_284 to %scan3A_286 step %scan3A_287 iter_args(%scan3A_319 = %broadcast_in_dim3A_9) -> (vector<16xi1>)  : i32 {
          %mul3A_320 = arith.constant 16 : i32
          %mul3A_321 = arith.muli %scan3A_318, %mul3A_320 : i32
          %get3A = arith.index_cast %mul3A_321 : i32 to index
          %get3A_322 = tpu.vector_load %arg14[%get3A] {strides = array<i32>} : memref<4608xi32, #tpu.memory_space<vmem>>, vector<16xi32>,
          %add3A_323 = arith.constant 1536 : i32
          %add3A_324 = arith.addi %add3A_323, %mul3A_321 : i32
          %get3A_325 = arith.index_cast %add3A_324 : i32 to index
          %get3A_326 = tpu.vector_load %arg14[%get3A_325] {strides = array<i32>} : memref<4608xi32, #tpu.memory_space<vmem>>, vector<16xi32>,
          %add3A_327 = arith.constant 3072 : i32
          %add3A_328 = arith.addi %add3A_327, %mul3A_321 : i32
          %get3A_329 = arith.index_cast %add3A_328 : i32 to index
          %get3A_330 = tpu.vector_load %arg14[%get3A_329] {strides = array<i32>} : memref<4608xi32, #tpu.memory_space<vmem>>, vector<16xi32>,
          %mul3A_331 = arith.constant 65536 : i32
          %mul3A_332 = vector.broadcast %mul3A_331 : i32 to vector<16xi32>
          %mul3A_333 = arith.muli %get3A_322, %mul3A_332 : vector<16xi32>
          %mul3A_334 = arith.constant 256 : i32
          %mul3A_335 = vector.broadcast %mul3A_334 : i32 to vector<16xi32>
          %mul3A_336 = arith.muli %get3A_326, %mul3A_335 : vector<16xi32>
          %add3A_337 = arith.addi %mul3A_333, %mul3A_336 : vector<16xi32>
          %add3A_338 = arith.addi %add3A_337, %get3A_330 : vector<16xi32>
          %eq3A_339 = vector.broadcast %squeeze3A : i32 to vector<16xi32>
          %eq3A_340 = arith.cmpi eq, %add3A_338, %eq3A_339 : vector<16xi32>
          %eq3A_341 = vector.broadcast %squeeze3A_24 : i32 to vector<16xi32>
          %eq3A_342 = arith.cmpi eq, %add3A_338, %eq3A_341 : vector<16xi32>
          %or3A = arith.ori %eq3A_340, %eq3A_342 : vector<16xi1>
          %eq3A_343 = vector.broadcast %squeeze3A_26 : i32 to vector<16xi32>
          %eq3A_344 = arith.cmpi eq, %add3A_338, %eq3A_343 : vector<16xi32>
          %or3A_345 = arith.ori %or3A, %eq3A_344 : vector<16xi1>
          %eq3A_346 = vector.broadcast %squeeze3A_28 : i32 to vector<16xi32>
          %eq3A_347 = arith.cmpi eq, %add3A_338, %eq3A_346 : vector<16xi32>
          %or3A_348 = arith.ori %or3A_345, %eq3A_347 : vector<16xi1>
          %eq3A_349 = vector.broadcast %squeeze3A_30 : i32 to vector<16xi32>
          %eq3A_350 = arith.cmpi eq, %add3A_338, %eq3A_349 : vector<16xi32>
          %or3A_351 = arith.ori %or3A_348, %eq3A_350 : vector<16xi1>
          %eq3A_352 = vector.broadcast %squeeze3A_32 : i32 to vector<16xi32>
          %eq3A_353 = arith.cmpi eq, %add3A_338, %eq3A_352 : vector<16xi32>
          %or3A_354 = arith.ori %or3A_351, %eq3A_353 : vector<16xi1>
          %eq3A_355 = vector.broadcast %squeeze3A_34 : i32 to vector<16xi32>
          %eq3A_356 = arith.cmpi eq, %add3A_338, %eq3A_355 : vector<16xi32>
          %or3A_357 = arith.ori %or3A_354, %eq3A_356 : vector<16xi1>
          %eq3A_358 = vector.broadcast %squeeze3A_36 : i32 to vector<16xi32>
          %eq3A_359 = arith.cmpi eq, %add3A_338, %eq3A_358 : vector<16xi32>
          %or3A_360 = arith.ori %or3A_357, %eq3A_359 : vector<16xi1>
          %eq3A_361 = vector.broadcast %squeeze3A_38 : i32 to vector<16xi32>
          %eq3A_362 = arith.cmpi eq, %add3A_338, %eq3A_361 : vector<16xi32>
          %or3A_363 = arith.ori %or3A_360, %eq3A_362 : vector<16xi1>
          %eq3A_364 = vector.broadcast %squeeze3A_40 : i32 to vector<16xi32>
          %eq3A_365 = arith.cmpi eq, %add3A_338, %eq3A_364 : vector<16xi32>
          %or3A_366 = arith.ori %or3A_363, %eq3A_365 : vector<16xi1>
          %eq3A_367 = vector.broadcast %squeeze3A_42 : i32 to vector<16xi32>
          %eq3A_368 = arith.cmpi eq, %add3A_338, %eq3A_367 : vector<16xi32>
          %or3A_369 = arith.ori %or3A_366, %eq3A_368 : vector<16xi1>
          %eq3A_370 = vector.broadcast %squeeze3A_44 : i32 to vector<16xi32>
          %eq3A_371 = arith.cmpi eq, %add3A_338, %eq3A_370 : vector<16xi32>
          %or3A_372 = arith.ori %or3A_369, %eq3A_371 : vector<16xi1>
          %eq3A_373 = vector.broadcast %squeeze3A_46 : i32 to vector<16xi32>
          %eq3A_374 = arith.cmpi eq, %add3A_338, %eq3A_373 : vector<16xi32>
          %or3A_375 = arith.ori %or3A_372, %eq3A_374 : vector<16xi1>
          %eq3A_376 = vector.broadcast %squeeze3A_48 : i32 to vector<16xi32>
          %eq3A_377 = arith.cmpi eq, %add3A_338, %eq3A_376 : vector<16xi32>
          %or3A_378 = arith.ori %or3A_375, %eq3A_377 : vector<16xi1>
          %eq3A_379 = vector.broadcast %squeeze3A_50 : i32 to vector<16xi32>
          %eq3A_380 = arith.cmpi eq, %add3A_338, %eq3A_379 : vector<16xi32>
          %or3A_381 = arith.ori %or3A_378, %eq3A_380 : vector<16xi1>
          %eq3A_382 = vector.broadcast %squeeze3A_52 : i32 to vector<16xi32>
          %eq3A_383 = arith.cmpi eq, %add3A_338, %eq3A_382 : vector<16xi32>
          %or3A_384 = arith.ori %or3A_381, %eq3A_383 : vector<16xi1>
          %eq3A_385 = vector.broadcast %squeeze3A_68 : i32 to vector<16xi32>
          %eq3A_386 = arith.cmpi eq, %add3A_338, %eq3A_385 : vector<16xi32>
          %or3A_387 = arith.ori %or3A_384, %eq3A_386 : vector<16xi1>
          %eq3A_388 = vector.broadcast %squeeze3A_70 : i32 to vector<16xi32>
          %eq3A_389 = arith.cmpi eq, %add3A_338, %eq3A_388 : vector<16xi32>
          %or3A_390 = arith.ori %or3A_387, %eq3A_389 : vector<16xi1>
          %eq3A_391 = vector.broadcast %squeeze3A_72 : i32 to vector<16xi32>
          %eq3A_392 = arith.cmpi eq, %add3A_338, %eq3A_391 : vector<16xi32>
          %or3A_393 = arith.ori %or3A_390, %eq3A_392 : vector<16xi1>
          %eq3A_394 = vector.broadcast %squeeze3A_74 : i32 to vector<16xi32>
          %eq3A_395 = arith.cmpi eq, %add3A_338, %eq3A_394 : vector<16xi32>
          %or3A_396 = arith.ori %or3A_393, %eq3A_395 : vector<16xi1>
          %eq3A_397 = vector.broadcast %squeeze3A_76 : i32 to vector<16xi32>
          %eq3A_398 = arith.cmpi eq, %add3A_338, %eq3A_397 : vector<16xi32>
          %or3A_399 = arith.ori %or3A_396, %eq3A_398 : vector<16xi1>
          %eq3A_400 = vector.broadcast %squeeze3A_78 : i32 to vector<16xi32>
          %eq3A_401 = arith.cmpi eq, %add3A_338, %eq3A_400 : vector<16xi32>
          %or3A_402 = arith.ori %or3A_399, %eq3A_401 : vector<16xi1>
          %eq3A_403 = vector.broadcast %squeeze3A_80 : i32 to vector<16xi32>
          %eq3A_404 = arith.cmpi eq, %add3A_338, %eq3A_403 : vector<16xi32>
          %or3A_405 = arith.ori %or3A_402, %eq3A_404 : vector<16xi1>
          %eq3A_406 = vector.broadcast %squeeze3A_82 : i32 to vector<16xi32>
          %eq3A_407 = arith.cmpi eq, %add3A_338, %eq3A_406 : vector<16xi32>
          %or3A_408 = arith.ori %or3A_405, %eq3A_407 : vector<16xi1>
          %eq3A_409 = vector.broadcast %squeeze3A_84 : i32 to vector<16xi32>
          %eq3A_410 = arith.cmpi eq, %add3A_338, %eq3A_409 : vector<16xi32>
          %or3A_411 = arith.ori %or3A_408, %eq3A_410 : vector<16xi1>
          %eq3A_412 = vector.broadcast %squeeze3A_86 : i32 to vector<16xi32>
          %eq3A_413 = arith.cmpi eq, %add3A_338, %eq3A_412 : vector<16xi32>
          %or3A_414 = arith.ori %or3A_411, %eq3A_413 : vector<16xi1>
          %eq3A_415 = vector.broadcast %squeeze3A_88 : i32 to vector<16xi32>
          %eq3A_416 = arith.cmpi eq, %add3A_338, %eq3A_415 : vector<16xi32>
          %or3A_417 = arith.ori %or3A_414, %eq3A_416 : vector<16xi1>
          %eq3A_418 = vector.broadcast %squeeze3A_90 : i32 to vector<16xi32>
          %eq3A_419 = arith.cmpi eq, %add3A_338, %eq3A_418 : vector<16xi32>
          %or3A_420 = arith.ori %or3A_417, %eq3A_419 : vector<16xi1>
          %eq3A_421 = vector.broadcast %squeeze3A_92 : i32 to vector<16xi32>
          %eq3A_422 = arith.cmpi eq, %add3A_338, %eq3A_421 : vector<16xi32>
          %or3A_423 = arith.ori %or3A_420, %eq3A_422 : vector<16xi1>
          %eq3A_424 = vector.broadcast %squeeze3A_94 : i32 to vector<16xi32>
          %eq3A_425 = arith.cmpi eq, %add3A_338, %eq3A_424 : vector<16xi32>
          %or3A_426 = arith.ori %or3A_423, %eq3A_425 : vector<16xi1>
          %eq3A_427 = vector.broadcast %squeeze3A_96 : i32 to vector<16xi32>
          %eq3A_428 = arith.cmpi eq, %add3A_338, %eq3A_427 : vector<16xi32>
          %or3A_429 = arith.ori %or3A_426, %eq3A_428 : vector<16xi1>
          %eq3A_430 = vector.broadcast %squeeze3A_98 : i32 to vector<16xi32>
          %eq3A_431 = arith.cmpi eq, %add3A_338, %eq3A_430 : vector<16xi32>
          %or3A_432 = arith.ori %or3A_429, %eq3A_431 : vector<16xi1>
          %or3A_433 = arith.ori %scan3A_319, %or3A_432 : vector<16xi1>
          scf.yield %or3A_433 : vector<16xi1>
        }
        %scan3A_289 = arith.constant 96 : i32
        %reduce_or3A = arith.constant 1.000000e+00 : f32
        %reduce_or3A_290 = arith.constant 0.000000e+00 : f32
        %reduce_or3A_291 = vector.broadcast %reduce_or3A : f32 to vector<16xf32>
        %reduce_or3A_292 = vector.broadcast %reduce_or3A_290 : f32 to vector<16xf32>
        %reduce_or3A_293 = arith.select %scan3A_288, %reduce_or3A_291, %reduce_or3A_292 : vector<16xi1>, vector<16xf32>
        %reduce_or3A_294 = arith.constant true
        %reduce_or3A_295 = vector.broadcast %reduce_or3A_294 : i1 to vector<16xi1>
        %reduce_or3A_296 = tpu.scan <max>, %reduce_or3A_293 masked %reduce_or3A_295 : vector<16xf32>, vector<16xi1> -> vector<16xf32>
        %reduce_or3A_297 = vector.extract %reduce_or3A_296[15] : f32 from vector<16xf32>
        %reduce_or3A_298 = arith.constant 0.000000e+00 : f32
        %reduce_or3A_299 = arith.cmpf ogt, %reduce_or3A_297, %reduce_or3A_298 : f32
        %convert_element_type3A_300 = arith.extui %reduce_or3A_299 : i1 to i32
        %cond3A_301 = arith.constant 0 : i32
        %cond3A_302 = arith.cmpi ne, %convert_element_type3A_300, %cond3A_301 : i32
        scf.if %cond3A_302 {
          %scan3A_318 = arith.constant 0 : i32
          %scan3A_319 = arith.constant 0 : i32
          %scan3A_320 = arith.constant 96 : i32
          %scan3A_321 = arith.addi %scan3A_319, %scan3A_320 : i32
          %scan3A_322 = arith.constant 1 : i32
          scf.for %scan3A_324 = %scan3A_319 to %scan3A_321 step %scan3A_322  : i32 {
            %mul3A_325 = arith.constant 16 : i32
            %mul3A_326 = arith.muli %scan3A_324, %mul3A_325 : i32
            %get3A = arith.index_cast %mul3A_326 : i32 to index
            %get3A_327 = tpu.vector_load %arg14[%get3A] {strides = array<i32>} : memref<4608xi32, #tpu.memory_space<vmem>>, vector<16xi32>,
            %add3A_328 = arith.constant 1536 : i32
            %add3A_329 = arith.addi %add3A_328, %mul3A_326 : i32
            %get3A_330 = arith.index_cast %add3A_329 : i32 to index
            %get3A_331 = tpu.vector_load %arg14[%get3A_330] {strides = array<i32>} : memref<4608xi32, #tpu.memory_space<vmem>>, vector<16xi32>,
            %add3A_332 = arith.constant 3072 : i32
            %add3A_333 = arith.addi %add3A_332, %mul3A_326 : i32
            %get3A_334 = arith.index_cast %add3A_333 : i32 to index
            %get3A_335 = tpu.vector_load %arg14[%get3A_334] {strides = array<i32>} : memref<4608xi32, #tpu.memory_space<vmem>>, vector<16xi32>,
            %mul3A_336 = arith.constant 65536 : i32
            %mul3A_337 = vector.broadcast %mul3A_336 : i32 to vector<16xi32>
            %mul3A_338 = arith.muli %get3A_327, %mul3A_337 : vector<16xi32>
            %mul3A_339 = arith.constant 256 : i32
            %mul3A_340 = vector.broadcast %mul3A_339 : i32 to vector<16xi32>
            %mul3A_341 = arith.muli %get3A_331, %mul3A_340 : vector<16xi32>
            %add3A_342 = arith.addi %mul3A_338, %mul3A_341 : vector<16xi32>
            %add3A_343 = arith.addi %add3A_342, %get3A_335 : vector<16xi32>
            %eq3A_344 = vector.broadcast %squeeze3A : i32 to vector<16xi32>
            %eq3A_345 = arith.cmpi eq, %add3A_343, %eq3A_344 : vector<16xi32>
            %eq3A_346 = vector.broadcast %squeeze3A_24 : i32 to vector<16xi32>
            %eq3A_347 = arith.cmpi eq, %add3A_343, %eq3A_346 : vector<16xi32>
            %or3A = arith.ori %eq3A_345, %eq3A_347 : vector<16xi1>
            %eq3A_348 = vector.broadcast %squeeze3A_26 : i32 to vector<16xi32>
            %eq3A_349 = arith.cmpi eq, %add3A_343, %eq3A_348 : vector<16xi32>
            %or3A_350 = arith.ori %or3A, %eq3A_349 : vector<16xi1>
            %eq3A_351 = vector.broadcast %squeeze3A_28 : i32 to vector<16xi32>
            %eq3A_352 = arith.cmpi eq, %add3A_343, %eq3A_351 : vector<16xi32>
            %or3A_353 = arith.ori %or3A_350, %eq3A_352 : vector<16xi1>
            %eq3A_354 = vector.broadcast %squeeze3A_30 : i32 to vector<16xi32>
            %eq3A_355 = arith.cmpi eq, %add3A_343, %eq3A_354 : vector<16xi32>
            %or3A_356 = arith.ori %or3A_353, %eq3A_355 : vector<16xi1>
            %eq3A_357 = vector.broadcast %squeeze3A_32 : i32 to vector<16xi32>
            %eq3A_358 = arith.cmpi eq, %add3A_343, %eq3A_357 : vector<16xi32>
            %or3A_359 = arith.ori %or3A_356, %eq3A_358 : vector<16xi1>
            %eq3A_360 = vector.broadcast %squeeze3A_34 : i32 to vector<16xi32>
            %eq3A_361 = arith.cmpi eq, %add3A_343, %eq3A_360 : vector<16xi32>
            %or3A_362 = arith.ori %or3A_359, %eq3A_361 : vector<16xi1>
            %eq3A_363 = vector.broadcast %squeeze3A_36 : i32 to vector<16xi32>
            %eq3A_364 = arith.cmpi eq, %add3A_343, %eq3A_363 : vector<16xi32>
            %or3A_365 = arith.ori %or3A_362, %eq3A_364 : vector<16xi1>
            %eq3A_366 = vector.broadcast %squeeze3A_38 : i32 to vector<16xi32>
            %eq3A_367 = arith.cmpi eq, %add3A_343, %eq3A_366 : vector<16xi32>
            %or3A_368 = arith.ori %or3A_365, %eq3A_367 : vector<16xi1>
            %eq3A_369 = vector.broadcast %squeeze3A_40 : i32 to vector<16xi32>
            %eq3A_370 = arith.cmpi eq, %add3A_343, %eq3A_369 : vector<16xi32>
            %or3A_371 = arith.ori %or3A_368, %eq3A_370 : vector<16xi1>
            %eq3A_372 = vector.broadcast %squeeze3A_42 : i32 to vector<16xi32>
            %eq3A_373 = arith.cmpi eq, %add3A_343, %eq3A_372 : vector<16xi32>
            %or3A_374 = arith.ori %or3A_371, %eq3A_373 : vector<16xi1>
            %eq3A_375 = vector.broadcast %squeeze3A_44 : i32 to vector<16xi32>
            %eq3A_376 = arith.cmpi eq, %add3A_343, %eq3A_375 : vector<16xi32>
            %or3A_377 = arith.ori %or3A_374, %eq3A_376 : vector<16xi1>
            %eq3A_378 = vector.broadcast %squeeze3A_46 : i32 to vector<16xi32>
            %eq3A_379 = arith.cmpi eq, %add3A_343, %eq3A_378 : vector<16xi32>
            %or3A_380 = arith.ori %or3A_377, %eq3A_379 : vector<16xi1>
            %eq3A_381 = vector.broadcast %squeeze3A_48 : i32 to vector<16xi32>
            %eq3A_382 = arith.cmpi eq, %add3A_343, %eq3A_381 : vector<16xi32>
            %or3A_383 = arith.ori %or3A_380, %eq3A_382 : vector<16xi1>
            %eq3A_384 = vector.broadcast %squeeze3A_50 : i32 to vector<16xi32>
            %eq3A_385 = arith.cmpi eq, %add3A_343, %eq3A_384 : vector<16xi32>
            %or3A_386 = arith.ori %or3A_383, %eq3A_385 : vector<16xi1>
            %eq3A_387 = vector.broadcast %squeeze3A_52 : i32 to vector<16xi32>
            %eq3A_388 = arith.cmpi eq, %add3A_343, %eq3A_387 : vector<16xi32>
            %or3A_389 = arith.ori %or3A_386, %eq3A_388 : vector<16xi1>
            %eq3A_390 = vector.broadcast %squeeze3A_68 : i32 to vector<16xi32>
            %eq3A_391 = arith.cmpi eq, %add3A_343, %eq3A_390 : vector<16xi32>
            %or3A_392 = arith.ori %or3A_389, %eq3A_391 : vector<16xi1>
            %eq3A_393 = vector.broadcast %squeeze3A_70 : i32 to vector<16xi32>
            %eq3A_394 = arith.cmpi eq, %add3A_343, %eq3A_393 : vector<16xi32>
            %or3A_395 = arith.ori %or3A_392, %eq3A_394 : vector<16xi1>
            %eq3A_396 = vector.broadcast %squeeze3A_72 : i32 to vector<16xi32>
            %eq3A_397 = arith.cmpi eq, %add3A_343, %eq3A_396 : vector<16xi32>
            %or3A_398 = arith.ori %or3A_395, %eq3A_397 : vector<16xi1>
            %eq3A_399 = vector.broadcast %squeeze3A_74 : i32 to vector<16xi32>
            %eq3A_400 = arith.cmpi eq, %add3A_343, %eq3A_399 : vector<16xi32>
            %or3A_401 = arith.ori %or3A_398, %eq3A_400 : vector<16xi1>
            %eq3A_402 = vector.broadcast %squeeze3A_76 : i32 to vector<16xi32>
            %eq3A_403 = arith.cmpi eq, %add3A_343, %eq3A_402 : vector<16xi32>
            %or3A_404 = arith.ori %or3A_401, %eq3A_403 : vector<16xi1>
            %eq3A_405 = vector.broadcast %squeeze3A_78 : i32 to vector<16xi32>
            %eq3A_406 = arith.cmpi eq, %add3A_343, %eq3A_405 : vector<16xi32>
            %or3A_407 = arith.ori %or3A_404, %eq3A_406 : vector<16xi1>
            %eq3A_408 = vector.broadcast %squeeze3A_80 : i32 to vector<16xi32>
            %eq3A_409 = arith.cmpi eq, %add3A_343, %eq3A_408 : vector<16xi32>
            %or3A_410 = arith.ori %or3A_407, %eq3A_409 : vector<16xi1>
            %eq3A_411 = vector.broadcast %squeeze3A_82 : i32 to vector<16xi32>
            %eq3A_412 = arith.cmpi eq, %add3A_343, %eq3A_411 : vector<16xi32>
            %or3A_413 = arith.ori %or3A_410, %eq3A_412 : vector<16xi1>
            %eq3A_414 = vector.broadcast %squeeze3A_84 : i32 to vector<16xi32>
            %eq3A_415 = arith.cmpi eq, %add3A_343, %eq3A_414 : vector<16xi32>
            %or3A_416 = arith.ori %or3A_413, %eq3A_415 : vector<16xi1>
            %eq3A_417 = vector.broadcast %squeeze3A_86 : i32 to vector<16xi32>
            %eq3A_418 = arith.cmpi eq, %add3A_343, %eq3A_417 : vector<16xi32>
            %or3A_419 = arith.ori %or3A_416, %eq3A_418 : vector<16xi1>
            %eq3A_420 = vector.broadcast %squeeze3A_88 : i32 to vector<16xi32>
            %eq3A_421 = arith.cmpi eq, %add3A_343, %eq3A_420 : vector<16xi32>
            %or3A_422 = arith.ori %or3A_419, %eq3A_421 : vector<16xi1>
            %eq3A_423 = vector.broadcast %squeeze3A_90 : i32 to vector<16xi32>
            %eq3A_424 = arith.cmpi eq, %add3A_343, %eq3A_423 : vector<16xi32>
            %or3A_425 = arith.ori %or3A_422, %eq3A_424 : vector<16xi1>
            %eq3A_426 = vector.broadcast %squeeze3A_92 : i32 to vector<16xi32>
            %eq3A_427 = arith.cmpi eq, %add3A_343, %eq3A_426 : vector<16xi32>
            %or3A_428 = arith.ori %or3A_425, %eq3A_427 : vector<16xi1>
            %eq3A_429 = vector.broadcast %squeeze3A_94 : i32 to vector<16xi32>
            %eq3A_430 = arith.cmpi eq, %add3A_343, %eq3A_429 : vector<16xi32>
            %or3A_431 = arith.ori %or3A_428, %eq3A_430 : vector<16xi1>
            %eq3A_432 = vector.broadcast %squeeze3A_96 : i32 to vector<16xi32>
            %eq3A_433 = arith.cmpi eq, %add3A_343, %eq3A_432 : vector<16xi32>
            %or3A_434 = arith.ori %or3A_431, %eq3A_433 : vector<16xi1>
            %eq3A_435 = vector.broadcast %squeeze3A_98 : i32 to vector<16xi32>
            %eq3A_436 = arith.cmpi eq, %add3A_343, %eq3A_435 : vector<16xi32>
            %or3A_437 = arith.ori %or3A_434, %eq3A_436 : vector<16xi1>
            %reduce_or3A_438 = arith.constant 1.000000e+00 : f32
            %reduce_or3A_439 = arith.constant 0.000000e+00 : f32
            %reduce_or3A_440 = vector.broadcast %reduce_or3A_438 : f32 to vector<16xf32>
            %reduce_or3A_441 = vector.broadcast %reduce_or3A_439 : f32 to vector<16xf32>
            %reduce_or3A_442 = arith.select %or3A_437, %reduce_or3A_440, %reduce_or3A_441 : vector<16xi1>, vector<16xf32>
            %reduce_or3A_443 = arith.constant true
            %reduce_or3A_444 = vector.broadcast %reduce_or3A_443 : i1 to vector<16xi1>
            %reduce_or3A_445 = tpu.scan <max>, %reduce_or3A_442 masked %reduce_or3A_444 : vector<16xf32>, vector<16xi1> -> vector<16xf32>
            %reduce_or3A_446 = vector.extract %reduce_or3A_445[15] : f32 from vector<16xf32>
            %reduce_or3A_447 = arith.constant 0.000000e+00 : f32
            %reduce_or3A_448 = arith.cmpf ogt, %reduce_or3A_446, %reduce_or3A_447 : f32
            %convert_element_type3A_449 = arith.extui %reduce_or3A_448 : i1 to i32
            %cond3A_450 = arith.constant 0 : i32
            %cond3A_451 = arith.cmpi ne, %convert_element_type3A_449, %cond3A_450 : i32
            scf.if %cond3A_451 {
              %mul3A_452 = arith.constant 16 : i32
              %mul3A_453 = arith.muli %scan3A_324, %mul3A_452 : i32
              %add3A_454 = vector.broadcast %mul3A_453 : i32 to vector<16xi32>
              %add3A_455 = arith.addi %add3A_454, %iota3A : vector<16xi32>
              %broadcast_in_dim3A_456 = arith.constant 0 : i32
              %broadcast_in_dim3A_457 = vector.broadcast %broadcast_in_dim3A_456 : i32 to vector<16xi32>
              tpu.vector_store_idx %arg10[%broadcast_in_dim3A_457, %add3A_455], %broadcast_in_dim3A_7 masked %or3A_437 : memref<16x1536xf32, #tpu.memory_space<vmem>>[vector<16xi32>, vector<16xi32>], vector<16xf32>, vector<16xi1>
              %broadcast_in_dim3A_458 = arith.constant 1 : i32
              %broadcast_in_dim3A_459 = vector.broadcast %broadcast_in_dim3A_458 : i32 to vector<16xi32>
              tpu.vector_store_idx %arg10[%broadcast_in_dim3A_459, %add3A_455], %broadcast_in_dim3A_7 masked %or3A_437 : memref<16x1536xf32, #tpu.memory_space<vmem>>[vector<16xi32>, vector<16xi32>], vector<16xf32>, vector<16xi1>
              %broadcast_in_dim3A_460 = arith.constant 2 : i32
              %broadcast_in_dim3A_461 = vector.broadcast %broadcast_in_dim3A_460 : i32 to vector<16xi32>
              tpu.vector_store_idx %arg10[%broadcast_in_dim3A_461, %add3A_455], %broadcast_in_dim3A_7 masked %or3A_437 : memref<16x1536xf32, #tpu.memory_space<vmem>>[vector<16xi32>, vector<16xi32>], vector<16xf32>, vector<16xi1>
              %broadcast_in_dim3A_462 = arith.constant 3 : i32
              %broadcast_in_dim3A_463 = vector.broadcast %broadcast_in_dim3A_462 : i32 to vector<16xi32>
              tpu.vector_store_idx %arg10[%broadcast_in_dim3A_463, %add3A_455], %broadcast_in_dim3A_7 masked %or3A_437 : memref<16x1536xf32, #tpu.memory_space<vmem>>[vector<16xi32>, vector<16xi32>], vector<16xf32>, vector<16xi1>
              %broadcast_in_dim3A_464 = arith.constant 4 : i32
              %broadcast_in_dim3A_465 = vector.broadcast %broadcast_in_dim3A_464 : i32 to vector<16xi32>
              tpu.vector_store_idx %arg10[%broadcast_in_dim3A_465, %add3A_455], %broadcast_in_dim3A_7 masked %or3A_437 : memref<16x1536xf32, #tpu.memory_space<vmem>>[vector<16xi32>, vector<16xi32>], vector<16xf32>, vector<16xi1>
              %broadcast_in_dim3A_466 = arith.constant 5 : i32
              %broadcast_in_dim3A_467 = vector.broadcast %broadcast_in_dim3A_466 : i32 to vector<16xi32>
              tpu.vector_store_idx %arg10[%broadcast_in_dim3A_467, %add3A_455], %broadcast_in_dim3A_7 masked %or3A_437 : memref<16x1536xf32, #tpu.memory_space<vmem>>[vector<16xi32>, vector<16xi32>], vector<16xf32>, vector<16xi1>
              %broadcast_in_dim3A_468 = arith.constant 6 : i32
              %broadcast_in_dim3A_469 = vector.broadcast %broadcast_in_dim3A_468 : i32 to vector<16xi32>
              tpu.vector_store_idx %arg10[%broadcast_in_dim3A_469, %add3A_455], %broadcast_in_dim3A_7 masked %or3A_437 : memref<16x1536xf32, #tpu.memory_space<vmem>>[vector<16xi32>, vector<16xi32>], vector<16xf32>, vector<16xi1>
              %broadcast_in_dim3A_470 = arith.constant 7 : i32
              %broadcast_in_dim3A_471 = vector.broadcast %broadcast_in_dim3A_470 : i32 to vector<16xi32>
              tpu.vector_store_idx %arg10[%broadcast_in_dim3A_471, %add3A_455], %broadcast_in_dim3A_7 masked %or3A_437 : memref<16x1536xf32, #tpu.memory_space<vmem>>[vector<16xi32>, vector<16xi32>], vector<16xf32>, vector<16xi1>
              %broadcast_in_dim3A_472 = arith.constant 8 : i32
              %broadcast_in_dim3A_473 = vector.broadcast %broadcast_in_dim3A_472 : i32 to vector<16xi32>
              tpu.vector_store_idx %arg10[%broadcast_in_dim3A_473, %add3A_455], %broadcast_in_dim3A_7 masked %or3A_437 : memref<16x1536xf32, #tpu.memory_space<vmem>>[vector<16xi32>, vector<16xi32>], vector<16xf32>, vector<16xi1>
              %broadcast_in_dim3A_474 = arith.constant 9 : i32
              %broadcast_in_dim3A_475 = vector.broadcast %broadcast_in_dim3A_474 : i32 to vector<16xi32>
              tpu.vector_store_idx %arg10[%broadcast_in_dim3A_475, %add3A_455], %broadcast_in_dim3A_7 masked %or3A_437 : memref<16x1536xf32, #tpu.memory_space<vmem>>[vector<16xi32>, vector<16xi32>], vector<16xf32>, vector<16xi1>
              %broadcast_in_dim3A_476 = arith.constant 10 : i32
              %broadcast_in_dim3A_477 = vector.broadcast %broadcast_in_dim3A_476 : i32 to vector<16xi32>
              tpu.vector_store_idx %arg10[%broadcast_in_dim3A_477, %add3A_455], %broadcast_in_dim3A_7 masked %or3A_437 : memref<16x1536xf32, #tpu.memory_space<vmem>>[vector<16xi32>, vector<16xi32>], vector<16xf32>, vector<16xi1>
              %broadcast_in_dim3A_478 = arith.constant 11 : i32
              %broadcast_in_dim3A_479 = vector.broadcast %broadcast_in_dim3A_478 : i32 to vector<16xi32>
              tpu.vector_store_idx %arg10[%broadcast_in_dim3A_479, %add3A_455], %broadcast_in_dim3A_7 masked %or3A_437 : memref<16x1536xf32, #tpu.memory_space<vmem>>[vector<16xi32>, vector<16xi32>], vector<16xf32>, vector<16xi1>
              %broadcast_in_dim3A_480 = arith.constant 12 : i32
              %broadcast_in_dim3A_481 = vector.broadcast %broadcast_in_dim3A_480 : i32 to vector<16xi32>
              tpu.vector_store_idx %arg10[%broadcast_in_dim3A_481, %add3A_455], %broadcast_in_dim3A_7 masked %or3A_437 : memref<16x1536xf32, #tpu.memory_space<vmem>>[vector<16xi32>, vector<16xi32>], vector<16xf32>, vector<16xi1>
              %broadcast_in_dim3A_482 = arith.constant 13 : i32
              %broadcast_in_dim3A_483 = vector.broadcast %broadcast_in_dim3A_482 : i32 to vector<16xi32>
              tpu.vector_store_idx %arg10[%broadcast_in_dim3A_483, %add3A_455], %broadcast_in_dim3A_7 masked %or3A_437 : memref<16x1536xf32, #tpu.memory_space<vmem>>[vector<16xi32>, vector<16xi32>], vector<16xf32>, vector<16xi1>
              %broadcast_in_dim3A_484 = arith.constant 14 : i32
              %broadcast_in_dim3A_485 = vector.broadcast %broadcast_in_dim3A_484 : i32 to vector<16xi32>
              tpu.vector_store_idx %arg10[%broadcast_in_dim3A_485, %add3A_455], %broadcast_in_dim3A_7 masked %or3A_437 : memref<16x1536xf32, #tpu.memory_space<vmem>>[vector<16xi32>, vector<16xi32>], vector<16xf32>, vector<16xi1>
              %broadcast_in_dim3A_486 = arith.constant 15 : i32
              %broadcast_in_dim3A_487 = vector.broadcast %broadcast_in_dim3A_486 : i32 to vector<16xi32>
              tpu.vector_store_idx %arg10[%broadcast_in_dim3A_487, %add3A_455], %broadcast_in_dim3A_7 masked %or3A_437 : memref<16x1536xf32, #tpu.memory_space<vmem>>[vector<16xi32>, vector<16xi32>], vector<16xf32>, vector<16xi1>
            } else {
            }
          }
          %scan3A_323 = arith.constant 96 : i32
        } else {
        }
        %mul3A_303 = arith.constant 32 : i32
        %mul3A_304 = arith.muli %add3A_240, %mul3A_303 : i32
        %add3A_305 = arith.addi %mul3A_304, %add3A : i32
        %mul3A_306 = arith.constant 1536 : i32
        %mul3A_307 = arith.muli %add3A_305, %mul3A_306 : i32
        %dma_start3A_308 = arith.constant 0 : i32
        %dma_start3A_309 = tpu.memref_slice %arg6[%dma_start3A_308, %mul3A_307] : memref<16x1000000xf32, #tpu.memory_space<hbm>> -> memref<16x1536xf32, #tpu.memory_space<hbm>>
        %dma_start3A_310 = arith.constant 0 : i32
        %dma_start3A_311 = tpu.memref_slice %arg6[%dma_start3A_310, %mul3A_307] : memref<16x1000000xf32, #tpu.memory_space<hbm>> -> memref<16x1536xf32, #tpu.memory_space<hbm>>
        tpu.enqueue_dma source(%arg10 : memref<16x1536xf32, #tpu.memory_space<vmem>>) target(%dma_start3A_311 : memref<16x1536xf32, #tpu.memory_space<hbm>>) target_semaphore(%arg24 : memref<!tpu.dma_semaphore, #tpu.memory_space<semaphore_mem>>)
        %add3A_312 = arith.constant 3 : i32
        %add3A_313 = arith.addi %add3A_240, %add3A_312 : i32
        %lt3A_314 = arith.cmpi slt, %add3A_313, %select_n3A : i32
        %convert_element_type3A_315 = arith.extui %lt3A_314 : i1 to i32
        %cond3A_316 = arith.constant 0 : i32
        %cond3A_317 = arith.cmpi ne, %convert_element_type3A_315, %cond3A_316 : i32
        scf.if %cond3A_317 {
          %ge3A = arith.constant 1 : i32
          %ge3A_318 = arith.cmpi sge, %add3A_240, %ge3A : i32
          %convert_element_type3A_319 = arith.extui %ge3A_318 : i1 to i32
          %cond3A_320 = arith.constant 0 : i32
          %cond3A_321 = arith.cmpi ne, %convert_element_type3A_319, %cond3A_320 : i32
          scf.if %cond3A_321 {
            %dma_wait3A_355 = arith.constant 0 : i32
            %dma_wait3A_356 = arith.constant 0 : i32
            %dma_wait3A_357 = tpu.memref_slice %arg6[%dma_wait3A_355, %dma_wait3A_356] : memref<16x1000000xf32, #tpu.memory_space<hbm>> -> memref<16x1536xf32, #tpu.memory_space<hbm>>
            %dma_wait3A_358 = arith.constant 0 : i32
            %dma_wait3A_359 = arith.constant 0 : i32
            %dma_wait3A_360 = tpu.memref_slice %arg6[%dma_wait3A_358, %dma_wait3A_359] : memref<16x1000000xf32, #tpu.memory_space<hbm>> -> memref<16x1536xf32, #tpu.memory_space<hbm>>
            tpu.wait_dma2 semaphore(%arg23 : memref<!tpu.dma_semaphore, #tpu.memory_space<semaphore_mem>>) src(%arg9 : memref<16x1536xf32, #tpu.memory_space<vmem>>) dst(%dma_wait3A_360 : memref<16x1536xf32, #tpu.memory_space<hbm>>)
          } else {
          }
          %add3A_322 = arith.constant 3 : i32
          %add3A_323 = arith.addi %add3A_240, %add3A_322 : i32
          %mul3A_324 = arith.constant 32 : i32
          %mul3A_325 = arith.muli %add3A_323, %mul3A_324 : i32
          %add3A_326 = arith.addi %mul3A_325, %add3A : i32
          %mul3A_327 = arith.constant 1536 : i32
          %mul3A_328 = arith.muli %add3A_326, %mul3A_327 : i32
          %dma_start3A_329 = arith.constant 0 : i32
          %dma_start3A_330 = tpu.memref_slice %arg13[%dma_start3A_329] : memref<4608xi32, #tpu.memory_space<vmem>> -> memref<1536xi32, #tpu.memory_space<vmem>>
          %dma_start3A_331 = tpu.memref_slice %arg3[%mul3A_328] : memref<3000000xi32, #tpu.memory_space<hbm>> -> memref<1536xi32, #tpu.memory_space<hbm>>
          %dma_start3A_332 = arith.constant 0 : i32
          %dma_start3A_333 = tpu.memref_slice %arg13[%dma_start3A_332] : memref<4608xi32, #tpu.memory_space<vmem>> -> memref<1536xi32, #tpu.memory_space<vmem>>
          %dma_start3A_334 = tpu.memref_slice %arg3[%mul3A_328] : memref<3000000xi32, #tpu.memory_space<hbm>> -> memref<1536xi32, #tpu.memory_space<hbm>>
          tpu.enqueue_dma source(%dma_start3A_334 : memref<1536xi32, #tpu.memory_space<hbm>>) target(%dma_start3A_333 : memref<1536xi32, #tpu.memory_space<vmem>>) target_semaphore(%arg19 : memref<!tpu.dma_semaphore, #tpu.memory_space<semaphore_mem>>)
          %add3A_335 = arith.constant 1000000 : i32
          %add3A_336 = arith.addi %add3A_335, %mul3A_328 : i32
          %dma_start3A_337 = arith.constant 1536 : i32
          %dma_start3A_338 = tpu.memref_slice %arg13[%dma_start3A_337] : memref<4608xi32, #tpu.memory_space<vmem>> -> memref<1536xi32, #tpu.memory_space<vmem>>
          %dma_start3A_339 = tpu.memref_slice %arg3[%add3A_336] : memref<3000000xi32, #tpu.memory_space<hbm>> -> memref<1536xi32, #tpu.memory_space<hbm>>
          %dma_start3A_340 = arith.constant 1536 : i32
          %dma_start3A_341 = tpu.memref_slice %arg13[%dma_start3A_340] : memref<4608xi32, #tpu.memory_space<vmem>> -> memref<1536xi32, #tpu.memory_space<vmem>>
          %dma_start3A_342 = tpu.memref_slice %arg3[%add3A_336] : memref<3000000xi32, #tpu.memory_space<hbm>> -> memref<1536xi32, #tpu.memory_space<hbm>>
          tpu.enqueue_dma source(%dma_start3A_342 : memref<1536xi32, #tpu.memory_space<hbm>>) target(%dma_start3A_341 : memref<1536xi32, #tpu.memory_space<vmem>>) target_semaphore(%arg19 : memref<!tpu.dma_semaphore, #tpu.memory_space<semaphore_mem>>)
          %add3A_343 = arith.constant 2000000 : i32
          %add3A_344 = arith.addi %add3A_343, %mul3A_328 : i32
          %dma_start3A_345 = arith.constant 3072 : i32
          %dma_start3A_346 = tpu.memref_slice %arg13[%dma_start3A_345] : memref<4608xi32, #tpu.memory_space<vmem>> -> memref<1536xi32, #tpu.memory_space<vmem>>
          %dma_start3A_347 = tpu.memref_slice %arg3[%add3A_344] : memref<3000000xi32, #tpu.memory_space<hbm>> -> memref<1536xi32, #tpu.memory_space<hbm>>
          %dma_start3A_348 = arith.constant 3072 : i32
          %dma_start3A_349 = tpu.memref_slice %arg13[%dma_start3A_348] : memref<4608xi32, #tpu.memory_space<vmem>> -> memref<1536xi32, #tpu.memory_space<vmem>>
          %dma_start3A_350 = tpu.memref_slice %arg3[%add3A_344] : memref<3000000xi32, #tpu.memory_space<hbm>> -> memref<1536xi32, #tpu.memory_space<hbm>>
          tpu.enqueue_dma source(%dma_start3A_350 : memref<1536xi32, #tpu.memory_space<hbm>>) target(%dma_start3A_349 : memref<1536xi32, #tpu.memory_space<vmem>>) target_semaphore(%arg19 : memref<!tpu.dma_semaphore, #tpu.memory_space<semaphore_mem>>)
          %dma_start3A_351 = arith.constant 0 : i32
          %dma_start3A_352 = tpu.memref_slice %arg2[%dma_start3A_351, %mul3A_328] : memref<16x1000000xf32, #tpu.memory_space<hbm>> -> memref<16x1536xf32, #tpu.memory_space<hbm>>
          %dma_start3A_353 = arith.constant 0 : i32
          %dma_start3A_354 = tpu.memref_slice %arg2[%dma_start3A_353, %mul3A_328] : memref<16x1000000xf32, #tpu.memory_space<hbm>> -> memref<16x1536xf32, #tpu.memory_space<hbm>>
          tpu.enqueue_dma source(%dma_start3A_354 : memref<16x1536xf32, #tpu.memory_space<hbm>>) target(%arg9 : memref<16x1536xf32, #tpu.memory_space<vmem>>) target_semaphore(%arg19 : memref<!tpu.dma_semaphore, #tpu.memory_space<semaphore_mem>>)
        } else {
        }
      } else {
      }
      %mul3A_245 = arith.constant 4 : i32
      %mul3A_246 = arith.muli %mul3A_245, %scan3A_220 : i32
      %add3A_247 = arith.constant 3 : i32
      %add3A_248 = arith.addi %mul3A_246, %add3A_247 : i32
      %lt3A_249 = arith.cmpi slt, %add3A_248, %select_n3A : i32
      %convert_element_type3A_250 = arith.extui %lt3A_249 : i1 to i32
      %cond3A_251 = arith.constant 0 : i32
      %cond3A_252 = arith.cmpi ne, %convert_element_type3A_250, %cond3A_251 : i32
      scf.if %cond3A_252 {
        %mul3A_253 = arith.constant 32 : i32
        %mul3A_254 = arith.muli %add3A_248, %mul3A_253 : i32
        %add3A_255 = arith.addi %mul3A_254, %add3A : i32
        %mul3A_256 = arith.constant 1536 : i32
        %mul3A_257 = arith.muli %add3A_255, %mul3A_256 : i32
        %dma_wait3A_258 = arith.constant 0 : i32
        %dma_wait3A_259 = tpu.memref_slice %arg15[%dma_wait3A_258] : memref<4608xi32, #tpu.memory_space<vmem>> -> memref<1536xi32, #tpu.memory_space<vmem>>
        %dma_wait3A_260 = tpu.memref_slice %arg3[%mul3A_257] : memref<3000000xi32, #tpu.memory_space<hbm>> -> memref<1536xi32, #tpu.memory_space<hbm>>
        %dma_wait3A_261 = arith.constant 0 : i32
        %dma_wait3A_262 = tpu.memref_slice %arg15[%dma_wait3A_261] : memref<4608xi32, #tpu.memory_space<vmem>> -> memref<1536xi32, #tpu.memory_space<vmem>>
        %dma_wait3A_263 = tpu.memref_slice %arg3[%mul3A_257] : memref<3000000xi32, #tpu.memory_space<hbm>> -> memref<1536xi32, #tpu.memory_space<hbm>>
        tpu.wait_dma2 semaphore(%arg21 : memref<!tpu.dma_semaphore, #tpu.memory_space<semaphore_mem>>) src(%dma_wait3A_263 : memref<1536xi32, #tpu.memory_space<hbm>>) dst(%dma_wait3A_262 : memref<1536xi32, #tpu.memory_space<vmem>>)
        %add3A_264 = arith.constant 1000000 : i32
        %add3A_265 = arith.addi %add3A_264, %mul3A_257 : i32
        %dma_wait3A_266 = arith.constant 1536 : i32
        %dma_wait3A_267 = tpu.memref_slice %arg15[%dma_wait3A_266] : memref<4608xi32, #tpu.memory_space<vmem>> -> memref<1536xi32, #tpu.memory_space<vmem>>
        %dma_wait3A_268 = tpu.memref_slice %arg3[%add3A_265] : memref<3000000xi32, #tpu.memory_space<hbm>> -> memref<1536xi32, #tpu.memory_space<hbm>>
        %dma_wait3A_269 = arith.constant 1536 : i32
        %dma_wait3A_270 = tpu.memref_slice %arg15[%dma_wait3A_269] : memref<4608xi32, #tpu.memory_space<vmem>> -> memref<1536xi32, #tpu.memory_space<vmem>>
        %dma_wait3A_271 = tpu.memref_slice %arg3[%add3A_265] : memref<3000000xi32, #tpu.memory_space<hbm>> -> memref<1536xi32, #tpu.memory_space<hbm>>
        tpu.wait_dma2 semaphore(%arg21 : memref<!tpu.dma_semaphore, #tpu.memory_space<semaphore_mem>>) src(%dma_wait3A_271 : memref<1536xi32, #tpu.memory_space<hbm>>) dst(%dma_wait3A_270 : memref<1536xi32, #tpu.memory_space<vmem>>)
        %add3A_272 = arith.constant 2000000 : i32
        %add3A_273 = arith.addi %add3A_272, %mul3A_257 : i32
        %dma_wait3A_274 = arith.constant 3072 : i32
        %dma_wait3A_275 = tpu.memref_slice %arg15[%dma_wait3A_274] : memref<4608xi32, #tpu.memory_space<vmem>> -> memref<1536xi32, #tpu.memory_space<vmem>>
        %dma_wait3A_276 = tpu.memref_slice %arg3[%add3A_273] : memref<3000000xi32, #tpu.memory_space<hbm>> -> memref<1536xi32, #tpu.memory_space<hbm>>
        %dma_wait3A_277 = arith.constant 3072 : i32
        %dma_wait3A_278 = tpu.memref_slice %arg15[%dma_wait3A_277] : memref<4608xi32, #tpu.memory_space<vmem>> -> memref<1536xi32, #tpu.memory_space<vmem>>
        %dma_wait3A_279 = tpu.memref_slice %arg3[%add3A_273] : memref<3000000xi32, #tpu.memory_space<hbm>> -> memref<1536xi32, #tpu.memory_space<hbm>>
        tpu.wait_dma2 semaphore(%arg21 : memref<!tpu.dma_semaphore, #tpu.memory_space<semaphore_mem>>) src(%dma_wait3A_279 : memref<1536xi32, #tpu.memory_space<hbm>>) dst(%dma_wait3A_278 : memref<1536xi32, #tpu.memory_space<vmem>>)
        %dma_wait3A_280 = arith.constant 0 : i32
        %dma_wait3A_281 = tpu.memref_slice %arg2[%dma_wait3A_280, %mul3A_257] : memref<16x1000000xf32, #tpu.memory_space<hbm>> -> memref<16x1536xf32, #tpu.memory_space<hbm>>
        %dma_wait3A_282 = arith.constant 0 : i32
        %dma_wait3A_283 = tpu.memref_slice %arg2[%dma_wait3A_282, %mul3A_257] : memref<16x1000000xf32, #tpu.memory_space<hbm>> -> memref<16x1536xf32, #tpu.memory_space<hbm>>
        tpu.wait_dma2 semaphore(%arg21 : memref<!tpu.dma_semaphore, #tpu.memory_space<semaphore_mem>>) src(%dma_wait3A_283 : memref<16x1536xf32, #tpu.memory_space<hbm>>) dst(%arg11 : memref<16x1536xf32, #tpu.memory_space<vmem>>)
        %scan3A_284 = arith.constant 0 : i32
        %scan3A_285 = arith.constant 96 : i32
        %scan3A_286 = arith.addi %scan3A_284, %scan3A_285 : i32
        %scan3A_287 = arith.constant 1 : i32
        %scan3A_288 = scf.for %scan3A_318 = %scan3A_284 to %scan3A_286 step %scan3A_287 iter_args(%scan3A_319 = %broadcast_in_dim3A_9) -> (vector<16xi1>)  : i32 {
          %mul3A_320 = arith.constant 16 : i32
          %mul3A_321 = arith.muli %scan3A_318, %mul3A_320 : i32
          %get3A = arith.index_cast %mul3A_321 : i32 to index
          %get3A_322 = tpu.vector_load %arg15[%get3A] {strides = array<i32>} : memref<4608xi32, #tpu.memory_space<vmem>>, vector<16xi32>,
          %add3A_323 = arith.constant 1536 : i32
          %add3A_324 = arith.addi %add3A_323, %mul3A_321 : i32
          %get3A_325 = arith.index_cast %add3A_324 : i32 to index
          %get3A_326 = tpu.vector_load %arg15[%get3A_325] {strides = array<i32>} : memref<4608xi32, #tpu.memory_space<vmem>>, vector<16xi32>,
          %add3A_327 = arith.constant 3072 : i32
          %add3A_328 = arith.addi %add3A_327, %mul3A_321 : i32
          %get3A_329 = arith.index_cast %add3A_328 : i32 to index
          %get3A_330 = tpu.vector_load %arg15[%get3A_329] {strides = array<i32>} : memref<4608xi32, #tpu.memory_space<vmem>>, vector<16xi32>,
          %mul3A_331 = arith.constant 65536 : i32
          %mul3A_332 = vector.broadcast %mul3A_331 : i32 to vector<16xi32>
          %mul3A_333 = arith.muli %get3A_322, %mul3A_332 : vector<16xi32>
          %mul3A_334 = arith.constant 256 : i32
          %mul3A_335 = vector.broadcast %mul3A_334 : i32 to vector<16xi32>
          %mul3A_336 = arith.muli %get3A_326, %mul3A_335 : vector<16xi32>
          %add3A_337 = arith.addi %mul3A_333, %mul3A_336 : vector<16xi32>
          %add3A_338 = arith.addi %add3A_337, %get3A_330 : vector<16xi32>
          %eq3A_339 = vector.broadcast %squeeze3A : i32 to vector<16xi32>
          %eq3A_340 = arith.cmpi eq, %add3A_338, %eq3A_339 : vector<16xi32>
          %eq3A_341 = vector.broadcast %squeeze3A_24 : i32 to vector<16xi32>
          %eq3A_342 = arith.cmpi eq, %add3A_338, %eq3A_341 : vector<16xi32>
          %or3A = arith.ori %eq3A_340, %eq3A_342 : vector<16xi1>
          %eq3A_343 = vector.broadcast %squeeze3A_26 : i32 to vector<16xi32>
          %eq3A_344 = arith.cmpi eq, %add3A_338, %eq3A_343 : vector<16xi32>
          %or3A_345 = arith.ori %or3A, %eq3A_344 : vector<16xi1>
          %eq3A_346 = vector.broadcast %squeeze3A_28 : i32 to vector<16xi32>
          %eq3A_347 = arith.cmpi eq, %add3A_338, %eq3A_346 : vector<16xi32>
          %or3A_348 = arith.ori %or3A_345, %eq3A_347 : vector<16xi1>
          %eq3A_349 = vector.broadcast %squeeze3A_30 : i32 to vector<16xi32>
          %eq3A_350 = arith.cmpi eq, %add3A_338, %eq3A_349 : vector<16xi32>
          %or3A_351 = arith.ori %or3A_348, %eq3A_350 : vector<16xi1>
          %eq3A_352 = vector.broadcast %squeeze3A_32 : i32 to vector<16xi32>
          %eq3A_353 = arith.cmpi eq, %add3A_338, %eq3A_352 : vector<16xi32>
          %or3A_354 = arith.ori %or3A_351, %eq3A_353 : vector<16xi1>
          %eq3A_355 = vector.broadcast %squeeze3A_34 : i32 to vector<16xi32>
          %eq3A_356 = arith.cmpi eq, %add3A_338, %eq3A_355 : vector<16xi32>
          %or3A_357 = arith.ori %or3A_354, %eq3A_356 : vector<16xi1>
          %eq3A_358 = vector.broadcast %squeeze3A_36 : i32 to vector<16xi32>
          %eq3A_359 = arith.cmpi eq, %add3A_338, %eq3A_358 : vector<16xi32>
          %or3A_360 = arith.ori %or3A_357, %eq3A_359 : vector<16xi1>
          %eq3A_361 = vector.broadcast %squeeze3A_38 : i32 to vector<16xi32>
          %eq3A_362 = arith.cmpi eq, %add3A_338, %eq3A_361 : vector<16xi32>
          %or3A_363 = arith.ori %or3A_360, %eq3A_362 : vector<16xi1>
          %eq3A_364 = vector.broadcast %squeeze3A_40 : i32 to vector<16xi32>
          %eq3A_365 = arith.cmpi eq, %add3A_338, %eq3A_364 : vector<16xi32>
          %or3A_366 = arith.ori %or3A_363, %eq3A_365 : vector<16xi1>
          %eq3A_367 = vector.broadcast %squeeze3A_42 : i32 to vector<16xi32>
          %eq3A_368 = arith.cmpi eq, %add3A_338, %eq3A_367 : vector<16xi32>
          %or3A_369 = arith.ori %or3A_366, %eq3A_368 : vector<16xi1>
          %eq3A_370 = vector.broadcast %squeeze3A_44 : i32 to vector<16xi32>
          %eq3A_371 = arith.cmpi eq, %add3A_338, %eq3A_370 : vector<16xi32>
          %or3A_372 = arith.ori %or3A_369, %eq3A_371 : vector<16xi1>
          %eq3A_373 = vector.broadcast %squeeze3A_46 : i32 to vector<16xi32>
          %eq3A_374 = arith.cmpi eq, %add3A_338, %eq3A_373 : vector<16xi32>
          %or3A_375 = arith.ori %or3A_372, %eq3A_374 : vector<16xi1>
          %eq3A_376 = vector.broadcast %squeeze3A_48 : i32 to vector<16xi32>
          %eq3A_377 = arith.cmpi eq, %add3A_338, %eq3A_376 : vector<16xi32>
          %or3A_378 = arith.ori %or3A_375, %eq3A_377 : vector<16xi1>
          %eq3A_379 = vector.broadcast %squeeze3A_50 : i32 to vector<16xi32>
          %eq3A_380 = arith.cmpi eq, %add3A_338, %eq3A_379 : vector<16xi32>
          %or3A_381 = arith.ori %or3A_378, %eq3A_380 : vector<16xi1>
          %eq3A_382 = vector.broadcast %squeeze3A_52 : i32 to vector<16xi32>
          %eq3A_383 = arith.cmpi eq, %add3A_338, %eq3A_382 : vector<16xi32>
          %or3A_384 = arith.ori %or3A_381, %eq3A_383 : vector<16xi1>
          %eq3A_385 = vector.broadcast %squeeze3A_68 : i32 to vector<16xi32>
          %eq3A_386 = arith.cmpi eq, %add3A_338, %eq3A_385 : vector<16xi32>
          %or3A_387 = arith.ori %or3A_384, %eq3A_386 : vector<16xi1>
          %eq3A_388 = vector.broadcast %squeeze3A_70 : i32 to vector<16xi32>
          %eq3A_389 = arith.cmpi eq, %add3A_338, %eq3A_388 : vector<16xi32>
          %or3A_390 = arith.ori %or3A_387, %eq3A_389 : vector<16xi1>
          %eq3A_391 = vector.broadcast %squeeze3A_72 : i32 to vector<16xi32>
          %eq3A_392 = arith.cmpi eq, %add3A_338, %eq3A_391 : vector<16xi32>
          %or3A_393 = arith.ori %or3A_390, %eq3A_392 : vector<16xi1>
          %eq3A_394 = vector.broadcast %squeeze3A_74 : i32 to vector<16xi32>
          %eq3A_395 = arith.cmpi eq, %add3A_338, %eq3A_394 : vector<16xi32>
          %or3A_396 = arith.ori %or3A_393, %eq3A_395 : vector<16xi1>
          %eq3A_397 = vector.broadcast %squeeze3A_76 : i32 to vector<16xi32>
          %eq3A_398 = arith.cmpi eq, %add3A_338, %eq3A_397 : vector<16xi32>
          %or3A_399 = arith.ori %or3A_396, %eq3A_398 : vector<16xi1>
          %eq3A_400 = vector.broadcast %squeeze3A_78 : i32 to vector<16xi32>
          %eq3A_401 = arith.cmpi eq, %add3A_338, %eq3A_400 : vector<16xi32>
          %or3A_402 = arith.ori %or3A_399, %eq3A_401 : vector<16xi1>
          %eq3A_403 = vector.broadcast %squeeze3A_80 : i32 to vector<16xi32>
          %eq3A_404 = arith.cmpi eq, %add3A_338, %eq3A_403 : vector<16xi32>
          %or3A_405 = arith.ori %or3A_402, %eq3A_404 : vector<16xi1>
          %eq3A_406 = vector.broadcast %squeeze3A_82 : i32 to vector<16xi32>
          %eq3A_407 = arith.cmpi eq, %add3A_338, %eq3A_406 : vector<16xi32>
          %or3A_408 = arith.ori %or3A_405, %eq3A_407 : vector<16xi1>
          %eq3A_409 = vector.broadcast %squeeze3A_84 : i32 to vector<16xi32>
          %eq3A_410 = arith.cmpi eq, %add3A_338, %eq3A_409 : vector<16xi32>
          %or3A_411 = arith.ori %or3A_408, %eq3A_410 : vector<16xi1>
          %eq3A_412 = vector.broadcast %squeeze3A_86 : i32 to vector<16xi32>
          %eq3A_413 = arith.cmpi eq, %add3A_338, %eq3A_412 : vector<16xi32>
          %or3A_414 = arith.ori %or3A_411, %eq3A_413 : vector<16xi1>
          %eq3A_415 = vector.broadcast %squeeze3A_88 : i32 to vector<16xi32>
          %eq3A_416 = arith.cmpi eq, %add3A_338, %eq3A_415 : vector<16xi32>
          %or3A_417 = arith.ori %or3A_414, %eq3A_416 : vector<16xi1>
          %eq3A_418 = vector.broadcast %squeeze3A_90 : i32 to vector<16xi32>
          %eq3A_419 = arith.cmpi eq, %add3A_338, %eq3A_418 : vector<16xi32>
          %or3A_420 = arith.ori %or3A_417, %eq3A_419 : vector<16xi1>
          %eq3A_421 = vector.broadcast %squeeze3A_92 : i32 to vector<16xi32>
          %eq3A_422 = arith.cmpi eq, %add3A_338, %eq3A_421 : vector<16xi32>
          %or3A_423 = arith.ori %or3A_420, %eq3A_422 : vector<16xi1>
          %eq3A_424 = vector.broadcast %squeeze3A_94 : i32 to vector<16xi32>
          %eq3A_425 = arith.cmpi eq, %add3A_338, %eq3A_424 : vector<16xi32>
          %or3A_426 = arith.ori %or3A_423, %eq3A_425 : vector<16xi1>
          %eq3A_427 = vector.broadcast %squeeze3A_96 : i32 to vector<16xi32>
          %eq3A_428 = arith.cmpi eq, %add3A_338, %eq3A_427 : vector<16xi32>
          %or3A_429 = arith.ori %or3A_426, %eq3A_428 : vector<16xi1>
          %eq3A_430 = vector.broadcast %squeeze3A_98 : i32 to vector<16xi32>
          %eq3A_431 = arith.cmpi eq, %add3A_338, %eq3A_430 : vector<16xi32>
          %or3A_432 = arith.ori %or3A_429, %eq3A_431 : vector<16xi1>
          %or3A_433 = arith.ori %scan3A_319, %or3A_432 : vector<16xi1>
          scf.yield %or3A_433 : vector<16xi1>
        }
        %scan3A_289 = arith.constant 96 : i32
        %reduce_or3A = arith.constant 1.000000e+00 : f32
        %reduce_or3A_290 = arith.constant 0.000000e+00 : f32
        %reduce_or3A_291 = vector.broadcast %reduce_or3A : f32 to vector<16xf32>
        %reduce_or3A_292 = vector.broadcast %reduce_or3A_290 : f32 to vector<16xf32>
        %reduce_or3A_293 = arith.select %scan3A_288, %reduce_or3A_291, %reduce_or3A_292 : vector<16xi1>, vector<16xf32>
        %reduce_or3A_294 = arith.constant true
        %reduce_or3A_295 = vector.broadcast %reduce_or3A_294 : i1 to vector<16xi1>
        %reduce_or3A_296 = tpu.scan <max>, %reduce_or3A_293 masked %reduce_or3A_295 : vector<16xf32>, vector<16xi1> -> vector<16xf32>
        %reduce_or3A_297 = vector.extract %reduce_or3A_296[15] : f32 from vector<16xf32>
        %reduce_or3A_298 = arith.constant 0.000000e+00 : f32
        %reduce_or3A_299 = arith.cmpf ogt, %reduce_or3A_297, %reduce_or3A_298 : f32
        %convert_element_type3A_300 = arith.extui %reduce_or3A_299 : i1 to i32
        %cond3A_301 = arith.constant 0 : i32
        %cond3A_302 = arith.cmpi ne, %convert_element_type3A_300, %cond3A_301 : i32
        scf.if %cond3A_302 {
          %scan3A_318 = arith.constant 0 : i32
          %scan3A_319 = arith.constant 0 : i32
          %scan3A_320 = arith.constant 96 : i32
          %scan3A_321 = arith.addi %scan3A_319, %scan3A_320 : i32
          %scan3A_322 = arith.constant 1 : i32
          scf.for %scan3A_324 = %scan3A_319 to %scan3A_321 step %scan3A_322  : i32 {
            %mul3A_325 = arith.constant 16 : i32
            %mul3A_326 = arith.muli %scan3A_324, %mul3A_325 : i32
            %get3A = arith.index_cast %mul3A_326 : i32 to index
            %get3A_327 = tpu.vector_load %arg15[%get3A] {strides = array<i32>} : memref<4608xi32, #tpu.memory_space<vmem>>, vector<16xi32>,
            %add3A_328 = arith.constant 1536 : i32
            %add3A_329 = arith.addi %add3A_328, %mul3A_326 : i32
            %get3A_330 = arith.index_cast %add3A_329 : i32 to index
            %get3A_331 = tpu.vector_load %arg15[%get3A_330] {strides = array<i32>} : memref<4608xi32, #tpu.memory_space<vmem>>, vector<16xi32>,
            %add3A_332 = arith.constant 3072 : i32
            %add3A_333 = arith.addi %add3A_332, %mul3A_326 : i32
            %get3A_334 = arith.index_cast %add3A_333 : i32 to index
            %get3A_335 = tpu.vector_load %arg15[%get3A_334] {strides = array<i32>} : memref<4608xi32, #tpu.memory_space<vmem>>, vector<16xi32>,
            %mul3A_336 = arith.constant 65536 : i32
            %mul3A_337 = vector.broadcast %mul3A_336 : i32 to vector<16xi32>
            %mul3A_338 = arith.muli %get3A_327, %mul3A_337 : vector<16xi32>
            %mul3A_339 = arith.constant 256 : i32
            %mul3A_340 = vector.broadcast %mul3A_339 : i32 to vector<16xi32>
            %mul3A_341 = arith.muli %get3A_331, %mul3A_340 : vector<16xi32>
            %add3A_342 = arith.addi %mul3A_338, %mul3A_341 : vector<16xi32>
            %add3A_343 = arith.addi %add3A_342, %get3A_335 : vector<16xi32>
            %eq3A_344 = vector.broadcast %squeeze3A : i32 to vector<16xi32>
            %eq3A_345 = arith.cmpi eq, %add3A_343, %eq3A_344 : vector<16xi32>
            %eq3A_346 = vector.broadcast %squeeze3A_24 : i32 to vector<16xi32>
            %eq3A_347 = arith.cmpi eq, %add3A_343, %eq3A_346 : vector<16xi32>
            %or3A = arith.ori %eq3A_345, %eq3A_347 : vector<16xi1>
            %eq3A_348 = vector.broadcast %squeeze3A_26 : i32 to vector<16xi32>
            %eq3A_349 = arith.cmpi eq, %add3A_343, %eq3A_348 : vector<16xi32>
            %or3A_350 = arith.ori %or3A, %eq3A_349 : vector<16xi1>
            %eq3A_351 = vector.broadcast %squeeze3A_28 : i32 to vector<16xi32>
            %eq3A_352 = arith.cmpi eq, %add3A_343, %eq3A_351 : vector<16xi32>
            %or3A_353 = arith.ori %or3A_350, %eq3A_352 : vector<16xi1>
            %eq3A_354 = vector.broadcast %squeeze3A_30 : i32 to vector<16xi32>
            %eq3A_355 = arith.cmpi eq, %add3A_343, %eq3A_354 : vector<16xi32>
            %or3A_356 = arith.ori %or3A_353, %eq3A_355 : vector<16xi1>
            %eq3A_357 = vector.broadcast %squeeze3A_32 : i32 to vector<16xi32>
            %eq3A_358 = arith.cmpi eq, %add3A_343, %eq3A_357 : vector<16xi32>
            %or3A_359 = arith.ori %or3A_356, %eq3A_358 : vector<16xi1>
            %eq3A_360 = vector.broadcast %squeeze3A_34 : i32 to vector<16xi32>
            %eq3A_361 = arith.cmpi eq, %add3A_343, %eq3A_360 : vector<16xi32>
            %or3A_362 = arith.ori %or3A_359, %eq3A_361 : vector<16xi1>
            %eq3A_363 = vector.broadcast %squeeze3A_36 : i32 to vector<16xi32>
            %eq3A_364 = arith.cmpi eq, %add3A_343, %eq3A_363 : vector<16xi32>
            %or3A_365 = arith.ori %or3A_362, %eq3A_364 : vector<16xi1>
            %eq3A_366 = vector.broadcast %squeeze3A_38 : i32 to vector<16xi32>
            %eq3A_367 = arith.cmpi eq, %add3A_343, %eq3A_366 : vector<16xi32>
            %or3A_368 = arith.ori %or3A_365, %eq3A_367 : vector<16xi1>
            %eq3A_369 = vector.broadcast %squeeze3A_40 : i32 to vector<16xi32>
            %eq3A_370 = arith.cmpi eq, %add3A_343, %eq3A_369 : vector<16xi32>
            %or3A_371 = arith.ori %or3A_368, %eq3A_370 : vector<16xi1>
            %eq3A_372 = vector.broadcast %squeeze3A_42 : i32 to vector<16xi32>
            %eq3A_373 = arith.cmpi eq, %add3A_343, %eq3A_372 : vector<16xi32>
            %or3A_374 = arith.ori %or3A_371, %eq3A_373 : vector<16xi1>
            %eq3A_375 = vector.broadcast %squeeze3A_44 : i32 to vector<16xi32>
            %eq3A_376 = arith.cmpi eq, %add3A_343, %eq3A_375 : vector<16xi32>
            %or3A_377 = arith.ori %or3A_374, %eq3A_376 : vector<16xi1>
            %eq3A_378 = vector.broadcast %squeeze3A_46 : i32 to vector<16xi32>
            %eq3A_379 = arith.cmpi eq, %add3A_343, %eq3A_378 : vector<16xi32>
            %or3A_380 = arith.ori %or3A_377, %eq3A_379 : vector<16xi1>
            %eq3A_381 = vector.broadcast %squeeze3A_48 : i32 to vector<16xi32>
            %eq3A_382 = arith.cmpi eq, %add3A_343, %eq3A_381 : vector<16xi32>
            %or3A_383 = arith.ori %or3A_380, %eq3A_382 : vector<16xi1>
            %eq3A_384 = vector.broadcast %squeeze3A_50 : i32 to vector<16xi32>
            %eq3A_385 = arith.cmpi eq, %add3A_343, %eq3A_384 : vector<16xi32>
            %or3A_386 = arith.ori %or3A_383, %eq3A_385 : vector<16xi1>
            %eq3A_387 = vector.broadcast %squeeze3A_52 : i32 to vector<16xi32>
            %eq3A_388 = arith.cmpi eq, %add3A_343, %eq3A_387 : vector<16xi32>
            %or3A_389 = arith.ori %or3A_386, %eq3A_388 : vector<16xi1>
            %eq3A_390 = vector.broadcast %squeeze3A_68 : i32 to vector<16xi32>
            %eq3A_391 = arith.cmpi eq, %add3A_343, %eq3A_390 : vector<16xi32>
            %or3A_392 = arith.ori %or3A_389, %eq3A_391 : vector<16xi1>
            %eq3A_393 = vector.broadcast %squeeze3A_70 : i32 to vector<16xi32>
            %eq3A_394 = arith.cmpi eq, %add3A_343, %eq3A_393 : vector<16xi32>
            %or3A_395 = arith.ori %or3A_392, %eq3A_394 : vector<16xi1>
            %eq3A_396 = vector.broadcast %squeeze3A_72 : i32 to vector<16xi32>
            %eq3A_397 = arith.cmpi eq, %add3A_343, %eq3A_396 : vector<16xi32>
            %or3A_398 = arith.ori %or3A_395, %eq3A_397 : vector<16xi1>
            %eq3A_399 = vector.broadcast %squeeze3A_74 : i32 to vector<16xi32>
            %eq3A_400 = arith.cmpi eq, %add3A_343, %eq3A_399 : vector<16xi32>
            %or3A_401 = arith.ori %or3A_398, %eq3A_400 : vector<16xi1>
            %eq3A_402 = vector.broadcast %squeeze3A_76 : i32 to vector<16xi32>
            %eq3A_403 = arith.cmpi eq, %add3A_343, %eq3A_402 : vector<16xi32>
            %or3A_404 = arith.ori %or3A_401, %eq3A_403 : vector<16xi1>
            %eq3A_405 = vector.broadcast %squeeze3A_78 : i32 to vector<16xi32>
            %eq3A_406 = arith.cmpi eq, %add3A_343, %eq3A_405 : vector<16xi32>
            %or3A_407 = arith.ori %or3A_404, %eq3A_406 : vector<16xi1>
            %eq3A_408 = vector.broadcast %squeeze3A_80 : i32 to vector<16xi32>
            %eq3A_409 = arith.cmpi eq, %add3A_343, %eq3A_408 : vector<16xi32>
            %or3A_410 = arith.ori %or3A_407, %eq3A_409 : vector<16xi1>
            %eq3A_411 = vector.broadcast %squeeze3A_82 : i32 to vector<16xi32>
            %eq3A_412 = arith.cmpi eq, %add3A_343, %eq3A_411 : vector<16xi32>
            %or3A_413 = arith.ori %or3A_410, %eq3A_412 : vector<16xi1>
            %eq3A_414 = vector.broadcast %squeeze3A_84 : i32 to vector<16xi32>
            %eq3A_415 = arith.cmpi eq, %add3A_343, %eq3A_414 : vector<16xi32>
            %or3A_416 = arith.ori %or3A_413, %eq3A_415 : vector<16xi1>
            %eq3A_417 = vector.broadcast %squeeze3A_86 : i32 to vector<16xi32>
            %eq3A_418 = arith.cmpi eq, %add3A_343, %eq3A_417 : vector<16xi32>
            %or3A_419 = arith.ori %or3A_416, %eq3A_418 : vector<16xi1>
            %eq3A_420 = vector.broadcast %squeeze3A_88 : i32 to vector<16xi32>
            %eq3A_421 = arith.cmpi eq, %add3A_343, %eq3A_420 : vector<16xi32>
            %or3A_422 = arith.ori %or3A_419, %eq3A_421 : vector<16xi1>
            %eq3A_423 = vector.broadcast %squeeze3A_90 : i32 to vector<16xi32>
            %eq3A_424 = arith.cmpi eq, %add3A_343, %eq3A_423 : vector<16xi32>
            %or3A_425 = arith.ori %or3A_422, %eq3A_424 : vector<16xi1>
            %eq3A_426 = vector.broadcast %squeeze3A_92 : i32 to vector<16xi32>
            %eq3A_427 = arith.cmpi eq, %add3A_343, %eq3A_426 : vector<16xi32>
            %or3A_428 = arith.ori %or3A_425, %eq3A_427 : vector<16xi1>
            %eq3A_429 = vector.broadcast %squeeze3A_94 : i32 to vector<16xi32>
            %eq3A_430 = arith.cmpi eq, %add3A_343, %eq3A_429 : vector<16xi32>
            %or3A_431 = arith.ori %or3A_428, %eq3A_430 : vector<16xi1>
            %eq3A_432 = vector.broadcast %squeeze3A_96 : i32 to vector<16xi32>
            %eq3A_433 = arith.cmpi eq, %add3A_343, %eq3A_432 : vector<16xi32>
            %or3A_434 = arith.ori %or3A_431, %eq3A_433 : vector<16xi1>
            %eq3A_435 = vector.broadcast %squeeze3A_98 : i32 to vector<16xi32>
            %eq3A_436 = arith.cmpi eq, %add3A_343, %eq3A_435 : vector<16xi32>
            %or3A_437 = arith.ori %or3A_434, %eq3A_436 : vector<16xi1>
            %reduce_or3A_438 = arith.constant 1.000000e+00 : f32
            %reduce_or3A_439 = arith.constant 0.000000e+00 : f32
            %reduce_or3A_440 = vector.broadcast %reduce_or3A_438 : f32 to vector<16xf32>
            %reduce_or3A_441 = vector.broadcast %reduce_or3A_439 : f32 to vector<16xf32>
            %reduce_or3A_442 = arith.select %or3A_437, %reduce_or3A_440, %reduce_or3A_441 : vector<16xi1>, vector<16xf32>
            %reduce_or3A_443 = arith.constant true
            %reduce_or3A_444 = vector.broadcast %reduce_or3A_443 : i1 to vector<16xi1>
            %reduce_or3A_445 = tpu.scan <max>, %reduce_or3A_442 masked %reduce_or3A_444 : vector<16xf32>, vector<16xi1> -> vector<16xf32>
            %reduce_or3A_446 = vector.extract %reduce_or3A_445[15] : f32 from vector<16xf32>
            %reduce_or3A_447 = arith.constant 0.000000e+00 : f32
            %reduce_or3A_448 = arith.cmpf ogt, %reduce_or3A_446, %reduce_or3A_447 : f32
            %convert_element_type3A_449 = arith.extui %reduce_or3A_448 : i1 to i32
            %cond3A_450 = arith.constant 0 : i32
            %cond3A_451 = arith.cmpi ne, %convert_element_type3A_449, %cond3A_450 : i32
            scf.if %cond3A_451 {
              %mul3A_452 = arith.constant 16 : i32
              %mul3A_453 = arith.muli %scan3A_324, %mul3A_452 : i32
              %add3A_454 = vector.broadcast %mul3A_453 : i32 to vector<16xi32>
              %add3A_455 = arith.addi %add3A_454, %iota3A : vector<16xi32>
              %broadcast_in_dim3A_456 = arith.constant 0 : i32
              %broadcast_in_dim3A_457 = vector.broadcast %broadcast_in_dim3A_456 : i32 to vector<16xi32>
              tpu.vector_store_idx %arg11[%broadcast_in_dim3A_457, %add3A_455], %broadcast_in_dim3A_7 masked %or3A_437 : memref<16x1536xf32, #tpu.memory_space<vmem>>[vector<16xi32>, vector<16xi32>], vector<16xf32>, vector<16xi1>
              %broadcast_in_dim3A_458 = arith.constant 1 : i32
              %broadcast_in_dim3A_459 = vector.broadcast %broadcast_in_dim3A_458 : i32 to vector<16xi32>
              tpu.vector_store_idx %arg11[%broadcast_in_dim3A_459, %add3A_455], %broadcast_in_dim3A_7 masked %or3A_437 : memref<16x1536xf32, #tpu.memory_space<vmem>>[vector<16xi32>, vector<16xi32>], vector<16xf32>, vector<16xi1>
              %broadcast_in_dim3A_460 = arith.constant 2 : i32
              %broadcast_in_dim3A_461 = vector.broadcast %broadcast_in_dim3A_460 : i32 to vector<16xi32>
              tpu.vector_store_idx %arg11[%broadcast_in_dim3A_461, %add3A_455], %broadcast_in_dim3A_7 masked %or3A_437 : memref<16x1536xf32, #tpu.memory_space<vmem>>[vector<16xi32>, vector<16xi32>], vector<16xf32>, vector<16xi1>
              %broadcast_in_dim3A_462 = arith.constant 3 : i32
              %broadcast_in_dim3A_463 = vector.broadcast %broadcast_in_dim3A_462 : i32 to vector<16xi32>
              tpu.vector_store_idx %arg11[%broadcast_in_dim3A_463, %add3A_455], %broadcast_in_dim3A_7 masked %or3A_437 : memref<16x1536xf32, #tpu.memory_space<vmem>>[vector<16xi32>, vector<16xi32>], vector<16xf32>, vector<16xi1>
              %broadcast_in_dim3A_464 = arith.constant 4 : i32
              %broadcast_in_dim3A_465 = vector.broadcast %broadcast_in_dim3A_464 : i32 to vector<16xi32>
              tpu.vector_store_idx %arg11[%broadcast_in_dim3A_465, %add3A_455], %broadcast_in_dim3A_7 masked %or3A_437 : memref<16x1536xf32, #tpu.memory_space<vmem>>[vector<16xi32>, vector<16xi32>], vector<16xf32>, vector<16xi1>
              %broadcast_in_dim3A_466 = arith.constant 5 : i32
              %broadcast_in_dim3A_467 = vector.broadcast %broadcast_in_dim3A_466 : i32 to vector<16xi32>
              tpu.vector_store_idx %arg11[%broadcast_in_dim3A_467, %add3A_455], %broadcast_in_dim3A_7 masked %or3A_437 : memref<16x1536xf32, #tpu.memory_space<vmem>>[vector<16xi32>, vector<16xi32>], vector<16xf32>, vector<16xi1>
              %broadcast_in_dim3A_468 = arith.constant 6 : i32
              %broadcast_in_dim3A_469 = vector.broadcast %broadcast_in_dim3A_468 : i32 to vector<16xi32>
              tpu.vector_store_idx %arg11[%broadcast_in_dim3A_469, %add3A_455], %broadcast_in_dim3A_7 masked %or3A_437 : memref<16x1536xf32, #tpu.memory_space<vmem>>[vector<16xi32>, vector<16xi32>], vector<16xf32>, vector<16xi1>
              %broadcast_in_dim3A_470 = arith.constant 7 : i32
              %broadcast_in_dim3A_471 = vector.broadcast %broadcast_in_dim3A_470 : i32 to vector<16xi32>
              tpu.vector_store_idx %arg11[%broadcast_in_dim3A_471, %add3A_455], %broadcast_in_dim3A_7 masked %or3A_437 : memref<16x1536xf32, #tpu.memory_space<vmem>>[vector<16xi32>, vector<16xi32>], vector<16xf32>, vector<16xi1>
              %broadcast_in_dim3A_472 = arith.constant 8 : i32
              %broadcast_in_dim3A_473 = vector.broadcast %broadcast_in_dim3A_472 : i32 to vector<16xi32>
              tpu.vector_store_idx %arg11[%broadcast_in_dim3A_473, %add3A_455], %broadcast_in_dim3A_7 masked %or3A_437 : memref<16x1536xf32, #tpu.memory_space<vmem>>[vector<16xi32>, vector<16xi32>], vector<16xf32>, vector<16xi1>
              %broadcast_in_dim3A_474 = arith.constant 9 : i32
              %broadcast_in_dim3A_475 = vector.broadcast %broadcast_in_dim3A_474 : i32 to vector<16xi32>
              tpu.vector_store_idx %arg11[%broadcast_in_dim3A_475, %add3A_455], %broadcast_in_dim3A_7 masked %or3A_437 : memref<16x1536xf32, #tpu.memory_space<vmem>>[vector<16xi32>, vector<16xi32>], vector<16xf32>, vector<16xi1>
              %broadcast_in_dim3A_476 = arith.constant 10 : i32
              %broadcast_in_dim3A_477 = vector.broadcast %broadcast_in_dim3A_476 : i32 to vector<16xi32>
              tpu.vector_store_idx %arg11[%broadcast_in_dim3A_477, %add3A_455], %broadcast_in_dim3A_7 masked %or3A_437 : memref<16x1536xf32, #tpu.memory_space<vmem>>[vector<16xi32>, vector<16xi32>], vector<16xf32>, vector<16xi1>
              %broadcast_in_dim3A_478 = arith.constant 11 : i32
              %broadcast_in_dim3A_479 = vector.broadcast %broadcast_in_dim3A_478 : i32 to vector<16xi32>
              tpu.vector_store_idx %arg11[%broadcast_in_dim3A_479, %add3A_455], %broadcast_in_dim3A_7 masked %or3A_437 : memref<16x1536xf32, #tpu.memory_space<vmem>>[vector<16xi32>, vector<16xi32>], vector<16xf32>, vector<16xi1>
              %broadcast_in_dim3A_480 = arith.constant 12 : i32
              %broadcast_in_dim3A_481 = vector.broadcast %broadcast_in_dim3A_480 : i32 to vector<16xi32>
              tpu.vector_store_idx %arg11[%broadcast_in_dim3A_481, %add3A_455], %broadcast_in_dim3A_7 masked %or3A_437 : memref<16x1536xf32, #tpu.memory_space<vmem>>[vector<16xi32>, vector<16xi32>], vector<16xf32>, vector<16xi1>
              %broadcast_in_dim3A_482 = arith.constant 13 : i32
              %broadcast_in_dim3A_483 = vector.broadcast %broadcast_in_dim3A_482 : i32 to vector<16xi32>
              tpu.vector_store_idx %arg11[%broadcast_in_dim3A_483, %add3A_455], %broadcast_in_dim3A_7 masked %or3A_437 : memref<16x1536xf32, #tpu.memory_space<vmem>>[vector<16xi32>, vector<16xi32>], vector<16xf32>, vector<16xi1>
              %broadcast_in_dim3A_484 = arith.constant 14 : i32
              %broadcast_in_dim3A_485 = vector.broadcast %broadcast_in_dim3A_484 : i32 to vector<16xi32>
              tpu.vector_store_idx %arg11[%broadcast_in_dim3A_485, %add3A_455], %broadcast_in_dim3A_7 masked %or3A_437 : memref<16x1536xf32, #tpu.memory_space<vmem>>[vector<16xi32>, vector<16xi32>], vector<16xf32>, vector<16xi1>
              %broadcast_in_dim3A_486 = arith.constant 15 : i32
              %broadcast_in_dim3A_487 = vector.broadcast %broadcast_in_dim3A_486 : i32 to vector<16xi32>
              tpu.vector_store_idx %arg11[%broadcast_in_dim3A_487, %add3A_455], %broadcast_in_dim3A_7 masked %or3A_437 : memref<16x1536xf32, #tpu.memory_space<vmem>>[vector<16xi32>, vector<16xi32>], vector<16xf32>, vector<16xi1>
            } else {
            }
          }
          %scan3A_323 = arith.constant 96 : i32
        } else {
        }
        %mul3A_303 = arith.constant 32 : i32
        %mul3A_304 = arith.muli %add3A_248, %mul3A_303 : i32
        %add3A_305 = arith.addi %mul3A_304, %add3A : i32
        %mul3A_306 = arith.constant 1536 : i32
        %mul3A_307 = arith.muli %add3A_305, %mul3A_306 : i32
        %dma_start3A_308 = arith.constant 0 : i32
        %dma_start3A_309 = tpu.memref_slice %arg6[%dma_start3A_308, %mul3A_307] : memref<16x1000000xf32, #tpu.memory_space<hbm>> -> memref<16x1536xf32, #tpu.memory_space<hbm>>
        %dma_start3A_310 = arith.constant 0 : i32
        %dma_start3A_311 = tpu.memref_slice %arg6[%dma_start3A_310, %mul3A_307] : memref<16x1000000xf32, #tpu.memory_space<hbm>> -> memref<16x1536xf32, #tpu.memory_space<hbm>>
        tpu.enqueue_dma source(%arg11 : memref<16x1536xf32, #tpu.memory_space<vmem>>) target(%dma_start3A_311 : memref<16x1536xf32, #tpu.memory_space<hbm>>) target_semaphore(%arg25 : memref<!tpu.dma_semaphore, #tpu.memory_space<semaphore_mem>>)
        %add3A_312 = arith.constant 3 : i32
        %add3A_313 = arith.addi %add3A_248, %add3A_312 : i32
        %lt3A_314 = arith.cmpi slt, %add3A_313, %select_n3A : i32
        %convert_element_type3A_315 = arith.extui %lt3A_314 : i1 to i32
        %cond3A_316 = arith.constant 0 : i32
        %cond3A_317 = arith.cmpi ne, %convert_element_type3A_315, %cond3A_316 : i32
        scf.if %cond3A_317 {
          %ge3A = arith.constant 1 : i32
          %ge3A_318 = arith.cmpi sge, %add3A_248, %ge3A : i32
          %convert_element_type3A_319 = arith.extui %ge3A_318 : i1 to i32
          %cond3A_320 = arith.constant 0 : i32
          %cond3A_321 = arith.cmpi ne, %convert_element_type3A_319, %cond3A_320 : i32
          scf.if %cond3A_321 {
            %dma_wait3A_355 = arith.constant 0 : i32
            %dma_wait3A_356 = arith.constant 0 : i32
            %dma_wait3A_357 = tpu.memref_slice %arg6[%dma_wait3A_355, %dma_wait3A_356] : memref<16x1000000xf32, #tpu.memory_space<hbm>> -> memref<16x1536xf32, #tpu.memory_space<hbm>>
            %dma_wait3A_358 = arith.constant 0 : i32
            %dma_wait3A_359 = arith.constant 0 : i32
            %dma_wait3A_360 = tpu.memref_slice %arg6[%dma_wait3A_358, %dma_wait3A_359] : memref<16x1000000xf32, #tpu.memory_space<hbm>> -> memref<16x1536xf32, #tpu.memory_space<hbm>>
            tpu.wait_dma2 semaphore(%arg24 : memref<!tpu.dma_semaphore, #tpu.memory_space<semaphore_mem>>) src(%arg10 : memref<16x1536xf32, #tpu.memory_space<vmem>>) dst(%dma_wait3A_360 : memref<16x1536xf32, #tpu.memory_space<hbm>>)
          } else {
          }
          %add3A_322 = arith.constant 3 : i32
          %add3A_323 = arith.addi %add3A_248, %add3A_322 : i32
          %mul3A_324 = arith.constant 32 : i32
          %mul3A_325 = arith.muli %add3A_323, %mul3A_324 : i32
          %add3A_326 = arith.addi %mul3A_325, %add3A : i32
          %mul3A_327 = arith.constant 1536 : i32
          %mul3A_328 = arith.muli %add3A_326, %mul3A_327 : i32
          %dma_start3A_329 = arith.constant 0 : i32
          %dma_start3A_330 = tpu.memref_slice %arg14[%dma_start3A_329] : memref<4608xi32, #tpu.memory_space<vmem>> -> memref<1536xi32, #tpu.memory_space<vmem>>
          %dma_start3A_331 = tpu.memref_slice %arg3[%mul3A_328] : memref<3000000xi32, #tpu.memory_space<hbm>> -> memref<1536xi32, #tpu.memory_space<hbm>>
          %dma_start3A_332 = arith.constant 0 : i32
          %dma_start3A_333 = tpu.memref_slice %arg14[%dma_start3A_332] : memref<4608xi32, #tpu.memory_space<vmem>> -> memref<1536xi32, #tpu.memory_space<vmem>>
          %dma_start3A_334 = tpu.memref_slice %arg3[%mul3A_328] : memref<3000000xi32, #tpu.memory_space<hbm>> -> memref<1536xi32, #tpu.memory_space<hbm>>
          tpu.enqueue_dma source(%dma_start3A_334 : memref<1536xi32, #tpu.memory_space<hbm>>) target(%dma_start3A_333 : memref<1536xi32, #tpu.memory_space<vmem>>) target_semaphore(%arg20 : memref<!tpu.dma_semaphore, #tpu.memory_space<semaphore_mem>>)
          %add3A_335 = arith.constant 1000000 : i32
          %add3A_336 = arith.addi %add3A_335, %mul3A_328 : i32
          %dma_start3A_337 = arith.constant 1536 : i32
          %dma_start3A_338 = tpu.memref_slice %arg14[%dma_start3A_337] : memref<4608xi32, #tpu.memory_space<vmem>> -> memref<1536xi32, #tpu.memory_space<vmem>>
          %dma_start3A_339 = tpu.memref_slice %arg3[%add3A_336] : memref<3000000xi32, #tpu.memory_space<hbm>> -> memref<1536xi32, #tpu.memory_space<hbm>>
          %dma_start3A_340 = arith.constant 1536 : i32
          %dma_start3A_341 = tpu.memref_slice %arg14[%dma_start3A_340] : memref<4608xi32, #tpu.memory_space<vmem>> -> memref<1536xi32, #tpu.memory_space<vmem>>
          %dma_start3A_342 = tpu.memref_slice %arg3[%add3A_336] : memref<3000000xi32, #tpu.memory_space<hbm>> -> memref<1536xi32, #tpu.memory_space<hbm>>
          tpu.enqueue_dma source(%dma_start3A_342 : memref<1536xi32, #tpu.memory_space<hbm>>) target(%dma_start3A_341 : memref<1536xi32, #tpu.memory_space<vmem>>) target_semaphore(%arg20 : memref<!tpu.dma_semaphore, #tpu.memory_space<semaphore_mem>>)
          %add3A_343 = arith.constant 2000000 : i32
          %add3A_344 = arith.addi %add3A_343, %mul3A_328 : i32
          %dma_start3A_345 = arith.constant 3072 : i32
          %dma_start3A_346 = tpu.memref_slice %arg14[%dma_start3A_345] : memref<4608xi32, #tpu.memory_space<vmem>> -> memref<1536xi32, #tpu.memory_space<vmem>>
          %dma_start3A_347 = tpu.memref_slice %arg3[%add3A_344] : memref<3000000xi32, #tpu.memory_space<hbm>> -> memref<1536xi32, #tpu.memory_space<hbm>>
          %dma_start3A_348 = arith.constant 3072 : i32
          %dma_start3A_349 = tpu.memref_slice %arg14[%dma_start3A_348] : memref<4608xi32, #tpu.memory_space<vmem>> -> memref<1536xi32, #tpu.memory_space<vmem>>
          %dma_start3A_350 = tpu.memref_slice %arg3[%add3A_344] : memref<3000000xi32, #tpu.memory_space<hbm>> -> memref<1536xi32, #tpu.memory_space<hbm>>
          tpu.enqueue_dma source(%dma_start3A_350 : memref<1536xi32, #tpu.memory_space<hbm>>) target(%dma_start3A_349 : memref<1536xi32, #tpu.memory_space<vmem>>) target_semaphore(%arg20 : memref<!tpu.dma_semaphore, #tpu.memory_space<semaphore_mem>>)
          %dma_start3A_351 = arith.constant 0 : i32
          %dma_start3A_352 = tpu.memref_slice %arg2[%dma_start3A_351, %mul3A_328] : memref<16x1000000xf32, #tpu.memory_space<hbm>> -> memref<16x1536xf32, #tpu.memory_space<hbm>>
          %dma_start3A_353 = arith.constant 0 : i32
          %dma_start3A_354 = tpu.memref_slice %arg2[%dma_start3A_353, %mul3A_328] : memref<16x1000000xf32, #tpu.memory_space<hbm>> -> memref<16x1536xf32, #tpu.memory_space<hbm>>
          tpu.enqueue_dma source(%dma_start3A_354 : memref<16x1536xf32, #tpu.memory_space<hbm>>) target(%arg10 : memref<16x1536xf32, #tpu.memory_space<vmem>>) target_semaphore(%arg20 : memref<!tpu.dma_semaphore, #tpu.memory_space<semaphore_mem>>)
        } else {
        }
      } else {
      }
    }
    %scan3A_194 = arith.constant 6 : i32
    %dma_wait3A = arith.constant 0 : i32
    %dma_wait3A_195 = arith.constant 0 : i32
    %dma_wait3A_196 = tpu.memref_slice %arg6[%dma_wait3A, %dma_wait3A_195] : memref<16x1000000xf32, #tpu.memory_space<hbm>> -> memref<16x1536xf32, #tpu.memory_space<hbm>>
    %dma_wait3A_197 = arith.constant 0 : i32
    %dma_wait3A_198 = arith.constant 0 : i32
    %dma_wait3A_199 = tpu.memref_slice %arg6[%dma_wait3A_197, %dma_wait3A_198] : memref<16x1000000xf32, #tpu.memory_space<hbm>> -> memref<16x1536xf32, #tpu.memory_space<hbm>>
    tpu.wait_dma2 semaphore(%arg22 : memref<!tpu.dma_semaphore, #tpu.memory_space<semaphore_mem>>) src(%arg8 : memref<16x1536xf32, #tpu.memory_space<vmem>>) dst(%dma_wait3A_199 : memref<16x1536xf32, #tpu.memory_space<hbm>>)
    %dma_wait3A_200 = arith.constant 0 : i32
    %dma_wait3A_201 = arith.constant 0 : i32
    %dma_wait3A_202 = tpu.memref_slice %arg6[%dma_wait3A_200, %dma_wait3A_201] : memref<16x1000000xf32, #tpu.memory_space<hbm>> -> memref<16x1536xf32, #tpu.memory_space<hbm>>
    %dma_wait3A_203 = arith.constant 0 : i32
    %dma_wait3A_204 = arith.constant 0 : i32
    %dma_wait3A_205 = tpu.memref_slice %arg6[%dma_wait3A_203, %dma_wait3A_204] : memref<16x1000000xf32, #tpu.memory_space<hbm>> -> memref<16x1536xf32, #tpu.memory_space<hbm>>
    tpu.wait_dma2 semaphore(%arg23 : memref<!tpu.dma_semaphore, #tpu.memory_space<semaphore_mem>>) src(%arg9 : memref<16x1536xf32, #tpu.memory_space<vmem>>) dst(%dma_wait3A_205 : memref<16x1536xf32, #tpu.memory_space<hbm>>)
    %dma_wait3A_206 = arith.constant 0 : i32
    %dma_wait3A_207 = arith.constant 0 : i32
    %dma_wait3A_208 = tpu.memref_slice %arg6[%dma_wait3A_206, %dma_wait3A_207] : memref<16x1000000xf32, #tpu.memory_space<hbm>> -> memref<16x1536xf32, #tpu.memory_space<hbm>>
    %dma_wait3A_209 = arith.constant 0 : i32
    %dma_wait3A_210 = arith.constant 0 : i32
    %dma_wait3A_211 = tpu.memref_slice %arg6[%dma_wait3A_209, %dma_wait3A_210] : memref<16x1000000xf32, #tpu.memory_space<hbm>> -> memref<16x1536xf32, #tpu.memory_space<hbm>>
    tpu.wait_dma2 semaphore(%arg24 : memref<!tpu.dma_semaphore, #tpu.memory_space<semaphore_mem>>) src(%arg10 : memref<16x1536xf32, #tpu.memory_space<vmem>>) dst(%dma_wait3A_211 : memref<16x1536xf32, #tpu.memory_space<hbm>>)
    %dma_wait3A_212 = arith.constant 0 : i32
    %dma_wait3A_213 = arith.constant 0 : i32
    %dma_wait3A_214 = tpu.memref_slice %arg6[%dma_wait3A_212, %dma_wait3A_213] : memref<16x1000000xf32, #tpu.memory_space<hbm>> -> memref<16x1536xf32, #tpu.memory_space<hbm>>
    %dma_wait3A_215 = arith.constant 0 : i32
    %dma_wait3A_216 = arith.constant 0 : i32
    %dma_wait3A_217 = tpu.memref_slice %arg6[%dma_wait3A_215, %dma_wait3A_216] : memref<16x1000000xf32, #tpu.memory_space<hbm>> -> memref<16x1536xf32, #tpu.memory_space<hbm>>
    tpu.wait_dma2 semaphore(%arg25 : memref<!tpu.dma_semaphore, #tpu.memory_space<semaphore_mem>>) src(%arg11 : memref<16x1536xf32, #tpu.memory_space<vmem>>) dst(%dma_wait3A_217 : memref<16x1536xf32, #tpu.memory_space<hbm>>)
    %eq3A = arith.constant 11 : i32
    %eq3A_218 = arith.cmpi eq, %add3A, %eq3A : i32
    %convert_element_type3A = arith.extui %eq3A_218 : i1 to i32
    %cond3A = arith.constant 0 : i32
    %cond3A_219 = arith.cmpi ne, %convert_element_type3A, %cond3A : i32
    scf.if %cond3A_219 {
      "tpu.region"() ({
        %run_scoped3A = tpu.sem_alloc : memref<!tpu.dma_semaphore, #tpu.memory_space<semaphore_mem>>
        %dma_start3A_226 = arith.constant 0 : i32
        %dma_start3A_227 = tpu.memref_slice %arg12[%dma_start3A_226] : memref<4608xi32, #tpu.memory_space<vmem>> -> memref<64xi32, #tpu.memory_space<vmem>>
        %dma_start3A_228 = arith.constant 999936 : i32
        %dma_start3A_229 = tpu.memref_slice %arg3[%dma_start3A_228] : memref<3000000xi32, #tpu.memory_space<hbm>> -> memref<64xi32, #tpu.memory_space<hbm>>
        %dma_start3A_230 = arith.constant 0 : i32
        %dma_start3A_231 = tpu.memref_slice %arg12[%dma_start3A_230] : memref<4608xi32, #tpu.memory_space<vmem>> -> memref<64xi32, #tpu.memory_space<vmem>>
        %dma_start3A_232 = arith.constant 999936 : i32
        %dma_start3A_233 = tpu.memref_slice %arg3[%dma_start3A_232] : memref<3000000xi32, #tpu.memory_space<hbm>> -> memref<64xi32, #tpu.memory_space<hbm>>
        tpu.enqueue_dma source(%dma_start3A_233 : memref<64xi32, #tpu.memory_space<hbm>>) target(%dma_start3A_231 : memref<64xi32, #tpu.memory_space<vmem>>) target_semaphore(%run_scoped3A : memref<!tpu.dma_semaphore, #tpu.memory_space<semaphore_mem>>)
        %dma_wait3A_234 = arith.constant 0 : i32
        %dma_wait3A_235 = tpu.memref_slice %arg12[%dma_wait3A_234] : memref<4608xi32, #tpu.memory_space<vmem>> -> memref<64xi32, #tpu.memory_space<vmem>>
        %dma_wait3A_236 = arith.constant 999936 : i32
        %dma_wait3A_237 = tpu.memref_slice %arg3[%dma_wait3A_236] : memref<3000000xi32, #tpu.memory_space<hbm>> -> memref<64xi32, #tpu.memory_space<hbm>>
        %dma_wait3A_238 = arith.constant 0 : i32
        %dma_wait3A_239 = tpu.memref_slice %arg12[%dma_wait3A_238] : memref<4608xi32, #tpu.memory_space<vmem>> -> memref<64xi32, #tpu.memory_space<vmem>>
        %dma_wait3A_240 = arith.constant 999936 : i32
        %dma_wait3A_241 = tpu.memref_slice %arg3[%dma_wait3A_240] : memref<3000000xi32, #tpu.memory_space<hbm>> -> memref<64xi32, #tpu.memory_space<hbm>>
        tpu.wait_dma2 semaphore(%run_scoped3A : memref<!tpu.dma_semaphore, #tpu.memory_space<semaphore_mem>>) src(%dma_wait3A_241 : memref<64xi32, #tpu.memory_space<hbm>>) dst(%dma_wait3A_239 : memref<64xi32, #tpu.memory_space<vmem>>)
        tpu.yield
      }) : () -> ()
      "tpu.region"() ({
        %run_scoped3A = tpu.sem_alloc : memref<!tpu.dma_semaphore, #tpu.memory_space<semaphore_mem>>
        %dma_start3A_226 = arith.constant 1536 : i32
        %dma_start3A_227 = tpu.memref_slice %arg12[%dma_start3A_226] : memref<4608xi32, #tpu.memory_space<vmem>> -> memref<64xi32, #tpu.memory_space<vmem>>
        %dma_start3A_228 = arith.constant 1999936 : i32
        %dma_start3A_229 = tpu.memref_slice %arg3[%dma_start3A_228] : memref<3000000xi32, #tpu.memory_space<hbm>> -> memref<64xi32, #tpu.memory_space<hbm>>
        %dma_start3A_230 = arith.constant 1536 : i32
        %dma_start3A_231 = tpu.memref_slice %arg12[%dma_start3A_230] : memref<4608xi32, #tpu.memory_space<vmem>> -> memref<64xi32, #tpu.memory_space<vmem>>
        %dma_start3A_232 = arith.constant 1999936 : i32
        %dma_start3A_233 = tpu.memref_slice %arg3[%dma_start3A_232] : memref<3000000xi32, #tpu.memory_space<hbm>> -> memref<64xi32, #tpu.memory_space<hbm>>
        tpu.enqueue_dma source(%dma_start3A_233 : memref<64xi32, #tpu.memory_space<hbm>>) target(%dma_start3A_231 : memref<64xi32, #tpu.memory_space<vmem>>) target_semaphore(%run_scoped3A : memref<!tpu.dma_semaphore, #tpu.memory_space<semaphore_mem>>)
        %dma_wait3A_234 = arith.constant 1536 : i32
        %dma_wait3A_235 = tpu.memref_slice %arg12[%dma_wait3A_234] : memref<4608xi32, #tpu.memory_space<vmem>> -> memref<64xi32, #tpu.memory_space<vmem>>
        %dma_wait3A_236 = arith.constant 1999936 : i32
        %dma_wait3A_237 = tpu.memref_slice %arg3[%dma_wait3A_236] : memref<3000000xi32, #tpu.memory_space<hbm>> -> memref<64xi32, #tpu.memory_space<hbm>>
        %dma_wait3A_238 = arith.constant 1536 : i32
        %dma_wait3A_239 = tpu.memref_slice %arg12[%dma_wait3A_238] : memref<4608xi32, #tpu.memory_space<vmem>> -> memref<64xi32, #tpu.memory_space<vmem>>
        %dma_wait3A_240 = arith.constant 1999936 : i32
        %dma_wait3A_241 = tpu.memref_slice %arg3[%dma_wait3A_240] : memref<3000000xi32, #tpu.memory_space<hbm>> -> memref<64xi32, #tpu.memory_space<hbm>>
        tpu.wait_dma2 semaphore(%run_scoped3A : memref<!tpu.dma_semaphore, #tpu.memory_space<semaphore_mem>>) src(%dma_wait3A_241 : memref<64xi32, #tpu.memory_space<hbm>>) dst(%dma_wait3A_239 : memref<64xi32, #tpu.memory_space<vmem>>)
        tpu.yield
      }) : () -> ()
      "tpu.region"() ({
        %run_scoped3A = tpu.sem_alloc : memref<!tpu.dma_semaphore, #tpu.memory_space<semaphore_mem>>
        %dma_start3A_226 = arith.constant 3072 : i32
        %dma_start3A_227 = tpu.memref_slice %arg12[%dma_start3A_226] : memref<4608xi32, #tpu.memory_space<vmem>> -> memref<64xi32, #tpu.memory_space<vmem>>
        %dma_start3A_228 = arith.constant 2999936 : i32
        %dma_start3A_229 = tpu.memref_slice %arg3[%dma_start3A_228] : memref<3000000xi32, #tpu.memory_space<hbm>> -> memref<64xi32, #tpu.memory_space<hbm>>
        %dma_start3A_230 = arith.constant 3072 : i32
        %dma_start3A_231 = tpu.memref_slice %arg12[%dma_start3A_230] : memref<4608xi32, #tpu.memory_space<vmem>> -> memref<64xi32, #tpu.memory_space<vmem>>
        %dma_start3A_232 = arith.constant 2999936 : i32
        %dma_start3A_233 = tpu.memref_slice %arg3[%dma_start3A_232] : memref<3000000xi32, #tpu.memory_space<hbm>> -> memref<64xi32, #tpu.memory_space<hbm>>
        tpu.enqueue_dma source(%dma_start3A_233 : memref<64xi32, #tpu.memory_space<hbm>>) target(%dma_start3A_231 : memref<64xi32, #tpu.memory_space<vmem>>) target_semaphore(%run_scoped3A : memref<!tpu.dma_semaphore, #tpu.memory_space<semaphore_mem>>)
        %dma_wait3A_234 = arith.constant 3072 : i32
        %dma_wait3A_235 = tpu.memref_slice %arg12[%dma_wait3A_234] : memref<4608xi32, #tpu.memory_space<vmem>> -> memref<64xi32, #tpu.memory_space<vmem>>
        %dma_wait3A_236 = arith.constant 2999936 : i32
        %dma_wait3A_237 = tpu.memref_slice %arg3[%dma_wait3A_236] : memref<3000000xi32, #tpu.memory_space<hbm>> -> memref<64xi32, #tpu.memory_space<hbm>>
        %dma_wait3A_238 = arith.constant 3072 : i32
        %dma_wait3A_239 = tpu.memref_slice %arg12[%dma_wait3A_238] : memref<4608xi32, #tpu.memory_space<vmem>> -> memref<64xi32, #tpu.memory_space<vmem>>
        %dma_wait3A_240 = arith.constant 2999936 : i32
        %dma_wait3A_241 = tpu.memref_slice %arg3[%dma_wait3A_240] : memref<3000000xi32, #tpu.memory_space<hbm>> -> memref<64xi32, #tpu.memory_space<hbm>>
        tpu.wait_dma2 semaphore(%run_scoped3A : memref<!tpu.dma_semaphore, #tpu.memory_space<semaphore_mem>>) src(%dma_wait3A_241 : memref<64xi32, #tpu.memory_space<hbm>>) dst(%dma_wait3A_239 : memref<64xi32, #tpu.memory_space<vmem>>)
        tpu.yield
      }) : () -> ()
      "tpu.region"() ({
        %run_scoped3A = tpu.sem_alloc : memref<!tpu.dma_semaphore, #tpu.memory_space<semaphore_mem>>
        tpu.enqueue_dma source(%arg5 : memref<16x64xf32, #tpu.memory_space<hbm>>) target(%arg17 : memref<16x64xf32, #tpu.memory_space<vmem>>) target_semaphore(%run_scoped3A : memref<!tpu.dma_semaphore, #tpu.memory_space<semaphore_mem>>)
        tpu.wait_dma2 semaphore(%run_scoped3A : memref<!tpu.dma_semaphore, #tpu.memory_space<semaphore_mem>>) src(%arg5 : memref<16x64xf32, #tpu.memory_space<hbm>>) dst(%arg17 : memref<16x64xf32, #tpu.memory_space<vmem>>)
        tpu.yield
      }) : () -> ()
      %scan3A_220 = arith.constant 0 : i32
      %scan3A_221 = arith.constant 0 : i32
      %scan3A_222 = arith.constant 4 : i32
      %scan3A_223 = arith.addi %scan3A_221, %scan3A_222 : i32
      %scan3A_224 = arith.constant 1 : i32
      scf.for %scan3A_226 = %scan3A_221 to %scan3A_223 step %scan3A_224  : i32 {
        %mul3A_227 = arith.constant 16 : i32
        %mul3A_228 = arith.muli %scan3A_226, %mul3A_227 : i32
        %get3A = arith.index_cast %mul3A_228 : i32 to index
        %get3A_229 = tpu.vector_load %arg12[%get3A] {strides = array<i32>} : memref<4608xi32, #tpu.memory_space<vmem>>, vector<16xi32>,
        %add3A_230 = arith.constant 1536 : i32
        %add3A_231 = arith.addi %add3A_230, %mul3A_228 : i32
        %get3A_232 = arith.index_cast %add3A_231 : i32 to index
        %get3A_233 = tpu.vector_load %arg12[%get3A_232] {strides = array<i32>} : memref<4608xi32, #tpu.memory_space<vmem>>, vector<16xi32>,
        %add3A_234 = arith.constant 3072 : i32
        %add3A_235 = arith.addi %add3A_234, %mul3A_228 : i32
        %get3A_236 = arith.index_cast %add3A_235 : i32 to index
        %get3A_237 = tpu.vector_load %arg12[%get3A_236] {strides = array<i32>} : memref<4608xi32, #tpu.memory_space<vmem>>, vector<16xi32>,
        %mul3A_238 = arith.constant 65536 : i32
        %mul3A_239 = vector.broadcast %mul3A_238 : i32 to vector<16xi32>
        %mul3A_240 = arith.muli %get3A_229, %mul3A_239 : vector<16xi32>
        %mul3A_241 = arith.constant 256 : i32
        %mul3A_242 = vector.broadcast %mul3A_241 : i32 to vector<16xi32>
        %mul3A_243 = arith.muli %get3A_233, %mul3A_242 : vector<16xi32>
        %add3A_244 = arith.addi %mul3A_240, %mul3A_243 : vector<16xi32>
        %add3A_245 = arith.addi %add3A_244, %get3A_237 : vector<16xi32>
        %eq3A_246 = vector.broadcast %squeeze3A : i32 to vector<16xi32>
        %eq3A_247 = arith.cmpi eq, %add3A_245, %eq3A_246 : vector<16xi32>
        %eq3A_248 = vector.broadcast %squeeze3A_24 : i32 to vector<16xi32>
        %eq3A_249 = arith.cmpi eq, %add3A_245, %eq3A_248 : vector<16xi32>
        %or3A = arith.ori %eq3A_247, %eq3A_249 : vector<16xi1>
        %eq3A_250 = vector.broadcast %squeeze3A_26 : i32 to vector<16xi32>
        %eq3A_251 = arith.cmpi eq, %add3A_245, %eq3A_250 : vector<16xi32>
        %or3A_252 = arith.ori %or3A, %eq3A_251 : vector<16xi1>
        %eq3A_253 = vector.broadcast %squeeze3A_28 : i32 to vector<16xi32>
        %eq3A_254 = arith.cmpi eq, %add3A_245, %eq3A_253 : vector<16xi32>
        %or3A_255 = arith.ori %or3A_252, %eq3A_254 : vector<16xi1>
        %eq3A_256 = vector.broadcast %squeeze3A_30 : i32 to vector<16xi32>
        %eq3A_257 = arith.cmpi eq, %add3A_245, %eq3A_256 : vector<16xi32>
        %or3A_258 = arith.ori %or3A_255, %eq3A_257 : vector<16xi1>
        %eq3A_259 = vector.broadcast %squeeze3A_32 : i32 to vector<16xi32>
        %eq3A_260 = arith.cmpi eq, %add3A_245, %eq3A_259 : vector<16xi32>
        %or3A_261 = arith.ori %or3A_258, %eq3A_260 : vector<16xi1>
        %eq3A_262 = vector.broadcast %squeeze3A_34 : i32 to vector<16xi32>
        %eq3A_263 = arith.cmpi eq, %add3A_245, %eq3A_262 : vector<16xi32>
        %or3A_264 = arith.ori %or3A_261, %eq3A_263 : vector<16xi1>
        %eq3A_265 = vector.broadcast %squeeze3A_36 : i32 to vector<16xi32>
        %eq3A_266 = arith.cmpi eq, %add3A_245, %eq3A_265 : vector<16xi32>
        %or3A_267 = arith.ori %or3A_264, %eq3A_266 : vector<16xi1>
        %eq3A_268 = vector.broadcast %squeeze3A_38 : i32 to vector<16xi32>
        %eq3A_269 = arith.cmpi eq, %add3A_245, %eq3A_268 : vector<16xi32>
        %or3A_270 = arith.ori %or3A_267, %eq3A_269 : vector<16xi1>
        %eq3A_271 = vector.broadcast %squeeze3A_40 : i32 to vector<16xi32>
        %eq3A_272 = arith.cmpi eq, %add3A_245, %eq3A_271 : vector<16xi32>
        %or3A_273 = arith.ori %or3A_270, %eq3A_272 : vector<16xi1>
        %eq3A_274 = vector.broadcast %squeeze3A_42 : i32 to vector<16xi32>
        %eq3A_275 = arith.cmpi eq, %add3A_245, %eq3A_274 : vector<16xi32>
        %or3A_276 = arith.ori %or3A_273, %eq3A_275 : vector<16xi1>
        %eq3A_277 = vector.broadcast %squeeze3A_44 : i32 to vector<16xi32>
        %eq3A_278 = arith.cmpi eq, %add3A_245, %eq3A_277 : vector<16xi32>
        %or3A_279 = arith.ori %or3A_276, %eq3A_278 : vector<16xi1>
        %eq3A_280 = vector.broadcast %squeeze3A_46 : i32 to vector<16xi32>
        %eq3A_281 = arith.cmpi eq, %add3A_245, %eq3A_280 : vector<16xi32>
        %or3A_282 = arith.ori %or3A_279, %eq3A_281 : vector<16xi1>
        %eq3A_283 = vector.broadcast %squeeze3A_48 : i32 to vector<16xi32>
        %eq3A_284 = arith.cmpi eq, %add3A_245, %eq3A_283 : vector<16xi32>
        %or3A_285 = arith.ori %or3A_282, %eq3A_284 : vector<16xi1>
        %eq3A_286 = vector.broadcast %squeeze3A_50 : i32 to vector<16xi32>
        %eq3A_287 = arith.cmpi eq, %add3A_245, %eq3A_286 : vector<16xi32>
        %or3A_288 = arith.ori %or3A_285, %eq3A_287 : vector<16xi1>
        %eq3A_289 = vector.broadcast %squeeze3A_52 : i32 to vector<16xi32>
        %eq3A_290 = arith.cmpi eq, %add3A_245, %eq3A_289 : vector<16xi32>
        %or3A_291 = arith.ori %or3A_288, %eq3A_290 : vector<16xi1>
        %eq3A_292 = vector.broadcast %squeeze3A_68 : i32 to vector<16xi32>
        %eq3A_293 = arith.cmpi eq, %add3A_245, %eq3A_292 : vector<16xi32>
        %or3A_294 = arith.ori %or3A_291, %eq3A_293 : vector<16xi1>
        %eq3A_295 = vector.broadcast %squeeze3A_70 : i32 to vector<16xi32>
        %eq3A_296 = arith.cmpi eq, %add3A_245, %eq3A_295 : vector<16xi32>
        %or3A_297 = arith.ori %or3A_294, %eq3A_296 : vector<16xi1>
        %eq3A_298 = vector.broadcast %squeeze3A_72 : i32 to vector<16xi32>
        %eq3A_299 = arith.cmpi eq, %add3A_245, %eq3A_298 : vector<16xi32>
        %or3A_300 = arith.ori %or3A_297, %eq3A_299 : vector<16xi1>
        %eq3A_301 = vector.broadcast %squeeze3A_74 : i32 to vector<16xi32>
        %eq3A_302 = arith.cmpi eq, %add3A_245, %eq3A_301 : vector<16xi32>
        %or3A_303 = arith.ori %or3A_300, %eq3A_302 : vector<16xi1>
        %eq3A_304 = vector.broadcast %squeeze3A_76 : i32 to vector<16xi32>
        %eq3A_305 = arith.cmpi eq, %add3A_245, %eq3A_304 : vector<16xi32>
        %or3A_306 = arith.ori %or3A_303, %eq3A_305 : vector<16xi1>
        %eq3A_307 = vector.broadcast %squeeze3A_78 : i32 to vector<16xi32>
        %eq3A_308 = arith.cmpi eq, %add3A_245, %eq3A_307 : vector<16xi32>
        %or3A_309 = arith.ori %or3A_306, %eq3A_308 : vector<16xi1>
        %eq3A_310 = vector.broadcast %squeeze3A_80 : i32 to vector<16xi32>
        %eq3A_311 = arith.cmpi eq, %add3A_245, %eq3A_310 : vector<16xi32>
        %or3A_312 = arith.ori %or3A_309, %eq3A_311 : vector<16xi1>
        %eq3A_313 = vector.broadcast %squeeze3A_82 : i32 to vector<16xi32>
        %eq3A_314 = arith.cmpi eq, %add3A_245, %eq3A_313 : vector<16xi32>
        %or3A_315 = arith.ori %or3A_312, %eq3A_314 : vector<16xi1>
        %eq3A_316 = vector.broadcast %squeeze3A_84 : i32 to vector<16xi32>
        %eq3A_317 = arith.cmpi eq, %add3A_245, %eq3A_316 : vector<16xi32>
        %or3A_318 = arith.ori %or3A_315, %eq3A_317 : vector<16xi1>
        %eq3A_319 = vector.broadcast %squeeze3A_86 : i32 to vector<16xi32>
        %eq3A_320 = arith.cmpi eq, %add3A_245, %eq3A_319 : vector<16xi32>
        %or3A_321 = arith.ori %or3A_318, %eq3A_320 : vector<16xi1>
        %eq3A_322 = vector.broadcast %squeeze3A_88 : i32 to vector<16xi32>
        %eq3A_323 = arith.cmpi eq, %add3A_245, %eq3A_322 : vector<16xi32>
        %or3A_324 = arith.ori %or3A_321, %eq3A_323 : vector<16xi1>
        %eq3A_325 = vector.broadcast %squeeze3A_90 : i32 to vector<16xi32>
        %eq3A_326 = arith.cmpi eq, %add3A_245, %eq3A_325 : vector<16xi32>
        %or3A_327 = arith.ori %or3A_324, %eq3A_326 : vector<16xi1>
        %eq3A_328 = vector.broadcast %squeeze3A_92 : i32 to vector<16xi32>
        %eq3A_329 = arith.cmpi eq, %add3A_245, %eq3A_328 : vector<16xi32>
        %or3A_330 = arith.ori %or3A_327, %eq3A_329 : vector<16xi1>
        %eq3A_331 = vector.broadcast %squeeze3A_94 : i32 to vector<16xi32>
        %eq3A_332 = arith.cmpi eq, %add3A_245, %eq3A_331 : vector<16xi32>
        %or3A_333 = arith.ori %or3A_330, %eq3A_332 : vector<16xi1>
        %eq3A_334 = vector.broadcast %squeeze3A_96 : i32 to vector<16xi32>
        %eq3A_335 = arith.cmpi eq, %add3A_245, %eq3A_334 : vector<16xi32>
        %or3A_336 = arith.ori %or3A_333, %eq3A_335 : vector<16xi1>
        %eq3A_337 = vector.broadcast %squeeze3A_98 : i32 to vector<16xi32>
        %eq3A_338 = arith.cmpi eq, %add3A_245, %eq3A_337 : vector<16xi32>
        %or3A_339 = arith.ori %or3A_336, %eq3A_338 : vector<16xi1>
        %reduce_or3A = arith.constant 1.000000e+00 : f32
        %reduce_or3A_340 = arith.constant 0.000000e+00 : f32
        %reduce_or3A_341 = vector.broadcast %reduce_or3A : f32 to vector<16xf32>
        %reduce_or3A_342 = vector.broadcast %reduce_or3A_340 : f32 to vector<16xf32>
        %reduce_or3A_343 = arith.select %or3A_339, %reduce_or3A_341, %reduce_or3A_342 : vector<16xi1>, vector<16xf32>
        %reduce_or3A_344 = arith.constant true
        %reduce_or3A_345 = vector.broadcast %reduce_or3A_344 : i1 to vector<16xi1>
        %reduce_or3A_346 = tpu.scan <max>, %reduce_or3A_343 masked %reduce_or3A_345 : vector<16xf32>, vector<16xi1> -> vector<16xf32>
        %reduce_or3A_347 = vector.extract %reduce_or3A_346[15] : f32 from vector<16xf32>
        %reduce_or3A_348 = arith.constant 0.000000e+00 : f32
        %reduce_or3A_349 = arith.cmpf ogt, %reduce_or3A_347, %reduce_or3A_348 : f32
        %convert_element_type3A_350 = arith.extui %reduce_or3A_349 : i1 to i32
        %cond3A_351 = arith.constant 0 : i32
        %cond3A_352 = arith.cmpi ne, %convert_element_type3A_350, %cond3A_351 : i32
        scf.if %cond3A_352 {
          %mul3A_353 = arith.constant 16 : i32
          %mul3A_354 = arith.muli %scan3A_226, %mul3A_353 : i32
          %add3A_355 = vector.broadcast %mul3A_354 : i32 to vector<16xi32>
          %add3A_356 = arith.addi %add3A_355, %iota3A : vector<16xi32>
          %broadcast_in_dim3A_357 = arith.constant 0 : i32
          %broadcast_in_dim3A_358 = vector.broadcast %broadcast_in_dim3A_357 : i32 to vector<16xi32>
          tpu.vector_store_idx %arg17[%broadcast_in_dim3A_358, %add3A_356], %broadcast_in_dim3A_7 masked %or3A_339 : memref<16x64xf32, #tpu.memory_space<vmem>>[vector<16xi32>, vector<16xi32>], vector<16xf32>, vector<16xi1>
          %broadcast_in_dim3A_359 = arith.constant 1 : i32
          %broadcast_in_dim3A_360 = vector.broadcast %broadcast_in_dim3A_359 : i32 to vector<16xi32>
          tpu.vector_store_idx %arg17[%broadcast_in_dim3A_360, %add3A_356], %broadcast_in_dim3A_7 masked %or3A_339 : memref<16x64xf32, #tpu.memory_space<vmem>>[vector<16xi32>, vector<16xi32>], vector<16xf32>, vector<16xi1>
          %broadcast_in_dim3A_361 = arith.constant 2 : i32
          %broadcast_in_dim3A_362 = vector.broadcast %broadcast_in_dim3A_361 : i32 to vector<16xi32>
          tpu.vector_store_idx %arg17[%broadcast_in_dim3A_362, %add3A_356], %broadcast_in_dim3A_7 masked %or3A_339 : memref<16x64xf32, #tpu.memory_space<vmem>>[vector<16xi32>, vector<16xi32>], vector<16xf32>, vector<16xi1>
          %broadcast_in_dim3A_363 = arith.constant 3 : i32
          %broadcast_in_dim3A_364 = vector.broadcast %broadcast_in_dim3A_363 : i32 to vector<16xi32>
          tpu.vector_store_idx %arg17[%broadcast_in_dim3A_364, %add3A_356], %broadcast_in_dim3A_7 masked %or3A_339 : memref<16x64xf32, #tpu.memory_space<vmem>>[vector<16xi32>, vector<16xi32>], vector<16xf32>, vector<16xi1>
          %broadcast_in_dim3A_365 = arith.constant 4 : i32
          %broadcast_in_dim3A_366 = vector.broadcast %broadcast_in_dim3A_365 : i32 to vector<16xi32>
          tpu.vector_store_idx %arg17[%broadcast_in_dim3A_366, %add3A_356], %broadcast_in_dim3A_7 masked %or3A_339 : memref<16x64xf32, #tpu.memory_space<vmem>>[vector<16xi32>, vector<16xi32>], vector<16xf32>, vector<16xi1>
          %broadcast_in_dim3A_367 = arith.constant 5 : i32
          %broadcast_in_dim3A_368 = vector.broadcast %broadcast_in_dim3A_367 : i32 to vector<16xi32>
          tpu.vector_store_idx %arg17[%broadcast_in_dim3A_368, %add3A_356], %broadcast_in_dim3A_7 masked %or3A_339 : memref<16x64xf32, #tpu.memory_space<vmem>>[vector<16xi32>, vector<16xi32>], vector<16xf32>, vector<16xi1>
          %broadcast_in_dim3A_369 = arith.constant 6 : i32
          %broadcast_in_dim3A_370 = vector.broadcast %broadcast_in_dim3A_369 : i32 to vector<16xi32>
          tpu.vector_store_idx %arg17[%broadcast_in_dim3A_370, %add3A_356], %broadcast_in_dim3A_7 masked %or3A_339 : memref<16x64xf32, #tpu.memory_space<vmem>>[vector<16xi32>, vector<16xi32>], vector<16xf32>, vector<16xi1>
          %broadcast_in_dim3A_371 = arith.constant 7 : i32
          %broadcast_in_dim3A_372 = vector.broadcast %broadcast_in_dim3A_371 : i32 to vector<16xi32>
          tpu.vector_store_idx %arg17[%broadcast_in_dim3A_372, %add3A_356], %broadcast_in_dim3A_7 masked %or3A_339 : memref<16x64xf32, #tpu.memory_space<vmem>>[vector<16xi32>, vector<16xi32>], vector<16xf32>, vector<16xi1>
          %broadcast_in_dim3A_373 = arith.constant 8 : i32
          %broadcast_in_dim3A_374 = vector.broadcast %broadcast_in_dim3A_373 : i32 to vector<16xi32>
          tpu.vector_store_idx %arg17[%broadcast_in_dim3A_374, %add3A_356], %broadcast_in_dim3A_7 masked %or3A_339 : memref<16x64xf32, #tpu.memory_space<vmem>>[vector<16xi32>, vector<16xi32>], vector<16xf32>, vector<16xi1>
          %broadcast_in_dim3A_375 = arith.constant 9 : i32
          %broadcast_in_dim3A_376 = vector.broadcast %broadcast_in_dim3A_375 : i32 to vector<16xi32>
          tpu.vector_store_idx %arg17[%broadcast_in_dim3A_376, %add3A_356], %broadcast_in_dim3A_7 masked %or3A_339 : memref<16x64xf32, #tpu.memory_space<vmem>>[vector<16xi32>, vector<16xi32>], vector<16xf32>, vector<16xi1>
          %broadcast_in_dim3A_377 = arith.constant 10 : i32
          %broadcast_in_dim3A_378 = vector.broadcast %broadcast_in_dim3A_377 : i32 to vector<16xi32>
          tpu.vector_store_idx %arg17[%broadcast_in_dim3A_378, %add3A_356], %broadcast_in_dim3A_7 masked %or3A_339 : memref<16x64xf32, #tpu.memory_space<vmem>>[vector<16xi32>, vector<16xi32>], vector<16xf32>, vector<16xi1>
          %broadcast_in_dim3A_379 = arith.constant 11 : i32
          %broadcast_in_dim3A_380 = vector.broadcast %broadcast_in_dim3A_379 : i32 to vector<16xi32>
          tpu.vector_store_idx %arg17[%broadcast_in_dim3A_380, %add3A_356], %broadcast_in_dim3A_7 masked %or3A_339 : memref<16x64xf32, #tpu.memory_space<vmem>>[vector<16xi32>, vector<16xi32>], vector<16xf32>, vector<16xi1>
          %broadcast_in_dim3A_381 = arith.constant 12 : i32
          %broadcast_in_dim3A_382 = vector.broadcast %broadcast_in_dim3A_381 : i32 to vector<16xi32>
          tpu.vector_store_idx %arg17[%broadcast_in_dim3A_382, %add3A_356], %broadcast_in_dim3A_7 masked %or3A_339 : memref<16x64xf32, #tpu.memory_space<vmem>>[vector<16xi32>, vector<16xi32>], vector<16xf32>, vector<16xi1>
          %broadcast_in_dim3A_383 = arith.constant 13 : i32
          %broadcast_in_dim3A_384 = vector.broadcast %broadcast_in_dim3A_383 : i32 to vector<16xi32>
          tpu.vector_store_idx %arg17[%broadcast_in_dim3A_384, %add3A_356], %broadcast_in_dim3A_7 masked %or3A_339 : memref<16x64xf32, #tpu.memory_space<vmem>>[vector<16xi32>, vector<16xi32>], vector<16xf32>, vector<16xi1>
          %broadcast_in_dim3A_385 = arith.constant 14 : i32
          %broadcast_in_dim3A_386 = vector.broadcast %broadcast_in_dim3A_385 : i32 to vector<16xi32>
          tpu.vector_store_idx %arg17[%broadcast_in_dim3A_386, %add3A_356], %broadcast_in_dim3A_7 masked %or3A_339 : memref<16x64xf32, #tpu.memory_space<vmem>>[vector<16xi32>, vector<16xi32>], vector<16xf32>, vector<16xi1>
          %broadcast_in_dim3A_387 = arith.constant 15 : i32
          %broadcast_in_dim3A_388 = vector.broadcast %broadcast_in_dim3A_387 : i32 to vector<16xi32>
          tpu.vector_store_idx %arg17[%broadcast_in_dim3A_388, %add3A_356], %broadcast_in_dim3A_7 masked %or3A_339 : memref<16x64xf32, #tpu.memory_space<vmem>>[vector<16xi32>, vector<16xi32>], vector<16xf32>, vector<16xi1>
        } else {
        }
      }
      %scan3A_225 = arith.constant 4 : i32
      "tpu.region"() ({
        %run_scoped3A = tpu.sem_alloc : memref<!tpu.dma_semaphore, #tpu.memory_space<semaphore_mem>>
        tpu.enqueue_dma source(%arg17 : memref<16x64xf32, #tpu.memory_space<vmem>>) target(%arg7 : memref<16x64xf32, #tpu.memory_space<hbm>>) target_semaphore(%run_scoped3A : memref<!tpu.dma_semaphore, #tpu.memory_space<semaphore_mem>>)
        tpu.wait_dma2 semaphore(%run_scoped3A : memref<!tpu.dma_semaphore, #tpu.memory_space<semaphore_mem>>) src(%arg17 : memref<16x64xf32, #tpu.memory_space<vmem>>) dst(%arg7 : memref<16x64xf32, #tpu.memory_space<hbm>>)
        tpu.yield
      }) : () -> ()
    } else {
    }
    return
  }
}

</mosaic_0001>

<sc_bundles>
// kernel: kernel.3.cloned.1.call-start
scs
__scs_entry_jumppad:
0x0: {  	(pc) =	sbr.rel $0x88, $3  }
0x1: {  	(tag) =	ssettag $0x0;
	lr =	simm.s32 $0x1  }
0x2: {  	[smem:$0x3F9E] =	sst lr;
	_ =	strace $0xD0000000  }
0x3: {  	_ = 	snop  }
0x4: {  	_ = 	snop  }
0x5: {  	_ = 	snop  }
0x6: {  	_ = 	snop  }
0x7: {  	_ = 	snop  }
__scs_overlays_trampoline_lowered:
0x8: {  	[smem:$0x3FAD] =	sst s0  }
0x9: {  	[smem:$0x3FAE] =	sst s1  }
0xa: {  	[smem:$0x3FAF] =	sst s2  }
0xb: {  	[smem:$0x3FB0] =	sst s3  }
0xc: {  	[smem:$0x3FB1] =	sst s4  }
0xd: {  	[smem:$0x3FB2] =	sst s5  }
0xe: {  	[smem:$0x3FB3] =	sst s6  }
0xf: {  	[smem:$0x3FB4] =	sst s7  }
0x10: {  	[smem:$0x3FB5] =	sst s8  }
0x11: {  	[smem:$0x3FB6] =	sst s9;
	s0 =	simm.s32 @!p0 $0x0  }
0x12: {  	s1 =	sld [smem:$0x3F9C];
	s0 =	simm.s32 @p0 $0x1  }
0x13: {  	[smem:$0x3FB7] =	sst s0;
	s0 =	simm.s32 @!p1 $0x0  }
0x14: {  	s2 =	sld [smem:$0x3F9B];
	s0 =	simm.s32 @p1 $0x1  }
0x15: {  	[smem:$0x3FB8] =	sst s0;
	s0 =	simm.s32 @!p2 $0x0  }
0x16: {  	s3 =	sld [smem:$0x3FDB];
	s0 =	simm.s32 @p2 $0x1  }
0x17: {  	s4 =	simm.s32 $0x1BF5;
	[smem:$0x3FBA] =	sst s0  }
0x18: {  	s0 =	sld [smem:$0x3F9D];
	_ =	swait.ge [sflag:s4], $0x0  }
0x19: {  	s7 =	sld [smem:$0x3F9E]  }
0x1a: {  	s8 =	sadd.s32 $0xFFFFE003, lr  }
0x1b: {  	s9 =	sadd.s32 $0xFFFFFEF7, lr;
	s5 =	simm.s32 $0xFFFFFFFF;
	p2 =	slt.u32 s8, $0xFFFFF086  }
0x1c: {  	p1 =	slt.u32 s9, $0xF7A;
	s5 =	simm.s32 @!p2 $0x0  }
0x1d: {  	s5 =	simm.s32 @p1 $0x1;
	p0 =	seq.s32 s7, s2  }
0x1e: {  	s7 =	smul.u32 @!p0 $0xF7A, s2;
	p2 =	seq.s32 @!p0 s5, $0x0  }
0x1f: {  	s9 =	smul.u32 $0xF7A, s1;
	s8 =	simm.s32 @!p0 $0x1BF5;
	p2 =	por !p2, p0  }
0x20: {  	[sflag:s8] =	ssyncset.s32 @!p0 $0xFFFFF086;
	s6 =	sadd.s32 @!p0 s3, s7;
	s7 =	simm.s32 @!p0 $0x108  }
0x21: {  	s3 =	sadd.s32 s3, s9;
	s6 =	sadd.s32 @!p0 $0x88, s6;
	s7 =	simm.s32 @p2 $0x1082  }
0x22: {  	[simem:s7], [sflag:s8] =	dma.local @!p0 [hbm:s6], $0xF7A  }
0x23: {  	s9 =	sor.u32 $0xD0000000, s2;
	s6 =	simm.s32 $0x108;
	_ =	swait.ge @!p0 [sflag:s8], $0x0  }
0x24: {  	s3 =	sadd.s32 $0x88, s3;
	s6 =	simm.s32 @!p1 $0x1082;
	[sflag:s4] =	ssyncset.s32 $0xFFFFF086  }
0x25: {  	[simem:s6], [sflag:s4] =	dma.local [hbm:s3], $0xF7A  }
0x26: {  	[smem:$0x3F9E] =	sst s1;
	(tag) =	ssettag s2;
	_ =	strace s9  }
0x27: {  	s1 =	sld [smem:$0x3FAE]  }
0x28: {  	s2 =	sld [smem:$0x3FAF]  }
0x29: {  	s4 =	sld [smem:$0x3FB1]  }
0x2a: {  	p0 =	seq.s32 s5, $0x0;
	s5 =	sld [smem:$0x3FB2]  }
0x2b: {  	s6 =	sld [smem:$0x3FB3]  }
0x2c: {  	s7 =	sld [smem:$0x3FB4]  }
0x2d: {  	s3 =	simm.s32 $0x108;
	s8 =	sld [smem:$0x3FB5]  }
0x2e: {  	s3 =	simm.s32 @!p0 $0x1082;
	s9 =	sld [smem:$0x3FB6]  }
0x2f: {  	lr =	sadd.s32 s0, s3;
	s0 =	sld [smem:$0x3FAD]  }
0x30: {  	s3 =	sld [smem:$0x3FB0]  }
0x31: {  	[smem:$0x3FB9] =	sst s10  }
0x32: {  	s10 =	sld [smem:$0x3FB7];
	_ =	sdelay $0x3  }
0x33: {  	p0 =	seq.s32 s10, $0x1;
	s10 =	sld [smem:$0x3FB9];
	_ =	sdelay $0x3  }
0x34: {  	[smem:$0x3FB9] =	sst s10  }
0x35: {  	s10 =	sld [smem:$0x3FB8];
	_ =	sdelay $0x3  }
0x36: {  	p1 =	seq.s32 s10, $0x1;
	s10 =	sld [smem:$0x3FB9];
	_ =	sdelay $0x3  }
0x37: {  	[smem:$0x3FB9] =	sst s10  }
0x38: {  	s10 =	sld [smem:$0x3FBA]  }
0x39: {  	_ = 	snop;
	(pc) =	sbr.ind lr, $3  }
0x3a: {  	_ = 	snop  }
0x3b: {  	_ = 	snop  }
0x3c: {  	p2 =	seq.s32 s10, $0x1;
	s10 =	sld [smem:$0x3FB9]  }
0x3d: {  	_ =	shalt  }
0x3e: {  	_ =	shalt  }
0x3f: {  	_ =	shalt  }
0x40: {  	_ =	shalt  }
0x41: {  	_ =	shalt  }
0x42: {  	_ =	shalt  }
0x43: {  	_ =	shalt  }
0x44: {  	_ =	shalt  }
0x45: {  	_ =	shalt  }
0x46: {  	_ =	shalt  }
0x47: {  	_ =	shalt  }
0x48: {  	_ =	shalt  }
0x49: {  	_ =	shalt  }
0x4a: {  	_ =	shalt  }
0x4b: {  	_ =	shalt  }
0x4c: {  	_ =	shalt  }
0x4d: {  	_ =	shalt  }
0x4e: {  	_ =	shalt  }
0x4f: {  	_ =	shalt  }
0x50: {  	_ =	shalt  }
0x51: {  	_ =	shalt  }
0x52: {  	_ =	shalt  }
0x53: {  	_ =	shalt  }
0x54: {  	_ =	shalt  }
0x55: {  	_ =	shalt  }
0x56: {  	_ =	shalt  }
0x57: {  	_ =	shalt  }
0x58: {  	_ =	shalt  }
0x59: {  	_ =	shalt  }
0x5a: {  	_ =	shalt  }
0x5b: {  	_ =	shalt  }
0x5c: {  	_ =	shalt  }
0x5d: {  	_ =	shalt  }
0x5e: {  	_ =	shalt  }
0x5f: {  	_ =	shalt  }
0x60: {  	_ =	shalt  }
0x61: {  	_ =	shalt  }
0x62: {  	_ =	shalt  }
0x63: {  	_ =	shalt  }
0x64: {  	_ =	shalt  }
0x65: {  	_ =	shalt  }
0x66: {  	_ =	shalt  }
0x67: {  	_ =	shalt  }
0x68: {  	_ =	shalt  }
0x69: {  	_ =	shalt  }
0x6a: {  	_ =	shalt  }
0x6b: {  	_ =	shalt  }
0x6c: {  	_ =	shalt  }
0x6d: {  	_ =	shalt  }
0x6e: {  	_ =	shalt  }
0x6f: {  	_ =	shalt  }
0x70: {  	_ =	shalt  }
0x71: {  	_ =	shalt  }
0x72: {  	_ =	shalt  }
0x73: {  	_ =	shalt  }
0x74: {  	_ =	shalt  }
0x75: {  	_ =	shalt  }
0x76: {  	_ =	shalt  }
0x77: {  	_ =	shalt  }
0x78: {  	_ =	shalt  }
0x79: {  	_ =	shalt  }
0x7a: {  	_ =	shalt  }
0x7b: {  	_ =	shalt  }
0x7c: {  	_ =	shalt  }
0x7d: {  	_ =	shalt  }
0x7e: {  	_ =	shalt  }
0x7f: {  	_ =	shalt  }
0x80: {  	_ =	shalt  }
0x81: {  	_ =	shalt  }
0x82: {  	_ =	shalt  }
0x83: {  	_ =	shalt  }
0x84: {  	_ =	shalt  }
0x85: {  	_ =	shalt  }
0x86: {  	_ =	shalt  }
0x87: {  	_ =	shalt  }
.Lfunc_end0:
.L_simem_size_0:
called_computation_lowered:
.L_overlay_start_0:
0x88: {  	s2 =	sld [smem:$0x3FD9]  }
0x89: {  	s3 =	sld [smem:$0x3FFE];
	_ =	sdelay $0x1  }
0x8a: {  	s1 =	srdreg.scid  }
0x8b: {  	s0 =	sand.u32 $0x1, s1  }
0x8c: {  	s17 =	sshll.u32 s0, $0xA;
	s2 =	sadd.s32 s3, s2  }
0x8d: {  	s2 =	sadd.s32 s2, s17  }
0x8e: {  	[smem:$0x3FC5] =	sst s2  }
0x8f: {  	_ = 	snop  }
0x90: {  	s2 =	sld [smem:$0x3FC9]  }
0x91: {  	s18 =	sld [smem:$0x3FD0];
	(tm) =	ssettm $0x1  }
0x92: {  	s4 =	sld [smem:$0x3FFB];
	_ =	sdelay $0x3  }
0x93: {  	_ =	strace s4  }
0x94: {  	s4 =	sld [smem:$0x3FFC];
	_ =	sdelay $0x3  }
0x95: {  	_ =	strace s4  }
0x96: {  	s4 =	sld [smem:$0x3FFD];
	_ =	sdelay $0x3  }
0x97: {  	_ =	strace s4  }
0x98: {  	_ =	strace $0x8FFFFFFF  }
0x99: {  	s19 =	sld [smem:$0x3FDB];
	_ =	sdelay $0x1  }
0x9a: {  	s5 =	simm.s32 $_scs_section_size  }
0x9b: {  	s6 =	simm.s32 $_size__tile_overlayer_lowered;
	s7 =	simm.s32 $_tile_overlayer_lowered  }
0x9c: {  	s22 =	simm.s32 $0x1BFF;
	s21 =	sshll.u32 s7, $0x1;
	s4 =	sadd.s32 s5, s19  }
0x9d: {  	s8 =	simm.s32 $0x0;
	s20 =	sshll.u32 s6, $0x1;
	s6 =	sadd.s32 s21, s4  }
0x9e: {  	[timem:s8], [sflag:s22] =	dma.local [hbm:s6], s20  }
0x9f: {  	_ =	swait.ge [sflag:s22], s20  }
0xa0: {  	s5 =	ssub.s32 $0x0, s20;
	[sflag:s22] =	ssyncset.done $0x0  }
0xa1: {  	[sflag:s22] =	ssyncadd.s32 s5;
	_ =	sdelay $0x1  }
0xa2: {  	s23 =	simm.s32 $0x1B8B  }
0xa3: {  	_ =	swait.ge [sflag:s23], $0x1  }
0xa4: {  	[sflag:s23] =	ssyncset.done $0x0  }
0xa5: {  	s25 =	simm.s32 $0x1B8E;
	s24 =	sld [smem:$0x3FFE];
	[sflag:s23] =	ssyncadd.s32 $0xFFFFFFFF  }
0xa6: {  	s26 =	simm.s32 $execute0_lowered;
	[smem:$0x3FD2] =	sst s25  }
0xa7: {  	s6 =	sshll.u32 s26, $0x1;
	_ =	strace $0x80000046;
	[dreg:$0x1] =	wrdreg $0xFFFFFFFF  }
0xa8: {  	s28 =	simm.s32 $_size_execute0_lowered;
	s4 =	sadd.s32 s4, s6;
	[dreg:$0x0] =	wrdreg $0x0  }
0xa9: {  	s6 =	sshll.u32 s28, $0x1;
	[dreg:$0x2] =	wrdreg s4  }
0xaa: {  	[dreg:$0x3] =	wrdreg s6  }
0xab: {  	[dreg:$0x4] =	wrdreg $0xC0  }
0xac: {  	_ =	task [dreg:s8], $0x5FFFF  }
0xad: {  	[dreg:$0x1] =	wrdreg $0xFFFFFFFF  }
0xae: {  	[dreg:$0x0] =	wrdreg $0x60  }
0xaf: {  	[dreg:$0x2] =	wrdreg s2  }
0xb0: {  	[dreg:$0x3] =	wrdreg s24  }
0xb1: {  	[dreg:$0x4] =	wrdreg s18  }
0xb2: {  	[dreg:$0x5] =	wrdreg $0x9  }
0xb3: {  	_ =	task.clear_ibuf [dreg:s8], $0x6FFFF;
	_ =	strace $0x90000046  }
0xb4: {  	s29 =	simm.s32 $0x9;
	_ =	strace $0x80000048  }
0xb5: {  	_ =	swait.ge [sflag:s29], $0x1  }
0xb6: {  	[sflag:s29] =	ssyncadd.s32 $0xFFFFFFFF  }
0xb7: {  	_ =	strace $0x90000048  }
0xb8: {  	_ =	sfence  }
0xb9: {  	s30 =	sld [smem:$0x0];
	_ =	sdelay $0x2  }
0xba: {  	s31 =	sshll.u32 s1, $0xD;
	s1 =	sshrl.u32 s1, $0x2  }
0xbb: {  	s3 =	sand.u32 $0x4000, s31;
	s1 =	sadd.s32 s1, s30  }
0xbc: {  	s0 =	sor.u32 s3, s0;
	s1 =	sshll.u32 s1, $0x11  }
0xbd: {  	s0 =	sor.u32 s1, s0  }
0xbe: {  	s0 =	sadd.s32 $0x8F2B, s0  }
0xbf: {  	[sflag:s0] =	ssyncadd.remote.s32 $0x1  }
0xc0: {  	_ =	sfence.sel $0xFFFF  }
0xc1: {  	[dreg:$0x0] =	wrdreg $0xFFFFFFFF;
	(pc) =	sbr.abs _section_cstart, $3  }
0xc2: {  	[dreg:$0x1] =	wrdreg $0xFFFFFFFF  }
0xc3: {  	_ =	task.clear_ibuf [dreg:s8], $0x2FFFF;
	_ =	strace $0x9FFFFFFF  }
0xc4: {  	(tm) =	ssettm $0x7FFFFFFF  }
0xc5: {  	_ =	shalt  }
tec
execute0_lowered:
.L_overlay_start_1:
0x0: {  	(tag) =	ssettag $0x1  }
0x1: {  	s1 =	rddreg [dreg:$0x0]  }
0x2: {  	s0 =	rddreg [dreg:$0x1]  }
0x3: {  	s2 =	rddreg [dreg:$0x2]  }
0x4: {  	s4 =	simm.s32 $0x0;
	s3 =	srdreg.scid;
	s5 =	stileid.u32  }
0x5: {  	s28 =	simm.s32 $0x1C800;
	s29 =	simm.s32 $0x9;
	s31 =	simm.s32 $0x7A1400  }
0x6: {  	s30 =	simm.s32 $0x4;
	[smem:$0x7FF] =	sst s4;
	s10 =	sadd.s32 $0xA00, s0  }
0x7: {  	s9 =	sadd.s32 $0x800, s0;
	_ =	strace $0x80000047;
	[dreg:$0x4] =	wrdreg s10  }
0x8: {  	s3 =	sand.u32 $0x1, s3;
	s12 =	sadd.s32 $0x5C600, s0;
	[dreg:$0x5] =	wrdreg s9  }
0x9: {  	s6 =	sshll.u32 s5, $0x1;
	s24 =	sadd.s32 $0x1F440, s0;
	[dreg:$0x6] =	wrdreg s12  }
0xa: {  	s5 =	sadd.s32 $0xC00, s0;
	s25 =	sadd.s32 $0x3DC88, s0;
	[dreg:$0x11] =	wrdreg s24  }
0xb: {  	s0 =	sadd.s32 $0x5C4D0, s0;
	s7 =	ssub.s32 $0x2, s3;
	[dreg:$0x12] =	wrdreg s25  }
0xc: {  	s6 =	sor.u32 s3, s6;
	s10 =	simm.s32 $0x15;
	[dreg:$0x13] =	wrdreg s0  }
0xd: {  	s24 =	simm.s32 $0x3;
	s11 =	sshrl.u32 s7, $0x1;
	s8 =	smul.u32 $0x600, s6  }
0xe: {  	s0 =	simm.s32 $0x12000;
	p0 =	slt.u32 s6, $0xB;
	s3 =	ssub.s32 s7, s11  }
0xf: {  	s10 =	simm.s32 @!p0 $0x14;
	p0 =	sne.s32 s6, $0xB;
	s13 =	sshrl.u32 s8, $0x3  }
0x10: {  	s14 =	sadd.s32 $0xC000, s8;
	s12 =	sadd.s32 s1, s8;
	s8 =	sadd.s32 $0x18000, s8  }
0x11: {  	s26 =	smax.u32 s3, $0x1;
	s3 =	simm.s32 $0x3000;
	[dreg:$0x9] =	wrdreg s12  }
0x12: {  	s11 =	sadd.s32 s5, s13;
	s7 =	sadd.s32 s1, s14;
	[dreg:$0x14] =	wrdreg s26  }
0x13: {  	s17 =	sshrl.u32 s14, $0x3;
	s23 =	sadd.s32 s1, s8;
	[dreg:$0xd] =	wrdreg s7  }
0x14: {  	s20 =	sshrl.u32 s8, $0x3;
	s15 =	sadd.s32 $0x1E848, s11;
	[dreg:$0x10] =	wrdreg s23  }
0x15: {  	s8 =	simm.s32 $0x6000;
	s16 =	sadd.s32 $0x3D090, s11;
	[dreg:$0x7] =	wrdreg s15  }
0x16: {  	s12 =	simm.s32 $0x6;
	s9 =	sadd.s32 s5, s17;
	[dreg:$0x8] =	wrdreg s16  }
0x17: {  	s13 =	simm.s32 $0x7;
	s18 =	sadd.s32 $0x20048, s11;
	[dreg:$0xa] =	wrdreg s9  }
.Ltmp0:
0x18: {  	v0 =	vlaneseq.u32;
	s19 =	sadd.s32 $0x3E890, s11;
	[dreg:$0xb] =	wrdreg s18;
	(pc) =	sbr.rel .LBB2_1-.Ltmp0, $4  }
0x19: {  	v0 =	vmul.u32 $0x80, v0;
	s14 =	simm.s32 $0x8;
	s21 =	sadd.s32 s5, s20;
	[dreg:$0xc] =	wrdreg s19  }
0x1a: {  	vm0 =	vmxor vm0, vm0;
	s22 =	sadd.s32 $0x21848, s11;
	s26 =	sadd.s32 $0x40090, s11;
	[dreg:$0xe] =	wrdreg s21  }
0x1b: {  	v6 =	vimm.f32 $0.0e+00;
	v1 =	vor.u32 $0x1, v0;
	v2 =	vor.u32 $0x2, v0;
	s23 =	simm.s32 $0x2;
	s7 =	simm.s32 $0x5;
	[dreg:$0xf] =	wrdreg s22  }
0x1c: {  	v3 =	vor.u32 $0x800, v0;
	v4 =	vor.u32 $0x801, v0;
	v5 =	vor.u32 $0x802, v0;
	s9 =	simm.s32 $0xC000;
	s22 =	simm.s32 $0x1;
	s15 =	simm.s32 $0x0  }
.LBB2_39:
0x1d: {  	s15 =	sadd.s32 $0x1, s15;
	s16 =	rddreg [dreg:$0x14]  }
0x1e: {  	p1 =	sne.s32 s15, s16  }
.Ltmp1:
0x1f: {  	_ = 	snop;
	(pc) =	sbr.rel @!p1 .LBB2_40-.Ltmp1, $1  }
0x20: {  	_ =	sdelay $0x3  }
.LBB2_1:
0x21: {  	s16 =	rddreg [dreg:$0x4]  }
0x22: {  	[tilespmem:s28], [sflag:$0x9] =	stream.linear.gather [hbm4b:s16+s4], $0x1000, $0x38;
	[tilespmem:$0x1E000] =	vst v63  }
0x23: {  	_ =	swait.ge [sflag:s29], $0x1000  }
0x24: {  	[sflag:s29] =	ssyncset.done $0x0  }
0x25: {  	[sflag:s29] =	ssyncadd.s32 $0xFFFFF000  }
0x26: {  	v7 =	vld.idx.msk [tilespmem:v0+s28+$0x0], $0xffff  }
0x27: {  	v8 =	vld.idx.msk [tilespmem:v1+s28+$0x0], $0xffff  }
0x28: {  	v9 =	vld.idx.msk [tilespmem:v2+s28+$0x0], $0xffff  }
0x29: {  	v15 =	vld.idx.msk [tilespmem:v3+s28+$0x0], $0xffff  }
0x2a: {  	s21 =	simm.s32 $0x18000;
	v17 =	vld.idx.msk [tilespmem:v4+s28+$0x0], $0xffff  }
0x2b: {  	v21 =	vld.idx.msk [tilespmem:v5+s28+$0x0], $0xffff;
	[tilespmem:s21], [sflag:$0x1] =	stream.linear.gather [hbm4b:s11+s4], $0x600, $0x38  }
0x2c: {  	s17 =	simm.s32 $0x18600;
	s25 =	rddreg [dreg:$0x7]  }
0x2d: {  	[tilespmem:s17], [sflag:$0x1] =	stream.linear.gather [hbm4b:s25+s4], $0x600, $0x38;
	[tilespmem:$0x1E000] =	vst v63  }
0x2e: {  	s19 =	simm.s32 $0x18C00;
	s18 =	rddreg [dreg:$0x8]  }
0x2f: {  	[tilespmem:s19], [sflag:$0x1] =	stream.linear.gather [hbm4b:s18+s4], $0x600, $0x38;
	[tilespmem:$0x1E000] =	vst v63  }
0x30: {  	s20 =	rddreg [dreg:$0x9];
	v7 =	vshll.u32 v7, $0x10;
	v8 =	vshll.u32 v8, $0x8  }
0x31: {  	[tilespmem:s4], [sflag:$0x1] =	stream.strided.gather [hbm4b:s20+s3], $0x6000, s31, s3, $0x38;
	v7 =	vadd.s32 v7, v8;
	[tilespmem:$0x1E000] =	vst v63  }
0x32: {  	s21 =	rddreg [dreg:$0xa];
	s25 =	simm.s32 $0x19200;
	v22 =	vadd.s32 v9, v7  }
0x33: {  	[tilespmem:s25], [sflag:$0x2] =	stream.linear.gather [hbm4b:s21+s4], $0x600, $0x38;
	v7 =	vbroadcast v22, $0x0;
	v8 =	vbroadcast v22, $0x1;
	[tilespmem:$0x1E000] =	vst v63  }
0x34: {  	s18 =	rddreg [dreg:$0xb];
	s19 =	simm.s32 $0x19800;
	v9 =	vbroadcast v22, $0x2;
	v10 =	vbroadcast v22, $0x3  }
0x35: {  	v11 =	vbroadcast v22, $0x4;
	v12 =	vbroadcast v22, $0x5;
	[tilespmem:s19], [sflag:$0x2] =	stream.linear.gather [hbm4b:s18+s4], $0x600, $0x38;
	[tilespmem:$0x1E000] =	vst v63  }
0x36: {  	v19 =	vshll.u32 v15, $0x10;
	s20 =	rddreg [dreg:$0xc];
	s21 =	simm.s32 $0x19E00;
	v13 =	vbroadcast v22, $0x6;
	v14 =	vbroadcast v22, $0x7  }
0x37: {  	v20 =	vshll.u32 v17, $0x8;
	v15 =	vbroadcast v22, $0x8;
	v16 =	vbroadcast v22, $0x9;
	[tilespmem:s21], [sflag:$0x2] =	stream.linear.gather [hbm4b:s20+s4], $0x600, $0x38;
	[tilespmem:$0x1E000] =	vst v63  }
0x38: {  	v23 =	vadd.s32 v19, v20;
	s25 =	rddreg [dreg:$0xd];
	v17 =	vbroadcast v22, $0xA;
	v18 =	vbroadcast v22, $0xB  }
0x39: {  	v38 =	vadd.s32 v21, v23;
	v19 =	vbroadcast v22, $0xC;
	v20 =	vbroadcast v22, $0xD;
	[tilespmem:s8], [sflag:$0x2] =	stream.strided.gather [hbm4b:s25+s3], $0x6000, s31, s3, $0x38;
	[tilespmem:$0x1E000] =	vst v63  }
0x3a: {  	s17 =	rddreg [dreg:$0xe];
	v23 =	vbroadcast v38, $0x0;
	v24 =	vbroadcast v38, $0x1;
	s18 =	simm.s32 $0x1A400  }
0x3b: {  	v25 =	vbroadcast v38, $0x2;
	v26 =	vbroadcast v38, $0x3;
	[tilespmem:s18], [sflag:$0x3] =	stream.linear.gather [hbm4b:s17+s4], $0x600, $0x38;
	[tilespmem:$0x1E000] =	vst v63  }
0x3c: {  	v27 =	vbroadcast v38, $0x4;
	v28 =	vbroadcast v38, $0x5;
	s19 =	rddreg [dreg:$0xf];
	s20 =	simm.s32 $0x1AA00  }
0x3d: {  	v29 =	vbroadcast v38, $0x6;
	v30 =	vbroadcast v38, $0x7;
	[tilespmem:s20], [sflag:$0x3] =	stream.linear.gather [hbm4b:s19+s4], $0x600, $0x38;
	[tilespmem:$0x1E000] =	vst v63  }
.Ltmp2:
0x3e: {  	v31 =	vbroadcast v38, $0x8;
	v32 =	vbroadcast v38, $0x9;
	(pc) =	sbr.rel .LBB2_2-.Ltmp2, $4  }
0x3f: {  	v33 =	vbroadcast v38, $0xA;
	v34 =	vbroadcast v38, $0xB;
	s21 =	simm.s32 $0x1B000  }
0x40: {  	v35 =	vbroadcast v38, $0xC;
	v36 =	vbroadcast v38, $0xD;
	[tilespmem:s21], [sflag:$0x3] =	stream.linear.gather [hbm4b:s26+s4], $0x600, $0x38;
	[tilespmem:$0x1E000] =	vst v63  }
0x41: {  	s16 =	simm.s32 $0x0;
	v37 =	vbroadcast v38, $0xE;
	v38 =	vbroadcast v38, $0xF;
	s25 =	rddreg [dreg:$0x10]  }
0x42: {  	v21 =	vbroadcast v22, $0xE;
	v22 =	vbroadcast v22, $0xF;
	[tilespmem:s9], [sflag:$0x3] =	stream.strided.gather [hbm4b:s25+s3], $0x6000, s31, s3, $0x38;
	[tilespmem:$0x1E000] =	vst v63  }
.LBB2_33:
0x43: {  	s18 =	sshll.u32 s18, $0x5  }
0x44: {  	s18 =	sor.u32 s6, s18  }
0x45: {  	s17 =	sadd.s32 $0x6, s17;
	s18 =	smul.u32 $0x600, s18  }
0x46: {  	p1 =	sge.u32 s17, s10  }
0x47: {  	s17 =	sshll.u32 @!p1 s17, $0x5;
	s18 =	sadd.s32 s2, s18  }
0x48: {  	[hbm4b:s18+s3] =	stream.strided.scatter [tilespmem:s0], [sflag:$0x8], $0x6000, s31, s3, $0x38;
	[tilespmem:$0x1E000] =	vst v63  }
0x49: {  	s17 =	sor.u32 @!p1 s6, s17;
	s18 =	simm.s32 @!p1 $0x7  }
0x4a: {  	s17 =	smul.u32 @!p1 $0x600, s17;
	_ =	swait.ge @!p1 [sflag:s18], $0x6000  }
0x4b: {  	[sflag:s18] =	ssyncset.done @!p1 $0x0  }
0x4c: {  	[sflag:s18] =	ssyncadd.s32 @!p1 $0xFFFFA000;
	s18 =	sshrl.u32 @!p1 s17, $0x3  }
0x4d: {  	s19 =	simm.s32 @!p1 $0x0;
	s20 =	simm.s32 @!p1 $0x1A400;
	s18 =	sadd.s32 @!p1 s5, s18  }
0x4e: {  	[tilespmem:s20], [sflag:$0x3] =	stream.linear.gather @!p1 [hbm4b:s18+s19], $0x600, $0x38;
	[tilespmem:$0x1E000] =	vst v63  }
0x4f: {  	s21 =	simm.s32 @!p1 $0x1AA00;
	s20 =	sadd.s32 @!p1 $0x1E848, s18  }
0x50: {  	[tilespmem:s21], [sflag:$0x3] =	stream.linear.gather @!p1 [hbm4b:s20+s19], $0x600, $0x38;
	[tilespmem:$0x1E000] =	vst v63  }
0x51: {  	s17 =	sadd.s32 @!p1 s1, s17;
	s18 =	sadd.s32 @!p1 $0x3D090, s18;
	s20 =	simm.s32 @!p1 $0x1B000  }
0x52: {  	[tilespmem:s20], [sflag:$0x3] =	stream.linear.gather @!p1 [hbm4b:s18+s19], $0x600, $0x38;
	[tilespmem:$0x1E000] =	vst v63  }
0x53: {  	s18 =	simm.s32 @!p1 $0x3000;
	s19 =	simm.s32 @!p1 $0x7A1400;
	s20 =	simm.s32 @!p1 $0xC000  }
0x54: {  	[tilespmem:s20], [sflag:$0x3] =	stream.strided.gather @!p1 [hbm4b:s17+s18], $0x6000, s19, s18, $0x38;
	[tilespmem:$0x1E000] =	vst v63  }
.LBB2_34:
0x55: {  	s16 =	sadd.s32 $0x1, s16  }
0x56: {  	p1 =	sne.s32 s16, $0x6  }
.Ltmp3:
0x57: {  	_ = 	snop;
	(pc) =	sbr.rel @!p1 .LBB2_35-.Ltmp3, $1  }
0x58: {  	_ =	sdelay $0x3  }
.LBB2_2:
0x59: {  	s17 =	sshll.u32 s16, $0x2  }
0x5a: {  	p1 =	sge.u32 s17, s10  }
.Ltmp4:
0x5b: {  	_ = 	snop;
	(pc) =	sbr.rel @p1 .LBB2_10-.Ltmp4, $1  }
0x5c: {  	_ =	sdelay $0x3  }
0x5d: {  	_ =	swait.ge [sflag:s22], $0x600  }
0x5e: {  	[sflag:s22] =	ssyncset.done $0x0  }
0x5f: {  	[sflag:s22] =	ssyncadd.s32 $0xFFFFFA00  }
0x60: {  	_ =	swait.ge [sflag:s22], $0x600  }
0x61: {  	[sflag:s22] =	ssyncset.done $0x0  }
0x62: {  	[sflag:s22] =	ssyncadd.s32 $0xFFFFFA00  }
0x63: {  	_ =	swait.ge [sflag:s22], $0x600  }
0x64: {  	[sflag:s22] =	ssyncset.done $0x0  }
0x65: {  	[sflag:s22] =	ssyncadd.s32 $0xFFFFFA00  }
0x66: {  	_ =	swait.ge [sflag:s22], $0x6000  }
0x67: {  	[sflag:s22] =	ssyncset.done $0x0  }
0x68: {  	s18 =	simm.s32 $0x0;
	s19 =	simm.s32 $0x18000;
	[sflag:s22] =	ssyncadd.s32 $0xFFFFA000  }
0x69: {  	s18 =	sand.u32 $0x7F0, s18;
	v39 =	vld [tilespmem:s19+$0x0]  }
0x6a: {  	v40 =	vld [tilespmem:s18+$0x18600];
	_ =	sdelay $0x1  }
0x6b: {  	v41 =	vld [tilespmem:s18+$0x18C00];
	_ =	sdelay $0x2  }
0x6c: {  	v39 =	vshll.u32 v39, $0x10;
	v40 =	vshll.u32 v40, $0x8  }
0x6d: {  	v39 =	vadd.s32 v39, v40  }
0x6e: {  	v39 =	vadd.s32 v41, v39  }
0x6f: {  	vm1 =	veq.s32 v39, v7;
	vm2 =	veq.s32 v39, v8  }
0x70: {  	vm1 =	vmor vm1, vm2;
	vm2 =	veq.s32 v39, v9  }
0x71: {  	vm1 =	vmor vm2, vm1;
	vm2 =	veq.s32 v39, v10  }
0x72: {  	vm1 =	vmor vm2, vm1;
	vm2 =	veq.s32 v39, v11  }
0x73: {  	s25 =	simm.s32 $0x10;
	s18 =	simm.s32 $0x18010;
	vm1 =	vmor vm2, vm1;
	vm2 =	veq.s32 v39, v12  }
0x74: {  	s19 =	sand.u32 $0x7F0, s25;
	v62 =	vld [tilespmem:s18+$0x0];
	vm1 =	vmor vm2, vm1;
	vm2 =	veq.s32 v39, v13  }
0x75: {  	v63 =	vld [tilespmem:s19+$0x18600];
	vm1 =	vmor vm2, vm1;
	vm2 =	veq.s32 v39, v14  }
0x76: {  	vm1 =	vmor vm2, vm1;
	vm2 =	veq.s32 v39, v15  }
0x77: {  	vm1 =	vmor vm2, vm1;
	vm2 =	veq.s32 v39, v16  }
0x78: {  	v42 =	vld [tilespmem:s19+$0x18C00];
	vm1 =	vmor vm2, vm1;
	vm2 =	veq.s32 v39, v17  }
0x79: {  	v40 =	vshll.u32 v62, $0x10;
	vm1 =	vmor vm2, vm1;
	vm2 =	veq.s32 v39, v18  }
0x7a: {  	v41 =	vshll.u32 v63, $0x8;
	vm1 =	vmor vm2, vm1;
	vm2 =	veq.s32 v39, v19  }
0x7b: {  	v40 =	vadd.s32 v40, v41;
	vm1 =	vmor vm2, vm1;
	vm2 =	veq.s32 v39, v20  }
0x7c: {  	vm3 =	veq.s32 v39, v22;
	vm1 =	vmor vm2, vm1;
	vm2 =	veq.s32 v39, v21  }
0x7d: {  	s19 =	simm.s32 $0x20;
	v40 =	vadd.s32 v42, v40;
	vm2 =	vmor vm2, vm1;
	vm1 =	vmmov vm0  }
.LBB2_4:
0x7e: {  	p1 =	sne.s32 s19, $0x5F0;
	vm3 =	vmor vm3, vm2;
	vm4 =	veq.s32 v39, v23;
	vm2 =	veq.s32 v39, v38  }
0x7f: {  	vm5 =	veq.s32 v39, v24;
	vm4 =	vmor vm4, vm3;
	vm3 =	veq.s32 v39, v37  }
0x80: {  	vm6 =	veq.s32 v39, v25;
	vm5 =	vmor vm5, vm4;
	vm4 =	veq.s32 v39, v36  }
0x81: {  	vm7 =	veq.s32 v39, v26;
	vm6 =	vmor vm6, vm5;
	vm5 =	veq.s32 v39, v35  }
0x82: {  	vm8 =	veq.s32 v39, v27;
	vm7 =	vmor vm7, vm6;
	vm6 =	veq.s32 v39, v34  }
0x83: {  	vm9 =	veq.s32 v39, v33;
	vm7 =	vmor vm8, vm7;
	vm8 =	veq.s32 v39, v28  }
0x84: {  	vm10 =	veq.s32 v39, v32;
	vm7 =	vmor vm8, vm7;
	vm8 =	veq.s32 v39, v29  }
0x85: {  	vm11 =	veq.s32 v39, v31;
	vm7 =	vmor vm8, vm7;
	vm8 =	veq.s32 v39, v30;
	v39 =	vmovc v40  }
0x86: {  	vm12 =	veq.s32 v39, v7;
	vm13 =	veq.s32 v39, v8;
	vm7 =	vmor vm8, vm7  }
0x87: {  	vm8 =	vmor vm12, vm13;
	vm12 =	veq.s32 v39, v9;
	vm7 =	vmor vm11, vm7  }
0x88: {  	vm11 =	veq.s32 v39, v10;
	vm8 =	vmor vm12, vm8;
	vm7 =	vmor vm10, vm7  }
0x89: {  	vm10 =	veq.s32 v39, v11;
	vm8 =	vmor vm11, vm8;
	vm7 =	vmor vm9, vm7  }
0x8a: {  	vm9 =	veq.s32 v39, v12;
	vm8 =	vmor vm10, vm8;
	vm6 =	vmor vm6, vm7  }
0x8b: {  	s18 =	sadd.s32 $0x10, s18;
	vm7 =	vmor vm9, vm8;
	vm8 =	veq.s32 v39, v13;
	vm5 =	vmor vm5, vm6  }
0x8c: {  	s20 =	sand.u32 $0x7F0, s19;
	v40 =	vld [tilespmem:s18+$0x0];
	vm6 =	vmor vm8, vm7;
	vm7 =	veq.s32 v39, v14;
	vm4 =	vmor vm4, vm5  }
0x8d: {  	v41 =	vld [tilespmem:s20+$0x18600];
	vm5 =	vmor vm7, vm6;
	vm6 =	veq.s32 v39, v15;
	vm3 =	vmor vm3, vm4  }
0x8e: {  	vm4 =	vmor vm6, vm5;
	vm5 =	veq.s32 v39, v16;
	vm2 =	vmor vm2, vm3  }
0x8f: {  	v42 =	vld [tilespmem:s20+$0x18C00];
	vm3 =	vmor vm5, vm4;
	vm4 =	veq.s32 v39, v17;
	vm1 =	vmor vm1, vm2  }
.Ltmp5:
0x90: {  	vm2 =	vmor vm4, vm3;
	vm3 =	veq.s32 v39, v18;
	(pc) =	sbr.rel @p1 .LBB2_4-.Ltmp5, $4  }
0x91: {  	v40 =	vshll.u32 v40, $0x10;
	vm2 =	vmor vm3, vm2;
	vm3 =	veq.s32 v39, v19  }
0x92: {  	v41 =	vshll.u32 v41, $0x8;
	vm2 =	vmor vm3, vm2;
	vm3 =	veq.s32 v39, v20  }
0x93: {  	v40 =	vadd.s32 v40, v41;
	vm2 =	vmor vm3, vm2;
	vm3 =	veq.s32 v39, v21  }
0x94: {  	s19 =	sadd.s32 $0x10, s19;
	v40 =	vadd.s32 v42, v40;
	vm2 =	vmor vm3, vm2;
	vm3 =	veq.s32 v39, v22  }
0x95: {  	vm3 =	vmor vm3, vm2;
	vm4 =	veq.s32 v39, v23  }
0x96: {  	vm2 =	veq.s32 v39, v38;
	vm5 =	veq.s32 v40, v7;
	vm6 =	veq.s32 v40, v8  }
0x97: {  	vm15 =	veq.s32 v40, v9;
	vm4 =	vmor vm4, vm3;
	vm3 =	vmor vm5, vm6  }
0x98: {  	vm9 =	veq.s32 v39, v24;
	vm7 =	veq.s32 v40, v10;
	vm5 =	vmor vm15, vm3  }
0x99: {  	vm10 =	veq.s32 v40, v11;
	vm12 =	veq.s32 v40, v12;
	vm5 =	vmor vm7, vm5  }
0x9a: {  	vm13 =	veq.s32 v39, v25;
	vm8 =	veq.s32 v40, v13;
	vm11 =	vmor vm10, vm5  }
0x9b: {  	vm14 =	veq.s32 v40, v14;
	vm3 =	veq.s32 v39, v37;
	vm5 =	vmor vm12, vm11  }
0x9c: {  	vm6 =	vmor vm9, vm4;
	vm4 =	veq.s32 v39, v36;
	vm5 =	vmor vm8, vm5  }
0x9d: {  	vm15 =	veq.s32 v40, v15;
	vm9 =	veq.s32 v40, v16;
	vm5 =	vmor vm14, vm5  }
0x9e: {  	vm6 =	vmor vm13, vm6;
	vm13 =	veq.s32 v40, v17;
	vm7 =	vmor vm15, vm5  }
0x9f: {  	vm10 =	veq.s32 v40, v19;
	vm12 =	veq.s32 v39, v26;
	vm7 =	vmor vm9, vm7  }
0xa0: {  	vm11 =	veq.s32 v39, v33;
	vm15 =	veq.s32 v40, v18;
	vm14 =	vmor vm13, vm7  }
0xa1: {  	vm8 =	vmor vm12, vm6;
	vm12 =	veq.s32 v39, v27;
	vm7 =	vmor vm15, vm14  }
0xa2: {  	vm6 =	veq.s32 v39, v34;
	vm13 =	veq.s32 v40, v20;
	vm7 =	vmor vm10, vm7  }
0xa3: {  	vm8 =	vmor vm12, vm8;
	vm14 =	veq.s32 v40, v21;
	vm7 =	vmor vm13, vm7  }
0xa4: {  	vm12 =	veq.s32 v40, v22;
	vm5 =	veq.s32 v39, v35;
	vm7 =	vmor vm14, vm7  }
0xa5: {  	vm9 =	veq.s32 v40, v25;
	vm13 =	veq.s32 v40, v23;
	vm7 =	vmor vm12, vm7  }
0xa6: {  	vm15 =	veq.s32 v39, v28;
	vm14 =	veq.s32 v40, v24;
	vm7 =	vmor vm13, vm7  }
0xa7: {  	vm8 =	vmor vm15, vm8;
	vm10 =	veq.s32 v39, v29;
	vm7 =	vmor vm14, vm7  }
0xa8: {  	vm15 =	veq.s32 v40, v26;
	vm8 =	vmor vm10, vm8;
	vm7 =	vmor vm9, vm7  }
0xa9: {  	vm10 =	veq.s32 v39, v30;
	vm13 =	veq.s32 v40, v27;
	vm7 =	vmor vm15, vm7  }
0xaa: {  	vm8 =	vmor vm10, vm8;
	vm9 =	veq.s32 v40, v28;
	vm7 =	vmor vm13, vm7  }
0xab: {  	vm12 =	veq.s32 v39, v32;
	vm14 =	veq.s32 v40, v29;
	vm7 =	vmor vm9, vm7  }
0xac: {  	vm15 =	veq.s32 v40, v30;
	vm13 =	veq.s32 v39, v31;
	vm7 =	vmor vm14, vm7  }
0xad: {  	vm8 =	vmor vm13, vm8;
	vm13 =	veq.s32 v40, v31;
	vm7 =	vmor vm15, vm7  }
0xae: {  	vm8 =	vmor vm12, vm8;
	vm14 =	veq.s32 v40, v32;
	vm7 =	vmor vm13, vm7  }
0xaf: {  	vm8 =	vmor vm11, vm8;
	vm15 =	veq.s32 v40, v33;
	vm7 =	vmor vm14, vm7  }
0xb0: {  	vm12 =	veq.s32 v40, v34;
	vm6 =	vmor vm6, vm8;
	vm7 =	vmor vm15, vm7  }
0xb1: {  	vm13 =	veq.s32 v40, v35;
	vm5 =	vmor vm5, vm6;
	vm7 =	vmor vm12, vm7  }
0xb2: {  	vm14 =	veq.s32 v40, v36;
	vm4 =	vmor vm4, vm5;
	vm6 =	vmor vm13, vm7  }
0xb3: {  	vm15 =	veq.s32 v40, v37;
	vm3 =	vmor vm3, vm4;
	vm5 =	vmor vm14, vm6  }
0xb4: {  	vm2 =	vmor vm2, vm3;
	vm3 =	veq.s32 v40, v38;
	vm4 =	vmor vm15, vm5  }
0xb5: {  	vm1 =	vmor vm1, vm2;
	vm2 =	vmor vm3, vm4  }
0xb6: {  	vm1 =	vmor vm1, vm2  }
0xb7: {  	v63 =	vsel vm1, $0x3F800000, v6  }
0xb8: {  	(xrf0) =	vmax.scan.msk.f32 $0xffff, v63;
	_ =	sdelay $0x5  }
0xb9: {  	v39, _, _ =	vpop (xrf0)  }
0xba: {  	(v2sf) =	vpush v39, $0xF;
	_ =	sdelay $0xe  }
0xbb: {  	s18 =	spop (v2sf)  }
0xbc: {  	p1 =	sgt.f32 s18, $0.0e+00  }
.Ltmp6:
0xbd: {  	_ = 	snop;
	(pc) =	sbr.rel @!p1 .LBB2_9-.Ltmp6, $1  }
0xbe: {  	_ =	sdelay $0x3  }
0xbf: {  	s19 =	simm.s32 $0x0;
	s18 =	simm.s32 $0x18000  }
0xc0: {  	v39 =	vld [tilespmem:s18+$0x0];
	s20 =	sand.u32 $0x7F0, s19  }
0xc1: {  	v40 =	vld [tilespmem:s20+$0x18600];
	_ =	sdelay $0x1  }
0xc2: {  	v41 =	vld [tilespmem:s20+$0x18C00];
	_ =	sdelay $0x2  }
0xc3: {  	v39 =	vshll.u32 v39, $0x10;
	v40 =	vshll.u32 v40, $0x8  }
0xc4: {  	v39 =	vadd.s32 v39, v40  }
0xc5: {  	v39 =	vadd.s32 v41, v39  }
0xc6: {  	vm1 =	veq.s32 v39, v7;
	vm2 =	veq.s32 v39, v8  }
0xc7: {  	vm1 =	vmor vm1, vm2;
	vm2 =	veq.s32 v39, v9  }
0xc8: {  	vm1 =	vmor vm2, vm1;
	vm2 =	veq.s32 v39, v10  }
0xc9: {  	vm1 =	vmor vm2, vm1;
	vm2 =	veq.s32 v39, v11  }
0xca: {  	vm1 =	vmor vm2, vm1;
	vm2 =	veq.s32 v39, v12  }
0xcb: {  	vm1 =	vmor vm2, vm1;
	vm2 =	veq.s32 v39, v13  }
0xcc: {  	vm1 =	vmor vm2, vm1;
	vm2 =	veq.s32 v39, v14  }
0xcd: {  	vm1 =	vmor vm2, vm1;
	vm2 =	veq.s32 v39, v15  }
0xce: {  	vm1 =	vmor vm2, vm1;
	vm2 =	veq.s32 v39, v16  }
0xcf: {  	vm1 =	vmor vm2, vm1;
	vm2 =	veq.s32 v39, v17  }
0xd0: {  	vm1 =	vmor vm2, vm1;
	vm2 =	veq.s32 v39, v18  }
0xd1: {  	vm1 =	vmor vm2, vm1;
	vm2 =	veq.s32 v39, v19  }
0xd2: {  	vm1 =	vmor vm2, vm1;
	vm2 =	veq.s32 v39, v20  }
0xd3: {  	vm1 =	vmor vm2, vm1;
	vm2 =	veq.s32 v39, v21  }
0xd4: {  	vm1 =	vmor vm2, vm1;
	vm2 =	veq.s32 v39, v22  }
0xd5: {  	vm1 =	vmor vm2, vm1;
	vm2 =	veq.s32 v39, v23  }
0xd6: {  	vm1 =	vmor vm2, vm1;
	vm2 =	veq.s32 v39, v24  }
0xd7: {  	vm1 =	vmor vm2, vm1;
	vm2 =	veq.s32 v39, v25  }
0xd8: {  	vm1 =	vmor vm2, vm1;
	vm2 =	veq.s32 v39, v26  }
0xd9: {  	vm1 =	vmor vm2, vm1;
	vm2 =	veq.s32 v39, v27  }
0xda: {  	vm1 =	vmor vm2, vm1;
	vm2 =	veq.s32 v39, v28  }
0xdb: {  	vm1 =	vmor vm2, vm1;
	vm2 =	veq.s32 v39, v29  }
0xdc: {  	vm1 =	vmor vm2, vm1;
	vm2 =	veq.s32 v39, v30  }
0xdd: {  	vm1 =	vmor vm2, vm1;
	vm2 =	veq.s32 v39, v31  }
0xde: {  	vm1 =	vmor vm2, vm1;
	vm2 =	veq.s32 v39, v32  }
0xdf: {  	vm1 =	vmor vm2, vm1;
	vm2 =	veq.s32 v39, v33  }
0xe0: {  	vm1 =	vmor vm2, vm1;
	vm2 =	veq.s32 v39, v34  }
0xe1: {  	vm1 =	vmor vm2, vm1;
	vm2 =	veq.s32 v39, v35  }
0xe2: {  	vm1 =	vmor vm2, vm1;
	vm2 =	veq.s32 v39, v36  }
0xe3: {  	vm1 =	vmor vm2, vm1;
	vm2 =	veq.s32 v39, v37  }
0xe4: {  	vm1 =	vmor vm2, vm1;
	vm2 =	veq.s32 v39, v38  }
0xe5: {  	vm1 =	vmor vm2, vm1  }
0xe6: {  	v63 =	vsel vm1, $0x3F800000, v6  }
0xe7: {  	(xrf0) =	vmax.scan.msk.f32 $0xffff, v63;
	_ =	sdelay $0x5  }
0xe8: {  	v39, _, _ =	vpop (xrf0)  }
0xe9: {  	(v2sf) =	vpush v39, $0xF;
	_ =	sdelay $0xe  }
0xea: {  	s25 =	spop (v2sf)  }
0xeb: {  	p2 =	sgt.f32 s25, $0.0e+00;
	_ =	sdelay $0x1  }
0xec: {  	v39 =	vmov @p2 s19;
	v40 =	vlaneseq.u32 @p2  }
0xed: {  	v40 =	vor.u32 @p2 s19, v40;
	v41 =	vshll.u32 @p2 v39, $0x3  }
0xee: {  	v40 =	vand.u32 @p2 $0x7F, v40;
	v39 =	vand.u32 @p2 $0x3C00, v41  }
0xef: {  	v42 =	vor.u32 @p2 v40, v39  }
0xf0: {  	v43 =	vor.u32 @p2 $0x80, v42  }
0xf1: {  	v44 =	vor.u32 @p2 $0x100, v42  }
0xf2: {  	v45 =	vor.u32 @p2 $0x180, v42  }
0xf3: {  	s20 =	simm.s32 @p2 $0x0;
	v39 =	vimm.f32 @p2 $1.000000000e+00;
	v46 =	vor.u32 @p2 $0x200, v42  }
0xf4: {  	v47 =	vor.u32 @p2 $0x280, v42;
	[tilespmem:v42+s20+$0x0] =	vst.idx.msk @p2 vm1, v39  }
0xf5: {  	v40 =	vor.u32 @p2 v40, v41;
	v41 =	vor.u32 @p2 $0x300, v42;
	[tilespmem:v43+s20+$0x0] =	vst.idx.msk @p2 vm1, v39  }
0xf6: {  	v40 =	vor.u32 @p2 $0x380, v40;
	[tilespmem:v44+s20+$0x0] =	vst.idx.msk @p2 vm1, v39  }
0xf7: {  	v43 =	vadd.s32 @p2 $0x3000, v42;
	[tilespmem:v45+s20+$0x0] =	vst.idx.msk @p2 vm1, v39  }
0xf8: {  	v44 =	vadd.s32 @p2 $0x3080, v42;
	[tilespmem:v46+s20+$0x0] =	vst.idx.msk @p2 vm1, v39  }
0xf9: {  	v45 =	vadd.s32 @p2 $0x3100, v42;
	[tilespmem:v47+s20+$0x0] =	vst.idx.msk @p2 vm1, v39  }
0xfa: {  	v46 =	vadd.s32 @p2 $0x3180, v42;
	[tilespmem:v41+s20+$0x0] =	vst.idx.msk @p2 vm1, v39  }
0xfb: {  	v41 =	vadd.s32 @p2 $0x3200, v42;
	[tilespmem:v40+s20+$0x0] =	vst.idx.msk @p2 vm1, v39  }
0xfc: {  	v40 =	vadd.s32 @p2 $0x3280, v42;
	[tilespmem:v43+s20+$0x0] =	vst.idx.msk @p2 vm1, v39  }
0xfd: {  	[tilespmem:v44+s20+$0x0] =	vst.idx.msk @p2 vm1, v39  }
0xfe: {  	[tilespmem:v45+s20+$0x0] =	vst.idx.msk @p2 vm1, v39  }
0xff: {  	[tilespmem:v46+s20+$0x0] =	vst.idx.msk @p2 vm1, v39  }
0x100: {  	v43 =	vadd.s32 @p2 $0x3300, v42;
	[tilespmem:v41+s20+$0x0] =	vst.idx.msk @p2 vm1, v39  }
0x101: {  	[tilespmem:v40+s20+$0x0] =	vst.idx.msk @p2 vm1, v39;
	v40 =	vadd.s32 @p2 $0x3380, v42;
	_ =	sdelay $0x3  }
0x102: {  	s19 =	simm.s32 $0x10;
	[tilespmem:v43+s20+$0x0] =	vst.idx.msk @p2 vm1, v39  }
.LBB2_7:
0x103: {  	[tilespmem:v40+s20+$0x0] =	vst.idx.msk @p2 vm1, v39;
	s18 =	sadd.s32 $0x10, s18;
	s20 =	smov.u32 s19;
	s19 =	sadd.s32 $0x10, s19  }
0x104: {  	v39 =	vld [tilespmem:s18+$0x0];
	s21 =	sand.u32 $0x7F0, s20;
	p1 =	sne.s32 s19, $0x600  }
0x105: {  	v40 =	vld [tilespmem:s21+$0x18600];
	_ =	sdelay $0x1  }
0x106: {  	v41 =	vld [tilespmem:s21+$0x18C00];
	_ =	sdelay $0x2  }
0x107: {  	v39 =	vshll.u32 v39, $0x10;
	v40 =	vshll.u32 v40, $0x8  }
0x108: {  	v39 =	vadd.s32 v39, v40  }
0x109: {  	v39 =	vadd.s32 v41, v39  }
0x10a: {  	vm1 =	veq.s32 v39, v7;
	vm2 =	veq.s32 v39, v8  }
0x10b: {  	vm1 =	vmor vm1, vm2;
	vm2 =	veq.s32 v39, v9  }
0x10c: {  	vm1 =	vmor vm2, vm1;
	vm2 =	veq.s32 v39, v10  }
0x10d: {  	vm1 =	vmor vm2, vm1;
	vm2 =	veq.s32 v39, v11  }
0x10e: {  	vm1 =	vmor vm2, vm1;
	vm2 =	veq.s32 v39, v12  }
0x10f: {  	vm1 =	vmor vm2, vm1;
	vm2 =	veq.s32 v39, v13  }
0x110: {  	vm1 =	vmor vm2, vm1;
	vm2 =	veq.s32 v39, v14  }
0x111: {  	vm1 =	vmor vm2, vm1;
	vm2 =	veq.s32 v39, v15  }
0x112: {  	vm1 =	vmor vm2, vm1;
	vm2 =	veq.s32 v39, v16  }
0x113: {  	vm1 =	vmor vm2, vm1;
	vm2 =	veq.s32 v39, v17  }
0x114: {  	vm1 =	vmor vm2, vm1;
	vm2 =	veq.s32 v39, v18  }
0x115: {  	vm1 =	vmor vm2, vm1;
	vm2 =	veq.s32 v39, v19  }
0x116: {  	vm1 =	vmor vm2, vm1;
	vm2 =	veq.s32 v39, v20  }
0x117: {  	vm1 =	vmor vm2, vm1;
	vm2 =	veq.s32 v39, v21  }
0x118: {  	vm1 =	vmor vm2, vm1;
	vm2 =	veq.s32 v39, v22  }
0x119: {  	vm1 =	vmor vm2, vm1;
	vm2 =	veq.s32 v39, v23  }
0x11a: {  	vm1 =	vmor vm2, vm1;
	vm2 =	veq.s32 v39, v24  }
0x11b: {  	vm1 =	vmor vm2, vm1;
	vm2 =	veq.s32 v39, v25  }
0x11c: {  	vm1 =	vmor vm2, vm1;
	vm2 =	veq.s32 v39, v26  }
0x11d: {  	vm1 =	vmor vm2, vm1;
	vm2 =	veq.s32 v39, v27  }
0x11e: {  	vm1 =	vmor vm2, vm1;
	vm2 =	veq.s32 v39, v28  }
0x11f: {  	vm1 =	vmor vm2, vm1;
	vm2 =	veq.s32 v39, v29  }
0x120: {  	vm1 =	vmor vm2, vm1;
	vm2 =	veq.s32 v39, v30  }
0x121: {  	vm1 =	vmor vm2, vm1;
	vm2 =	veq.s32 v39, v31  }
0x122: {  	vm1 =	vmor vm2, vm1;
	vm2 =	veq.s32 v39, v32  }
0x123: {  	vm1 =	vmor vm2, vm1;
	vm2 =	veq.s32 v39, v33  }
0x124: {  	vm1 =	vmor vm2, vm1;
	vm2 =	veq.s32 v39, v34  }
0x125: {  	vm1 =	vmor vm2, vm1;
	vm2 =	veq.s32 v39, v35  }
0x126: {  	vm1 =	vmor vm2, vm1;
	vm2 =	veq.s32 v39, v36  }
0x127: {  	vm1 =	vmor vm2, vm1;
	vm2 =	veq.s32 v39, v37  }
0x128: {  	vm1 =	vmor vm2, vm1;
	vm2 =	veq.s32 v39, v38  }
0x129: {  	vm1 =	vmor vm2, vm1  }
0x12a: {  	v39 =	vsel vm1, $0x3F800000, v6  }
0x12b: {  	(xrf0) =	vmax.scan.msk.f32 $0xffff, v39;
	_ =	sdelay $0x5  }
0x12c: {  	v39, _, _ =	vpop (xrf0)  }
0x12d: {  	(v2sf) =	vpush v39, $0xF;
	_ =	sdelay $0xe  }
0x12e: {  	s21 =	spop (v2sf)  }
0x12f: {  	p2 =	sgt.f32 s21, $0.0e+00;
	_ =	sdelay $0x1  }
0x130: {  	v39 =	vmov @p2 s20;
	v40 =	vlaneseq.u32 @p2  }
0x131: {  	v40 =	vor.u32 @p2 s20, v40;
	v39 =	vshll.u32 @p2 v39, $0x3  }
0x132: {  	v40 =	vand.u32 @p2 $0x7F, v40;
	v41 =	vand.u32 @p2 $0x3C00, v39  }
0x133: {  	v41 =	vor.u32 @p2 v40, v41;
	v39 =	vor.u32 @p2 v40, v39  }
0x134: {  	v40 =	vor.u32 @p2 $0x80, v41;
	v42 =	vor.u32 @p2 $0x100, v41;
	v43 =	vor.u32 @p2 $0x180, v41  }
0x135: {  	v44 =	vor.u32 @p2 $0x200, v41;
	v45 =	vor.u32 @p2 $0x280, v41;
	v46 =	vor.u32 @p2 $0x300, v41  }
0x136: {  	v47 =	vor.u32 @p2 $0x380, v39;
	v48 =	vadd.s32 @p2 $0x3000, v41;
	v49 =	vadd.s32 @p2 $0x3080, v41  }
0x137: {  	s20 =	simm.s32 @p2 $0x0;
	v39 =	vimm.f32 @p2 $1.000000000e+00;
	v50 =	vadd.s32 @p2 $0x3100, v41;
	v51 =	vadd.s32 @p2 $0x3180, v41  }
0x138: {  	v52 =	vadd.s32 @p2 $0x3200, v41;
	v53 =	vadd.s32 @p2 $0x3280, v41;
	v54 =	vadd.s32 @p2 $0x3300, v41;
	[tilespmem:v41+s20+$0x0] =	vst.idx.msk @p2 vm1, v39  }
0x139: {  	[tilespmem:v40+s20+$0x0] =	vst.idx.msk @p2 vm1, v39;
	v40 =	vadd.s32 @p2 $0x3380, v41  }
0x13a: {  	[tilespmem:v42+s20+$0x0] =	vst.idx.msk @p2 vm1, v39  }
0x13b: {  	[tilespmem:v43+s20+$0x0] =	vst.idx.msk @p2 vm1, v39  }
0x13c: {  	[tilespmem:v44+s20+$0x0] =	vst.idx.msk @p2 vm1, v39  }
0x13d: {  	[tilespmem:v45+s20+$0x0] =	vst.idx.msk @p2 vm1, v39  }
0x13e: {  	[tilespmem:v46+s20+$0x0] =	vst.idx.msk @p2 vm1, v39  }
0x13f: {  	[tilespmem:v47+s20+$0x0] =	vst.idx.msk @p2 vm1, v39  }
0x140: {  	[tilespmem:v48+s20+$0x0] =	vst.idx.msk @p2 vm1, v39  }
0x141: {  	[tilespmem:v49+s20+$0x0] =	vst.idx.msk @p2 vm1, v39  }
.Ltmp7:
0x142: {  	[tilespmem:v50+s20+$0x0] =	vst.idx.msk @p2 vm1, v39;
	(pc) =	sbr.rel @p1 .LBB2_7-.Ltmp7, $4  }
0x143: {  	[tilespmem:v51+s20+$0x0] =	vst.idx.msk @p2 vm1, v39  }
0x144: {  	[tilespmem:v52+s20+$0x0] =	vst.idx.msk @p2 vm1, v39  }
0x145: {  	[tilespmem:v53+s20+$0x0] =	vst.idx.msk @p2 vm1, v39  }
0x146: {  	[tilespmem:v54+s20+$0x0] =	vst.idx.msk @p2 vm1, v39  }
0x147: {  	_ =	sdelay $0x4  }
0x148: {  	[tilespmem:v40+s20+$0x0] =	vst.idx.msk @p2 vm1, v39  }
.LBB2_9:
0x149: {  	s18 =	sshll.u32 s16, $0x7  }
0x14a: {  	s18 =	sor.u32 s6, s18  }
0x14b: {  	s18 =	smul.u32 $0x600, s18;
	_ =	sdelay $0x1  }
0x14c: {  	s18 =	sadd.s32 s2, s18  }
0x14d: {  	[hbm4b:s18+s3] =	stream.strided.scatter [tilespmem:s4], [sflag:$0x5], $0x6000, s31, s3, $0x38;
	[tilespmem:$0x1E000] =	vst v63  }
0x14e: {  	s18 =	sor.u32 $0x3, s17  }
0x14f: {  	p1 =	sge.u32 s18, s10  }
0x150: {  	p2 =	seq.s32 @!p1 s16, $0x0  }
0x151: {  	s18 =	sshll.u32 @!p1 s18, $0x5;
	p2 =	por p2, p1  }
0x152: {  	s18 =	sor.u32 @!p1 s6, s18;
	s19 =	simm.s32 @!p2 $0x8  }
0x153: {  	s18 =	smul.u32 @!p1 $0x600, s18;
	_ =	swait.ge @!p2 [sflag:s19], $0x6000  }
0x154: {  	[sflag:s19] =	ssyncset.done @!p2 $0x0  }
0x155: {  	[sflag:s19] =	ssyncadd.s32 @!p2 $0xFFFFA000;
	s19 =	sshrl.u32 @!p1 s18, $0x3  }
0x156: {  	s20 =	simm.s32 @!p1 $0x0;
	s21 =	simm.s32 @!p1 $0x1B600;
	s19 =	sadd.s32 @!p1 s5, s19  }
0x157: {  	[tilespmem:s21], [sflag:$0x4] =	stream.linear.gather @!p1 [hbm4b:s19+s20], $0x600, $0x38;
	[tilespmem:$0x1E000] =	vst v63  }
0x158: {  	s25 =	simm.s32 @!p1 $0x1BC00;
	s21 =	sadd.s32 @!p1 $0x1E848, s19  }
0x159: {  	[tilespmem:s25], [sflag:$0x4] =	stream.linear.gather @!p1 [hbm4b:s21+s20], $0x600, $0x38;
	[tilespmem:$0x1E000] =	vst v63  }
0x15a: {  	s18 =	sadd.s32 @!p1 s1, s18;
	s19 =	sadd.s32 @!p1 $0x3D090, s19;
	s21 =	simm.s32 @!p1 $0x1C200  }
0x15b: {  	[tilespmem:s21], [sflag:$0x4] =	stream.linear.gather @!p1 [hbm4b:s19+s20], $0x600, $0x38;
	[tilespmem:$0x1E000] =	vst v63  }
0x15c: {  	s19 =	simm.s32 @!p1 $0x3000;
	s20 =	simm.s32 @!p1 $0x7A1400;
	s21 =	simm.s32 @!p1 $0x12000  }
0x15d: {  	[tilespmem:s21], [sflag:$0x4] =	stream.strided.gather @!p1 [hbm4b:s18+s19], $0x6000, s20, s19, $0x38;
	[tilespmem:$0x1E000] =	vst v63  }
.LBB2_10:
0x15e: {  	s18 =	sor.u32 $0x1, s17  }
0x15f: {  	p1 =	sge.u32 s18, s10  }
.Ltmp8:
0x160: {  	_ = 	snop;
	(pc) =	sbr.rel @p1 .LBB2_18-.Ltmp8, $1  }
0x161: {  	_ =	sdelay $0x3  }
0x162: {  	_ =	swait.ge [sflag:s23], $0x600  }
0x163: {  	[sflag:s23] =	ssyncset.done $0x0  }
0x164: {  	[sflag:s23] =	ssyncadd.s32 $0xFFFFFA00  }
0x165: {  	_ =	swait.ge [sflag:s23], $0x600  }
0x166: {  	[sflag:s23] =	ssyncset.done $0x0  }
0x167: {  	[sflag:s23] =	ssyncadd.s32 $0xFFFFFA00  }
0x168: {  	_ =	swait.ge [sflag:s23], $0x600  }
0x169: {  	[sflag:s23] =	ssyncset.done $0x0  }
0x16a: {  	[sflag:s23] =	ssyncadd.s32 $0xFFFFFA00  }
0x16b: {  	_ =	swait.ge [sflag:s23], $0x6000  }
0x16c: {  	[sflag:s23] =	ssyncset.done $0x0  }
0x16d: {  	s19 =	simm.s32 $0x0;
	s20 =	simm.s32 $0x19200;
	[sflag:s23] =	ssyncadd.s32 $0xFFFFA000  }
0x16e: {  	s19 =	sand.u32 $0x7F0, s19;
	v39 =	vld [tilespmem:s20+$0x0]  }
0x16f: {  	v40 =	vld [tilespmem:s19+$0x19800];
	_ =	sdelay $0x1  }
0x170: {  	v41 =	vld [tilespmem:s19+$0x19E00];
	_ =	sdelay $0x2  }
0x171: {  	v39 =	vshll.u32 v39, $0x10;
	v40 =	vshll.u32 v40, $0x8  }
0x172: {  	v39 =	vadd.s32 v39, v40  }
0x173: {  	v39 =	vadd.s32 v41, v39  }
0x174: {  	vm1 =	veq.s32 v39, v7;
	vm2 =	veq.s32 v39, v8  }
0x175: {  	vm1 =	vmor vm1, vm2;
	vm2 =	veq.s32 v39, v9  }
0x176: {  	vm1 =	vmor vm2, vm1;
	vm2 =	veq.s32 v39, v10  }
0x177: {  	vm1 =	vmor vm2, vm1;
	vm2 =	veq.s32 v39, v11  }
0x178: {  	s25 =	simm.s32 $0x10;
	s19 =	simm.s32 $0x19210;
	vm1 =	vmor vm2, vm1;
	vm2 =	veq.s32 v39, v12  }
0x179: {  	s20 =	sand.u32 $0x7F0, s25;
	v62 =	vld [tilespmem:s19+$0x0];
	vm1 =	vmor vm2, vm1;
	vm2 =	veq.s32 v39, v13  }
0x17a: {  	v63 =	vld [tilespmem:s20+$0x19800];
	vm1 =	vmor vm2, vm1;
	vm2 =	veq.s32 v39, v14  }
0x17b: {  	vm1 =	vmor vm2, vm1;
	vm2 =	veq.s32 v39, v15  }
0x17c: {  	vm1 =	vmor vm2, vm1;
	vm2 =	veq.s32 v39, v16  }
0x17d: {  	v42 =	vld [tilespmem:s20+$0x19E00];
	vm1 =	vmor vm2, vm1;
	vm2 =	veq.s32 v39, v17  }
0x17e: {  	v40 =	vshll.u32 v62, $0x10;
	vm1 =	vmor vm2, vm1;
	vm2 =	veq.s32 v39, v18  }
0x17f: {  	v41 =	vshll.u32 v63, $0x8;
	vm1 =	vmor vm2, vm1;
	vm2 =	veq.s32 v39, v19  }
0x180: {  	v40 =	vadd.s32 v40, v41;
	vm1 =	vmor vm2, vm1;
	vm2 =	veq.s32 v39, v20  }
0x181: {  	vm3 =	veq.s32 v39, v22;
	vm1 =	vmor vm2, vm1;
	vm2 =	veq.s32 v39, v21  }
0x182: {  	s20 =	simm.s32 $0x20;
	v40 =	vadd.s32 v42, v40;
	vm2 =	vmor vm2, vm1;
	vm1 =	vmmov vm0  }
.LBB2_12:
0x183: {  	p1 =	sne.s32 s20, $0x5F0;
	vm3 =	vmor vm3, vm2;
	vm4 =	veq.s32 v39, v23;
	vm2 =	veq.s32 v39, v38  }
0x184: {  	vm5 =	veq.s32 v39, v24;
	vm4 =	vmor vm4, vm3;
	vm3 =	veq.s32 v39, v37  }
0x185: {  	vm6 =	veq.s32 v39, v25;
	vm5 =	vmor vm5, vm4;
	vm4 =	veq.s32 v39, v36  }
0x186: {  	vm7 =	veq.s32 v39, v26;
	vm6 =	vmor vm6, vm5;
	vm5 =	veq.s32 v39, v35  }
0x187: {  	vm8 =	veq.s32 v39, v27;
	vm7 =	vmor vm7, vm6;
	vm6 =	veq.s32 v39, v34  }
0x188: {  	vm9 =	veq.s32 v39, v33;
	vm7 =	vmor vm8, vm7;
	vm8 =	veq.s32 v39, v28  }
0x189: {  	vm10 =	veq.s32 v39, v32;
	vm7 =	vmor vm8, vm7;
	vm8 =	veq.s32 v39, v29  }
0x18a: {  	vm11 =	veq.s32 v39, v31;
	vm7 =	vmor vm8, vm7;
	vm8 =	veq.s32 v39, v30;
	v39 =	vmovc v40  }
0x18b: {  	vm12 =	veq.s32 v39, v7;
	vm13 =	veq.s32 v39, v8;
	vm7 =	vmor vm8, vm7  }
0x18c: {  	vm8 =	vmor vm12, vm13;
	vm12 =	veq.s32 v39, v9;
	vm7 =	vmor vm11, vm7  }
0x18d: {  	vm11 =	veq.s32 v39, v10;
	vm8 =	vmor vm12, vm8;
	vm7 =	vmor vm10, vm7  }
0x18e: {  	vm10 =	veq.s32 v39, v11;
	vm8 =	vmor vm11, vm8;
	vm7 =	vmor vm9, vm7  }
0x18f: {  	vm9 =	veq.s32 v39, v12;
	vm8 =	vmor vm10, vm8;
	vm6 =	vmor vm6, vm7  }
0x190: {  	s19 =	sadd.s32 $0x10, s19;
	vm7 =	vmor vm9, vm8;
	vm8 =	veq.s32 v39, v13;
	vm5 =	vmor vm5, vm6  }
0x191: {  	s21 =	sand.u32 $0x7F0, s20;
	v40 =	vld [tilespmem:s19+$0x0];
	vm6 =	vmor vm8, vm7;
	vm7 =	veq.s32 v39, v14;
	vm4 =	vmor vm4, vm5  }
0x192: {  	v41 =	vld [tilespmem:s21+$0x19800];
	vm5 =	vmor vm7, vm6;
	vm6 =	veq.s32 v39, v15;
	vm3 =	vmor vm3, vm4  }
0x193: {  	vm4 =	vmor vm6, vm5;
	vm5 =	veq.s32 v39, v16;
	vm2 =	vmor vm2, vm3  }
0x194: {  	v42 =	vld [tilespmem:s21+$0x19E00];
	vm3 =	vmor vm5, vm4;
	vm4 =	veq.s32 v39, v17;
	vm1 =	vmor vm1, vm2  }
.Ltmp9:
0x195: {  	vm2 =	vmor vm4, vm3;
	vm3 =	veq.s32 v39, v18;
	(pc) =	sbr.rel @p1 .LBB2_12-.Ltmp9, $4  }
0x196: {  	v40 =	vshll.u32 v40, $0x10;
	vm2 =	vmor vm3, vm2;
	vm3 =	veq.s32 v39, v19  }
0x197: {  	v41 =	vshll.u32 v41, $0x8;
	vm2 =	vmor vm3, vm2;
	vm3 =	veq.s32 v39, v20  }
0x198: {  	v40 =	vadd.s32 v40, v41;
	vm2 =	vmor vm3, vm2;
	vm3 =	veq.s32 v39, v21  }
0x199: {  	s20 =	sadd.s32 $0x10, s20;
	v40 =	vadd.s32 v42, v40;
	vm2 =	vmor vm3, vm2;
	vm3 =	veq.s32 v39, v22  }
0x19a: {  	vm3 =	vmor vm3, vm2;
	vm4 =	veq.s32 v39, v23  }
0x19b: {  	vm2 =	veq.s32 v39, v38;
	vm5 =	veq.s32 v40, v7;
	vm6 =	veq.s32 v40, v8  }
0x19c: {  	vm15 =	veq.s32 v40, v9;
	vm4 =	vmor vm4, vm3;
	vm3 =	vmor vm5, vm6  }
0x19d: {  	vm9 =	veq.s32 v39, v24;
	vm7 =	veq.s32 v40, v10;
	vm5 =	vmor vm15, vm3  }
0x19e: {  	vm10 =	veq.s32 v40, v11;
	vm12 =	veq.s32 v40, v12;
	vm5 =	vmor vm7, vm5  }
0x19f: {  	vm13 =	veq.s32 v39, v25;
	vm8 =	veq.s32 v40, v13;
	vm11 =	vmor vm10, vm5  }
0x1a0: {  	vm14 =	veq.s32 v40, v14;
	vm3 =	veq.s32 v39, v37;
	vm5 =	vmor vm12, vm11  }
0x1a1: {  	vm6 =	vmor vm9, vm4;
	vm4 =	veq.s32 v39, v36;
	vm5 =	vmor vm8, vm5  }
0x1a2: {  	vm15 =	veq.s32 v40, v15;
	vm9 =	veq.s32 v40, v16;
	vm5 =	vmor vm14, vm5  }
0x1a3: {  	vm6 =	vmor vm13, vm6;
	vm13 =	veq.s32 v40, v17;
	vm7 =	vmor vm15, vm5  }
0x1a4: {  	vm10 =	veq.s32 v40, v19;
	vm12 =	veq.s32 v39, v26;
	vm7 =	vmor vm9, vm7  }
0x1a5: {  	vm11 =	veq.s32 v39, v33;
	vm15 =	veq.s32 v40, v18;
	vm14 =	vmor vm13, vm7  }
0x1a6: {  	vm8 =	vmor vm12, vm6;
	vm12 =	veq.s32 v39, v27;
	vm7 =	vmor vm15, vm14  }
0x1a7: {  	vm6 =	veq.s32 v39, v34;
	vm13 =	veq.s32 v40, v20;
	vm7 =	vmor vm10, vm7  }
0x1a8: {  	vm8 =	vmor vm12, vm8;
	vm14 =	veq.s32 v40, v21;
	vm7 =	vmor vm13, vm7  }
0x1a9: {  	vm12 =	veq.s32 v40, v22;
	vm5 =	veq.s32 v39, v35;
	vm7 =	vmor vm14, vm7  }
0x1aa: {  	vm9 =	veq.s32 v40, v25;
	vm13 =	veq.s32 v40, v23;
	vm7 =	vmor vm12, vm7  }
0x1ab: {  	vm15 =	veq.s32 v39, v28;
	vm14 =	veq.s32 v40, v24;
	vm7 =	vmor vm13, vm7  }
0x1ac: {  	vm8 =	vmor vm15, vm8;
	vm10 =	veq.s32 v39, v29;
	vm7 =	vmor vm14, vm7  }
0x1ad: {  	vm15 =	veq.s32 v40, v26;
	vm8 =	vmor vm10, vm8;
	vm7 =	vmor vm9, vm7  }
0x1ae: {  	vm10 =	veq.s32 v39, v30;
	vm13 =	veq.s32 v40, v27;
	vm7 =	vmor vm15, vm7  }
0x1af: {  	vm8 =	vmor vm10, vm8;
	vm9 =	veq.s32 v40, v28;
	vm7 =	vmor vm13, vm7  }
0x1b0: {  	vm12 =	veq.s32 v39, v32;
	vm14 =	veq.s32 v40, v29;
	vm7 =	vmor vm9, vm7  }
0x1b1: {  	vm15 =	veq.s32 v40, v30;
	vm13 =	veq.s32 v39, v31;
	vm7 =	vmor vm14, vm7  }
0x1b2: {  	vm8 =	vmor vm13, vm8;
	vm13 =	veq.s32 v40, v31;
	vm7 =	vmor vm15, vm7  }
0x1b3: {  	vm8 =	vmor vm12, vm8;
	vm14 =	veq.s32 v40, v32;
	vm7 =	vmor vm13, vm7  }
0x1b4: {  	vm8 =	vmor vm11, vm8;
	vm15 =	veq.s32 v40, v33;
	vm7 =	vmor vm14, vm7  }
0x1b5: {  	vm12 =	veq.s32 v40, v34;
	vm6 =	vmor vm6, vm8;
	vm7 =	vmor vm15, vm7  }
0x1b6: {  	vm13 =	veq.s32 v40, v35;
	vm5 =	vmor vm5, vm6;
	vm7 =	vmor vm12, vm7  }
0x1b7: {  	vm14 =	veq.s32 v40, v36;
	vm4 =	vmor vm4, vm5;
	vm6 =	vmor vm13, vm7  }
0x1b8: {  	vm15 =	veq.s32 v40, v37;
	vm3 =	vmor vm3, vm4;
	vm5 =	vmor vm14, vm6  }
0x1b9: {  	vm2 =	vmor vm2, vm3;
	vm3 =	veq.s32 v40, v38;
	vm4 =	vmor vm15, vm5  }
0x1ba: {  	vm1 =	vmor vm1, vm2;
	vm2 =	vmor vm3, vm4  }
0x1bb: {  	vm1 =	vmor vm1, vm2  }
0x1bc: {  	v63 =	vsel vm1, $0x3F800000, v6  }
0x1bd: {  	(xrf0) =	vmax.scan.msk.f32 $0xffff, v63;
	_ =	sdelay $0x5  }
0x1be: {  	v39, _, _ =	vpop (xrf0)  }
0x1bf: {  	(v2sf) =	vpush v39, $0xF;
	_ =	sdelay $0xe  }
0x1c0: {  	s19 =	spop (v2sf)  }
0x1c1: {  	p1 =	sgt.f32 s19, $0.0e+00  }
.Ltmp10:
0x1c2: {  	_ = 	snop;
	(pc) =	sbr.rel @!p1 .LBB2_17-.Ltmp10, $1  }
0x1c3: {  	_ =	sdelay $0x3  }
0x1c4: {  	s20 =	simm.s32 $0x0;
	s19 =	simm.s32 $0x19200  }
0x1c5: {  	v39 =	vld [tilespmem:s19+$0x0];
	s21 =	sand.u32 $0x7F0, s20  }
0x1c6: {  	v40 =	vld [tilespmem:s21+$0x19800];
	_ =	sdelay $0x1  }
0x1c7: {  	v41 =	vld [tilespmem:s21+$0x19E00];
	_ =	sdelay $0x2  }
0x1c8: {  	v39 =	vshll.u32 v39, $0x10;
	v40 =	vshll.u32 v40, $0x8  }
0x1c9: {  	v39 =	vadd.s32 v39, v40  }
0x1ca: {  	v39 =	vadd.s32 v41, v39  }
0x1cb: {  	vm1 =	veq.s32 v39, v7;
	vm2 =	veq.s32 v39, v8  }
0x1cc: {  	vm1 =	vmor vm1, vm2;
	vm2 =	veq.s32 v39, v9  }
0x1cd: {  	vm1 =	vmor vm2, vm1;
	vm2 =	veq.s32 v39, v10  }
0x1ce: {  	vm1 =	vmor vm2, vm1;
	vm2 =	veq.s32 v39, v11  }
0x1cf: {  	vm1 =	vmor vm2, vm1;
	vm2 =	veq.s32 v39, v12  }
0x1d0: {  	vm1 =	vmor vm2, vm1;
	vm2 =	veq.s32 v39, v13  }
0x1d1: {  	vm1 =	vmor vm2, vm1;
	vm2 =	veq.s32 v39, v14  }
0x1d2: {  	vm1 =	vmor vm2, vm1;
	vm2 =	veq.s32 v39, v15  }
0x1d3: {  	vm1 =	vmor vm2, vm1;
	vm2 =	veq.s32 v39, v16  }
0x1d4: {  	vm1 =	vmor vm2, vm1;
	vm2 =	veq.s32 v39, v17  }
0x1d5: {  	vm1 =	vmor vm2, vm1;
	vm2 =	veq.s32 v39, v18  }
0x1d6: {  	vm1 =	vmor vm2, vm1;
	vm2 =	veq.s32 v39, v19  }
0x1d7: {  	vm1 =	vmor vm2, vm1;
	vm2 =	veq.s32 v39, v20  }
0x1d8: {  	vm1 =	vmor vm2, vm1;
	vm2 =	veq.s32 v39, v21  }
0x1d9: {  	vm1 =	vmor vm2, vm1;
	vm2 =	veq.s32 v39, v22  }
0x1da: {  	vm1 =	vmor vm2, vm1;
	vm2 =	veq.s32 v39, v23  }
0x1db: {  	vm1 =	vmor vm2, vm1;
	vm2 =	veq.s32 v39, v24  }
0x1dc: {  	vm1 =	vmor vm2, vm1;
	vm2 =	veq.s32 v39, v25  }
0x1dd: {  	vm1 =	vmor vm2, vm1;
	vm2 =	veq.s32 v39, v26  }
0x1de: {  	vm1 =	vmor vm2, vm1;
	vm2 =	veq.s32 v39, v27  }
0x1df: {  	vm1 =	vmor vm2, vm1;
	vm2 =	veq.s32 v39, v28  }
0x1e0: {  	vm1 =	vmor vm2, vm1;
	vm2 =	veq.s32 v39, v29  }
0x1e1: {  	vm1 =	vmor vm2, vm1;
	vm2 =	veq.s32 v39, v30  }
0x1e2: {  	vm1 =	vmor vm2, vm1;
	vm2 =	veq.s32 v39, v31  }
0x1e3: {  	vm1 =	vmor vm2, vm1;
	vm2 =	veq.s32 v39, v32  }
0x1e4: {  	vm1 =	vmor vm2, vm1;
	vm2 =	veq.s32 v39, v33  }
0x1e5: {  	vm1 =	vmor vm2, vm1;
	vm2 =	veq.s32 v39, v34  }
0x1e6: {  	vm1 =	vmor vm2, vm1;
	vm2 =	veq.s32 v39, v35  }
0x1e7: {  	vm1 =	vmor vm2, vm1;
	vm2 =	veq.s32 v39, v36  }
0x1e8: {  	vm1 =	vmor vm2, vm1;
	vm2 =	veq.s32 v39, v37  }
0x1e9: {  	vm1 =	vmor vm2, vm1;
	vm2 =	veq.s32 v39, v38  }
0x1ea: {  	vm1 =	vmor vm2, vm1  }
0x1eb: {  	v63 =	vsel vm1, $0x3F800000, v6  }
0x1ec: {  	(xrf0) =	vmax.scan.msk.f32 $0xffff, v63;
	_ =	sdelay $0x5  }
0x1ed: {  	v39, _, _ =	vpop (xrf0)  }
0x1ee: {  	(v2sf) =	vpush v39, $0xF;
	_ =	sdelay $0xe  }
0x1ef: {  	s25 =	spop (v2sf)  }
0x1f0: {  	p2 =	sgt.f32 s25, $0.0e+00;
	_ =	sdelay $0x1  }
0x1f1: {  	v39 =	vmov @p2 s20;
	v40 =	vlaneseq.u32 @p2  }
0x1f2: {  	v40 =	vor.u32 @p2 s20, v40;
	v41 =	vshll.u32 @p2 v39, $0x3  }
0x1f3: {  	v40 =	vand.u32 @p2 $0x7F, v40;
	v39 =	vand.u32 @p2 $0x3C00, v41  }
0x1f4: {  	v42 =	vor.u32 @p2 v40, v39  }
0x1f5: {  	v43 =	vor.u32 @p2 $0x80, v42  }
0x1f6: {  	v44 =	vor.u32 @p2 $0x100, v42  }
0x1f7: {  	v45 =	vor.u32 @p2 $0x180, v42  }
0x1f8: {  	s21 =	simm.s32 @p2 $0x6000;
	v39 =	vimm.f32 @p2 $1.000000000e+00;
	v46 =	vor.u32 @p2 $0x200, v42  }
0x1f9: {  	v47 =	vor.u32 @p2 $0x280, v42;
	[tilespmem:v42+s21+$0x0] =	vst.idx.msk @p2 vm1, v39  }
0x1fa: {  	v40 =	vor.u32 @p2 v40, v41;
	v41 =	vor.u32 @p2 $0x300, v42;
	[tilespmem:v43+s21+$0x0] =	vst.idx.msk @p2 vm1, v39  }
0x1fb: {  	v40 =	vor.u32 @p2 $0x380, v40;
	[tilespmem:v44+s21+$0x0] =	vst.idx.msk @p2 vm1, v39  }
0x1fc: {  	v43 =	vadd.s32 @p2 $0x3000, v42;
	[tilespmem:v45+s21+$0x0] =	vst.idx.msk @p2 vm1, v39  }
0x1fd: {  	v44 =	vadd.s32 @p2 $0x3080, v42;
	[tilespmem:v46+s21+$0x0] =	vst.idx.msk @p2 vm1, v39  }
0x1fe: {  	v45 =	vadd.s32 @p2 $0x3100, v42;
	[tilespmem:v47+s21+$0x0] =	vst.idx.msk @p2 vm1, v39  }
0x1ff: {  	v46 =	vadd.s32 @p2 $0x3180, v42;
	[tilespmem:v41+s21+$0x0] =	vst.idx.msk @p2 vm1, v39  }
0x200: {  	v41 =	vadd.s32 @p2 $0x3200, v42;
	[tilespmem:v40+s21+$0x0] =	vst.idx.msk @p2 vm1, v39  }
0x201: {  	v40 =	vadd.s32 @p2 $0x3280, v42;
	[tilespmem:v43+s21+$0x0] =	vst.idx.msk @p2 vm1, v39  }
0x202: {  	[tilespmem:v44+s21+$0x0] =	vst.idx.msk @p2 vm1, v39  }
0x203: {  	[tilespmem:v45+s21+$0x0] =	vst.idx.msk @p2 vm1, v39  }
0x204: {  	[tilespmem:v46+s21+$0x0] =	vst.idx.msk @p2 vm1, v39  }
0x205: {  	v43 =	vadd.s32 @p2 $0x3300, v42;
	[tilespmem:v41+s21+$0x0] =	vst.idx.msk @p2 vm1, v39  }
0x206: {  	[tilespmem:v40+s21+$0x0] =	vst.idx.msk @p2 vm1, v39;
	v40 =	vadd.s32 @p2 $0x3380, v42;
	_ =	sdelay $0x3  }
0x207: {  	s20 =	simm.s32 $0x10;
	[tilespmem:v43+s21+$0x0] =	vst.idx.msk @p2 vm1, v39  }
.LBB2_15:
0x208: {  	[tilespmem:v40+s21+$0x0] =	vst.idx.msk @p2 vm1, v39;
	s19 =	sadd.s32 $0x10, s19;
	s21 =	smov.u32 s20;
	s20 =	sadd.s32 $0x10, s20  }
0x209: {  	v39 =	vld [tilespmem:s19+$0x0];
	s25 =	sand.u32 $0x7F0, s21;
	p1 =	sne.s32 s20, $0x600  }
0x20a: {  	v40 =	vld [tilespmem:s25+$0x19800];
	_ =	sdelay $0x1  }
0x20b: {  	v41 =	vld [tilespmem:s25+$0x19E00];
	_ =	sdelay $0x2  }
0x20c: {  	v39 =	vshll.u32 v39, $0x10;
	v40 =	vshll.u32 v40, $0x8  }
0x20d: {  	v39 =	vadd.s32 v39, v40  }
0x20e: {  	v39 =	vadd.s32 v41, v39  }
0x20f: {  	vm1 =	veq.s32 v39, v7;
	vm2 =	veq.s32 v39, v8  }
0x210: {  	vm1 =	vmor vm1, vm2;
	vm2 =	veq.s32 v39, v9  }
0x211: {  	vm1 =	vmor vm2, vm1;
	vm2 =	veq.s32 v39, v10  }
0x212: {  	vm1 =	vmor vm2, vm1;
	vm2 =	veq.s32 v39, v11  }
0x213: {  	vm1 =	vmor vm2, vm1;
	vm2 =	veq.s32 v39, v12  }
0x214: {  	vm1 =	vmor vm2, vm1;
	vm2 =	veq.s32 v39, v13  }
0x215: {  	vm1 =	vmor vm2, vm1;
	vm2 =	veq.s32 v39, v14  }
0x216: {  	vm1 =	vmor vm2, vm1;
	vm2 =	veq.s32 v39, v15  }
0x217: {  	vm1 =	vmor vm2, vm1;
	vm2 =	veq.s32 v39, v16  }
0x218: {  	vm1 =	vmor vm2, vm1;
	vm2 =	veq.s32 v39, v17  }
0x219: {  	vm1 =	vmor vm2, vm1;
	vm2 =	veq.s32 v39, v18  }
0x21a: {  	vm1 =	vmor vm2, vm1;
	vm2 =	veq.s32 v39, v19  }
0x21b: {  	vm1 =	vmor vm2, vm1;
	vm2 =	veq.s32 v39, v20  }
0x21c: {  	vm1 =	vmor vm2, vm1;
	vm2 =	veq.s32 v39, v21  }
0x21d: {  	vm1 =	vmor vm2, vm1;
	vm2 =	veq.s32 v39, v22  }
0x21e: {  	vm1 =	vmor vm2, vm1;
	vm2 =	veq.s32 v39, v23  }
0x21f: {  	vm1 =	vmor vm2, vm1;
	vm2 =	veq.s32 v39, v24  }
0x220: {  	vm1 =	vmor vm2, vm1;
	vm2 =	veq.s32 v39, v25  }
0x221: {  	vm1 =	vmor vm2, vm1;
	vm2 =	veq.s32 v39, v26  }
0x222: {  	vm1 =	vmor vm2, vm1;
	vm2 =	veq.s32 v39, v27  }
0x223: {  	vm1 =	vmor vm2, vm1;
	vm2 =	veq.s32 v39, v28  }
0x224: {  	vm1 =	vmor vm2, vm1;
	vm2 =	veq.s32 v39, v29  }
0x225: {  	vm1 =	vmor vm2, vm1;
	vm2 =	veq.s32 v39, v30  }
0x226: {  	vm1 =	vmor vm2, vm1;
	vm2 =	veq.s32 v39, v31  }
0x227: {  	vm1 =	vmor vm2, vm1;
	vm2 =	veq.s32 v39, v32  }
0x228: {  	vm1 =	vmor vm2, vm1;
	vm2 =	veq.s32 v39, v33  }
0x229: {  	vm1 =	vmor vm2, vm1;
	vm2 =	veq.s32 v39, v34  }
0x22a: {  	vm1 =	vmor vm2, vm1;
	vm2 =	veq.s32 v39, v35  }
0x22b: {  	vm1 =	vmor vm2, vm1;
	vm2 =	veq.s32 v39, v36  }
0x22c: {  	vm1 =	vmor vm2, vm1;
	vm2 =	veq.s32 v39, v37  }
0x22d: {  	vm1 =	vmor vm2, vm1;
	vm2 =	veq.s32 v39, v38  }
0x22e: {  	vm1 =	vmor vm2, vm1  }
0x22f: {  	v39 =	vsel vm1, $0x3F800000, v6  }
0x230: {  	(xrf0) =	vmax.scan.msk.f32 $0xffff, v39;
	_ =	sdelay $0x5  }
0x231: {  	v39, _, _ =	vpop (xrf0)  }
0x232: {  	(v2sf) =	vpush v39, $0xF;
	_ =	sdelay $0xe  }
0x233: {  	s25 =	spop (v2sf)  }
0x234: {  	p2 =	sgt.f32 s25, $0.0e+00;
	_ =	sdelay $0x1  }
0x235: {  	v39 =	vmov @p2 s21;
	v40 =	vlaneseq.u32 @p2  }
0x236: {  	v40 =	vor.u32 @p2 s21, v40;
	v39 =	vshll.u32 @p2 v39, $0x3  }
0x237: {  	v40 =	vand.u32 @p2 $0x7F, v40;
	v41 =	vand.u32 @p2 $0x3C00, v39  }
0x238: {  	v41 =	vor.u32 @p2 v40, v41;
	v39 =	vor.u32 @p2 v40, v39  }
0x239: {  	v40 =	vor.u32 @p2 $0x80, v41;
	v42 =	vor.u32 @p2 $0x100, v41;
	v43 =	vor.u32 @p2 $0x180, v41  }
0x23a: {  	v44 =	vor.u32 @p2 $0x200, v41;
	v45 =	vor.u32 @p2 $0x280, v41;
	v46 =	vor.u32 @p2 $0x300, v41  }
0x23b: {  	v47 =	vor.u32 @p2 $0x380, v39;
	v48 =	vadd.s32 @p2 $0x3000, v41;
	v49 =	vadd.s32 @p2 $0x3080, v41  }
0x23c: {  	s21 =	simm.s32 @p2 $0x6000;
	v39 =	vimm.f32 @p2 $1.000000000e+00;
	v50 =	vadd.s32 @p2 $0x3100, v41;
	v51 =	vadd.s32 @p2 $0x3180, v41  }
0x23d: {  	v52 =	vadd.s32 @p2 $0x3200, v41;
	v53 =	vadd.s32 @p2 $0x3280, v41;
	v54 =	vadd.s32 @p2 $0x3300, v41;
	[tilespmem:v41+s21+$0x0] =	vst.idx.msk @p2 vm1, v39  }
0x23e: {  	[tilespmem:v40+s21+$0x0] =	vst.idx.msk @p2 vm1, v39;
	v40 =	vadd.s32 @p2 $0x3380, v41  }
0x23f: {  	[tilespmem:v42+s21+$0x0] =	vst.idx.msk @p2 vm1, v39  }
0x240: {  	[tilespmem:v43+s21+$0x0] =	vst.idx.msk @p2 vm1, v39  }
0x241: {  	[tilespmem:v44+s21+$0x0] =	vst.idx.msk @p2 vm1, v39  }
0x242: {  	[tilespmem:v45+s21+$0x0] =	vst.idx.msk @p2 vm1, v39  }
0x243: {  	[tilespmem:v46+s21+$0x0] =	vst.idx.msk @p2 vm1, v39  }
0x244: {  	[tilespmem:v47+s21+$0x0] =	vst.idx.msk @p2 vm1, v39  }
0x245: {  	[tilespmem:v48+s21+$0x0] =	vst.idx.msk @p2 vm1, v39  }
0x246: {  	[tilespmem:v49+s21+$0x0] =	vst.idx.msk @p2 vm1, v39  }
.Ltmp11:
0x247: {  	[tilespmem:v50+s21+$0x0] =	vst.idx.msk @p2 vm1, v39;
	(pc) =	sbr.rel @p1 .LBB2_15-.Ltmp11, $4  }
0x248: {  	[tilespmem:v51+s21+$0x0] =	vst.idx.msk @p2 vm1, v39  }
0x249: {  	[tilespmem:v52+s21+$0x0] =	vst.idx.msk @p2 vm1, v39  }
0x24a: {  	[tilespmem:v53+s21+$0x0] =	vst.idx.msk @p2 vm1, v39  }
0x24b: {  	[tilespmem:v54+s21+$0x0] =	vst.idx.msk @p2 vm1, v39  }
0x24c: {  	_ =	sdelay $0x4  }
0x24d: {  	[tilespmem:v40+s21+$0x0] =	vst.idx.msk @p2 vm1, v39  }
.LBB2_17:
0x24e: {  	s18 =	sshll.u32 s18, $0x5  }
0x24f: {  	s18 =	sor.u32 s6, s18  }
0x250: {  	s18 =	smul.u32 $0x600, s18;
	_ =	sdelay $0x1  }
0x251: {  	s18 =	sadd.s32 s2, s18  }
0x252: {  	[hbm4b:s18+s3] =	stream.strided.scatter [tilespmem:s8], [sflag:$0x6], $0x6000, s31, s3, $0x38;
	[tilespmem:$0x1E000] =	vst v63  }
0x253: {  	s18 =	sadd.s32 $0x4, s17  }
0x254: {  	p1 =	sge.u32 s18, s10  }
0x255: {  	s18 =	sshll.u32 @!p1 s18, $0x5  }
0x256: {  	s19 =	simm.s32 @!p1 $0x5;
	s18 =	sor.u32 @!p1 s6, s18  }
0x257: {  	_ =	swait.ge @!p1 [sflag:s19], $0x6000;
	s18 =	smul.u32 @!p1 $0x600, s18  }
0x258: {  	[sflag:s19] =	ssyncset.done @!p1 $0x0  }
0x259: {  	[sflag:s19] =	ssyncadd.s32 @!p1 $0xFFFFA000;
	s19 =	sshrl.u32 @!p1 s18, $0x3  }
0x25a: {  	s20 =	simm.s32 @!p1 $0x0;
	s21 =	simm.s32 @!p1 $0x18000;
	s19 =	sadd.s32 @!p1 s5, s19  }
0x25b: {  	[tilespmem:s21], [sflag:$0x1] =	stream.linear.gather @!p1 [hbm4b:s19+s20], $0x600, $0x38;
	[tilespmem:$0x1E000] =	vst v63  }
0x25c: {  	s25 =	simm.s32 @!p1 $0x18600;
	s21 =	sadd.s32 @!p1 $0x1E848, s19  }
0x25d: {  	[tilespmem:s25], [sflag:$0x1] =	stream.linear.gather @!p1 [hbm4b:s21+s20], $0x600, $0x38;
	[tilespmem:$0x1E000] =	vst v63  }
0x25e: {  	s19 =	sadd.s32 @!p1 $0x3D090, s19;
	s21 =	simm.s32 @!p1 $0x18C00  }
0x25f: {  	[tilespmem:s21], [sflag:$0x1] =	stream.linear.gather @!p1 [hbm4b:s19+s20], $0x600, $0x38;
	[tilespmem:$0x1E000] =	vst v63  }
0x260: {  	s18 =	sadd.s32 @!p1 s1, s18;
	s19 =	simm.s32 @!p1 $0x3000;
	s21 =	simm.s32 @!p1 $0x7A1400  }
0x261: {  	[tilespmem:s20], [sflag:$0x1] =	stream.strided.gather @!p1 [hbm4b:s18+s19], $0x6000, s21, s19, $0x38;
	[tilespmem:$0x1E000] =	vst v63  }
.LBB2_18:
0x262: {  	s18 =	sor.u32 $0x2, s17  }
0x263: {  	p1 =	sge.u32 s18, s10  }
.Ltmp12:
0x264: {  	_ = 	snop;
	(pc) =	sbr.rel @p1 .LBB2_26-.Ltmp12, $1  }
0x265: {  	_ =	sdelay $0x3  }
0x266: {  	_ =	swait.ge [sflag:s24], $0x600  }
0x267: {  	[sflag:s24] =	ssyncset.done $0x0  }
0x268: {  	[sflag:s24] =	ssyncadd.s32 $0xFFFFFA00  }
0x269: {  	_ =	swait.ge [sflag:s24], $0x600  }
0x26a: {  	[sflag:s24] =	ssyncset.done $0x0  }
0x26b: {  	[sflag:s24] =	ssyncadd.s32 $0xFFFFFA00  }
0x26c: {  	_ =	swait.ge [sflag:s24], $0x600  }
0x26d: {  	[sflag:s24] =	ssyncset.done $0x0  }
0x26e: {  	[sflag:s24] =	ssyncadd.s32 $0xFFFFFA00  }
0x26f: {  	_ =	swait.ge [sflag:s24], $0x6000  }
0x270: {  	[sflag:s24] =	ssyncset.done $0x0  }
0x271: {  	s19 =	simm.s32 $0x0;
	s20 =	simm.s32 $0x1A400;
	[sflag:s24] =	ssyncadd.s32 $0xFFFFA000  }
0x272: {  	s19 =	sand.u32 $0x7F0, s19;
	v39 =	vld [tilespmem:s20+$0x0]  }
0x273: {  	v40 =	vld [tilespmem:s19+$0x1AA00];
	_ =	sdelay $0x1  }
0x274: {  	v41 =	vld [tilespmem:s19+$0x1B000];
	_ =	sdelay $0x2  }
0x275: {  	v39 =	vshll.u32 v39, $0x10;
	v40 =	vshll.u32 v40, $0x8  }
0x276: {  	v39 =	vadd.s32 v39, v40  }
0x277: {  	v39 =	vadd.s32 v41, v39  }
0x278: {  	vm1 =	veq.s32 v39, v7;
	vm2 =	veq.s32 v39, v8  }
0x279: {  	vm1 =	vmor vm1, vm2;
	vm2 =	veq.s32 v39, v9  }
0x27a: {  	vm1 =	vmor vm2, vm1;
	vm2 =	veq.s32 v39, v10  }
0x27b: {  	vm1 =	vmor vm2, vm1;
	vm2 =	veq.s32 v39, v11  }
0x27c: {  	s25 =	simm.s32 $0x10;
	s19 =	simm.s32 $0x1A410;
	vm1 =	vmor vm2, vm1;
	vm2 =	veq.s32 v39, v12  }
0x27d: {  	s20 =	sand.u32 $0x7F0, s25;
	v62 =	vld [tilespmem:s19+$0x0];
	vm1 =	vmor vm2, vm1;
	vm2 =	veq.s32 v39, v13  }
0x27e: {  	v63 =	vld [tilespmem:s20+$0x1AA00];
	vm1 =	vmor vm2, vm1;
	vm2 =	veq.s32 v39, v14  }
0x27f: {  	vm1 =	vmor vm2, vm1;
	vm2 =	veq.s32 v39, v15  }
0x280: {  	vm1 =	vmor vm2, vm1;
	vm2 =	veq.s32 v39, v16  }
0x281: {  	v42 =	vld [tilespmem:s20+$0x1B000];
	vm1 =	vmor vm2, vm1;
	vm2 =	veq.s32 v39, v17  }
0x282: {  	v40 =	vshll.u32 v62, $0x10;
	vm1 =	vmor vm2, vm1;
	vm2 =	veq.s32 v39, v18  }
0x283: {  	v41 =	vshll.u32 v63, $0x8;
	vm1 =	vmor vm2, vm1;
	vm2 =	veq.s32 v39, v19  }
0x284: {  	v40 =	vadd.s32 v40, v41;
	vm1 =	vmor vm2, vm1;
	vm2 =	veq.s32 v39, v20  }
0x285: {  	vm3 =	veq.s32 v39, v22;
	vm1 =	vmor vm2, vm1;
	vm2 =	veq.s32 v39, v21  }
0x286: {  	s20 =	simm.s32 $0x20;
	v40 =	vadd.s32 v42, v40;
	vm2 =	vmor vm2, vm1;
	vm1 =	vmmov vm0  }
.LBB2_20:
0x287: {  	p1 =	sne.s32 s20, $0x5F0;
	vm3 =	vmor vm3, vm2;
	vm4 =	veq.s32 v39, v23;
	vm2 =	veq.s32 v39, v38  }
0x288: {  	vm5 =	veq.s32 v39, v24;
	vm4 =	vmor vm4, vm3;
	vm3 =	veq.s32 v39, v37  }
0x289: {  	vm6 =	veq.s32 v39, v25;
	vm5 =	vmor vm5, vm4;
	vm4 =	veq.s32 v39, v36  }
0x28a: {  	vm7 =	veq.s32 v39, v26;
	vm6 =	vmor vm6, vm5;
	vm5 =	veq.s32 v39, v35  }
0x28b: {  	vm8 =	veq.s32 v39, v27;
	vm7 =	vmor vm7, vm6;
	vm6 =	veq.s32 v39, v34  }
0x28c: {  	vm9 =	veq.s32 v39, v33;
	vm7 =	vmor vm8, vm7;
	vm8 =	veq.s32 v39, v28  }
0x28d: {  	vm10 =	veq.s32 v39, v32;
	vm7 =	vmor vm8, vm7;
	vm8 =	veq.s32 v39, v29  }
0x28e: {  	vm11 =	veq.s32 v39, v31;
	vm7 =	vmor vm8, vm7;
	vm8 =	veq.s32 v39, v30;
	v39 =	vmovc v40  }
0x28f: {  	vm12 =	veq.s32 v39, v7;
	vm13 =	veq.s32 v39, v8;
	vm7 =	vmor vm8, vm7  }
0x290: {  	vm8 =	vmor vm12, vm13;
	vm12 =	veq.s32 v39, v9;
	vm7 =	vmor vm11, vm7  }
0x291: {  	vm11 =	veq.s32 v39, v10;
	vm8 =	vmor vm12, vm8;
	vm7 =	vmor vm10, vm7  }
0x292: {  	vm10 =	veq.s32 v39, v11;
	vm8 =	vmor vm11, vm8;
	vm7 =	vmor vm9, vm7  }
0x293: {  	vm9 =	veq.s32 v39, v12;
	vm8 =	vmor vm10, vm8;
	vm6 =	vmor vm6, vm7  }
0x294: {  	s19 =	sadd.s32 $0x10, s19;
	vm7 =	vmor vm9, vm8;
	vm8 =	veq.s32 v39, v13;
	vm5 =	vmor vm5, vm6  }
0x295: {  	s21 =	sand.u32 $0x7F0, s20;
	v40 =	vld [tilespmem:s19+$0x0];
	vm6 =	vmor vm8, vm7;
	vm7 =	veq.s32 v39, v14;
	vm4 =	vmor vm4, vm5  }
0x296: {  	v41 =	vld [tilespmem:s21+$0x1AA00];
	vm5 =	vmor vm7, vm6;
	vm6 =	veq.s32 v39, v15;
	vm3 =	vmor vm3, vm4  }
0x297: {  	vm4 =	vmor vm6, vm5;
	vm5 =	veq.s32 v39, v16;
	vm2 =	vmor vm2, vm3  }
0x298: {  	v42 =	vld [tilespmem:s21+$0x1B000];
	vm3 =	vmor vm5, vm4;
	vm4 =	veq.s32 v39, v17;
	vm1 =	vmor vm1, vm2  }
.Ltmp13:
0x299: {  	vm2 =	vmor vm4, vm3;
	vm3 =	veq.s32 v39, v18;
	(pc) =	sbr.rel @p1 .LBB2_20-.Ltmp13, $4  }
0x29a: {  	v40 =	vshll.u32 v40, $0x10;
	vm2 =	vmor vm3, vm2;
	vm3 =	veq.s32 v39, v19  }
0x29b: {  	v41 =	vshll.u32 v41, $0x8;
	vm2 =	vmor vm3, vm2;
	vm3 =	veq.s32 v39, v20  }
0x29c: {  	v40 =	vadd.s32 v40, v41;
	vm2 =	vmor vm3, vm2;
	vm3 =	veq.s32 v39, v21  }
0x29d: {  	s20 =	sadd.s32 $0x10, s20;
	v40 =	vadd.s32 v42, v40;
	vm2 =	vmor vm3, vm2;
	vm3 =	veq.s32 v39, v22  }
0x29e: {  	vm3 =	vmor vm3, vm2;
	vm4 =	veq.s32 v39, v23  }
0x29f: {  	vm2 =	veq.s32 v39, v38;
	vm5 =	veq.s32 v40, v7;
	vm6 =	veq.s32 v40, v8  }
0x2a0: {  	vm15 =	veq.s32 v40, v9;
	vm4 =	vmor vm4, vm3;
	vm3 =	vmor vm5, vm6  }
0x2a1: {  	vm9 =	veq.s32 v39, v24;
	vm7 =	veq.s32 v40, v10;
	vm5 =	vmor vm15, vm3  }
0x2a2: {  	vm10 =	veq.s32 v40, v11;
	vm12 =	veq.s32 v40, v12;
	vm5 =	vmor vm7, vm5  }
0x2a3: {  	vm13 =	veq.s32 v39, v25;
	vm8 =	veq.s32 v40, v13;
	vm11 =	vmor vm10, vm5  }
0x2a4: {  	vm14 =	veq.s32 v40, v14;
	vm3 =	veq.s32 v39, v37;
	vm5 =	vmor vm12, vm11  }
0x2a5: {  	vm6 =	vmor vm9, vm4;
	vm4 =	veq.s32 v39, v36;
	vm5 =	vmor vm8, vm5  }
0x2a6: {  	vm15 =	veq.s32 v40, v15;
	vm9 =	veq.s32 v40, v16;
	vm5 =	vmor vm14, vm5  }
0x2a7: {  	vm6 =	vmor vm13, vm6;
	vm13 =	veq.s32 v40, v17;
	vm7 =	vmor vm15, vm5  }
0x2a8: {  	vm10 =	veq.s32 v40, v19;
	vm12 =	veq.s32 v39, v26;
	vm7 =	vmor vm9, vm7  }
0x2a9: {  	vm11 =	veq.s32 v39, v33;
	vm15 =	veq.s32 v40, v18;
	vm14 =	vmor vm13, vm7  }
0x2aa: {  	vm8 =	vmor vm12, vm6;
	vm12 =	veq.s32 v39, v27;
	vm7 =	vmor vm15, vm14  }
0x2ab: {  	vm6 =	veq.s32 v39, v34;
	vm13 =	veq.s32 v40, v20;
	vm7 =	vmor vm10, vm7  }
0x2ac: {  	vm8 =	vmor vm12, vm8;
	vm14 =	veq.s32 v40, v21;
	vm7 =	vmor vm13, vm7  }
0x2ad: {  	vm12 =	veq.s32 v40, v22;
	vm5 =	veq.s32 v39, v35;
	vm7 =	vmor vm14, vm7  }
0x2ae: {  	vm9 =	veq.s32 v40, v25;
	vm13 =	veq.s32 v40, v23;
	vm7 =	vmor vm12, vm7  }
0x2af: {  	vm15 =	veq.s32 v39, v28;
	vm14 =	veq.s32 v40, v24;
	vm7 =	vmor vm13, vm7  }
0x2b0: {  	vm8 =	vmor vm15, vm8;
	vm10 =	veq.s32 v39, v29;
	vm7 =	vmor vm14, vm7  }
0x2b1: {  	vm15 =	veq.s32 v40, v26;
	vm8 =	vmor vm10, vm8;
	vm7 =	vmor vm9, vm7  }
0x2b2: {  	vm10 =	veq.s32 v39, v30;
	vm13 =	veq.s32 v40, v27;
	vm7 =	vmor vm15, vm7  }
0x2b3: {  	vm8 =	vmor vm10, vm8;
	vm9 =	veq.s32 v40, v28;
	vm7 =	vmor vm13, vm7  }
0x2b4: {  	vm12 =	veq.s32 v39, v32;
	vm14 =	veq.s32 v40, v29;
	vm7 =	vmor vm9, vm7  }
0x2b5: {  	vm15 =	veq.s32 v40, v30;
	vm13 =	veq.s32 v39, v31;
	vm7 =	vmor vm14, vm7  }
0x2b6: {  	vm8 =	vmor vm13, vm8;
	vm13 =	veq.s32 v40, v31;
	vm7 =	vmor vm15, vm7  }
0x2b7: {  	vm8 =	vmor vm12, vm8;
	vm14 =	veq.s32 v40, v32;
	vm7 =	vmor vm13, vm7  }
0x2b8: {  	vm8 =	vmor vm11, vm8;
	vm15 =	veq.s32 v40, v33;
	vm7 =	vmor vm14, vm7  }
0x2b9: {  	vm12 =	veq.s32 v40, v34;
	vm6 =	vmor vm6, vm8;
	vm7 =	vmor vm15, vm7  }
0x2ba: {  	vm13 =	veq.s32 v40, v35;
	vm5 =	vmor vm5, vm6;
	vm7 =	vmor vm12, vm7  }
0x2bb: {  	vm14 =	veq.s32 v40, v36;
	vm4 =	vmor vm4, vm5;
	vm6 =	vmor vm13, vm7  }
0x2bc: {  	vm15 =	veq.s32 v40, v37;
	vm3 =	vmor vm3, vm4;
	vm5 =	vmor vm14, vm6  }
0x2bd: {  	vm2 =	vmor vm2, vm3;
	vm3 =	veq.s32 v40, v38;
	vm4 =	vmor vm15, vm5  }
0x2be: {  	vm1 =	vmor vm1, vm2;
	vm2 =	vmor vm3, vm4  }
0x2bf: {  	vm1 =	vmor vm1, vm2  }
0x2c0: {  	v63 =	vsel vm1, $0x3F800000, v6  }
0x2c1: {  	(xrf0) =	vmax.scan.msk.f32 $0xffff, v63;
	_ =	sdelay $0x5  }
0x2c2: {  	v39, _, _ =	vpop (xrf0)  }
0x2c3: {  	(v2sf) =	vpush v39, $0xF;
	_ =	sdelay $0xe  }
0x2c4: {  	s19 =	spop (v2sf)  }
0x2c5: {  	p1 =	sgt.f32 s19, $0.0e+00  }
.Ltmp14:
0x2c6: {  	_ = 	snop;
	(pc) =	sbr.rel @!p1 .LBB2_25-.Ltmp14, $1  }
0x2c7: {  	_ =	sdelay $0x3  }
0x2c8: {  	s20 =	simm.s32 $0x0;
	s19 =	simm.s32 $0x1A400  }
0x2c9: {  	v39 =	vld [tilespmem:s19+$0x0];
	s21 =	sand.u32 $0x7F0, s20  }
0x2ca: {  	v40 =	vld [tilespmem:s21+$0x1AA00];
	_ =	sdelay $0x1  }
0x2cb: {  	v41 =	vld [tilespmem:s21+$0x1B000];
	_ =	sdelay $0x2  }
0x2cc: {  	v39 =	vshll.u32 v39, $0x10;
	v40 =	vshll.u32 v40, $0x8  }
0x2cd: {  	v39 =	vadd.s32 v39, v40  }
0x2ce: {  	v39 =	vadd.s32 v41, v39  }
0x2cf: {  	vm1 =	veq.s32 v39, v7;
	vm2 =	veq.s32 v39, v8  }
0x2d0: {  	vm1 =	vmor vm1, vm2;
	vm2 =	veq.s32 v39, v9  }
0x2d1: {  	vm1 =	vmor vm2, vm1;
	vm2 =	veq.s32 v39, v10  }
0x2d2: {  	vm1 =	vmor vm2, vm1;
	vm2 =	veq.s32 v39, v11  }
0x2d3: {  	vm1 =	vmor vm2, vm1;
	vm2 =	veq.s32 v39, v12  }
0x2d4: {  	vm1 =	vmor vm2, vm1;
	vm2 =	veq.s32 v39, v13  }
0x2d5: {  	vm1 =	vmor vm2, vm1;
	vm2 =	veq.s32 v39, v14  }
0x2d6: {  	vm1 =	vmor vm2, vm1;
	vm2 =	veq.s32 v39, v15  }
0x2d7: {  	vm1 =	vmor vm2, vm1;
	vm2 =	veq.s32 v39, v16  }
0x2d8: {  	vm1 =	vmor vm2, vm1;
	vm2 =	veq.s32 v39, v17  }
0x2d9: {  	vm1 =	vmor vm2, vm1;
	vm2 =	veq.s32 v39, v18  }
0x2da: {  	vm1 =	vmor vm2, vm1;
	vm2 =	veq.s32 v39, v19  }
0x2db: {  	vm1 =	vmor vm2, vm1;
	vm2 =	veq.s32 v39, v20  }
0x2dc: {  	vm1 =	vmor vm2, vm1;
	vm2 =	veq.s32 v39, v21  }
0x2dd: {  	vm1 =	vmor vm2, vm1;
	vm2 =	veq.s32 v39, v22  }
0x2de: {  	vm1 =	vmor vm2, vm1;
	vm2 =	veq.s32 v39, v23  }
0x2df: {  	vm1 =	vmor vm2, vm1;
	vm2 =	veq.s32 v39, v24  }
0x2e0: {  	vm1 =	vmor vm2, vm1;
	vm2 =	veq.s32 v39, v25  }
0x2e1: {  	vm1 =	vmor vm2, vm1;
	vm2 =	veq.s32 v39, v26  }
0x2e2: {  	vm1 =	vmor vm2, vm1;
	vm2 =	veq.s32 v39, v27  }
0x2e3: {  	vm1 =	vmor vm2, vm1;
	vm2 =	veq.s32 v39, v28  }
0x2e4: {  	vm1 =	vmor vm2, vm1;
	vm2 =	veq.s32 v39, v29  }
0x2e5: {  	vm1 =	vmor vm2, vm1;
	vm2 =	veq.s32 v39, v30  }
0x2e6: {  	vm1 =	vmor vm2, vm1;
	vm2 =	veq.s32 v39, v31  }
0x2e7: {  	vm1 =	vmor vm2, vm1;
	vm2 =	veq.s32 v39, v32  }
0x2e8: {  	vm1 =	vmor vm2, vm1;
	vm2 =	veq.s32 v39, v33  }
0x2e9: {  	vm1 =	vmor vm2, vm1;
	vm2 =	veq.s32 v39, v34  }
0x2ea: {  	vm1 =	vmor vm2, vm1;
	vm2 =	veq.s32 v39, v35  }
0x2eb: {  	vm1 =	vmor vm2, vm1;
	vm2 =	veq.s32 v39, v36  }
0x2ec: {  	vm1 =	vmor vm2, vm1;
	vm2 =	veq.s32 v39, v37  }
0x2ed: {  	vm1 =	vmor vm2, vm1;
	vm2 =	veq.s32 v39, v38  }
0x2ee: {  	vm1 =	vmor vm2, vm1  }
0x2ef: {  	v63 =	vsel vm1, $0x3F800000, v6  }
0x2f0: {  	(xrf0) =	vmax.scan.msk.f32 $0xffff, v63;
	_ =	sdelay $0x5  }
0x2f1: {  	v39, _, _ =	vpop (xrf0)  }
0x2f2: {  	(v2sf) =	vpush v39, $0xF;
	_ =	sdelay $0xe  }
0x2f3: {  	s25 =	spop (v2sf)  }
0x2f4: {  	p2 =	sgt.f32 s25, $0.0e+00;
	_ =	sdelay $0x1  }
0x2f5: {  	v39 =	vmov @p2 s20;
	v40 =	vlaneseq.u32 @p2  }
0x2f6: {  	v40 =	vor.u32 @p2 s20, v40;
	v41 =	vshll.u32 @p2 v39, $0x3  }
0x2f7: {  	v40 =	vand.u32 @p2 $0x7F, v40;
	v39 =	vand.u32 @p2 $0x3C00, v41  }
0x2f8: {  	v42 =	vor.u32 @p2 v40, v39  }
0x2f9: {  	v43 =	vor.u32 @p2 $0x80, v42  }
0x2fa: {  	v44 =	vor.u32 @p2 $0x100, v42  }
0x2fb: {  	v45 =	vor.u32 @p2 $0x180, v42  }
0x2fc: {  	s21 =	simm.s32 @p2 $0xC000;
	v39 =	vimm.f32 @p2 $1.000000000e+00;
	v46 =	vor.u32 @p2 $0x200, v42  }
0x2fd: {  	v47 =	vor.u32 @p2 $0x280, v42;
	[tilespmem:v42+s21+$0x0] =	vst.idx.msk @p2 vm1, v39  }
0x2fe: {  	v40 =	vor.u32 @p2 v40, v41;
	v41 =	vor.u32 @p2 $0x300, v42;
	[tilespmem:v43+s21+$0x0] =	vst.idx.msk @p2 vm1, v39  }
0x2ff: {  	v40 =	vor.u32 @p2 $0x380, v40;
	[tilespmem:v44+s21+$0x0] =	vst.idx.msk @p2 vm1, v39  }
0x300: {  	v43 =	vadd.s32 @p2 $0x3000, v42;
	[tilespmem:v45+s21+$0x0] =	vst.idx.msk @p2 vm1, v39  }
0x301: {  	v44 =	vadd.s32 @p2 $0x3080, v42;
	[tilespmem:v46+s21+$0x0] =	vst.idx.msk @p2 vm1, v39  }
0x302: {  	v45 =	vadd.s32 @p2 $0x3100, v42;
	[tilespmem:v47+s21+$0x0] =	vst.idx.msk @p2 vm1, v39  }
0x303: {  	v46 =	vadd.s32 @p2 $0x3180, v42;
	[tilespmem:v41+s21+$0x0] =	vst.idx.msk @p2 vm1, v39  }
0x304: {  	v41 =	vadd.s32 @p2 $0x3200, v42;
	[tilespmem:v40+s21+$0x0] =	vst.idx.msk @p2 vm1, v39  }
0x305: {  	v40 =	vadd.s32 @p2 $0x3280, v42;
	[tilespmem:v43+s21+$0x0] =	vst.idx.msk @p2 vm1, v39  }
0x306: {  	[tilespmem:v44+s21+$0x0] =	vst.idx.msk @p2 vm1, v39  }
0x307: {  	[tilespmem:v45+s21+$0x0] =	vst.idx.msk @p2 vm1, v39  }
0x308: {  	[tilespmem:v46+s21+$0x0] =	vst.idx.msk @p2 vm1, v39  }
0x309: {  	v43 =	vadd.s32 @p2 $0x3300, v42;
	[tilespmem:v41+s21+$0x0] =	vst.idx.msk @p2 vm1, v39  }
0x30a: {  	[tilespmem:v40+s21+$0x0] =	vst.idx.msk @p2 vm1, v39;
	v40 =	vadd.s32 @p2 $0x3380, v42;
	_ =	sdelay $0x3  }
0x30b: {  	s20 =	simm.s32 $0x10;
	[tilespmem:v43+s21+$0x0] =	vst.idx.msk @p2 vm1, v39  }
.LBB2_23:
0x30c: {  	[tilespmem:v40+s21+$0x0] =	vst.idx.msk @p2 vm1, v39;
	s19 =	sadd.s32 $0x10, s19;
	s21 =	smov.u32 s20;
	s20 =	sadd.s32 $0x10, s20  }
0x30d: {  	v39 =	vld [tilespmem:s19+$0x0];
	s25 =	sand.u32 $0x7F0, s21;
	p1 =	sne.s32 s20, $0x600  }
0x30e: {  	v40 =	vld [tilespmem:s25+$0x1AA00];
	_ =	sdelay $0x1  }
0x30f: {  	v41 =	vld [tilespmem:s25+$0x1B000];
	_ =	sdelay $0x2  }
0x310: {  	v39 =	vshll.u32 v39, $0x10;
	v40 =	vshll.u32 v40, $0x8  }
0x311: {  	v39 =	vadd.s32 v39, v40  }
0x312: {  	v39 =	vadd.s32 v41, v39  }
0x313: {  	vm1 =	veq.s32 v39, v7;
	vm2 =	veq.s32 v39, v8  }
0x314: {  	vm1 =	vmor vm1, vm2;
	vm2 =	veq.s32 v39, v9  }
0x315: {  	vm1 =	vmor vm2, vm1;
	vm2 =	veq.s32 v39, v10  }
0x316: {  	vm1 =	vmor vm2, vm1;
	vm2 =	veq.s32 v39, v11  }
0x317: {  	vm1 =	vmor vm2, vm1;
	vm2 =	veq.s32 v39, v12  }
0x318: {  	vm1 =	vmor vm2, vm1;
	vm2 =	veq.s32 v39, v13  }
0x319: {  	vm1 =	vmor vm2, vm1;
	vm2 =	veq.s32 v39, v14  }
0x31a: {  	vm1 =	vmor vm2, vm1;
	vm2 =	veq.s32 v39, v15  }
0x31b: {  	vm1 =	vmor vm2, vm1;
	vm2 =	veq.s32 v39, v16  }
0x31c: {  	vm1 =	vmor vm2, vm1;
	vm2 =	veq.s32 v39, v17  }
0x31d: {  	vm1 =	vmor vm2, vm1;
	vm2 =	veq.s32 v39, v18  }
0x31e: {  	vm1 =	vmor vm2, vm1;
	vm2 =	veq.s32 v39, v19  }
0x31f: {  	vm1 =	vmor vm2, vm1;
	vm2 =	veq.s32 v39, v20  }
0x320: {  	vm1 =	vmor vm2, vm1;
	vm2 =	veq.s32 v39, v21  }
0x321: {  	vm1 =	vmor vm2, vm1;
	vm2 =	veq.s32 v39, v22  }
0x322: {  	vm1 =	vmor vm2, vm1;
	vm2 =	veq.s32 v39, v23  }
0x323: {  	vm1 =	vmor vm2, vm1;
	vm2 =	veq.s32 v39, v24  }
0x324: {  	vm1 =	vmor vm2, vm1;
	vm2 =	veq.s32 v39, v25  }
0x325: {  	vm1 =	vmor vm2, vm1;
	vm2 =	veq.s32 v39, v26  }
0x326: {  	vm1 =	vmor vm2, vm1;
	vm2 =	veq.s32 v39, v27  }
0x327: {  	vm1 =	vmor vm2, vm1;
	vm2 =	veq.s32 v39, v28  }
0x328: {  	vm1 =	vmor vm2, vm1;
	vm2 =	veq.s32 v39, v29  }
0x329: {  	vm1 =	vmor vm2, vm1;
	vm2 =	veq.s32 v39, v30  }
0x32a: {  	vm1 =	vmor vm2, vm1;
	vm2 =	veq.s32 v39, v31  }
0x32b: {  	vm1 =	vmor vm2, vm1;
	vm2 =	veq.s32 v39, v32  }
0x32c: {  	vm1 =	vmor vm2, vm1;
	vm2 =	veq.s32 v39, v33  }
0x32d: {  	vm1 =	vmor vm2, vm1;
	vm2 =	veq.s32 v39, v34  }
0x32e: {  	vm1 =	vmor vm2, vm1;
	vm2 =	veq.s32 v39, v35  }
0x32f: {  	vm1 =	vmor vm2, vm1;
	vm2 =	veq.s32 v39, v36  }
0x330: {  	vm1 =	vmor vm2, vm1;
	vm2 =	veq.s32 v39, v37  }
0x331: {  	vm1 =	vmor vm2, vm1;
	vm2 =	veq.s32 v39, v38  }
0x332: {  	vm1 =	vmor vm2, vm1  }
0x333: {  	v39 =	vsel vm1, $0x3F800000, v6  }
0x334: {  	(xrf0) =	vmax.scan.msk.f32 $0xffff, v39;
	_ =	sdelay $0x5  }
0x335: {  	v39, _, _ =	vpop (xrf0)  }
0x336: {  	(v2sf) =	vpush v39, $0xF;
	_ =	sdelay $0xe  }
0x337: {  	s25 =	spop (v2sf)  }
0x338: {  	p2 =	sgt.f32 s25, $0.0e+00;
	_ =	sdelay $0x1  }
0x339: {  	v39 =	vmov @p2 s21;
	v40 =	vlaneseq.u32 @p2  }
0x33a: {  	v40 =	vor.u32 @p2 s21, v40;
	v39 =	vshll.u32 @p2 v39, $0x3  }
0x33b: {  	v40 =	vand.u32 @p2 $0x7F, v40;
	v41 =	vand.u32 @p2 $0x3C00, v39  }
0x33c: {  	v41 =	vor.u32 @p2 v40, v41;
	v39 =	vor.u32 @p2 v40, v39  }
0x33d: {  	v40 =	vor.u32 @p2 $0x80, v41;
	v42 =	vor.u32 @p2 $0x100, v41;
	v43 =	vor.u32 @p2 $0x180, v41  }
0x33e: {  	v44 =	vor.u32 @p2 $0x200, v41;
	v45 =	vor.u32 @p2 $0x280, v41;
	v46 =	vor.u32 @p2 $0x300, v41  }
0x33f: {  	v47 =	vor.u32 @p2 $0x380, v39;
	v48 =	vadd.s32 @p2 $0x3000, v41;
	v49 =	vadd.s32 @p2 $0x3080, v41  }
0x340: {  	s21 =	simm.s32 @p2 $0xC000;
	v39 =	vimm.f32 @p2 $1.000000000e+00;
	v50 =	vadd.s32 @p2 $0x3100, v41;
	v51 =	vadd.s32 @p2 $0x3180, v41  }
0x341: {  	v52 =	vadd.s32 @p2 $0x3200, v41;
	v53 =	vadd.s32 @p2 $0x3280, v41;
	v54 =	vadd.s32 @p2 $0x3300, v41;
	[tilespmem:v41+s21+$0x0] =	vst.idx.msk @p2 vm1, v39  }
0x342: {  	[tilespmem:v40+s21+$0x0] =	vst.idx.msk @p2 vm1, v39;
	v40 =	vadd.s32 @p2 $0x3380, v41  }
0x343: {  	[tilespmem:v42+s21+$0x0] =	vst.idx.msk @p2 vm1, v39  }
0x344: {  	[tilespmem:v43+s21+$0x0] =	vst.idx.msk @p2 vm1, v39  }
0x345: {  	[tilespmem:v44+s21+$0x0] =	vst.idx.msk @p2 vm1, v39  }
0x346: {  	[tilespmem:v45+s21+$0x0] =	vst.idx.msk @p2 vm1, v39  }
0x347: {  	[tilespmem:v46+s21+$0x0] =	vst.idx.msk @p2 vm1, v39  }
0x348: {  	[tilespmem:v47+s21+$0x0] =	vst.idx.msk @p2 vm1, v39  }
0x349: {  	[tilespmem:v48+s21+$0x0] =	vst.idx.msk @p2 vm1, v39  }
0x34a: {  	[tilespmem:v49+s21+$0x0] =	vst.idx.msk @p2 vm1, v39  }
.Ltmp15:
0x34b: {  	[tilespmem:v50+s21+$0x0] =	vst.idx.msk @p2 vm1, v39;
	(pc) =	sbr.rel @p1 .LBB2_23-.Ltmp15, $4  }
0x34c: {  	[tilespmem:v51+s21+$0x0] =	vst.idx.msk @p2 vm1, v39  }
0x34d: {  	[tilespmem:v52+s21+$0x0] =	vst.idx.msk @p2 vm1, v39  }
0x34e: {  	[tilespmem:v53+s21+$0x0] =	vst.idx.msk @p2 vm1, v39  }
0x34f: {  	[tilespmem:v54+s21+$0x0] =	vst.idx.msk @p2 vm1, v39  }
0x350: {  	_ =	sdelay $0x4  }
0x351: {  	[tilespmem:v40+s21+$0x0] =	vst.idx.msk @p2 vm1, v39  }
.LBB2_25:
0x352: {  	s18 =	sshll.u32 s18, $0x5  }
0x353: {  	s18 =	sor.u32 s6, s18  }
0x354: {  	s18 =	smul.u32 $0x600, s18;
	_ =	sdelay $0x1  }
0x355: {  	s18 =	sadd.s32 s2, s18  }
0x356: {  	[hbm4b:s18+s3] =	stream.strided.scatter [tilespmem:s9], [sflag:$0x7], $0x6000, s31, s3, $0x38;
	[tilespmem:$0x1E000] =	vst v63  }
0x357: {  	s18 =	sadd.s32 $0x5, s17  }
0x358: {  	p1 =	sge.u32 s18, s10  }
0x359: {  	s18 =	sshll.u32 @!p1 s18, $0x5  }
0x35a: {  	s19 =	simm.s32 @!p1 $0x6;
	s18 =	sor.u32 @!p1 s6, s18  }
0x35b: {  	_ =	swait.ge @!p1 [sflag:s19], $0x6000;
	s18 =	smul.u32 @!p1 $0x600, s18  }
0x35c: {  	[sflag:s19] =	ssyncset.done @!p1 $0x0  }
0x35d: {  	[sflag:s19] =	ssyncadd.s32 @!p1 $0xFFFFA000;
	s19 =	sshrl.u32 @!p1 s18, $0x3  }
0x35e: {  	s20 =	simm.s32 @!p1 $0x0;
	s21 =	simm.s32 @!p1 $0x19200;
	s19 =	sadd.s32 @!p1 s5, s19  }
0x35f: {  	[tilespmem:s21], [sflag:$0x2] =	stream.linear.gather @!p1 [hbm4b:s19+s20], $0x600, $0x38;
	[tilespmem:$0x1E000] =	vst v63  }
0x360: {  	s25 =	simm.s32 @!p1 $0x19800;
	s21 =	sadd.s32 @!p1 $0x1E848, s19  }
0x361: {  	[tilespmem:s25], [sflag:$0x2] =	stream.linear.gather @!p1 [hbm4b:s21+s20], $0x600, $0x38;
	[tilespmem:$0x1E000] =	vst v63  }
0x362: {  	s18 =	sadd.s32 @!p1 s1, s18;
	s19 =	sadd.s32 @!p1 $0x3D090, s19;
	s21 =	simm.s32 @!p1 $0x19E00  }
0x363: {  	[tilespmem:s21], [sflag:$0x2] =	stream.linear.gather @!p1 [hbm4b:s19+s20], $0x600, $0x38;
	[tilespmem:$0x1E000] =	vst v63  }
0x364: {  	s19 =	simm.s32 @!p1 $0x3000;
	s20 =	simm.s32 @!p1 $0x7A1400;
	s21 =	simm.s32 @!p1 $0x6000  }
0x365: {  	[tilespmem:s21], [sflag:$0x2] =	stream.strided.gather @!p1 [hbm4b:s18+s19], $0x6000, s20, s19, $0x38;
	[tilespmem:$0x1E000] =	vst v63  }
.LBB2_26:
0x366: {  	s18 =	sor.u32 $0x3, s17  }
0x367: {  	p1 =	sge.u32 s18, s10  }
.Ltmp16:
0x368: {  	_ = 	snop;
	(pc) =	sbr.rel @p1 .LBB2_34-.Ltmp16, $1  }
0x369: {  	_ =	sdelay $0x3  }
0x36a: {  	_ =	swait.ge [sflag:s30], $0x600  }
0x36b: {  	[sflag:s30] =	ssyncset.done $0x0  }
0x36c: {  	[sflag:s30] =	ssyncadd.s32 $0xFFFFFA00  }
0x36d: {  	_ =	swait.ge [sflag:s30], $0x600  }
0x36e: {  	[sflag:s30] =	ssyncset.done $0x0  }
0x36f: {  	[sflag:s30] =	ssyncadd.s32 $0xFFFFFA00  }
0x370: {  	_ =	swait.ge [sflag:s30], $0x600  }
0x371: {  	[sflag:s30] =	ssyncset.done $0x0  }
0x372: {  	[sflag:s30] =	ssyncadd.s32 $0xFFFFFA00  }
0x373: {  	_ =	swait.ge [sflag:s30], $0x6000  }
0x374: {  	[sflag:s30] =	ssyncset.done $0x0  }
0x375: {  	s19 =	simm.s32 $0x0;
	s20 =	simm.s32 $0x1B600;
	[sflag:s30] =	ssyncadd.s32 $0xFFFFA000  }
0x376: {  	s19 =	sand.u32 $0x7F0, s19;
	v39 =	vld [tilespmem:s20+$0x0]  }
0x377: {  	v40 =	vld [tilespmem:s19+$0x1BC00];
	_ =	sdelay $0x1  }
0x378: {  	v41 =	vld [tilespmem:s19+$0x1C200];
	_ =	sdelay $0x2  }
0x379: {  	v39 =	vshll.u32 v39, $0x10;
	v40 =	vshll.u32 v40, $0x8  }
0x37a: {  	v39 =	vadd.s32 v39, v40  }
0x37b: {  	v39 =	vadd.s32 v41, v39  }
0x37c: {  	vm1 =	veq.s32 v39, v7;
	vm2 =	veq.s32 v39, v8  }
0x37d: {  	vm1 =	vmor vm1, vm2;
	vm2 =	veq.s32 v39, v9  }
0x37e: {  	vm1 =	vmor vm2, vm1;
	vm2 =	veq.s32 v39, v10  }
0x37f: {  	vm1 =	vmor vm2, vm1;
	vm2 =	veq.s32 v39, v11  }
0x380: {  	s25 =	simm.s32 $0x10;
	s19 =	simm.s32 $0x1B610;
	vm1 =	vmor vm2, vm1;
	vm2 =	veq.s32 v39, v12  }
0x381: {  	s20 =	sand.u32 $0x7F0, s25;
	v62 =	vld [tilespmem:s19+$0x0];
	vm1 =	vmor vm2, vm1;
	vm2 =	veq.s32 v39, v13  }
0x382: {  	v63 =	vld [tilespmem:s20+$0x1BC00];
	vm1 =	vmor vm2, vm1;
	vm2 =	veq.s32 v39, v14  }
0x383: {  	vm1 =	vmor vm2, vm1;
	vm2 =	veq.s32 v39, v15  }
0x384: {  	vm1 =	vmor vm2, vm1;
	vm2 =	veq.s32 v39, v16  }
0x385: {  	v42 =	vld [tilespmem:s20+$0x1C200];
	vm1 =	vmor vm2, vm1;
	vm2 =	veq.s32 v39, v17  }
0x386: {  	v40 =	vshll.u32 v62, $0x10;
	vm1 =	vmor vm2, vm1;
	vm2 =	veq.s32 v39, v18  }
0x387: {  	v41 =	vshll.u32 v63, $0x8;
	vm1 =	vmor vm2, vm1;
	vm2 =	veq.s32 v39, v19  }
0x388: {  	v40 =	vadd.s32 v40, v41;
	vm1 =	vmor vm2, vm1;
	vm2 =	veq.s32 v39, v20  }
0x389: {  	vm3 =	veq.s32 v39, v22;
	vm1 =	vmor vm2, vm1;
	vm2 =	veq.s32 v39, v21  }
0x38a: {  	s20 =	simm.s32 $0x20;
	v40 =	vadd.s32 v42, v40;
	vm2 =	vmor vm2, vm1;
	vm1 =	vmmov vm0  }
.LBB2_28:
0x38b: {  	p1 =	sne.s32 s20, $0x5F0;
	vm3 =	vmor vm3, vm2;
	vm4 =	veq.s32 v39, v23;
	vm2 =	veq.s32 v39, v38  }
0x38c: {  	vm5 =	veq.s32 v39, v24;
	vm4 =	vmor vm4, vm3;
	vm3 =	veq.s32 v39, v37  }
0x38d: {  	vm6 =	veq.s32 v39, v25;
	vm5 =	vmor vm5, vm4;
	vm4 =	veq.s32 v39, v36  }
0x38e: {  	vm7 =	veq.s32 v39, v26;
	vm6 =	vmor vm6, vm5;
	vm5 =	veq.s32 v39, v35  }
0x38f: {  	vm8 =	veq.s32 v39, v27;
	vm7 =	vmor vm7, vm6;
	vm6 =	veq.s32 v39, v34  }
0x390: {  	vm9 =	veq.s32 v39, v33;
	vm7 =	vmor vm8, vm7;
	vm8 =	veq.s32 v39, v28  }
0x391: {  	vm10 =	veq.s32 v39, v32;
	vm7 =	vmor vm8, vm7;
	vm8 =	veq.s32 v39, v29  }
0x392: {  	vm11 =	veq.s32 v39, v31;
	vm7 =	vmor vm8, vm7;
	vm8 =	veq.s32 v39, v30;
	v39 =	vmovc v40  }
0x393: {  	vm12 =	veq.s32 v39, v7;
	vm13 =	veq.s32 v39, v8;
	vm7 =	vmor vm8, vm7  }
0x394: {  	vm8 =	vmor vm12, vm13;
	vm12 =	veq.s32 v39, v9;
	vm7 =	vmor vm11, vm7  }
0x395: {  	vm11 =	veq.s32 v39, v10;
	vm8 =	vmor vm12, vm8;
	vm7 =	vmor vm10, vm7  }
0x396: {  	vm10 =	veq.s32 v39, v11;
	vm8 =	vmor vm11, vm8;
	vm7 =	vmor vm9, vm7  }
0x397: {  	vm9 =	veq.s32 v39, v12;
	vm8 =	vmor vm10, vm8;
	vm6 =	vmor vm6, vm7  }
0x398: {  	s19 =	sadd.s32 $0x10, s19;
	vm7 =	vmor vm9, vm8;
	vm8 =	veq.s32 v39, v13;
	vm5 =	vmor vm5, vm6  }
0x399: {  	s21 =	sand.u32 $0x7F0, s20;
	v40 =	vld [tilespmem:s19+$0x0];
	vm6 =	vmor vm8, vm7;
	vm7 =	veq.s32 v39, v14;
	vm4 =	vmor vm4, vm5  }
0x39a: {  	v41 =	vld [tilespmem:s21+$0x1BC00];
	vm5 =	vmor vm7, vm6;
	vm6 =	veq.s32 v39, v15;
	vm3 =	vmor vm3, vm4  }
0x39b: {  	vm4 =	vmor vm6, vm5;
	vm5 =	veq.s32 v39, v16;
	vm2 =	vmor vm2, vm3  }
0x39c: {  	v42 =	vld [tilespmem:s21+$0x1C200];
	vm3 =	vmor vm5, vm4;
	vm4 =	veq.s32 v39, v17;
	vm1 =	vmor vm1, vm2  }
.Ltmp17:
0x39d: {  	vm2 =	vmor vm4, vm3;
	vm3 =	veq.s32 v39, v18;
	(pc) =	sbr.rel @p1 .LBB2_28-.Ltmp17, $4  }
0x39e: {  	v40 =	vshll.u32 v40, $0x10;
	vm2 =	vmor vm3, vm2;
	vm3 =	veq.s32 v39, v19  }
0x39f: {  	v41 =	vshll.u32 v41, $0x8;
	vm2 =	vmor vm3, vm2;
	vm3 =	veq.s32 v39, v20  }
0x3a0: {  	v40 =	vadd.s32 v40, v41;
	vm2 =	vmor vm3, vm2;
	vm3 =	veq.s32 v39, v21  }
0x3a1: {  	s20 =	sadd.s32 $0x10, s20;
	v40 =	vadd.s32 v42, v40;
	vm2 =	vmor vm3, vm2;
	vm3 =	veq.s32 v39, v22  }
0x3a2: {  	vm3 =	vmor vm3, vm2;
	vm4 =	veq.s32 v39, v23  }
0x3a3: {  	vm2 =	veq.s32 v39, v38;
	vm5 =	veq.s32 v40, v7;
	vm6 =	veq.s32 v40, v8  }
0x3a4: {  	vm15 =	veq.s32 v40, v9;
	vm4 =	vmor vm4, vm3;
	vm3 =	vmor vm5, vm6  }
0x3a5: {  	vm9 =	veq.s32 v39, v24;
	vm7 =	veq.s32 v40, v10;
	vm5 =	vmor vm15, vm3  }
0x3a6: {  	vm10 =	veq.s32 v40, v11;
	vm12 =	veq.s32 v40, v12;
	vm5 =	vmor vm7, vm5  }
0x3a7: {  	vm13 =	veq.s32 v39, v25;
	vm8 =	veq.s32 v40, v13;
	vm11 =	vmor vm10, vm5  }
0x3a8: {  	vm14 =	veq.s32 v40, v14;
	vm3 =	veq.s32 v39, v37;
	vm5 =	vmor vm12, vm11  }
0x3a9: {  	vm6 =	vmor vm9, vm4;
	vm4 =	veq.s32 v39, v36;
	vm5 =	vmor vm8, vm5  }
0x3aa: {  	vm15 =	veq.s32 v40, v15;
	vm9 =	veq.s32 v40, v16;
	vm5 =	vmor vm14, vm5  }
0x3ab: {  	vm6 =	vmor vm13, vm6;
	vm13 =	veq.s32 v40, v17;
	vm7 =	vmor vm15, vm5  }
0x3ac: {  	vm10 =	veq.s32 v40, v19;
	vm12 =	veq.s32 v39, v26;
	vm7 =	vmor vm9, vm7  }
0x3ad: {  	vm11 =	veq.s32 v39, v33;
	vm15 =	veq.s32 v40, v18;
	vm14 =	vmor vm13, vm7  }
0x3ae: {  	vm8 =	vmor vm12, vm6;
	vm12 =	veq.s32 v39, v27;
	vm7 =	vmor vm15, vm14  }
0x3af: {  	vm6 =	veq.s32 v39, v34;
	vm13 =	veq.s32 v40, v20;
	vm7 =	vmor vm10, vm7  }
0x3b0: {  	vm8 =	vmor vm12, vm8;
	vm14 =	veq.s32 v40, v21;
	vm7 =	vmor vm13, vm7  }
0x3b1: {  	vm12 =	veq.s32 v40, v22;
	vm5 =	veq.s32 v39, v35;
	vm7 =	vmor vm14, vm7  }
0x3b2: {  	vm9 =	veq.s32 v40, v25;
	vm13 =	veq.s32 v40, v23;
	vm7 =	vmor vm12, vm7  }
0x3b3: {  	vm15 =	veq.s32 v39, v28;
	vm14 =	veq.s32 v40, v24;
	vm7 =	vmor vm13, vm7  }
0x3b4: {  	vm8 =	vmor vm15, vm8;
	vm10 =	veq.s32 v39, v29;
	vm7 =	vmor vm14, vm7  }
0x3b5: {  	vm15 =	veq.s32 v40, v26;
	vm8 =	vmor vm10, vm8;
	vm7 =	vmor vm9, vm7  }
0x3b6: {  	vm10 =	veq.s32 v39, v30;
	vm13 =	veq.s32 v40, v27;
	vm7 =	vmor vm15, vm7  }
0x3b7: {  	vm8 =	vmor vm10, vm8;
	vm9 =	veq.s32 v40, v28;
	vm7 =	vmor vm13, vm7  }
0x3b8: {  	vm12 =	veq.s32 v39, v32;
	vm14 =	veq.s32 v40, v29;
	vm7 =	vmor vm9, vm7  }
0x3b9: {  	vm15 =	veq.s32 v40, v30;
	vm13 =	veq.s32 v39, v31;
	vm7 =	vmor vm14, vm7  }
0x3ba: {  	vm8 =	vmor vm13, vm8;
	vm13 =	veq.s32 v40, v31;
	vm7 =	vmor vm15, vm7  }
0x3bb: {  	vm8 =	vmor vm12, vm8;
	vm14 =	veq.s32 v40, v32;
	vm7 =	vmor vm13, vm7  }
0x3bc: {  	vm8 =	vmor vm11, vm8;
	vm15 =	veq.s32 v40, v33;
	vm7 =	vmor vm14, vm7  }
0x3bd: {  	vm12 =	veq.s32 v40, v34;
	vm6 =	vmor vm6, vm8;
	vm7 =	vmor vm15, vm7  }
0x3be: {  	vm13 =	veq.s32 v40, v35;
	vm5 =	vmor vm5, vm6;
	vm7 =	vmor vm12, vm7  }
0x3bf: {  	vm14 =	veq.s32 v40, v36;
	vm4 =	vmor vm4, vm5;
	vm6 =	vmor vm13, vm7  }
0x3c0: {  	vm15 =	veq.s32 v40, v37;
	vm3 =	vmor vm3, vm4;
	vm5 =	vmor vm14, vm6  }
0x3c1: {  	vm2 =	vmor vm2, vm3;
	vm3 =	veq.s32 v40, v38;
	vm4 =	vmor vm15, vm5  }
0x3c2: {  	vm1 =	vmor vm1, vm2;
	vm2 =	vmor vm3, vm4  }
0x3c3: {  	vm1 =	vmor vm1, vm2  }
0x3c4: {  	v63 =	vsel vm1, $0x3F800000, v6  }
0x3c5: {  	(xrf0) =	vmax.scan.msk.f32 $0xffff, v63;
	_ =	sdelay $0x5  }
0x3c6: {  	v39, _, _ =	vpop (xrf0)  }
0x3c7: {  	(v2sf) =	vpush v39, $0xF;
	_ =	sdelay $0xe  }
0x3c8: {  	s19 =	spop (v2sf)  }
0x3c9: {  	p1 =	sgt.f32 s19, $0.0e+00  }
.Ltmp18:
0x3ca: {  	_ = 	snop;
	(pc) =	sbr.rel @!p1 .LBB2_33-.Ltmp18, $1  }
0x3cb: {  	_ =	sdelay $0x3  }
0x3cc: {  	s20 =	simm.s32 $0x0;
	s19 =	simm.s32 $0x1B600  }
0x3cd: {  	v39 =	vld [tilespmem:s19+$0x0];
	s21 =	sand.u32 $0x7F0, s20  }
0x3ce: {  	v40 =	vld [tilespmem:s21+$0x1BC00];
	_ =	sdelay $0x1  }
0x3cf: {  	v41 =	vld [tilespmem:s21+$0x1C200];
	_ =	sdelay $0x2  }
0x3d0: {  	v39 =	vshll.u32 v39, $0x10;
	v40 =	vshll.u32 v40, $0x8  }
0x3d1: {  	v39 =	vadd.s32 v39, v40  }
0x3d2: {  	v39 =	vadd.s32 v41, v39  }
0x3d3: {  	vm1 =	veq.s32 v39, v7;
	vm2 =	veq.s32 v39, v8  }
0x3d4: {  	vm1 =	vmor vm1, vm2;
	vm2 =	veq.s32 v39, v9  }
0x3d5: {  	vm1 =	vmor vm2, vm1;
	vm2 =	veq.s32 v39, v10  }
0x3d6: {  	vm1 =	vmor vm2, vm1;
	vm2 =	veq.s32 v39, v11  }
0x3d7: {  	vm1 =	vmor vm2, vm1;
	vm2 =	veq.s32 v39, v12  }
0x3d8: {  	vm1 =	vmor vm2, vm1;
	vm2 =	veq.s32 v39, v13  }
0x3d9: {  	vm1 =	vmor vm2, vm1;
	vm2 =	veq.s32 v39, v14  }
0x3da: {  	vm1 =	vmor vm2, vm1;
	vm2 =	veq.s32 v39, v15  }
0x3db: {  	vm1 =	vmor vm2, vm1;
	vm2 =	veq.s32 v39, v16  }
0x3dc: {  	vm1 =	vmor vm2, vm1;
	vm2 =	veq.s32 v39, v17  }
0x3dd: {  	vm1 =	vmor vm2, vm1;
	vm2 =	veq.s32 v39, v18  }
0x3de: {  	vm1 =	vmor vm2, vm1;
	vm2 =	veq.s32 v39, v19  }
0x3df: {  	vm1 =	vmor vm2, vm1;
	vm2 =	veq.s32 v39, v20  }
0x3e0: {  	vm1 =	vmor vm2, vm1;
	vm2 =	veq.s32 v39, v21  }
0x3e1: {  	vm1 =	vmor vm2, vm1;
	vm2 =	veq.s32 v39, v22  }
0x3e2: {  	vm1 =	vmor vm2, vm1;
	vm2 =	veq.s32 v39, v23  }
0x3e3: {  	vm1 =	vmor vm2, vm1;
	vm2 =	veq.s32 v39, v24  }
0x3e4: {  	vm1 =	vmor vm2, vm1;
	vm2 =	veq.s32 v39, v25  }
0x3e5: {  	vm1 =	vmor vm2, vm1;
	vm2 =	veq.s32 v39, v26  }
0x3e6: {  	vm1 =	vmor vm2, vm1;
	vm2 =	veq.s32 v39, v27  }
0x3e7: {  	vm1 =	vmor vm2, vm1;
	vm2 =	veq.s32 v39, v28  }
0x3e8: {  	vm1 =	vmor vm2, vm1;
	vm2 =	veq.s32 v39, v29  }
0x3e9: {  	vm1 =	vmor vm2, vm1;
	vm2 =	veq.s32 v39, v30  }
0x3ea: {  	vm1 =	vmor vm2, vm1;
	vm2 =	veq.s32 v39, v31  }
0x3eb: {  	vm1 =	vmor vm2, vm1;
	vm2 =	veq.s32 v39, v32  }
0x3ec: {  	vm1 =	vmor vm2, vm1;
	vm2 =	veq.s32 v39, v33  }
0x3ed: {  	vm1 =	vmor vm2, vm1;
	vm2 =	veq.s32 v39, v34  }
0x3ee: {  	vm1 =	vmor vm2, vm1;
	vm2 =	veq.s32 v39, v35  }
0x3ef: {  	vm1 =	vmor vm2, vm1;
	vm2 =	veq.s32 v39, v36  }
0x3f0: {  	vm1 =	vmor vm2, vm1;
	vm2 =	veq.s32 v39, v37  }
0x3f1: {  	vm1 =	vmor vm2, vm1;
	vm2 =	veq.s32 v39, v38  }
0x3f2: {  	vm1 =	vmor vm2, vm1  }
0x3f3: {  	v63 =	vsel vm1, $0x3F800000, v6  }
0x3f4: {  	(xrf0) =	vmax.scan.msk.f32 $0xffff, v63;
	_ =	sdelay $0x5  }
0x3f5: {  	v39, _, _ =	vpop (xrf0)  }
0x3f6: {  	(v2sf) =	vpush v39, $0xF;
	_ =	sdelay $0xe  }
0x3f7: {  	s25 =	spop (v2sf)  }
0x3f8: {  	p2 =	sgt.f32 s25, $0.0e+00;
	_ =	sdelay $0x1  }
0x3f9: {  	v39 =	vmov @p2 s20;
	v40 =	vlaneseq.u32 @p2  }
0x3fa: {  	v40 =	vor.u32 @p2 s20, v40;
	v41 =	vshll.u32 @p2 v39, $0x3  }
0x3fb: {  	v40 =	vand.u32 @p2 $0x7F, v40;
	v39 =	vand.u32 @p2 $0x3C00, v41  }
0x3fc: {  	v42 =	vor.u32 @p2 v40, v39  }
0x3fd: {  	v43 =	vor.u32 @p2 $0x80, v42  }
0x3fe: {  	v44 =	vor.u32 @p2 $0x100, v42  }
0x3ff: {  	v45 =	vor.u32 @p2 $0x180, v42  }
0x400: {  	s21 =	simm.s32 @p2 $0x12000;
	v39 =	vimm.f32 @p2 $1.000000000e+00;
	v46 =	vor.u32 @p2 $0x200, v42  }
0x401: {  	v47 =	vor.u32 @p2 $0x280, v42;
	[tilespmem:v42+s21+$0x0] =	vst.idx.msk @p2 vm1, v39  }
0x402: {  	v40 =	vor.u32 @p2 v40, v41;
	v41 =	vor.u32 @p2 $0x300, v42;
	[tilespmem:v43+s21+$0x0] =	vst.idx.msk @p2 vm1, v39  }
0x403: {  	v40 =	vor.u32 @p2 $0x380, v40;
	[tilespmem:v44+s21+$0x0] =	vst.idx.msk @p2 vm1, v39  }
0x404: {  	v43 =	vadd.s32 @p2 $0x3000, v42;
	[tilespmem:v45+s21+$0x0] =	vst.idx.msk @p2 vm1, v39  }
0x405: {  	v44 =	vadd.s32 @p2 $0x3080, v42;
	[tilespmem:v46+s21+$0x0] =	vst.idx.msk @p2 vm1, v39  }
0x406: {  	v45 =	vadd.s32 @p2 $0x3100, v42;
	[tilespmem:v47+s21+$0x0] =	vst.idx.msk @p2 vm1, v39  }
0x407: {  	v46 =	vadd.s32 @p2 $0x3180, v42;
	[tilespmem:v41+s21+$0x0] =	vst.idx.msk @p2 vm1, v39  }
0x408: {  	v41 =	vadd.s32 @p2 $0x3200, v42;
	[tilespmem:v40+s21+$0x0] =	vst.idx.msk @p2 vm1, v39  }
0x409: {  	v40 =	vadd.s32 @p2 $0x3280, v42;
	[tilespmem:v43+s21+$0x0] =	vst.idx.msk @p2 vm1, v39  }
0x40a: {  	[tilespmem:v44+s21+$0x0] =	vst.idx.msk @p2 vm1, v39  }
0x40b: {  	[tilespmem:v45+s21+$0x0] =	vst.idx.msk @p2 vm1, v39  }
0x40c: {  	[tilespmem:v46+s21+$0x0] =	vst.idx.msk @p2 vm1, v39  }
0x40d: {  	v43 =	vadd.s32 @p2 $0x3300, v42;
	[tilespmem:v41+s21+$0x0] =	vst.idx.msk @p2 vm1, v39  }
0x40e: {  	[tilespmem:v40+s21+$0x0] =	vst.idx.msk @p2 vm1, v39;
	v40 =	vadd.s32 @p2 $0x3380, v42;
	_ =	sdelay $0x3  }
0x40f: {  	s20 =	simm.s32 $0x10;
	[tilespmem:v43+s21+$0x0] =	vst.idx.msk @p2 vm1, v39  }
.LBB2_31:
0x410: {  	[tilespmem:v40+s21+$0x0] =	vst.idx.msk @p2 vm1, v39;
	s19 =	sadd.s32 $0x10, s19;
	s21 =	smov.u32 s20;
	s20 =	sadd.s32 $0x10, s20  }
0x411: {  	v39 =	vld [tilespmem:s19+$0x0];
	s25 =	sand.u32 $0x7F0, s21;
	p1 =	sne.s32 s20, $0x600  }
0x412: {  	v40 =	vld [tilespmem:s25+$0x1BC00];
	_ =	sdelay $0x1  }
0x413: {  	v41 =	vld [tilespmem:s25+$0x1C200];
	_ =	sdelay $0x2  }
0x414: {  	v39 =	vshll.u32 v39, $0x10;
	v40 =	vshll.u32 v40, $0x8  }
0x415: {  	v39 =	vadd.s32 v39, v40  }
0x416: {  	v39 =	vadd.s32 v41, v39  }
0x417: {  	vm1 =	veq.s32 v39, v7;
	vm2 =	veq.s32 v39, v8  }
0x418: {  	vm1 =	vmor vm1, vm2;
	vm2 =	veq.s32 v39, v9  }
0x419: {  	vm1 =	vmor vm2, vm1;
	vm2 =	veq.s32 v39, v10  }
0x41a: {  	vm1 =	vmor vm2, vm1;
	vm2 =	veq.s32 v39, v11  }
0x41b: {  	vm1 =	vmor vm2, vm1;
	vm2 =	veq.s32 v39, v12  }
0x41c: {  	vm1 =	vmor vm2, vm1;
	vm2 =	veq.s32 v39, v13  }
0x41d: {  	vm1 =	vmor vm2, vm1;
	vm2 =	veq.s32 v39, v14  }
0x41e: {  	vm1 =	vmor vm2, vm1;
	vm2 =	veq.s32 v39, v15  }
0x41f: {  	vm1 =	vmor vm2, vm1;
	vm2 =	veq.s32 v39, v16  }
0x420: {  	vm1 =	vmor vm2, vm1;
	vm2 =	veq.s32 v39, v17  }
0x421: {  	vm1 =	vmor vm2, vm1;
	vm2 =	veq.s32 v39, v18  }
0x422: {  	vm1 =	vmor vm2, vm1;
	vm2 =	veq.s32 v39, v19  }
0x423: {  	vm1 =	vmor vm2, vm1;
	vm2 =	veq.s32 v39, v20  }
0x424: {  	vm1 =	vmor vm2, vm1;
	vm2 =	veq.s32 v39, v21  }
0x425: {  	vm1 =	vmor vm2, vm1;
	vm2 =	veq.s32 v39, v22  }
0x426: {  	vm1 =	vmor vm2, vm1;
	vm2 =	veq.s32 v39, v23  }
0x427: {  	vm1 =	vmor vm2, vm1;
	vm2 =	veq.s32 v39, v24  }
0x428: {  	vm1 =	vmor vm2, vm1;
	vm2 =	veq.s32 v39, v25  }
0x429: {  	vm1 =	vmor vm2, vm1;
	vm2 =	veq.s32 v39, v26  }
0x42a: {  	vm1 =	vmor vm2, vm1;
	vm2 =	veq.s32 v39, v27  }
0x42b: {  	vm1 =	vmor vm2, vm1;
	vm2 =	veq.s32 v39, v28  }
0x42c: {  	vm1 =	vmor vm2, vm1;
	vm2 =	veq.s32 v39, v29  }
0x42d: {  	vm1 =	vmor vm2, vm1;
	vm2 =	veq.s32 v39, v30  }
0x42e: {  	vm1 =	vmor vm2, vm1;
	vm2 =	veq.s32 v39, v31  }
0x42f: {  	vm1 =	vmor vm2, vm1;
	vm2 =	veq.s32 v39, v32  }
0x430: {  	vm1 =	vmor vm2, vm1;
	vm2 =	veq.s32 v39, v33  }
0x431: {  	vm1 =	vmor vm2, vm1;
	vm2 =	veq.s32 v39, v34  }
0x432: {  	vm1 =	vmor vm2, vm1;
	vm2 =	veq.s32 v39, v35  }
0x433: {  	vm1 =	vmor vm2, vm1;
	vm2 =	veq.s32 v39, v36  }
0x434: {  	vm1 =	vmor vm2, vm1;
	vm2 =	veq.s32 v39, v37  }
0x435: {  	vm1 =	vmor vm2, vm1;
	vm2 =	veq.s32 v39, v38  }
0x436: {  	vm1 =	vmor vm2, vm1  }
0x437: {  	v39 =	vsel vm1, $0x3F800000, v6  }
0x438: {  	(xrf0) =	vmax.scan.msk.f32 $0xffff, v39;
	_ =	sdelay $0x5  }
0x439: {  	v39, _, _ =	vpop (xrf0)  }
0x43a: {  	(v2sf) =	vpush v39, $0xF;
	_ =	sdelay $0xe  }
0x43b: {  	s25 =	spop (v2sf)  }
0x43c: {  	p2 =	sgt.f32 s25, $0.0e+00;
	_ =	sdelay $0x1  }
0x43d: {  	v39 =	vmov @p2 s21;
	v40 =	vlaneseq.u32 @p2  }
0x43e: {  	v40 =	vor.u32 @p2 s21, v40;
	v39 =	vshll.u32 @p2 v39, $0x3  }
0x43f: {  	v40 =	vand.u32 @p2 $0x7F, v40;
	v41 =	vand.u32 @p2 $0x3C00, v39  }
0x440: {  	v41 =	vor.u32 @p2 v40, v41;
	v39 =	vor.u32 @p2 v40, v39  }
0x441: {  	v40 =	vor.u32 @p2 $0x80, v41;
	v42 =	vor.u32 @p2 $0x100, v41;
	v43 =	vor.u32 @p2 $0x180, v41  }
0x442: {  	v44 =	vor.u32 @p2 $0x200, v41;
	v45 =	vor.u32 @p2 $0x280, v41;
	v46 =	vor.u32 @p2 $0x300, v41  }
0x443: {  	v47 =	vor.u32 @p2 $0x380, v39;
	v48 =	vadd.s32 @p2 $0x3000, v41;
	v49 =	vadd.s32 @p2 $0x3080, v41  }
0x444: {  	s21 =	simm.s32 @p2 $0x12000;
	v39 =	vimm.f32 @p2 $1.000000000e+00;
	v50 =	vadd.s32 @p2 $0x3100, v41;
	v51 =	vadd.s32 @p2 $0x3180, v41  }
0x445: {  	v52 =	vadd.s32 @p2 $0x3200, v41;
	v53 =	vadd.s32 @p2 $0x3280, v41;
	v54 =	vadd.s32 @p2 $0x3300, v41;
	[tilespmem:v41+s21+$0x0] =	vst.idx.msk @p2 vm1, v39  }
0x446: {  	[tilespmem:v40+s21+$0x0] =	vst.idx.msk @p2 vm1, v39;
	v40 =	vadd.s32 @p2 $0x3380, v41  }
0x447: {  	[tilespmem:v42+s21+$0x0] =	vst.idx.msk @p2 vm1, v39  }
0x448: {  	[tilespmem:v43+s21+$0x0] =	vst.idx.msk @p2 vm1, v39  }
0x449: {  	[tilespmem:v44+s21+$0x0] =	vst.idx.msk @p2 vm1, v39  }
0x44a: {  	[tilespmem:v45+s21+$0x0] =	vst.idx.msk @p2 vm1, v39  }
0x44b: {  	[tilespmem:v46+s21+$0x0] =	vst.idx.msk @p2 vm1, v39  }
0x44c: {  	[tilespmem:v47+s21+$0x0] =	vst.idx.msk @p2 vm1, v39  }
0x44d: {  	[tilespmem:v48+s21+$0x0] =	vst.idx.msk @p2 vm1, v39  }
0x44e: {  	[tilespmem:v49+s21+$0x0] =	vst.idx.msk @p2 vm1, v39  }
.Ltmp19:
0x44f: {  	[tilespmem:v50+s21+$0x0] =	vst.idx.msk @p2 vm1, v39;
	(pc) =	sbr.rel @p1 .LBB2_31-.Ltmp19, $4  }
0x450: {  	[tilespmem:v51+s21+$0x0] =	vst.idx.msk @p2 vm1, v39  }
0x451: {  	[tilespmem:v52+s21+$0x0] =	vst.idx.msk @p2 vm1, v39  }
0x452: {  	[tilespmem:v53+s21+$0x0] =	vst.idx.msk @p2 vm1, v39  }
0x453: {  	[tilespmem:v54+s21+$0x0] =	vst.idx.msk @p2 vm1, v39  }
0x454: {  	_ = 	snop  }
.Ltmp20:
0x455: {  	_ = 	snop;
	(pc) =	sbr.rel .LBB2_33-.Ltmp20, $2  }
0x456: {  	_ =	sdelay $0x2  }
0x457: {  	[tilespmem:v40+s21+$0x0] =	vst.idx.msk @p2 vm1, v39  }
.LBB2_35:
0x458: {  	_ =	swait.ge [sflag:s7], $0x6000  }
0x459: {  	[sflag:s7] =	ssyncset.done $0x0  }
0x45a: {  	[sflag:s7] =	ssyncadd.s32 $0xFFFFA000  }
0x45b: {  	_ =	swait.ge [sflag:s12], $0x6000  }
0x45c: {  	[sflag:s12] =	ssyncset.done $0x0  }
0x45d: {  	[sflag:s12] =	ssyncadd.s32 $0xFFFFA000  }
0x45e: {  	_ =	swait.ge [sflag:s13], $0x6000  }
.Ltmp21:
0x45f: {  	[sflag:s13] =	ssyncset.done $0x0;
	(pc) =	sbr.rel @p0 .LBB2_39-.Ltmp21, $4  }
0x460: {  	[sflag:s13] =	ssyncadd.s32 $0xFFFFA000  }
0x461: {  	_ =	swait.ge [sflag:s14], $0x6000  }
0x462: {  	[sflag:s14] =	ssyncset.done $0x0  }
0x463: {  	[sflag:s14] =	ssyncadd.s32 $0xFFFFA000  }
0x464: {  	s18 =	simm.s32 $0x0;
	s16 =	rddreg [dreg:$0x11];
	s17 =	simm.s32 $0x18000  }
0x465: {  	[tilespmem:s17], [sflag:$0x9] =	stream.linear.gather [hbm4b:s16+s18], $0x40, $0x38;
	[tilespmem:$0x1E000] =	vst v63  }
0x466: {  	_ =	swait.ge [sflag:s29], $0x40  }
0x467: {  	[sflag:s29] =	ssyncset.done $0x0  }
0x468: {  	s16 =	simm.s32 $0x18600;
	s21 =	rddreg [dreg:$0x12];
	[sflag:s29] =	ssyncadd.s32 $0xFFFFFFC0  }
0x469: {  	[tilespmem:s16], [sflag:$0x9] =	stream.linear.gather [hbm4b:s21+s18], $0x40, $0x38;
	[tilespmem:$0x1E000] =	vst v63  }
0x46a: {  	_ =	swait.ge [sflag:s29], $0x40  }
0x46b: {  	[sflag:s29] =	ssyncset.done $0x0  }
0x46c: {  	s19 =	simm.s32 $0x18C00;
	s25 =	rddreg [dreg:$0x13];
	[sflag:s29] =	ssyncadd.s32 $0xFFFFFFC0  }
0x46d: {  	[tilespmem:s19], [sflag:$0x9] =	stream.linear.gather [hbm4b:s25+s18], $0x40, $0x38;
	[tilespmem:$0x1E000] =	vst v63  }
0x46e: {  	_ =	swait.ge [sflag:s29], $0x40  }
0x46f: {  	[sflag:s29] =	ssyncset.done $0x0  }
0x470: {  	s21 =	simm.s32 $0x1D800;
	s20 =	rddreg [dreg:$0x5];
	[sflag:s29] =	ssyncadd.s32 $0xFFFFFFC0  }
0x471: {  	[tilespmem:s21], [sflag:$0x9] =	stream.linear.gather [hbm4b:s20+s18], $0x800, $0x38;
	[tilespmem:$0x1E000] =	vst v63  }
0x472: {  	_ =	swait.ge [sflag:s29], $0x800  }
0x473: {  	[sflag:s29] =	ssyncset.done $0x0  }
0x474: {  	[sflag:s29] =	ssyncadd.s32 $0xFFFFF800  }
0x475: {  	v39 =	vld [tilespmem:s16+$0xFFFFFA00]  }
0x476: {  	v40 =	vld [tilespmem:s16+$0x0];
	_ =	sdelay $0x1  }
0x477: {  	v41 =	vld [tilespmem:s16+$0x600];
	_ =	sdelay $0x2  }
0x478: {  	v39 =	vshll.u32 v39, $0x10;
	v40 =	vshll.u32 v40, $0x8  }
0x479: {  	v39 =	vadd.s32 v39, v40  }
0x47a: {  	v39 =	vadd.s32 v41, v39  }
0x47b: {  	vm1 =	veq.s32 v39, v7;
	vm2 =	veq.s32 v39, v8  }
0x47c: {  	vm1 =	vmor vm1, vm2;
	vm2 =	veq.s32 v39, v9  }
0x47d: {  	vm1 =	vmor vm2, vm1;
	vm2 =	veq.s32 v39, v10  }
0x47e: {  	vm1 =	vmor vm2, vm1;
	vm2 =	veq.s32 v39, v11  }
0x47f: {  	vm1 =	vmor vm2, vm1;
	vm2 =	veq.s32 v39, v12  }
0x480: {  	vm1 =	vmor vm2, vm1;
	vm2 =	veq.s32 v39, v13  }
0x481: {  	vm1 =	vmor vm2, vm1;
	vm2 =	veq.s32 v39, v14  }
0x482: {  	vm1 =	vmor vm2, vm1;
	vm2 =	veq.s32 v39, v15  }
0x483: {  	vm1 =	vmor vm2, vm1;
	vm2 =	veq.s32 v39, v16  }
0x484: {  	vm1 =	vmor vm2, vm1;
	vm2 =	veq.s32 v39, v17  }
0x485: {  	vm1 =	vmor vm2, vm1;
	vm2 =	veq.s32 v39, v18  }
0x486: {  	vm1 =	vmor vm2, vm1;
	vm2 =	veq.s32 v39, v19  }
0x487: {  	vm1 =	vmor vm2, vm1;
	vm2 =	veq.s32 v39, v20  }
0x488: {  	vm1 =	vmor vm2, vm1;
	vm2 =	veq.s32 v39, v21  }
0x489: {  	vm1 =	vmor vm2, vm1;
	vm2 =	veq.s32 v39, v22  }
0x48a: {  	vm1 =	vmor vm2, vm1;
	vm2 =	veq.s32 v39, v23  }
0x48b: {  	vm1 =	vmor vm2, vm1;
	vm2 =	veq.s32 v39, v24  }
0x48c: {  	vm1 =	vmor vm2, vm1;
	vm2 =	veq.s32 v39, v25  }
0x48d: {  	vm1 =	vmor vm2, vm1;
	vm2 =	veq.s32 v39, v26  }
0x48e: {  	vm1 =	vmor vm2, vm1;
	vm2 =	veq.s32 v39, v27  }
0x48f: {  	vm1 =	vmor vm2, vm1;
	vm2 =	veq.s32 v39, v28  }
0x490: {  	vm1 =	vmor vm2, vm1;
	vm2 =	veq.s32 v39, v29  }
0x491: {  	vm1 =	vmor vm2, vm1;
	vm2 =	veq.s32 v39, v30  }
0x492: {  	vm1 =	vmor vm2, vm1;
	vm2 =	veq.s32 v39, v31  }
0x493: {  	vm1 =	vmor vm2, vm1;
	vm2 =	veq.s32 v39, v32  }
0x494: {  	vm1 =	vmor vm2, vm1;
	vm2 =	veq.s32 v39, v33  }
0x495: {  	vm1 =	vmor vm2, vm1;
	vm2 =	veq.s32 v39, v34  }
0x496: {  	vm1 =	vmor vm2, vm1;
	vm2 =	veq.s32 v39, v35  }
0x497: {  	vm1 =	vmor vm2, vm1;
	vm2 =	veq.s32 v39, v36  }
0x498: {  	vm1 =	vmor vm2, vm1;
	vm2 =	veq.s32 v39, v37  }
0x499: {  	vm1 =	vmor vm2, vm1;
	vm2 =	veq.s32 v39, v38  }
0x49a: {  	vm1 =	vmor vm2, vm1  }
0x49b: {  	v63 =	vsel vm1, $0x3F800000, v6  }
0x49c: {  	(xrf0) =	vmax.scan.msk.f32 $0xffff, v63;
	_ =	sdelay $0x5  }
0x49d: {  	v39, _, _ =	vpop (xrf0)  }
0x49e: {  	(v2sf) =	vpush v39, $0xF;
	_ =	sdelay $0xe  }
0x49f: {  	s25 =	spop (v2sf)  }
0x4a0: {  	p2 =	sgt.f32 s25, $0.0e+00;
	_ =	sdelay $0x1  }
0x4a1: {  	v40 =	vlaneseq.u32 @p2  }
0x4a2: {  	v41 =	vor.u32 @p2 s18, v40;
	v39 =	vor.u32 @p2 $0x80, v40  }
0x4a3: {  	v42 =	vor.u32 @p2 $0x100, v40;
	v43 =	vor.u32 @p2 s18, v39  }
0x4a4: {  	v42 =	vor.u32 @p2 s18, v42;
	v39 =	vor.u32 @p2 $0x180, v40  }
0x4a5: {  	v44 =	vor.u32 @p2 s18, v39;
	v39 =	vor.u32 @p2 $0x200, v40  }
0x4a6: {  	s19 =	simm.s32 @p2 $0x1D800;
	v45 =	vor.u32 @p2 $0x280, v40;
	v46 =	vor.u32 @p2 s18, v39;
	v39 =	vimm.f32 @p2 $1.000000000e+00  }
0x4a7: {  	v47 =	vor.u32 @p2 $0x300, v40;
	v45 =	vor.u32 @p2 s18, v45;
	[tilespmem:v41+s19+$0x0] =	vst.idx.msk @p2 vm1, v39  }
0x4a8: {  	v41 =	vor.u32 @p2 s18, v47;
	v47 =	vor.u32 @p2 $0x380, v40;
	[tilespmem:v43+s19+$0x0] =	vst.idx.msk @p2 vm1, v39  }
0x4a9: {  	v43 =	vor.u32 @p2 s18, v47;
	v47 =	vor.u32 @p2 $0x400, v40;
	[tilespmem:v42+s19+$0x0] =	vst.idx.msk @p2 vm1, v39  }
0x4aa: {  	v42 =	vor.u32 @p2 $0x480, v40;
	v47 =	vor.u32 @p2 s18, v47;
	[tilespmem:v44+s19+$0x0] =	vst.idx.msk @p2 vm1, v39  }
0x4ab: {  	v42 =	vor.u32 @p2 s18, v42;
	v44 =	vor.u32 @p2 $0x500, v40;
	[tilespmem:v46+s19+$0x0] =	vst.idx.msk @p2 vm1, v39  }
0x4ac: {  	v44 =	vor.u32 @p2 s18, v44;
	v46 =	vor.u32 @p2 $0x580, v40;
	[tilespmem:v45+s19+$0x0] =	vst.idx.msk @p2 vm1, v39  }
0x4ad: {  	v45 =	vor.u32 @p2 $0x600, v40;
	v46 =	vor.u32 @p2 s18, v46;
	[tilespmem:v41+s19+$0x0] =	vst.idx.msk @p2 vm1, v39  }
0x4ae: {  	v41 =	vor.u32 @p2 s18, v45;
	v45 =	vor.u32 @p2 $0x680, v40;
	[tilespmem:v43+s19+$0x0] =	vst.idx.msk @p2 vm1, v39  }
0x4af: {  	v43 =	vor.u32 @p2 s18, v45;
	v45 =	vor.u32 @p2 $0x700, v40;
	[tilespmem:v47+s19+$0x0] =	vst.idx.msk @p2 vm1, v39  }
0x4b0: {  	v40 =	vor.u32 @p2 $0x780, v40;
	v45 =	vor.u32 @p2 s18, v45;
	[tilespmem:v42+s19+$0x0] =	vst.idx.msk @p2 vm1, v39  }
0x4b1: {  	v40 =	vor.u32 @p2 s18, v40;
	[tilespmem:v44+s19+$0x0] =	vst.idx.msk @p2 vm1, v39  }
0x4b2: {  	[tilespmem:v46+s19+$0x0] =	vst.idx.msk @p2 vm1, v39  }
0x4b3: {  	[tilespmem:v41+s19+$0x0] =	vst.idx.msk @p2 vm1, v39  }
0x4b4: {  	[tilespmem:v43+s19+$0x0] =	vst.idx.msk @p2 vm1, v39  }
0x4b5: {  	s17 =	simm.s32 $0x10;
	[tilespmem:v45+s19+$0x0] =	vst.idx.msk @p2 vm1, v39  }
.LBB2_37:
0x4b6: {  	[tilespmem:v40+s19+$0x0] =	vst.idx.msk @p2 vm1, v39;
	s16 =	sadd.s32 $0x10, s16;
	s18 =	smov.u32 s17;
	s17 =	sadd.s32 $0x10, s17  }
0x4b7: {  	v39 =	vld [tilespmem:s16+$0xFFFFFA00];
	p1 =	sne.s32 s17, $0x40  }
0x4b8: {  	v40 =	vld [tilespmem:s16+$0x0];
	_ =	sdelay $0x1  }
0x4b9: {  	v41 =	vld [tilespmem:s16+$0x600];
	_ =	sdelay $0x2  }
0x4ba: {  	v39 =	vshll.u32 v39, $0x10;
	v40 =	vshll.u32 v40, $0x8  }
0x4bb: {  	v39 =	vadd.s32 v39, v40  }
0x4bc: {  	v39 =	vadd.s32 v41, v39  }
0x4bd: {  	vm1 =	veq.s32 v39, v7;
	vm2 =	veq.s32 v39, v8  }
0x4be: {  	vm1 =	vmor vm1, vm2;
	vm2 =	veq.s32 v39, v9  }
0x4bf: {  	vm1 =	vmor vm2, vm1;
	vm2 =	veq.s32 v39, v10  }
0x4c0: {  	vm1 =	vmor vm2, vm1;
	vm2 =	veq.s32 v39, v11  }
0x4c1: {  	vm1 =	vmor vm2, vm1;
	vm2 =	veq.s32 v39, v12  }
0x4c2: {  	vm1 =	vmor vm2, vm1;
	vm2 =	veq.s32 v39, v13  }
0x4c3: {  	vm1 =	vmor vm2, vm1;
	vm2 =	veq.s32 v39, v14  }
0x4c4: {  	vm1 =	vmor vm2, vm1;
	vm2 =	veq.s32 v39, v15  }
0x4c5: {  	vm1 =	vmor vm2, vm1;
	vm2 =	veq.s32 v39, v16  }
0x4c6: {  	vm1 =	vmor vm2, vm1;
	vm2 =	veq.s32 v39, v17  }
0x4c7: {  	vm1 =	vmor vm2, vm1;
	vm2 =	veq.s32 v39, v18  }
0x4c8: {  	vm1 =	vmor vm2, vm1;
	vm2 =	veq.s32 v39, v19  }
0x4c9: {  	vm1 =	vmor vm2, vm1;
	vm2 =	veq.s32 v39, v20  }
0x4ca: {  	vm1 =	vmor vm2, vm1;
	vm2 =	veq.s32 v39, v21  }
0x4cb: {  	vm1 =	vmor vm2, vm1;
	vm2 =	veq.s32 v39, v22  }
0x4cc: {  	vm1 =	vmor vm2, vm1;
	vm2 =	veq.s32 v39, v23  }
0x4cd: {  	vm1 =	vmor vm2, vm1;
	vm2 =	veq.s32 v39, v24  }
0x4ce: {  	vm1 =	vmor vm2, vm1;
	vm2 =	veq.s32 v39, v25  }
0x4cf: {  	vm1 =	vmor vm2, vm1;
	vm2 =	veq.s32 v39, v26  }
0x4d0: {  	vm1 =	vmor vm2, vm1;
	vm2 =	veq.s32 v39, v27  }
0x4d1: {  	vm1 =	vmor vm2, vm1;
	vm2 =	veq.s32 v39, v28  }
0x4d2: {  	vm1 =	vmor vm2, vm1;
	vm2 =	veq.s32 v39, v29  }
0x4d3: {  	vm1 =	vmor vm2, vm1;
	vm2 =	veq.s32 v39, v30  }
0x4d4: {  	vm1 =	vmor vm2, vm1;
	vm2 =	veq.s32 v39, v31  }
0x4d5: {  	vm1 =	vmor vm2, vm1;
	vm2 =	veq.s32 v39, v32  }
0x4d6: {  	vm1 =	vmor vm2, vm1;
	vm2 =	veq.s32 v39, v33  }
0x4d7: {  	vm1 =	vmor vm2, vm1;
	vm2 =	veq.s32 v39, v34  }
0x4d8: {  	vm1 =	vmor vm2, vm1;
	vm2 =	veq.s32 v39, v35  }
0x4d9: {  	vm1 =	vmor vm2, vm1;
	vm2 =	veq.s32 v39, v36  }
0x4da: {  	vm1 =	vmor vm2, vm1;
	vm2 =	veq.s32 v39, v37  }
0x4db: {  	vm1 =	vmor vm2, vm1;
	vm2 =	veq.s32 v39, v38  }
0x4dc: {  	vm1 =	vmor vm2, vm1  }
0x4dd: {  	v39 =	vsel vm1, $0x3F800000, v6  }
0x4de: {  	(xrf0) =	vmax.scan.msk.f32 $0xffff, v39;
	_ =	sdelay $0x5  }
0x4df: {  	v39, _, _ =	vpop (xrf0)  }
0x4e0: {  	(v2sf) =	vpush v39, $0xF;
	_ =	sdelay $0xe  }
0x4e1: {  	s19 =	spop (v2sf)  }
0x4e2: {  	p2 =	sgt.f32 s19, $0.0e+00;
	_ =	sdelay $0x1  }
0x4e3: {  	v40 =	vlaneseq.u32 @p2  }
0x4e4: {  	v41 =	vor.u32 @p2 s18, v40;
	v39 =	vor.u32 @p2 $0x80, v40;
	v42 =	vor.u32 @p2 $0x100, v40  }
0x4e5: {  	v43 =	vor.u32 @p2 s18, v39;
	v42 =	vor.u32 @p2 s18, v42;
	v39 =	vor.u32 @p2 $0x180, v40  }
0x4e6: {  	v45 =	vor.u32 @p2 $0x280, v40;
	v44 =	vor.u32 @p2 s18, v39;
	v39 =	vor.u32 @p2 $0x200, v40  }
0x4e7: {  	v47 =	vor.u32 @p2 $0x300, v40;
	v45 =	vor.u32 @p2 s18, v45;
	v46 =	vor.u32 @p2 s18, v39  }
0x4e8: {  	s19 =	simm.s32 @p2 $0x1D800;
	v48 =	vor.u32 @p2 $0x380, v40;
	v47 =	vor.u32 @p2 s18, v47;
	v39 =	vimm.f32 @p2 $1.000000000e+00  }
0x4e9: {  	v49 =	vor.u32 @p2 $0x480, v40;
	[tilespmem:v41+s19+$0x0] =	vst.idx.msk @p2 vm1, v39;
	v41 =	vor.u32 @p2 s18, v48;
	v48 =	vor.u32 @p2 $0x400, v40  }
0x4ea: {  	[tilespmem:v43+s19+$0x0] =	vst.idx.msk @p2 vm1, v39;
	v43 =	vor.u32 @p2 s18, v48;
	v48 =	vor.u32 @p2 s18, v49;
	v49 =	vor.u32 @p2 $0x500, v40  }
0x4eb: {  	v50 =	vor.u32 @p2 $0x600, v40;
	[tilespmem:v42+s19+$0x0] =	vst.idx.msk @p2 vm1, v39;
	v42 =	vor.u32 @p2 s18, v49;
	v49 =	vor.u32 @p2 $0x580, v40  }
0x4ec: {  	[tilespmem:v44+s19+$0x0] =	vst.idx.msk @p2 vm1, v39;
	v44 =	vor.u32 @p2 s18, v49;
	v49 =	vor.u32 @p2 s18, v50;
	v50 =	vor.u32 @p2 $0x680, v40  }
0x4ed: {  	[tilespmem:v46+s19+$0x0] =	vst.idx.msk @p2 vm1, v39;
	v46 =	vor.u32 @p2 s18, v50;
	v50 =	vor.u32 @p2 $0x700, v40;
	v40 =	vor.u32 @p2 $0x780, v40  }
0x4ee: {  	[tilespmem:v45+s19+$0x0] =	vst.idx.msk @p2 vm1, v39;
	v45 =	vor.u32 @p2 s18, v50;
	v40 =	vor.u32 @p2 s18, v40  }
0x4ef: {  	[tilespmem:v47+s19+$0x0] =	vst.idx.msk @p2 vm1, v39  }
0x4f0: {  	[tilespmem:v41+s19+$0x0] =	vst.idx.msk @p2 vm1, v39  }
0x4f1: {  	[tilespmem:v43+s19+$0x0] =	vst.idx.msk @p2 vm1, v39  }
0x4f2: {  	[tilespmem:v48+s19+$0x0] =	vst.idx.msk @p2 vm1, v39  }
.Ltmp22:
0x4f3: {  	[tilespmem:v42+s19+$0x0] =	vst.idx.msk @p2 vm1, v39;
	(pc) =	sbr.rel @p1 .LBB2_37-.Ltmp22, $4  }
0x4f4: {  	[tilespmem:v44+s19+$0x0] =	vst.idx.msk @p2 vm1, v39  }
0x4f5: {  	[tilespmem:v49+s19+$0x0] =	vst.idx.msk @p2 vm1, v39  }
0x4f6: {  	[tilespmem:v46+s19+$0x0] =	vst.idx.msk @p2 vm1, v39  }
0x4f7: {  	[tilespmem:v45+s19+$0x0] =	vst.idx.msk @p2 vm1, v39  }
0x4f8: {  	_ =	sdelay $0x4  }
.Ltmp23:
0x4f9: {  	[tilespmem:v40+s19+$0x0] =	vst.idx.msk @p2 vm1, v39;
	s16 =	rddreg [dreg:$0x6];
	s17 =	simm.s32 $0x1D800;
	(pc) =	sbr.rel .LBB2_39-.Ltmp23, $4  }
0x4fa: {  	[hbm4b:s16+s4] =	stream.linear.scatter [tilespmem:s17], [sflag:$0x9], $0x800, $0x38;
	[tilespmem:$0x1E000] =	vst v63  }
0x4fb: {  	_ =	swait.ge [sflag:s29], $0x800  }
0x4fc: {  	[sflag:s29] =	ssyncset.done $0x0  }
0x4fd: {  	[sflag:s29] =	ssyncadd.s32 $0xFFFFF800  }
.LBB2_40:
0x4fe: {  	_ =	sfence.sel $0x180000  }
0x4ff: {  	[bflag:$0x0] =	sbarrier.arrive $0xFFFF  }
0x500: {  	_ =	strace $0x90000047  }
0x501: {  	s0 =	stileid.u32;
	[bflag:$0x2] =	sbarrier.arrive $0xFFFF  }
0x502: {  	p0 =	sne.s32 s0, $0x0;
	s0 =	rddreg [dreg:$0x3]  }
0x503: {  	s0 =	sadd.s32 @!p0 $0x100000, s0  }
0x504: {  	[sflag:s0] =	ssyncadd.tile.s32 @!p0 $0x1;
	_ =	shalt  }
.Lfunc_end2:
_tile_overlayer_lowered:
.L_overlay_start_2:
0x505: {  	(tag) =	ssettag $0x2  }
0x506: {  	s0 =	rddreg [dreg:$0x0];
	s2 =	stileid.u32  }
0x507: {  	s1 =	rddreg [dreg:$0x1];
	p0 =	sne.s32 s2, $0x0  }
0x508: {  	s3 =	rddreg [dreg:$0x2];
	[bflag:$0x3] =	sbarrier.arrive $0xFFFF;
	s2 =	simm.s32 @!p0 $0x1C09  }
0x509: {  	[timem:s3], [sflag:s2] =	dma.local @!p0 [hbm:s0], s1  }
0x50a: {  	s0 =	simm.s32 @!p0 $0x9  }
0x50b: {  	_ =	swait.ge @!p0 [sflag:s0], s1  }
0x50c: {  	s1 =	ssub.s32 @!p0 $0x0, s1;
	[sflag:s0] =	ssyncset.done @!p0 $0x0  }
0x50d: {  	[sflag:s0] =	ssyncadd.s32 @!p0 s1  }
0x50e: {  	[bflag:$0x3] =	sbarrier.arrive $0xFFFF  }
0x50f: {  	_ =	shalt  }

</sc_bundles>
